<compile_context>
chip_gen: v7x
topology: tpu7x:2x2x1
jax: 0.10.2.dev20260603
libtpu: 0.0.44.dev20260713+nightly
codegen_flags: <defaults>
</compile_context>

<pallas_src>
import functools

import jax
import jax.numpy as jnp
from jax import lax
from jax.experimental import pallas as pl
from jax.experimental.pallas import tpu as pltpu
from jax.experimental.pallas import tpu_sc as plsc

N = 50000
K = 16
C = 64
H = 4
DH = C // H
FF = 128
OUT = 64
TW = 40
CW = 32
FLAGC = 35
NZ = 1024
TN = N + NZ

NW = 32
NB = 51200
S = 4
NBS = NB // S
NPS = NBS * K
PW = NPS // NW
CH = 128
NCH = PW // CH
GB = 5
RG = GB * CH
NG = NCH // GB
NT = NG // 2

BN = 400
NR = [NBS, NBS, NBS, N - 3 * NBS]


def _sc_gather(table, idx2d):
    mesh = plsc.VectorSubcoreMesh(core_axis_name="c", subcore_axis_name="s")

    @functools.partial(
        pl.kernel,
        mesh=mesh,
        out_type=jax.ShapeDtypeStruct((NPS, TW), jnp.float32),
        scratch_types=[
            pltpu.VMEM((NCH, CH), jnp.int32),
            pltpu.VMEM((RG, TW), jnp.float32),
            pltpu.VMEM((RG, TW), jnp.float32),
            pltpu.SemaphoreType.DMA,
            pltpu.SemaphoreType.DMA,
            pltpu.SemaphoreType.DMA,
            pltpu.SemaphoreType.DMA,
        ],
        compiler_params=pltpu.CompilerParams(use_tc_tiling_on_sc=False),
    )
    def gather_kernel(table_hbm, idx_hbm, out_hbm, idx_v, buf0, buf1,
                      g0, g1, w0, w1):
        wid = lax.axis_index("s") * 2 + lax.axis_index("c")
        base = wid * PW
        pltpu.sync_copy(idx_hbm.at[pl.ds(wid * NCH, NCH)], idx_v)

        def fire_group(g, buf, sem):
            for i in range(GB):
                pltpu.make_async_copy(
                    table_hbm.at[idx_v.at[g * GB + i]],
                    buf.at[pl.ds(i * CH, CH)], sem).start()

        def wait_group(buf, sem):
            for i in range(GB):
                pltpu.make_async_copy(
                    table_hbm.at[idx_v.at[0]],
                    buf.at[pl.ds(i * CH, CH)], sem).wait()

        def start_wb(g, buf, sem):
            pltpu.make_async_copy(
                buf, out_hbm.at[pl.ds(base + g * RG, RG)], sem).start()

        def wait_wb(buf, sem):
            pltpu.make_async_copy(
                buf, out_hbm.at[pl.ds(base, RG)], sem).wait()

        fire_group(0, buf0, g0)

        def body(t, carry):
            ge = 2 * t
            wait_group(buf0, g0)
            start_wb(ge, buf0, w0)

            @pl.when(t > 0)
            def _():
                wait_wb(buf1, w1)

            fire_group(ge + 1, buf1, g1)
            wait_group(buf1, g1)
            start_wb(ge + 1, buf1, w1)
            wait_wb(buf0, w0)

            @pl.when(t < NT - 1)
            def _():
                fire_group(ge + 2, buf0, g0)

            return carry

        lax.fori_loop(0, NT, body, 0)
        wait_wb(buf1, w1)

    return gather_kernel(table, idx2d)


def _ln_in(x, g, b):
    mu = jnp.mean(x, axis=-1, keepdims=True)
    d = x - mu
    var = jnp.mean(d * d, axis=-1, keepdims=True)
    return d * lax.rsqrt(var + 1e-5) * g + b


def _tc_body(x_ref, g_ref, c_ref, wq, wk, wv, bq, bk, bv, kpw, kpb,
             wo, bo, g1, b1, w1, fb1, w2, fb2, g2, b2, wout, bout, go, bo2,
             eh_ref, he_ref, o_ref):
    f32 = jnp.float32
    x = x_ref[...]
    cc = c_ref[...]
    g = g_ref[...].reshape(K * BN, TW)
    u = jax.lax.bitcast_convert_type(g[:, :C // 2], jnp.uint32)
    flo = jax.lax.bitcast_convert_type(
        (u & jnp.uint32(0xFFFF)) << 16, f32)
    fhi = jax.lax.bitcast_convert_type(
        u & jnp.uint32(0xFFFF0000), f32)
    kf = jnp.concatenate([flo, fhi], axis=1)
    kcr = g[:, CW:CW + 3]
    flag = g[:, FLAGC:FLAGC + 1]
    ccx = jnp.concatenate([cc] * K, axis=0)
    rel = kcr - ccx
    pos = jnp.maximum(
        jnp.dot(rel, kpw[...], preferred_element_type=f32) + kpb[...], 0.0)
    kfp = kf + pos
    kk = jnp.dot(kfp, wk[...], preferred_element_type=f32) + bk[...]
    vv = jnp.dot(kfp, wv[...], preferred_element_type=f32) + bv[...]
    q = (jnp.dot(x, wq[...], preferred_element_type=f32)
         + bq[...]) * (DH ** -0.5)
    qx = jnp.concatenate([q] * K, axis=0)
    s = jnp.dot(qx * kk, eh_ref[...], preferred_element_type=f32)
    s = jnp.where(flag > 0.0, -1e9, s)
    sk = [s[i * BN:(i + 1) * BN] for i in range(K)]
    m = sk[0]
    for i in range(1, K):
        m = jnp.maximum(m, sk[i])
    es = [jnp.exp(t - m) for t in sk]
    tot = es[0]
    for i in range(1, K):
        tot = tot + es[i]
    rs = 1.0 / tot
    a = jnp.concatenate([e * rs for e in es], axis=0)
    ab = jnp.dot(a, he_ref[...], preferred_element_type=f32)
    cv = ab * vv
    ctx = cv[0:BN]
    for i in range(1, K):
        ctx = ctx + cv[i * BN:(i + 1) * BN]
    ao = jnp.dot(ctx, wo[...], preferred_element_type=f32) + bo[...]
    x1 = _ln_in(x + ao, g1[...], b1[...])
    ff = jnp.maximum(
        jnp.dot(x1, w1[...], preferred_element_type=f32) + fb1[...], 0.0)
    ff = jnp.dot(ff, w2[...], preferred_element_type=f32) + fb2[...]
    x2 = _ln_in(x1 + ff, g2[...], b2[...])
    y = jnp.dot(x2, wout[...], preferred_element_type=f32) + bout[...]
    o_ref[...] = jnp.maximum(_ln_in(y, go[...], bo2[...]), 0.0)


def _full(shape):
    nd = len(shape)
    return pl.BlockSpec(shape, lambda i: (0,) * nd)


def kernel(voxel_features, voxel_indices, key_indices, in_proj_w, in_proj_b,
           out_proj_w, out_proj_b, kpos_w, kpos_b, ln1_g, ln1_b,
           lin1_w, lin1_b, lin2_w, lin2_b, ln2_g, ln2_b,
           outl_w, outl_b, lno_g, lno_b):
    f32 = jnp.float32
    coords = voxel_indices[:, jnp.array([3, 2, 1])].astype(f32)
    vfb = voxel_features.astype(jnp.bfloat16)
    b16 = jax.lax.bitcast_convert_type(vfb, jnp.uint16)
    fw = jax.lax.bitcast_convert_type(
        (b16[:, C // 2:].astype(jnp.uint32) << 16)
        | b16[:, :C // 2].astype(jnp.uint32), f32)
    table = jnp.concatenate(
        [fw, coords, jnp.zeros((N, TW - 35), f32)], axis=1)
    table = jnp.pad(table, ((0, TN - N), (0, 0)))
    table = table.at[N:, FLAGC].set(1.0)
    ki = key_indices.astype(jnp.int32)
    spread = N + (jnp.arange(N, dtype=jnp.int32) % NZ)[None, :]
    idx2 = jnp.where(ki.T < 0, jnp.broadcast_to(spread, (K, N)), ki.T)
    padv = N + (jnp.arange(NB - N, dtype=jnp.int32) % NZ)[None, :]
    idxf = jnp.concatenate(
        [idx2, jnp.broadcast_to(padv, (K, NB - N))], axis=1)


    wq = in_proj_w[:C].T
    wk = in_proj_w[C:2 * C].T
    wv = in_proj_w[2 * C:].T
    bq = in_proj_b[:C].reshape(1, C)
    bk = in_proj_b[C:2 * C].reshape(1, C)
    bv = in_proj_b[2 * C:].reshape(1, C)
    eh = jnp.repeat(jnp.eye(H, dtype=f32), DH, axis=0)
    he = eh.T

    args = [
        (voxel_features, pl.BlockSpec((BN, C), lambda i: (i, 0))),
        (None, pl.BlockSpec((K, BN, TW), lambda i: (0, i, 0))),
        (coords, pl.BlockSpec((BN, 3), lambda i: (i, 0))),
        (wq, _full((C, C))),
        (wk, _full((C, C))),
        (wv, _full((C, C))),
        (bq, _full((1, C))),
        (bk, _full((1, C))),
        (bv, _full((1, C))),
        (kpos_w.T, _full((3, C))),
        (kpos_b.reshape(1, C), _full((1, C))),
        (out_proj_w.T, _full((C, C))),
        (out_proj_b.reshape(1, C), _full((1, C))),
        (ln1_g.reshape(1, C), _full((1, C))),
        (ln1_b.reshape(1, C), _full((1, C))),
        (lin1_w.T, _full((C, FF))),
        (lin1_b.reshape(1, FF), _full((1, FF))),
        (lin2_w.T, _full((FF, C))),
        (lin2_b.reshape(1, C), _full((1, C))),
        (ln2_g.reshape(1, C), _full((1, C))),
        (ln2_b.reshape(1, C), _full((1, C))),
        (outl_w.T, _full((C, OUT))),
        (outl_b.reshape(1, OUT), _full((1, OUT))),
        (lno_g.reshape(1, OUT), _full((1, OUT))),
        (lno_b.reshape(1, OUT), _full((1, OUT))),
        (eh, _full((C, H))),
        (he, _full((H, C))),
    ]
    vals = [a for a, _ in args]
    specs = [sp for _, sp in args]

    gs = [
        _sc_gather(
            table,
            idxf[:, s * NBS:(s + 1) * NBS].reshape(NW * NCH, CH))
        for s in range(S)
    ]
    ys = []
    for s in range(S):
        off = s * (NBS // BN)
        sl_specs = list(specs)
        sl_specs[0] = pl.BlockSpec((BN, C), lambda i, o=off: (i + o, 0))
        sl_specs[2] = pl.BlockSpec((BN, 3), lambda i, o=off: (i + o, 0))
        sl_vals = list(vals)
        sl_vals[1] = gs[s].reshape(K, NBS, TW)
        ys.append(pl.pallas_call(
            _tc_body,
            grid=(NR[s] // BN,),
            in_specs=sl_specs,
            out_specs=pl.BlockSpec((BN, OUT), lambda i: (i, 0)),
            out_shape=jax.ShapeDtypeStruct((NR[s], OUT), f32),
        )(*sl_vals))
    return jnp.concatenate(ys, axis=0)

# --- scband reference (transcript-rebuilt; emitter-appended) ---
"""Pipeline reference for scband-sub-mattention3d-57561151701634 (READ-ONLY COPY).

The authoritative reference and input builder live on the scoring server;
editing this copy changes nothing except your own understanding.
"""

import jax, jax.numpy as jnp
import numpy as np

N = 50000
K = 16
C = 64
H = 4
FF = 128
OUT = 64


def _ln(x, g, b):
    mu = jnp.mean(x, axis=-1, keepdims=True)
    var = jnp.var(x, axis=-1, keepdims=True)
    return (x - mu) / jnp.sqrt(var + 1e-5) * g + b


def setup_inputs(seed: int = 0) -> dict:
    key = jax.random.key(seed)
    ks = jax.random.split(key, 24)
    voxel_features = jax.random.normal(ks[0], (N, C), dtype=jnp.float32)
    voxel_indices = jax.random.randint(ks[1], (N, 4), 0, 128)
    key_indices = jax.random.randint(ks[2], (N, K), 0, N)
    drop = jax.random.uniform(ks[3], (N, K)) < 0.1
    key_indices = jnp.where(drop, -1, key_indices)
    s = 0.05
    return {
        'voxel_features': voxel_features,
        'voxel_indices': voxel_indices,
        'key_indices': key_indices,
        'in_proj_w': jax.random.normal(ks[4], (3 * C, C), dtype=jnp.float32) * s,
        'in_proj_b': jnp.zeros((3 * C,), dtype=jnp.float32),
        'out_proj_w': jax.random.normal(ks[5], (C, C), dtype=jnp.float32) * s,
        'out_proj_b': jnp.zeros((C,), dtype=jnp.float32),
        'kpos_w': jax.random.normal(ks[6], (C, 3), dtype=jnp.float32) * s,
        'kpos_b': jnp.zeros((C,), dtype=jnp.float32),
        'ln1_g': jnp.ones((C,), dtype=jnp.float32),
        'ln1_b': jnp.zeros((C,), dtype=jnp.float32),
        'lin1_w': jax.random.normal(ks[7], (FF, C), dtype=jnp.float32) * s,
        'lin1_b': jnp.zeros((FF,), dtype=jnp.float32),
        'lin2_w': jax.random.normal(ks[8], (C, FF), dtype=jnp.float32) * s,
        'lin2_b': jnp.zeros((C,), dtype=jnp.float32),
        'ln2_g': jnp.ones((C,), dtype=jnp.float32),
        'ln2_b': jnp.zeros((C,), dtype=jnp.float32),
        'outl_w': jax.random.normal(ks[9], (OUT, C), dtype=jnp.float32) * s,
        'outl_b': jnp.zeros((OUT,), dtype=jnp.float32),
        'lno_g': jnp.ones((OUT,), dtype=jnp.float32),
        'lno_b': jnp.zeros((OUT,), dtype=jnp.float32),
    }


def reference(voxel_features, voxel_indices, key_indices, in_proj_w, in_proj_b,
              out_proj_w, out_proj_b, kpos_w, kpos_b, ln1_g, ln1_b,
              lin1_w, lin1_b, lin2_w, lin2_b, ln2_g, ln2_b,
              outl_w, outl_b, lno_g, lno_b):
    mask = key_indices < 0  # [N, K] key_padding_mask
    idx = jnp.where(mask, 0, key_indices)
    # grouping_operation: gather key features [N, K, C]
    kf = jnp.take(voxel_features, idx, axis=0)
    kf = jnp.where(mask[..., None], 0.0, kf)
    # voxel coords [N, 3] from indices[:, [3, 2, 1]]
    coords = voxel_indices[:, jnp.array([3, 2, 1])].astype(jnp.float32)
    kc = jnp.take(coords, idx, axis=0)  # [N, K, 3]
    kc = jnp.where(mask[..., None], 0.0, kc)
    rel = kc - coords[:, None, :]  # relative coords
    # k_pos_proj: Conv1d(3, C, 1) + ReLU == pointwise linear
    pos = jax.nn.relu(jnp.einsum('nkc,dc->nkd', rel, kpos_w) + kpos_b)
    kf = kf + pos
    # MultiheadAttention: query [1, N, C], key/value [K, N, C]
    dh = C // H
    wq, wk, wv = in_proj_w[:C], in_proj_w[C:2 * C], in_proj_w[2 * C:]
    bq, bk, bv = in_proj_b[:C], in_proj_b[C:2 * C], in_proj_b[2 * C:]
    q = (voxel_features @ wq.T + bq) * (dh ** -0.5)  # [N, C]
    k = kf @ wk.T + bk  # [N, K, C]
    v = kf @ wv.T + bv
    qh = q.reshape(N, H, dh)
    kh = k.reshape(N, K, H, dh)
    vh = v.reshape(N, K, H, dh)
    scores = jnp.einsum('nhd,nkhd->nhk', qh, kh)
    scores = jnp.where(mask[:, None, :], -1e9, scores)
    attn = jax.nn.softmax(scores, axis=-1)
    ctx = jnp.einsum('nhk,nkhd->nhd', attn, vh).reshape(N, C)
    attn_out = ctx @ out_proj_w.T + out_proj_b
    x = voxel_features + attn_out
    x = _ln(x, ln1_g, ln1_b)
    ff = jax.nn.relu(x @ lin1_w.T + lin1_b) @ lin2_w.T + lin2_b
    x = _ln(x + ff, ln2_g, ln2_b)
    y = x @ outl_w.T + outl_b
    y = jax.nn.relu(_ln(y, lno_g, lno_b))
    return y

if __name__ == "__main__":
    import jax
    _d = setup_inputs()
    print(jax.jit(kernel)(*tuple(_d.values())))

</pallas_src>

<mosaic_0001>
#map = affine_map<(d0, d1) -> (0, 0)>
module attributes {stable_mosaic.version = 14 : i64} {
  func.func @gather_kernel(%arg0: i32, %arg1: i32, %arg2: memref<51024x40xf32, #tpu.memory_space<hbm>>, %arg3: memref<1600x128xi32, #tpu.memory_space<hbm>>, %arg4: memref<204800x40xf32, #tpu.memory_space<hbm>>, %arg5: memref<50x128xi32, #tpu.memory_space<vmem>>, %arg6: memref<640x40xf32, #tpu.memory_space<vmem>>, %arg7: memref<640x40xf32, #tpu.memory_space<vmem>>, %arg8: memref<!tpu.dma_semaphore, #tpu.memory_space<semaphore_mem>>, %arg9: memref<!tpu.dma_semaphore, #tpu.memory_space<semaphore_mem>>, %arg10: memref<!tpu.dma_semaphore, #tpu.memory_space<semaphore_mem>>, %arg11: memref<!tpu.dma_semaphore, #tpu.memory_space<semaphore_mem>>) attributes {dimension_semantics = [#tpu.dimension_semantics<core_parallel>, #tpu.dimension_semantics<subcore_parallel>], iteration_bounds = array<i64: 2, 16>, scalar_prefetch = 0 : i64, scratch_operands = 7 : i64, tpu.core_type = #tpu.core_type<sc_vector_subcore>, window_params = [{transform_indices = #map}, {transform_indices = #map}, {transform_indices = #map}]} {
    %mul3A = arith.constant 2 : i32
    %mul3A_0 = arith.muli %arg1, %mul3A : i32
    %add3A = arith.addi %mul3A_0, %arg0 : i32
    %mul3A_1 = arith.constant 6400 : i32
    %mul3A_2 = arith.muli %add3A, %mul3A_1 : i32
    %mul3A_3 = arith.constant 50 : i32
    %mul3A_4 = arith.muli %add3A, %mul3A_3 : i32
    "tpu.region"() ({
      %run_scoped3A = tpu.sem_alloc : memref<!tpu.dma_semaphore, #tpu.memory_space<semaphore_mem>>
      %dma_start3A_62 = arith.constant 0 : i32
      %dma_start3A_63 = tpu.memref_slice %arg3[%mul3A_4, %dma_start3A_62] : memref<1600x128xi32, #tpu.memory_space<hbm>> -> memref<50x128xi32, #tpu.memory_space<hbm>>
      %dma_start3A_64 = arith.constant 0 : i32
      %dma_start3A_65 = tpu.memref_slice %arg3[%mul3A_4, %dma_start3A_64] : memref<1600x128xi32, #tpu.memory_space<hbm>> -> memref<50x128xi32, #tpu.memory_space<hbm>>
      tpu.enqueue_dma source(%dma_start3A_65 : memref<50x128xi32, #tpu.memory_space<hbm>>) target(%arg5 : memref<50x128xi32, #tpu.memory_space<vmem>>) target_semaphore(%run_scoped3A : memref<!tpu.dma_semaphore, #tpu.memory_space<semaphore_mem>>)
      %dma_wait3A_66 = arith.constant 0 : i32
      %dma_wait3A_67 = tpu.memref_slice %arg3[%mul3A_4, %dma_wait3A_66] : memref<1600x128xi32, #tpu.memory_space<hbm>> -> memref<50x128xi32, #tpu.memory_space<hbm>>
      %dma_wait3A_68 = arith.constant 0 : i32
      %dma_wait3A_69 = tpu.memref_slice %arg3[%mul3A_4, %dma_wait3A_68] : memref<1600x128xi32, #tpu.memory_space<hbm>> -> memref<50x128xi32, #tpu.memory_space<hbm>>
      tpu.wait_dma2 semaphore(%run_scoped3A : memref<!tpu.dma_semaphore, #tpu.memory_space<semaphore_mem>>) src(%dma_wait3A_69 : memref<50x128xi32, #tpu.memory_space<hbm>>) dst(%arg5 : memref<50x128xi32, #tpu.memory_space<vmem>>)
      tpu.yield
    }) : () -> ()
    %dma_start3A = arith.constant 0 : i32
    %dma_start3A_5 = arith.constant 0 : i32
    %dma_start3A_6 = arith.constant 0 : i32
    %dma_start3A_7 = tpu.memref_slice %arg6[%dma_start3A_5, %dma_start3A_6] : memref<640x40xf32, #tpu.memory_space<vmem>> -> memref<128x40xf32, #tpu.memory_space<vmem>>
    %dma_start3A_8 = arith.constant 0 : i32
    %dma_start3A_9 = tpu.memref_slice %arg5[%dma_start3A, %dma_start3A_8] : memref<50x128xi32, #tpu.memory_space<vmem>> -> memref<1x128xi32, #tpu.memory_space<vmem>>
    %dma_start3A_10 = tpu.memref_squeeze %dma_start3A_9 : memref<1x128xi32, #tpu.memory_space<vmem>> -> memref<128xi32, #tpu.memory_space<vmem>>
    %dma_start3A_11 = arith.constant 0 : i32
    %dma_start3A_12 = arith.constant 0 : i32
    %dma_start3A_13 = tpu.memref_slice %arg2[%dma_start3A_11, %dma_start3A_12] : memref<51024x40xf32, #tpu.memory_space<hbm>> -> memref<51024x40xf32, #tpu.memory_space<hbm>>
    tpu.enqueue_indirect_dma source(%dma_start3A_13 : memref<51024x40xf32, #tpu.memory_space<hbm>>) target(%dma_start3A_7 : memref<128x40xf32, #tpu.memory_space<vmem>>) offsets(%dma_start3A_10 : memref<128xi32, #tpu.memory_space<vmem>>) semaphore(%arg8 : memref<!tpu.dma_semaphore, #tpu.memory_space<semaphore_mem>>)
    %dma_start3A_14 = arith.constant 1 : i32
    %dma_start3A_15 = arith.constant 128 : i32
    %dma_start3A_16 = arith.constant 0 : i32
    %dma_start3A_17 = tpu.memref_slice %arg6[%dma_start3A_15, %dma_start3A_16] : memref<640x40xf32, #tpu.memory_space<vmem>> -> memref<128x40xf32, #tpu.memory_space<vmem>>
    %dma_start3A_18 = arith.constant 0 : i32
    %dma_start3A_19 = tpu.memref_slice %arg5[%dma_start3A_14, %dma_start3A_18] : memref<50x128xi32, #tpu.memory_space<vmem>> -> memref<1x128xi32, #tpu.memory_space<vmem>>
    %dma_start3A_20 = tpu.memref_squeeze %dma_start3A_19 : memref<1x128xi32, #tpu.memory_space<vmem>> -> memref<128xi32, #tpu.memory_space<vmem>>
    %dma_start3A_21 = arith.constant 0 : i32
    %dma_start3A_22 = arith.constant 0 : i32
    %dma_start3A_23 = tpu.memref_slice %arg2[%dma_start3A_21, %dma_start3A_22] : memref<51024x40xf32, #tpu.memory_space<hbm>> -> memref<51024x40xf32, #tpu.memory_space<hbm>>
    tpu.enqueue_indirect_dma source(%dma_start3A_23 : memref<51024x40xf32, #tpu.memory_space<hbm>>) target(%dma_start3A_17 : memref<128x40xf32, #tpu.memory_space<vmem>>) offsets(%dma_start3A_20 : memref<128xi32, #tpu.memory_space<vmem>>) semaphore(%arg8 : memref<!tpu.dma_semaphore, #tpu.memory_space<semaphore_mem>>)
    %dma_start3A_24 = arith.constant 2 : i32
    %dma_start3A_25 = arith.constant 256 : i32
    %dma_start3A_26 = arith.constant 0 : i32
    %dma_start3A_27 = tpu.memref_slice %arg6[%dma_start3A_25, %dma_start3A_26] : memref<640x40xf32, #tpu.memory_space<vmem>> -> memref<128x40xf32, #tpu.memory_space<vmem>>
    %dma_start3A_28 = arith.constant 0 : i32
    %dma_start3A_29 = tpu.memref_slice %arg5[%dma_start3A_24, %dma_start3A_28] : memref<50x128xi32, #tpu.memory_space<vmem>> -> memref<1x128xi32, #tpu.memory_space<vmem>>
    %dma_start3A_30 = tpu.memref_squeeze %dma_start3A_29 : memref<1x128xi32, #tpu.memory_space<vmem>> -> memref<128xi32, #tpu.memory_space<vmem>>
    %dma_start3A_31 = arith.constant 0 : i32
    %dma_start3A_32 = arith.constant 0 : i32
    %dma_start3A_33 = tpu.memref_slice %arg2[%dma_start3A_31, %dma_start3A_32] : memref<51024x40xf32, #tpu.memory_space<hbm>> -> memref<51024x40xf32, #tpu.memory_space<hbm>>
    tpu.enqueue_indirect_dma source(%dma_start3A_33 : memref<51024x40xf32, #tpu.memory_space<hbm>>) target(%dma_start3A_27 : memref<128x40xf32, #tpu.memory_space<vmem>>) offsets(%dma_start3A_30 : memref<128xi32, #tpu.memory_space<vmem>>) semaphore(%arg8 : memref<!tpu.dma_semaphore, #tpu.memory_space<semaphore_mem>>)
    %dma_start3A_34 = arith.constant 3 : i32
    %dma_start3A_35 = arith.constant 384 : i32
    %dma_start3A_36 = arith.constant 0 : i32
    %dma_start3A_37 = tpu.memref_slice %arg6[%dma_start3A_35, %dma_start3A_36] : memref<640x40xf32, #tpu.memory_space<vmem>> -> memref<128x40xf32, #tpu.memory_space<vmem>>
    %dma_start3A_38 = arith.constant 0 : i32
    %dma_start3A_39 = tpu.memref_slice %arg5[%dma_start3A_34, %dma_start3A_38] : memref<50x128xi32, #tpu.memory_space<vmem>> -> memref<1x128xi32, #tpu.memory_space<vmem>>
    %dma_start3A_40 = tpu.memref_squeeze %dma_start3A_39 : memref<1x128xi32, #tpu.memory_space<vmem>> -> memref<128xi32, #tpu.memory_space<vmem>>
    %dma_start3A_41 = arith.constant 0 : i32
    %dma_start3A_42 = arith.constant 0 : i32
    %dma_start3A_43 = tpu.memref_slice %arg2[%dma_start3A_41, %dma_start3A_42] : memref<51024x40xf32, #tpu.memory_space<hbm>> -> memref<51024x40xf32, #tpu.memory_space<hbm>>
    tpu.enqueue_indirect_dma source(%dma_start3A_43 : memref<51024x40xf32, #tpu.memory_space<hbm>>) target(%dma_start3A_37 : memref<128x40xf32, #tpu.memory_space<vmem>>) offsets(%dma_start3A_40 : memref<128xi32, #tpu.memory_space<vmem>>) semaphore(%arg8 : memref<!tpu.dma_semaphore, #tpu.memory_space<semaphore_mem>>)
    %dma_start3A_44 = arith.constant 4 : i32
    %dma_start3A_45 = arith.constant 512 : i32
    %dma_start3A_46 = arith.constant 0 : i32
    %dma_start3A_47 = tpu.memref_slice %arg6[%dma_start3A_45, %dma_start3A_46] : memref<640x40xf32, #tpu.memory_space<vmem>> -> memref<128x40xf32, #tpu.memory_space<vmem>>
    %dma_start3A_48 = arith.constant 0 : i32
    %dma_start3A_49 = tpu.memref_slice %arg5[%dma_start3A_44, %dma_start3A_48] : memref<50x128xi32, #tpu.memory_space<vmem>> -> memref<1x128xi32, #tpu.memory_space<vmem>>
    %dma_start3A_50 = tpu.memref_squeeze %dma_start3A_49 : memref<1x128xi32, #tpu.memory_space<vmem>> -> memref<128xi32, #tpu.memory_space<vmem>>
    %dma_start3A_51 = arith.constant 0 : i32
    %dma_start3A_52 = arith.constant 0 : i32
    %dma_start3A_53 = tpu.memref_slice %arg2[%dma_start3A_51, %dma_start3A_52] : memref<51024x40xf32, #tpu.memory_space<hbm>> -> memref<51024x40xf32, #tpu.memory_space<hbm>>
    tpu.enqueue_indirect_dma source(%dma_start3A_53 : memref<51024x40xf32, #tpu.memory_space<hbm>>) target(%dma_start3A_47 : memref<128x40xf32, #tpu.memory_space<vmem>>) offsets(%dma_start3A_50 : memref<128xi32, #tpu.memory_space<vmem>>) semaphore(%arg8 : memref<!tpu.dma_semaphore, #tpu.memory_space<semaphore_mem>>)
    %scan3A = arith.constant 0 : i32
    %scan3A_54 = arith.constant 0 : i32
    %scan3A_55 = arith.constant 5 : i32
    %scan3A_56 = arith.addi %scan3A_54, %scan3A_55 : i32
    %scan3A_57 = arith.constant 1 : i32
    scf.for %scan3A_62 = %scan3A_54 to %scan3A_56 step %scan3A_57  : i32 {
      %mul3A_63 = arith.constant 2 : i32
      %mul3A_64 = arith.muli %mul3A_63, %scan3A_62 : i32
      %dma_wait3A_65 = arith.constant 0 : i32
      %dma_wait3A_66 = arith.constant 0 : i32
      %dma_wait3A_67 = arith.constant 0 : i32
      %dma_wait3A_68 = tpu.memref_slice %arg6[%dma_wait3A_66, %dma_wait3A_67] : memref<640x40xf32, #tpu.memory_space<vmem>> -> memref<128x40xf32, #tpu.memory_space<vmem>>
      %dma_wait3A_69 = arith.constant 0 : i32
      %dma_wait3A_70 = tpu.memref_slice %arg5[%dma_wait3A_65, %dma_wait3A_69] : memref<50x128xi32, #tpu.memory_space<vmem>> -> memref<1x128xi32, #tpu.memory_space<vmem>>
      %dma_wait3A_71 = tpu.memref_squeeze %dma_wait3A_70 : memref<1x128xi32, #tpu.memory_space<vmem>> -> memref<128xi32, #tpu.memory_space<vmem>>
      %dma_wait3A_72 = arith.constant 0 : i32
      %dma_wait3A_73 = arith.constant 0 : i32
      %dma_wait3A_74 = tpu.memref_slice %arg2[%dma_wait3A_72, %dma_wait3A_73] : memref<51024x40xf32, #tpu.memory_space<hbm>> -> memref<51024x40xf32, #tpu.memory_space<hbm>>
      tpu.wait_indirect_dma semaphore(%arg8 : memref<!tpu.dma_semaphore, #tpu.memory_space<semaphore_mem>>) src(%dma_wait3A_74 : memref<51024x40xf32, #tpu.memory_space<hbm>>) dst(%dma_wait3A_68 : memref<128x40xf32, #tpu.memory_space<vmem>>)
      %dma_wait3A_75 = arith.constant 0 : i32
      %dma_wait3A_76 = arith.constant 128 : i32
      %dma_wait3A_77 = arith.constant 0 : i32
      %dma_wait3A_78 = tpu.memref_slice %arg6[%dma_wait3A_76, %dma_wait3A_77] : memref<640x40xf32, #tpu.memory_space<vmem>> -> memref<128x40xf32, #tpu.memory_space<vmem>>
      %dma_wait3A_79 = arith.constant 0 : i32
      %dma_wait3A_80 = tpu.memref_slice %arg5[%dma_wait3A_75, %dma_wait3A_79] : memref<50x128xi32, #tpu.memory_space<vmem>> -> memref<1x128xi32, #tpu.memory_space<vmem>>
      %dma_wait3A_81 = tpu.memref_squeeze %dma_wait3A_80 : memref<1x128xi32, #tpu.memory_space<vmem>> -> memref<128xi32, #tpu.memory_space<vmem>>
      %dma_wait3A_82 = arith.constant 0 : i32
      %dma_wait3A_83 = arith.constant 0 : i32
      %dma_wait3A_84 = tpu.memref_slice %arg2[%dma_wait3A_82, %dma_wait3A_83] : memref<51024x40xf32, #tpu.memory_space<hbm>> -> memref<51024x40xf32, #tpu.memory_space<hbm>>
      tpu.wait_indirect_dma semaphore(%arg8 : memref<!tpu.dma_semaphore, #tpu.memory_space<semaphore_mem>>) src(%dma_wait3A_84 : memref<51024x40xf32, #tpu.memory_space<hbm>>) dst(%dma_wait3A_78 : memref<128x40xf32, #tpu.memory_space<vmem>>)
      %dma_wait3A_85 = arith.constant 0 : i32
      %dma_wait3A_86 = arith.constant 256 : i32
      %dma_wait3A_87 = arith.constant 0 : i32
      %dma_wait3A_88 = tpu.memref_slice %arg6[%dma_wait3A_86, %dma_wait3A_87] : memref<640x40xf32, #tpu.memory_space<vmem>> -> memref<128x40xf32, #tpu.memory_space<vmem>>
      %dma_wait3A_89 = arith.constant 0 : i32
      %dma_wait3A_90 = tpu.memref_slice %arg5[%dma_wait3A_85, %dma_wait3A_89] : memref<50x128xi32, #tpu.memory_space<vmem>> -> memref<1x128xi32, #tpu.memory_space<vmem>>
      %dma_wait3A_91 = tpu.memref_squeeze %dma_wait3A_90 : memref<1x128xi32, #tpu.memory_space<vmem>> -> memref<128xi32, #tpu.memory_space<vmem>>
      %dma_wait3A_92 = arith.constant 0 : i32
      %dma_wait3A_93 = arith.constant 0 : i32
      %dma_wait3A_94 = tpu.memref_slice %arg2[%dma_wait3A_92, %dma_wait3A_93] : memref<51024x40xf32, #tpu.memory_space<hbm>> -> memref<51024x40xf32, #tpu.memory_space<hbm>>
      tpu.wait_indirect_dma semaphore(%arg8 : memref<!tpu.dma_semaphore, #tpu.memory_space<semaphore_mem>>) src(%dma_wait3A_94 : memref<51024x40xf32, #tpu.memory_space<hbm>>) dst(%dma_wait3A_88 : memref<128x40xf32, #tpu.memory_space<vmem>>)
      %dma_wait3A_95 = arith.constant 0 : i32
      %dma_wait3A_96 = arith.constant 384 : i32
      %dma_wait3A_97 = arith.constant 0 : i32
      %dma_wait3A_98 = tpu.memref_slice %arg6[%dma_wait3A_96, %dma_wait3A_97] : memref<640x40xf32, #tpu.memory_space<vmem>> -> memref<128x40xf32, #tpu.memory_space<vmem>>
      %dma_wait3A_99 = arith.constant 0 : i32
      %dma_wait3A_100 = tpu.memref_slice %arg5[%dma_wait3A_95, %dma_wait3A_99] : memref<50x128xi32, #tpu.memory_space<vmem>> -> memref<1x128xi32, #tpu.memory_space<vmem>>
      %dma_wait3A_101 = tpu.memref_squeeze %dma_wait3A_100 : memref<1x128xi32, #tpu.memory_space<vmem>> -> memref<128xi32, #tpu.memory_space<vmem>>
      %dma_wait3A_102 = arith.constant 0 : i32
      %dma_wait3A_103 = arith.constant 0 : i32
      %dma_wait3A_104 = tpu.memref_slice %arg2[%dma_wait3A_102, %dma_wait3A_103] : memref<51024x40xf32, #tpu.memory_space<hbm>> -> memref<51024x40xf32, #tpu.memory_space<hbm>>
      tpu.wait_indirect_dma semaphore(%arg8 : memref<!tpu.dma_semaphore, #tpu.memory_space<semaphore_mem>>) src(%dma_wait3A_104 : memref<51024x40xf32, #tpu.memory_space<hbm>>) dst(%dma_wait3A_98 : memref<128x40xf32, #tpu.memory_space<vmem>>)
      %dma_wait3A_105 = arith.constant 0 : i32
      %dma_wait3A_106 = arith.constant 512 : i32
      %dma_wait3A_107 = arith.constant 0 : i32
      %dma_wait3A_108 = tpu.memref_slice %arg6[%dma_wait3A_106, %dma_wait3A_107] : memref<640x40xf32, #tpu.memory_space<vmem>> -> memref<128x40xf32, #tpu.memory_space<vmem>>
      %dma_wait3A_109 = arith.constant 0 : i32
      %dma_wait3A_110 = tpu.memref_slice %arg5[%dma_wait3A_105, %dma_wait3A_109] : memref<50x128xi32, #tpu.memory_space<vmem>> -> memref<1x128xi32, #tpu.memory_space<vmem>>
      %dma_wait3A_111 = tpu.memref_squeeze %dma_wait3A_110 : memref<1x128xi32, #tpu.memory_space<vmem>> -> memref<128xi32, #tpu.memory_space<vmem>>
      %dma_wait3A_112 = arith.constant 0 : i32
      %dma_wait3A_113 = arith.constant 0 : i32
      %dma_wait3A_114 = tpu.memref_slice %arg2[%dma_wait3A_112, %dma_wait3A_113] : memref<51024x40xf32, #tpu.memory_space<hbm>> -> memref<51024x40xf32, #tpu.memory_space<hbm>>
      tpu.wait_indirect_dma semaphore(%arg8 : memref<!tpu.dma_semaphore, #tpu.memory_space<semaphore_mem>>) src(%dma_wait3A_114 : memref<51024x40xf32, #tpu.memory_space<hbm>>) dst(%dma_wait3A_108 : memref<128x40xf32, #tpu.memory_space<vmem>>)
      %mul3A_115 = arith.constant 640 : i32
      %mul3A_116 = arith.muli %mul3A_64, %mul3A_115 : i32
      %add3A_117 = arith.addi %mul3A_2, %mul3A_116 : i32
      %dma_start3A_118 = arith.constant 0 : i32
      %dma_start3A_119 = tpu.memref_slice %arg4[%add3A_117, %dma_start3A_118] : memref<204800x40xf32, #tpu.memory_space<hbm>> -> memref<640x40xf32, #tpu.memory_space<hbm>>
      %dma_start3A_120 = arith.constant 0 : i32
      %dma_start3A_121 = tpu.memref_slice %arg4[%add3A_117, %dma_start3A_120] : memref<204800x40xf32, #tpu.memory_space<hbm>> -> memref<640x40xf32, #tpu.memory_space<hbm>>
      tpu.enqueue_dma source(%arg6 : memref<640x40xf32, #tpu.memory_space<vmem>>) target(%dma_start3A_121 : memref<640x40xf32, #tpu.memory_space<hbm>>) target_semaphore(%arg10 : memref<!tpu.dma_semaphore, #tpu.memory_space<semaphore_mem>>)
      %gt3A = arith.constant 0 : i32
      %gt3A_122 = arith.cmpi sgt, %scan3A_62, %gt3A : i32
      %convert_element_type3A = arith.extui %gt3A_122 : i1 to i32
      %cond3A = arith.constant 0 : i32
      %cond3A_123 = arith.cmpi ne, %convert_element_type3A, %cond3A : i32
      scf.if %cond3A_123 {
        %dma_wait3A_258 = arith.constant 0 : i32
        %dma_wait3A_259 = tpu.memref_slice %arg4[%mul3A_2, %dma_wait3A_258] : memref<204800x40xf32, #tpu.memory_space<hbm>> -> memref<640x40xf32, #tpu.memory_space<hbm>>
        %dma_wait3A_260 = arith.constant 0 : i32
        %dma_wait3A_261 = tpu.memref_slice %arg4[%mul3A_2, %dma_wait3A_260] : memref<204800x40xf32, #tpu.memory_space<hbm>> -> memref<640x40xf32, #tpu.memory_space<hbm>>
        tpu.wait_dma2 semaphore(%arg11 : memref<!tpu.dma_semaphore, #tpu.memory_space<semaphore_mem>>) src(%arg7 : memref<640x40xf32, #tpu.memory_space<vmem>>) dst(%dma_wait3A_261 : memref<640x40xf32, #tpu.memory_space<hbm>>)
      } else {
      }
      %add3A_124 = arith.constant 1 : i32
      %add3A_125 = arith.addi %mul3A_64, %add3A_124 : i32
      %mul3A_126 = arith.constant 5 : i32
      %mul3A_127 = arith.muli %add3A_125, %mul3A_126 : i32
      %add3A_128 = arith.constant 0 : i32
      %add3A_129 = arith.addi %mul3A_127, %add3A_128 : i32
      %dma_start3A_130 = arith.constant 0 : i32
      %dma_start3A_131 = arith.constant 0 : i32
      %dma_start3A_132 = tpu.memref_slice %arg7[%dma_start3A_130, %dma_start3A_131] : memref<640x40xf32, #tpu.memory_space<vmem>> -> memref<128x40xf32, #tpu.memory_space<vmem>>
      %dma_start3A_133 = arith.constant 0 : i32
      %dma_start3A_134 = tpu.memref_slice %arg5[%add3A_129, %dma_start3A_133] : memref<50x128xi32, #tpu.memory_space<vmem>> -> memref<1x128xi32, #tpu.memory_space<vmem>>
      %dma_start3A_135 = tpu.memref_squeeze %dma_start3A_134 : memref<1x128xi32, #tpu.memory_space<vmem>> -> memref<128xi32, #tpu.memory_space<vmem>>
      %dma_start3A_136 = arith.constant 0 : i32
      %dma_start3A_137 = arith.constant 0 : i32
      %dma_start3A_138 = tpu.memref_slice %arg2[%dma_start3A_136, %dma_start3A_137] : memref<51024x40xf32, #tpu.memory_space<hbm>> -> memref<51024x40xf32, #tpu.memory_space<hbm>>
      tpu.enqueue_indirect_dma source(%dma_start3A_138 : memref<51024x40xf32, #tpu.memory_space<hbm>>) target(%dma_start3A_132 : memref<128x40xf32, #tpu.memory_space<vmem>>) offsets(%dma_start3A_135 : memref<128xi32, #tpu.memory_space<vmem>>) semaphore(%arg9 : memref<!tpu.dma_semaphore, #tpu.memory_space<semaphore_mem>>)
      %mul3A_139 = arith.constant 5 : i32
      %mul3A_140 = arith.muli %add3A_125, %mul3A_139 : i32
      %add3A_141 = arith.constant 1 : i32
      %add3A_142 = arith.addi %mul3A_140, %add3A_141 : i32
      %dma_start3A_143 = arith.constant 128 : i32
      %dma_start3A_144 = arith.constant 0 : i32
      %dma_start3A_145 = tpu.memref_slice %arg7[%dma_start3A_143, %dma_start3A_144] : memref<640x40xf32, #tpu.memory_space<vmem>> -> memref<128x40xf32, #tpu.memory_space<vmem>>
      %dma_start3A_146 = arith.constant 0 : i32
      %dma_start3A_147 = tpu.memref_slice %arg5[%add3A_142, %dma_start3A_146] : memref<50x128xi32, #tpu.memory_space<vmem>> -> memref<1x128xi32, #tpu.memory_space<vmem>>
      %dma_start3A_148 = tpu.memref_squeeze %dma_start3A_147 : memref<1x128xi32, #tpu.memory_space<vmem>> -> memref<128xi32, #tpu.memory_space<vmem>>
      %dma_start3A_149 = arith.constant 0 : i32
      %dma_start3A_150 = arith.constant 0 : i32
      %dma_start3A_151 = tpu.memref_slice %arg2[%dma_start3A_149, %dma_start3A_150] : memref<51024x40xf32, #tpu.memory_space<hbm>> -> memref<51024x40xf32, #tpu.memory_space<hbm>>
      tpu.enqueue_indirect_dma source(%dma_start3A_151 : memref<51024x40xf32, #tpu.memory_space<hbm>>) target(%dma_start3A_145 : memref<128x40xf32, #tpu.memory_space<vmem>>) offsets(%dma_start3A_148 : memref<128xi32, #tpu.memory_space<vmem>>) semaphore(%arg9 : memref<!tpu.dma_semaphore, #tpu.memory_space<semaphore_mem>>)
      %mul3A_152 = arith.constant 5 : i32
      %mul3A_153 = arith.muli %add3A_125, %mul3A_152 : i32
      %add3A_154 = arith.constant 2 : i32
      %add3A_155 = arith.addi %mul3A_153, %add3A_154 : i32
      %dma_start3A_156 = arith.constant 256 : i32
      %dma_start3A_157 = arith.constant 0 : i32
      %dma_start3A_158 = tpu.memref_slice %arg7[%dma_start3A_156, %dma_start3A_157] : memref<640x40xf32, #tpu.memory_space<vmem>> -> memref<128x40xf32, #tpu.memory_space<vmem>>
      %dma_start3A_159 = arith.constant 0 : i32
      %dma_start3A_160 = tpu.memref_slice %arg5[%add3A_155, %dma_start3A_159] : memref<50x128xi32, #tpu.memory_space<vmem>> -> memref<1x128xi32, #tpu.memory_space<vmem>>
      %dma_start3A_161 = tpu.memref_squeeze %dma_start3A_160 : memref<1x128xi32, #tpu.memory_space<vmem>> -> memref<128xi32, #tpu.memory_space<vmem>>
      %dma_start3A_162 = arith.constant 0 : i32
      %dma_start3A_163 = arith.constant 0 : i32
      %dma_start3A_164 = tpu.memref_slice %arg2[%dma_start3A_162, %dma_start3A_163] : memref<51024x40xf32, #tpu.memory_space<hbm>> -> memref<51024x40xf32, #tpu.memory_space<hbm>>
      tpu.enqueue_indirect_dma source(%dma_start3A_164 : memref<51024x40xf32, #tpu.memory_space<hbm>>) target(%dma_start3A_158 : memref<128x40xf32, #tpu.memory_space<vmem>>) offsets(%dma_start3A_161 : memref<128xi32, #tpu.memory_space<vmem>>) semaphore(%arg9 : memref<!tpu.dma_semaphore, #tpu.memory_space<semaphore_mem>>)
      %mul3A_165 = arith.constant 5 : i32
      %mul3A_166 = arith.muli %add3A_125, %mul3A_165 : i32
      %add3A_167 = arith.constant 3 : i32
      %add3A_168 = arith.addi %mul3A_166, %add3A_167 : i32
      %dma_start3A_169 = arith.constant 384 : i32
      %dma_start3A_170 = arith.constant 0 : i32
      %dma_start3A_171 = tpu.memref_slice %arg7[%dma_start3A_169, %dma_start3A_170] : memref<640x40xf32, #tpu.memory_space<vmem>> -> memref<128x40xf32, #tpu.memory_space<vmem>>
      %dma_start3A_172 = arith.constant 0 : i32
      %dma_start3A_173 = tpu.memref_slice %arg5[%add3A_168, %dma_start3A_172] : memref<50x128xi32, #tpu.memory_space<vmem>> -> memref<1x128xi32, #tpu.memory_space<vmem>>
      %dma_start3A_174 = tpu.memref_squeeze %dma_start3A_173 : memref<1x128xi32, #tpu.memory_space<vmem>> -> memref<128xi32, #tpu.memory_space<vmem>>
      %dma_start3A_175 = arith.constant 0 : i32
      %dma_start3A_176 = arith.constant 0 : i32
      %dma_start3A_177 = tpu.memref_slice %arg2[%dma_start3A_175, %dma_start3A_176] : memref<51024x40xf32, #tpu.memory_space<hbm>> -> memref<51024x40xf32, #tpu.memory_space<hbm>>
      tpu.enqueue_indirect_dma source(%dma_start3A_177 : memref<51024x40xf32, #tpu.memory_space<hbm>>) target(%dma_start3A_171 : memref<128x40xf32, #tpu.memory_space<vmem>>) offsets(%dma_start3A_174 : memref<128xi32, #tpu.memory_space<vmem>>) semaphore(%arg9 : memref<!tpu.dma_semaphore, #tpu.memory_space<semaphore_mem>>)
      %mul3A_178 = arith.constant 5 : i32
      %mul3A_179 = arith.muli %add3A_125, %mul3A_178 : i32
      %add3A_180 = arith.constant 4 : i32
      %add3A_181 = arith.addi %mul3A_179, %add3A_180 : i32
      %dma_start3A_182 = arith.constant 512 : i32
      %dma_start3A_183 = arith.constant 0 : i32
      %dma_start3A_184 = tpu.memref_slice %arg7[%dma_start3A_182, %dma_start3A_183] : memref<640x40xf32, #tpu.memory_space<vmem>> -> memref<128x40xf32, #tpu.memory_space<vmem>>
      %dma_start3A_185 = arith.constant 0 : i32
      %dma_start3A_186 = tpu.memref_slice %arg5[%add3A_181, %dma_start3A_185] : memref<50x128xi32, #tpu.memory_space<vmem>> -> memref<1x128xi32, #tpu.memory_space<vmem>>
      %dma_start3A_187 = tpu.memref_squeeze %dma_start3A_186 : memref<1x128xi32, #tpu.memory_space<vmem>> -> memref<128xi32, #tpu.memory_space<vmem>>
      %dma_start3A_188 = arith.constant 0 : i32
      %dma_start3A_189 = arith.constant 0 : i32
      %dma_start3A_190 = tpu.memref_slice %arg2[%dma_start3A_188, %dma_start3A_189] : memref<51024x40xf32, #tpu.memory_space<hbm>> -> memref<51024x40xf32, #tpu.memory_space<hbm>>
      tpu.enqueue_indirect_dma source(%dma_start3A_190 : memref<51024x40xf32, #tpu.memory_space<hbm>>) target(%dma_start3A_184 : memref<128x40xf32, #tpu.memory_space<vmem>>) offsets(%dma_start3A_187 : memref<128xi32, #tpu.memory_space<vmem>>) semaphore(%arg9 : memref<!tpu.dma_semaphore, #tpu.memory_space<semaphore_mem>>)
      %dma_wait3A_191 = arith.constant 0 : i32
      %dma_wait3A_192 = arith.constant 0 : i32
      %dma_wait3A_193 = arith.constant 0 : i32
      %dma_wait3A_194 = tpu.memref_slice %arg7[%dma_wait3A_192, %dma_wait3A_193] : memref<640x40xf32, #tpu.memory_space<vmem>> -> memref<128x40xf32, #tpu.memory_space<vmem>>
      %dma_wait3A_195 = arith.constant 0 : i32
      %dma_wait3A_196 = tpu.memref_slice %arg5[%dma_wait3A_191, %dma_wait3A_195] : memref<50x128xi32, #tpu.memory_space<vmem>> -> memref<1x128xi32, #tpu.memory_space<vmem>>
      %dma_wait3A_197 = tpu.memref_squeeze %dma_wait3A_196 : memref<1x128xi32, #tpu.memory_space<vmem>> -> memref<128xi32, #tpu.memory_space<vmem>>
      %dma_wait3A_198 = arith.constant 0 : i32
      %dma_wait3A_199 = arith.constant 0 : i32
      %dma_wait3A_200 = tpu.memref_slice %arg2[%dma_wait3A_198, %dma_wait3A_199] : memref<51024x40xf32, #tpu.memory_space<hbm>> -> memref<51024x40xf32, #tpu.memory_space<hbm>>
      tpu.wait_indirect_dma semaphore(%arg9 : memref<!tpu.dma_semaphore, #tpu.memory_space<semaphore_mem>>) src(%dma_wait3A_200 : memref<51024x40xf32, #tpu.memory_space<hbm>>) dst(%dma_wait3A_194 : memref<128x40xf32, #tpu.memory_space<vmem>>)
      %dma_wait3A_201 = arith.constant 0 : i32
      %dma_wait3A_202 = arith.constant 128 : i32
      %dma_wait3A_203 = arith.constant 0 : i32
      %dma_wait3A_204 = tpu.memref_slice %arg7[%dma_wait3A_202, %dma_wait3A_203] : memref<640x40xf32, #tpu.memory_space<vmem>> -> memref<128x40xf32, #tpu.memory_space<vmem>>
      %dma_wait3A_205 = arith.constant 0 : i32
      %dma_wait3A_206 = tpu.memref_slice %arg5[%dma_wait3A_201, %dma_wait3A_205] : memref<50x128xi32, #tpu.memory_space<vmem>> -> memref<1x128xi32, #tpu.memory_space<vmem>>
      %dma_wait3A_207 = tpu.memref_squeeze %dma_wait3A_206 : memref<1x128xi32, #tpu.memory_space<vmem>> -> memref<128xi32, #tpu.memory_space<vmem>>
      %dma_wait3A_208 = arith.constant 0 : i32
      %dma_wait3A_209 = arith.constant 0 : i32
      %dma_wait3A_210 = tpu.memref_slice %arg2[%dma_wait3A_208, %dma_wait3A_209] : memref<51024x40xf32, #tpu.memory_space<hbm>> -> memref<51024x40xf32, #tpu.memory_space<hbm>>
      tpu.wait_indirect_dma semaphore(%arg9 : memref<!tpu.dma_semaphore, #tpu.memory_space<semaphore_mem>>) src(%dma_wait3A_210 : memref<51024x40xf32, #tpu.memory_space<hbm>>) dst(%dma_wait3A_204 : memref<128x40xf32, #tpu.memory_space<vmem>>)
      %dma_wait3A_211 = arith.constant 0 : i32
      %dma_wait3A_212 = arith.constant 256 : i32
      %dma_wait3A_213 = arith.constant 0 : i32
      %dma_wait3A_214 = tpu.memref_slice %arg7[%dma_wait3A_212, %dma_wait3A_213] : memref<640x40xf32, #tpu.memory_space<vmem>> -> memref<128x40xf32, #tpu.memory_space<vmem>>
      %dma_wait3A_215 = arith.constant 0 : i32
      %dma_wait3A_216 = tpu.memref_slice %arg5[%dma_wait3A_211, %dma_wait3A_215] : memref<50x128xi32, #tpu.memory_space<vmem>> -> memref<1x128xi32, #tpu.memory_space<vmem>>
      %dma_wait3A_217 = tpu.memref_squeeze %dma_wait3A_216 : memref<1x128xi32, #tpu.memory_space<vmem>> -> memref<128xi32, #tpu.memory_space<vmem>>
      %dma_wait3A_218 = arith.constant 0 : i32
      %dma_wait3A_219 = arith.constant 0 : i32
      %dma_wait3A_220 = tpu.memref_slice %arg2[%dma_wait3A_218, %dma_wait3A_219] : memref<51024x40xf32, #tpu.memory_space<hbm>> -> memref<51024x40xf32, #tpu.memory_space<hbm>>
      tpu.wait_indirect_dma semaphore(%arg9 : memref<!tpu.dma_semaphore, #tpu.memory_space<semaphore_mem>>) src(%dma_wait3A_220 : memref<51024x40xf32, #tpu.memory_space<hbm>>) dst(%dma_wait3A_214 : memref<128x40xf32, #tpu.memory_space<vmem>>)
      %dma_wait3A_221 = arith.constant 0 : i32
      %dma_wait3A_222 = arith.constant 384 : i32
      %dma_wait3A_223 = arith.constant 0 : i32
      %dma_wait3A_224 = tpu.memref_slice %arg7[%dma_wait3A_222, %dma_wait3A_223] : memref<640x40xf32, #tpu.memory_space<vmem>> -> memref<128x40xf32, #tpu.memory_space<vmem>>
      %dma_wait3A_225 = arith.constant 0 : i32
      %dma_wait3A_226 = tpu.memref_slice %arg5[%dma_wait3A_221, %dma_wait3A_225] : memref<50x128xi32, #tpu.memory_space<vmem>> -> memref<1x128xi32, #tpu.memory_space<vmem>>
      %dma_wait3A_227 = tpu.memref_squeeze %dma_wait3A_226 : memref<1x128xi32, #tpu.memory_space<vmem>> -> memref<128xi32, #tpu.memory_space<vmem>>
      %dma_wait3A_228 = arith.constant 0 : i32
      %dma_wait3A_229 = arith.constant 0 : i32
      %dma_wait3A_230 = tpu.memref_slice %arg2[%dma_wait3A_228, %dma_wait3A_229] : memref<51024x40xf32, #tpu.memory_space<hbm>> -> memref<51024x40xf32, #tpu.memory_space<hbm>>
      tpu.wait_indirect_dma semaphore(%arg9 : memref<!tpu.dma_semaphore, #tpu.memory_space<semaphore_mem>>) src(%dma_wait3A_230 : memref<51024x40xf32, #tpu.memory_space<hbm>>) dst(%dma_wait3A_224 : memref<128x40xf32, #tpu.memory_space<vmem>>)
      %dma_wait3A_231 = arith.constant 0 : i32
      %dma_wait3A_232 = arith.constant 512 : i32
      %dma_wait3A_233 = arith.constant 0 : i32
      %dma_wait3A_234 = tpu.memref_slice %arg7[%dma_wait3A_232, %dma_wait3A_233] : memref<640x40xf32, #tpu.memory_space<vmem>> -> memref<128x40xf32, #tpu.memory_space<vmem>>
      %dma_wait3A_235 = arith.constant 0 : i32
      %dma_wait3A_236 = tpu.memref_slice %arg5[%dma_wait3A_231, %dma_wait3A_235] : memref<50x128xi32, #tpu.memory_space<vmem>> -> memref<1x128xi32, #tpu.memory_space<vmem>>
      %dma_wait3A_237 = tpu.memref_squeeze %dma_wait3A_236 : memref<1x128xi32, #tpu.memory_space<vmem>> -> memref<128xi32, #tpu.memory_space<vmem>>
      %dma_wait3A_238 = arith.constant 0 : i32
      %dma_wait3A_239 = arith.constant 0 : i32
      %dma_wait3A_240 = tpu.memref_slice %arg2[%dma_wait3A_238, %dma_wait3A_239] : memref<51024x40xf32, #tpu.memory_space<hbm>> -> memref<51024x40xf32, #tpu.memory_space<hbm>>
      tpu.wait_indirect_dma semaphore(%arg9 : memref<!tpu.dma_semaphore, #tpu.memory_space<semaphore_mem>>) src(%dma_wait3A_240 : memref<51024x40xf32, #tpu.memory_space<hbm>>) dst(%dma_wait3A_234 : memref<128x40xf32, #tpu.memory_space<vmem>>)
      %add3A_241 = arith.constant 1 : i32
      %add3A_242 = arith.addi %mul3A_64, %add3A_241 : i32
      %mul3A_243 = arith.constant 640 : i32
      %mul3A_244 = arith.muli %add3A_242, %mul3A_243 : i32
      %add3A_245 = arith.addi %mul3A_2, %mul3A_244 : i32
      %dma_start3A_246 = arith.constant 0 : i32
      %dma_start3A_247 = tpu.memref_slice %arg4[%add3A_245, %dma_start3A_246] : memref<204800x40xf32, #tpu.memory_space<hbm>> -> memref<640x40xf32, #tpu.memory_space<hbm>>
      %dma_start3A_248 = arith.constant 0 : i32
      %dma_start3A_249 = tpu.memref_slice %arg4[%add3A_245, %dma_start3A_248] : memref<204800x40xf32, #tpu.memory_space<hbm>> -> memref<640x40xf32, #tpu.memory_space<hbm>>
      tpu.enqueue_dma source(%arg7 : memref<640x40xf32, #tpu.memory_space<vmem>>) target(%dma_start3A_249 : memref<640x40xf32, #tpu.memory_space<hbm>>) target_semaphore(%arg11 : memref<!tpu.dma_semaphore, #tpu.memory_space<semaphore_mem>>)
      %dma_wait3A_250 = arith.constant 0 : i32
      %dma_wait3A_251 = tpu.memref_slice %arg4[%mul3A_2, %dma_wait3A_250] : memref<204800x40xf32, #tpu.memory_space<hbm>> -> memref<640x40xf32, #tpu.memory_space<hbm>>
      %dma_wait3A_252 = arith.constant 0 : i32
      %dma_wait3A_253 = tpu.memref_slice %arg4[%mul3A_2, %dma_wait3A_252] : memref<204800x40xf32, #tpu.memory_space<hbm>> -> memref<640x40xf32, #tpu.memory_space<hbm>>
      tpu.wait_dma2 semaphore(%arg10 : memref<!tpu.dma_semaphore, #tpu.memory_space<semaphore_mem>>) src(%arg6 : memref<640x40xf32, #tpu.memory_space<vmem>>) dst(%dma_wait3A_253 : memref<640x40xf32, #tpu.memory_space<hbm>>)
      %lt3A = arith.constant 4 : i32
      %lt3A_254 = arith.cmpi slt, %scan3A_62, %lt3A : i32
      %convert_element_type3A_255 = arith.extui %lt3A_254 : i1 to i32
      %cond3A_256 = arith.constant 0 : i32
      %cond3A_257 = arith.cmpi ne, %convert_element_type3A_255, %cond3A_256 : i32
      scf.if %cond3A_257 {
        %add3A_258 = arith.constant 2 : i32
        %add3A_259 = arith.addi %mul3A_64, %add3A_258 : i32
        %mul3A_260 = arith.constant 5 : i32
        %mul3A_261 = arith.muli %add3A_259, %mul3A_260 : i32
        %add3A_262 = arith.constant 0 : i32
        %add3A_263 = arith.addi %mul3A_261, %add3A_262 : i32
        %dma_start3A_264 = arith.constant 0 : i32
        %dma_start3A_265 = arith.constant 0 : i32
        %dma_start3A_266 = tpu.memref_slice %arg6[%dma_start3A_264, %dma_start3A_265] : memref<640x40xf32, #tpu.memory_space<vmem>> -> memref<128x40xf32, #tpu.memory_space<vmem>>
        %dma_start3A_267 = arith.constant 0 : i32
        %dma_start3A_268 = tpu.memref_slice %arg5[%add3A_263, %dma_start3A_267] : memref<50x128xi32, #tpu.memory_space<vmem>> -> memref<1x128xi32, #tpu.memory_space<vmem>>
        %dma_start3A_269 = tpu.memref_squeeze %dma_start3A_268 : memref<1x128xi32, #tpu.memory_space<vmem>> -> memref<128xi32, #tpu.memory_space<vmem>>
        %dma_start3A_270 = arith.constant 0 : i32
        %dma_start3A_271 = arith.constant 0 : i32
        %dma_start3A_272 = tpu.memref_slice %arg2[%dma_start3A_270, %dma_start3A_271] : memref<51024x40xf32, #tpu.memory_space<hbm>> -> memref<51024x40xf32, #tpu.memory_space<hbm>>
        tpu.enqueue_indirect_dma source(%dma_start3A_272 : memref<51024x40xf32, #tpu.memory_space<hbm>>) target(%dma_start3A_266 : memref<128x40xf32, #tpu.memory_space<vmem>>) offsets(%dma_start3A_269 : memref<128xi32, #tpu.memory_space<vmem>>) semaphore(%arg8 : memref<!tpu.dma_semaphore, #tpu.memory_space<semaphore_mem>>)
        %mul3A_273 = arith.constant 5 : i32
        %mul3A_274 = arith.muli %add3A_259, %mul3A_273 : i32
        %add3A_275 = arith.constant 1 : i32
        %add3A_276 = arith.addi %mul3A_274, %add3A_275 : i32
        %dma_start3A_277 = arith.constant 128 : i32
        %dma_start3A_278 = arith.constant 0 : i32
        %dma_start3A_279 = tpu.memref_slice %arg6[%dma_start3A_277, %dma_start3A_278] : memref<640x40xf32, #tpu.memory_space<vmem>> -> memref<128x40xf32, #tpu.memory_space<vmem>>
        %dma_start3A_280 = arith.constant 0 : i32
        %dma_start3A_281 = tpu.memref_slice %arg5[%add3A_276, %dma_start3A_280] : memref<50x128xi32, #tpu.memory_space<vmem>> -> memref<1x128xi32, #tpu.memory_space<vmem>>
        %dma_start3A_282 = tpu.memref_squeeze %dma_start3A_281 : memref<1x128xi32, #tpu.memory_space<vmem>> -> memref<128xi32, #tpu.memory_space<vmem>>
        %dma_start3A_283 = arith.constant 0 : i32
        %dma_start3A_284 = arith.constant 0 : i32
        %dma_start3A_285 = tpu.memref_slice %arg2[%dma_start3A_283, %dma_start3A_284] : memref<51024x40xf32, #tpu.memory_space<hbm>> -> memref<51024x40xf32, #tpu.memory_space<hbm>>
        tpu.enqueue_indirect_dma source(%dma_start3A_285 : memref<51024x40xf32, #tpu.memory_space<hbm>>) target(%dma_start3A_279 : memref<128x40xf32, #tpu.memory_space<vmem>>) offsets(%dma_start3A_282 : memref<128xi32, #tpu.memory_space<vmem>>) semaphore(%arg8 : memref<!tpu.dma_semaphore, #tpu.memory_space<semaphore_mem>>)
        %mul3A_286 = arith.constant 5 : i32
        %mul3A_287 = arith.muli %add3A_259, %mul3A_286 : i32
        %add3A_288 = arith.constant 2 : i32
        %add3A_289 = arith.addi %mul3A_287, %add3A_288 : i32
        %dma_start3A_290 = arith.constant 256 : i32
        %dma_start3A_291 = arith.constant 0 : i32
        %dma_start3A_292 = tpu.memref_slice %arg6[%dma_start3A_290, %dma_start3A_291] : memref<640x40xf32, #tpu.memory_space<vmem>> -> memref<128x40xf32, #tpu.memory_space<vmem>>
        %dma_start3A_293 = arith.constant 0 : i32
        %dma_start3A_294 = tpu.memref_slice %arg5[%add3A_289, %dma_start3A_293] : memref<50x128xi32, #tpu.memory_space<vmem>> -> memref<1x128xi32, #tpu.memory_space<vmem>>
        %dma_start3A_295 = tpu.memref_squeeze %dma_start3A_294 : memref<1x128xi32, #tpu.memory_space<vmem>> -> memref<128xi32, #tpu.memory_space<vmem>>
        %dma_start3A_296 = arith.constant 0 : i32
        %dma_start3A_297 = arith.constant 0 : i32
        %dma_start3A_298 = tpu.memref_slice %arg2[%dma_start3A_296, %dma_start3A_297] : memref<51024x40xf32, #tpu.memory_space<hbm>> -> memref<51024x40xf32, #tpu.memory_space<hbm>>
        tpu.enqueue_indirect_dma source(%dma_start3A_298 : memref<51024x40xf32, #tpu.memory_space<hbm>>) target(%dma_start3A_292 : memref<128x40xf32, #tpu.memory_space<vmem>>) offsets(%dma_start3A_295 : memref<128xi32, #tpu.memory_space<vmem>>) semaphore(%arg8 : memref<!tpu.dma_semaphore, #tpu.memory_space<semaphore_mem>>)
        %mul3A_299 = arith.constant 5 : i32
        %mul3A_300 = arith.muli %add3A_259, %mul3A_299 : i32
        %add3A_301 = arith.constant 3 : i32
        %add3A_302 = arith.addi %mul3A_300, %add3A_301 : i32
        %dma_start3A_303 = arith.constant 384 : i32
        %dma_start3A_304 = arith.constant 0 : i32
        %dma_start3A_305 = tpu.memref_slice %arg6[%dma_start3A_303, %dma_start3A_304] : memref<640x40xf32, #tpu.memory_space<vmem>> -> memref<128x40xf32, #tpu.memory_space<vmem>>
        %dma_start3A_306 = arith.constant 0 : i32
        %dma_start3A_307 = tpu.memref_slice %arg5[%add3A_302, %dma_start3A_306] : memref<50x128xi32, #tpu.memory_space<vmem>> -> memref<1x128xi32, #tpu.memory_space<vmem>>
        %dma_start3A_308 = tpu.memref_squeeze %dma_start3A_307 : memref<1x128xi32, #tpu.memory_space<vmem>> -> memref<128xi32, #tpu.memory_space<vmem>>
        %dma_start3A_309 = arith.constant 0 : i32
        %dma_start3A_310 = arith.constant 0 : i32
        %dma_start3A_311 = tpu.memref_slice %arg2[%dma_start3A_309, %dma_start3A_310] : memref<51024x40xf32, #tpu.memory_space<hbm>> -> memref<51024x40xf32, #tpu.memory_space<hbm>>
        tpu.enqueue_indirect_dma source(%dma_start3A_311 : memref<51024x40xf32, #tpu.memory_space<hbm>>) target(%dma_start3A_305 : memref<128x40xf32, #tpu.memory_space<vmem>>) offsets(%dma_start3A_308 : memref<128xi32, #tpu.memory_space<vmem>>) semaphore(%arg8 : memref<!tpu.dma_semaphore, #tpu.memory_space<semaphore_mem>>)
        %mul3A_312 = arith.constant 5 : i32
        %mul3A_313 = arith.muli %add3A_259, %mul3A_312 : i32
        %add3A_314 = arith.constant 4 : i32
        %add3A_315 = arith.addi %mul3A_313, %add3A_314 : i32
        %dma_start3A_316 = arith.constant 512 : i32
        %dma_start3A_317 = arith.constant 0 : i32
        %dma_start3A_318 = tpu.memref_slice %arg6[%dma_start3A_316, %dma_start3A_317] : memref<640x40xf32, #tpu.memory_space<vmem>> -> memref<128x40xf32, #tpu.memory_space<vmem>>
        %dma_start3A_319 = arith.constant 0 : i32
        %dma_start3A_320 = tpu.memref_slice %arg5[%add3A_315, %dma_start3A_319] : memref<50x128xi32, #tpu.memory_space<vmem>> -> memref<1x128xi32, #tpu.memory_space<vmem>>
        %dma_start3A_321 = tpu.memref_squeeze %dma_start3A_320 : memref<1x128xi32, #tpu.memory_space<vmem>> -> memref<128xi32, #tpu.memory_space<vmem>>
        %dma_start3A_322 = arith.constant 0 : i32
        %dma_start3A_323 = arith.constant 0 : i32
        %dma_start3A_324 = tpu.memref_slice %arg2[%dma_start3A_322, %dma_start3A_323] : memref<51024x40xf32, #tpu.memory_space<hbm>> -> memref<51024x40xf32, #tpu.memory_space<hbm>>
        tpu.enqueue_indirect_dma source(%dma_start3A_324 : memref<51024x40xf32, #tpu.memory_space<hbm>>) target(%dma_start3A_318 : memref<128x40xf32, #tpu.memory_space<vmem>>) offsets(%dma_start3A_321 : memref<128xi32, #tpu.memory_space<vmem>>) semaphore(%arg8 : memref<!tpu.dma_semaphore, #tpu.memory_space<semaphore_mem>>)
      } else {
      }
    }
    %scan3A_58 = arith.constant 5 : i32
    %dma_wait3A = arith.constant 0 : i32
    %dma_wait3A_59 = tpu.memref_slice %arg4[%mul3A_2, %dma_wait3A] : memref<204800x40xf32, #tpu.memory_space<hbm>> -> memref<640x40xf32, #tpu.memory_space<hbm>>
    %dma_wait3A_60 = arith.constant 0 : i32
    %dma_wait3A_61 = tpu.memref_slice %arg4[%mul3A_2, %dma_wait3A_60] : memref<204800x40xf32, #tpu.memory_space<hbm>> -> memref<640x40xf32, #tpu.memory_space<hbm>>
    tpu.wait_dma2 semaphore(%arg11 : memref<!tpu.dma_semaphore, #tpu.memory_space<semaphore_mem>>) src(%arg7 : memref<640x40xf32, #tpu.memory_space<vmem>>) dst(%dma_wait3A_61 : memref<640x40xf32, #tpu.memory_space<hbm>>)
    return
  }
}

#map = affine_map<(d0, d1) -> (0, 0)>
module attributes {stable_mosaic.version = 14 : i64} {
  func.func @gather_kernel(%arg0: i32, %arg1: i32, %arg2: memref<51024x40xf32, #tpu.memory_space<hbm>>, %arg3: memref<1600x128xi32, #tpu.memory_space<hbm>>, %arg4: memref<204800x40xf32, #tpu.memory_space<hbm>>, %arg5: memref<50x128xi32, #tpu.memory_space<vmem>>, %arg6: memref<640x40xf32, #tpu.memory_space<vmem>>, %arg7: memref<640x40xf32, #tpu.memory_space<vmem>>, %arg8: memref<!tpu.dma_semaphore, #tpu.memory_space<semaphore_mem>>, %arg9: memref<!tpu.dma_semaphore, #tpu.memory_space<semaphore_mem>>, %arg10: memref<!tpu.dma_semaphore, #tpu.memory_space<semaphore_mem>>, %arg11: memref<!tpu.dma_semaphore, #tpu.memory_space<semaphore_mem>>) attributes {dimension_semantics = [#tpu.dimension_semantics<core_parallel>, #tpu.dimension_semantics<subcore_parallel>], iteration_bounds = array<i64: 2, 16>, scalar_prefetch = 0 : i64, scratch_operands = 7 : i64, tpu.core_type = #tpu.core_type<sc_vector_subcore>, window_params = [{transform_indices = #map}, {transform_indices = #map}, {transform_indices = #map}]} {
    %mul3A = arith.constant 2 : i32
    %mul3A_0 = arith.muli %arg1, %mul3A : i32
    %add3A = arith.addi %mul3A_0, %arg0 : i32
    %mul3A_1 = arith.constant 6400 : i32
    %mul3A_2 = arith.muli %add3A, %mul3A_1 : i32
    %mul3A_3 = arith.constant 50 : i32
    %mul3A_4 = arith.muli %add3A, %mul3A_3 : i32
    "tpu.region"() ({
      %run_scoped3A = tpu.sem_alloc : memref<!tpu.dma_semaphore, #tpu.memory_space<semaphore_mem>>
      %dma_start3A_62 = arith.constant 0 : i32
      %dma_start3A_63 = tpu.memref_slice %arg3[%mul3A_4, %dma_start3A_62] : memref<1600x128xi32, #tpu.memory_space<hbm>> -> memref<50x128xi32, #tpu.memory_space<hbm>>
      %dma_start3A_64 = arith.constant 0 : i32
      %dma_start3A_65 = tpu.memref_slice %arg3[%mul3A_4, %dma_start3A_64] : memref<1600x128xi32, #tpu.memory_space<hbm>> -> memref<50x128xi32, #tpu.memory_space<hbm>>
      tpu.enqueue_dma source(%dma_start3A_65 : memref<50x128xi32, #tpu.memory_space<hbm>>) target(%arg5 : memref<50x128xi32, #tpu.memory_space<vmem>>) target_semaphore(%run_scoped3A : memref<!tpu.dma_semaphore, #tpu.memory_space<semaphore_mem>>)
      %dma_wait3A_66 = arith.constant 0 : i32
      %dma_wait3A_67 = tpu.memref_slice %arg3[%mul3A_4, %dma_wait3A_66] : memref<1600x128xi32, #tpu.memory_space<hbm>> -> memref<50x128xi32, #tpu.memory_space<hbm>>
      %dma_wait3A_68 = arith.constant 0 : i32
      %dma_wait3A_69 = tpu.memref_slice %arg3[%mul3A_4, %dma_wait3A_68] : memref<1600x128xi32, #tpu.memory_space<hbm>> -> memref<50x128xi32, #tpu.memory_space<hbm>>
      tpu.wait_dma2 semaphore(%run_scoped3A : memref<!tpu.dma_semaphore, #tpu.memory_space<semaphore_mem>>) src(%dma_wait3A_69 : memref<50x128xi32, #tpu.memory_space<hbm>>) dst(%arg5 : memref<50x128xi32, #tpu.memory_space<vmem>>)
      tpu.yield
    }) : () -> ()
    %dma_start3A = arith.constant 0 : i32
    %dma_start3A_5 = arith.constant 0 : i32
    %dma_start3A_6 = arith.constant 0 : i32
    %dma_start3A_7 = tpu.memref_slice %arg6[%dma_start3A_5, %dma_start3A_6] : memref<640x40xf32, #tpu.memory_space<vmem>> -> memref<128x40xf32, #tpu.memory_space<vmem>>
    %dma_start3A_8 = arith.constant 0 : i32
    %dma_start3A_9 = tpu.memref_slice %arg5[%dma_start3A, %dma_start3A_8] : memref<50x128xi32, #tpu.memory_space<vmem>> -> memref<1x128xi32, #tpu.memory_space<vmem>>
    %dma_start3A_10 = tpu.memref_squeeze %dma_start3A_9 : memref<1x128xi32, #tpu.memory_space<vmem>> -> memref<128xi32, #tpu.memory_space<vmem>>
    %dma_start3A_11 = arith.constant 0 : i32
    %dma_start3A_12 = arith.constant 0 : i32
    %dma_start3A_13 = tpu.memref_slice %arg2[%dma_start3A_11, %dma_start3A_12] : memref<51024x40xf32, #tpu.memory_space<hbm>> -> memref<51024x40xf32, #tpu.memory_space<hbm>>
    tpu.enqueue_indirect_dma source(%dma_start3A_13 : memref<51024x40xf32, #tpu.memory_space<hbm>>) target(%dma_start3A_7 : memref<128x40xf32, #tpu.memory_space<vmem>>) offsets(%dma_start3A_10 : memref<128xi32, #tpu.memory_space<vmem>>) semaphore(%arg8 : memref<!tpu.dma_semaphore, #tpu.memory_space<semaphore_mem>>)
    %dma_start3A_14 = arith.constant 1 : i32
    %dma_start3A_15 = arith.constant 128 : i32
    %dma_start3A_16 = arith.constant 0 : i32
    %dma_start3A_17 = tpu.memref_slice %arg6[%dma_start3A_15, %dma_start3A_16] : memref<640x40xf32, #tpu.memory_space<vmem>> -> memref<128x40xf32, #tpu.memory_space<vmem>>
    %dma_start3A_18 = arith.constant 0 : i32
    %dma_start3A_19 = tpu.memref_slice %arg5[%dma_start3A_14, %dma_start3A_18] : memref<50x128xi32, #tpu.memory_space<vmem>> -> memref<1x128xi32, #tpu.memory_space<vmem>>
    %dma_start3A_20 = tpu.memref_squeeze %dma_start3A_19 : memref<1x128xi32, #tpu.memory_space<vmem>> -> memref<128xi32, #tpu.memory_space<vmem>>
    %dma_start3A_21 = arith.constant 0 : i32
    %dma_start3A_22 = arith.constant 0 : i32
    %dma_start3A_23 = tpu.memref_slice %arg2[%dma_start3A_21, %dma_start3A_22] : memref<51024x40xf32, #tpu.memory_space<hbm>> -> memref<51024x40xf32, #tpu.memory_space<hbm>>
    tpu.enqueue_indirect_dma source(%dma_start3A_23 : memref<51024x40xf32, #tpu.memory_space<hbm>>) target(%dma_start3A_17 : memref<128x40xf32, #tpu.memory_space<vmem>>) offsets(%dma_start3A_20 : memref<128xi32, #tpu.memory_space<vmem>>) semaphore(%arg8 : memref<!tpu.dma_semaphore, #tpu.memory_space<semaphore_mem>>)
    %dma_start3A_24 = arith.constant 2 : i32
    %dma_start3A_25 = arith.constant 256 : i32
    %dma_start3A_26 = arith.constant 0 : i32
    %dma_start3A_27 = tpu.memref_slice %arg6[%dma_start3A_25, %dma_start3A_26] : memref<640x40xf32, #tpu.memory_space<vmem>> -> memref<128x40xf32, #tpu.memory_space<vmem>>
    %dma_start3A_28 = arith.constant 0 : i32
    %dma_start3A_29 = tpu.memref_slice %arg5[%dma_start3A_24, %dma_start3A_28] : memref<50x128xi32, #tpu.memory_space<vmem>> -> memref<1x128xi32, #tpu.memory_space<vmem>>
    %dma_start3A_30 = tpu.memref_squeeze %dma_start3A_29 : memref<1x128xi32, #tpu.memory_space<vmem>> -> memref<128xi32, #tpu.memory_space<vmem>>
    %dma_start3A_31 = arith.constant 0 : i32
    %dma_start3A_32 = arith.constant 0 : i32
    %dma_start3A_33 = tpu.memref_slice %arg2[%dma_start3A_31, %dma_start3A_32] : memref<51024x40xf32, #tpu.memory_space<hbm>> -> memref<51024x40xf32, #tpu.memory_space<hbm>>
    tpu.enqueue_indirect_dma source(%dma_start3A_33 : memref<51024x40xf32, #tpu.memory_space<hbm>>) target(%dma_start3A_27 : memref<128x40xf32, #tpu.memory_space<vmem>>) offsets(%dma_start3A_30 : memref<128xi32, #tpu.memory_space<vmem>>) semaphore(%arg8 : memref<!tpu.dma_semaphore, #tpu.memory_space<semaphore_mem>>)
    %dma_start3A_34 = arith.constant 3 : i32
    %dma_start3A_35 = arith.constant 384 : i32
    %dma_start3A_36 = arith.constant 0 : i32
    %dma_start3A_37 = tpu.memref_slice %arg6[%dma_start3A_35, %dma_start3A_36] : memref<640x40xf32, #tpu.memory_space<vmem>> -> memref<128x40xf32, #tpu.memory_space<vmem>>
    %dma_start3A_38 = arith.constant 0 : i32
    %dma_start3A_39 = tpu.memref_slice %arg5[%dma_start3A_34, %dma_start3A_38] : memref<50x128xi32, #tpu.memory_space<vmem>> -> memref<1x128xi32, #tpu.memory_space<vmem>>
    %dma_start3A_40 = tpu.memref_squeeze %dma_start3A_39 : memref<1x128xi32, #tpu.memory_space<vmem>> -> memref<128xi32, #tpu.memory_space<vmem>>
    %dma_start3A_41 = arith.constant 0 : i32
    %dma_start3A_42 = arith.constant 0 : i32
    %dma_start3A_43 = tpu.memref_slice %arg2[%dma_start3A_41, %dma_start3A_42] : memref<51024x40xf32, #tpu.memory_space<hbm>> -> memref<51024x40xf32, #tpu.memory_space<hbm>>
    tpu.enqueue_indirect_dma source(%dma_start3A_43 : memref<51024x40xf32, #tpu.memory_space<hbm>>) target(%dma_start3A_37 : memref<128x40xf32, #tpu.memory_space<vmem>>) offsets(%dma_start3A_40 : memref<128xi32, #tpu.memory_space<vmem>>) semaphore(%arg8 : memref<!tpu.dma_semaphore, #tpu.memory_space<semaphore_mem>>)
    %dma_start3A_44 = arith.constant 4 : i32
    %dma_start3A_45 = arith.constant 512 : i32
    %dma_start3A_46 = arith.constant 0 : i32
    %dma_start3A_47 = tpu.memref_slice %arg6[%dma_start3A_45, %dma_start3A_46] : memref<640x40xf32, #tpu.memory_space<vmem>> -> memref<128x40xf32, #tpu.memory_space<vmem>>
    %dma_start3A_48 = arith.constant 0 : i32
    %dma_start3A_49 = tpu.memref_slice %arg5[%dma_start3A_44, %dma_start3A_48] : memref<50x128xi32, #tpu.memory_space<vmem>> -> memref<1x128xi32, #tpu.memory_space<vmem>>
    %dma_start3A_50 = tpu.memref_squeeze %dma_start3A_49 : memref<1x128xi32, #tpu.memory_space<vmem>> -> memref<128xi32, #tpu.memory_space<vmem>>
    %dma_start3A_51 = arith.constant 0 : i32
    %dma_start3A_52 = arith.constant 0 : i32
    %dma_start3A_53 = tpu.memref_slice %arg2[%dma_start3A_51, %dma_start3A_52] : memref<51024x40xf32, #tpu.memory_space<hbm>> -> memref<51024x40xf32, #tpu.memory_space<hbm>>
    tpu.enqueue_indirect_dma source(%dma_start3A_53 : memref<51024x40xf32, #tpu.memory_space<hbm>>) target(%dma_start3A_47 : memref<128x40xf32, #tpu.memory_space<vmem>>) offsets(%dma_start3A_50 : memref<128xi32, #tpu.memory_space<vmem>>) semaphore(%arg8 : memref<!tpu.dma_semaphore, #tpu.memory_space<semaphore_mem>>)
    %scan3A = arith.constant 0 : i32
    %scan3A_54 = arith.constant 0 : i32
    %scan3A_55 = arith.constant 5 : i32
    %scan3A_56 = arith.addi %scan3A_54, %scan3A_55 : i32
    %scan3A_57 = arith.constant 1 : i32
    scf.for %scan3A_62 = %scan3A_54 to %scan3A_56 step %scan3A_57  : i32 {
      %mul3A_63 = arith.constant 2 : i32
      %mul3A_64 = arith.muli %mul3A_63, %scan3A_62 : i32
      %dma_wait3A_65 = arith.constant 0 : i32
      %dma_wait3A_66 = arith.constant 0 : i32
      %dma_wait3A_67 = arith.constant 0 : i32
      %dma_wait3A_68 = tpu.memref_slice %arg6[%dma_wait3A_66, %dma_wait3A_67] : memref<640x40xf32, #tpu.memory_space<vmem>> -> memref<128x40xf32, #tpu.memory_space<vmem>>
      %dma_wait3A_69 = arith.constant 0 : i32
      %dma_wait3A_70 = tpu.memref_slice %arg5[%dma_wait3A_65, %dma_wait3A_69] : memref<50x128xi32, #tpu.memory_space<vmem>> -> memref<1x128xi32, #tpu.memory_space<vmem>>
      %dma_wait3A_71 = tpu.memref_squeeze %dma_wait3A_70 : memref<1x128xi32, #tpu.memory_space<vmem>> -> memref<128xi32, #tpu.memory_space<vmem>>
      %dma_wait3A_72 = arith.constant 0 : i32
      %dma_wait3A_73 = arith.constant 0 : i32
      %dma_wait3A_74 = tpu.memref_slice %arg2[%dma_wait3A_72, %dma_wait3A_73] : memref<51024x40xf32, #tpu.memory_space<hbm>> -> memref<51024x40xf32, #tpu.memory_space<hbm>>
      tpu.wait_indirect_dma semaphore(%arg8 : memref<!tpu.dma_semaphore, #tpu.memory_space<semaphore_mem>>) src(%dma_wait3A_74 : memref<51024x40xf32, #tpu.memory_space<hbm>>) dst(%dma_wait3A_68 : memref<128x40xf32, #tpu.memory_space<vmem>>)
      %dma_wait3A_75 = arith.constant 0 : i32
      %dma_wait3A_76 = arith.constant 128 : i32
      %dma_wait3A_77 = arith.constant 0 : i32
      %dma_wait3A_78 = tpu.memref_slice %arg6[%dma_wait3A_76, %dma_wait3A_77] : memref<640x40xf32, #tpu.memory_space<vmem>> -> memref<128x40xf32, #tpu.memory_space<vmem>>
      %dma_wait3A_79 = arith.constant 0 : i32
      %dma_wait3A_80 = tpu.memref_slice %arg5[%dma_wait3A_75, %dma_wait3A_79] : memref<50x128xi32, #tpu.memory_space<vmem>> -> memref<1x128xi32, #tpu.memory_space<vmem>>
      %dma_wait3A_81 = tpu.memref_squeeze %dma_wait3A_80 : memref<1x128xi32, #tpu.memory_space<vmem>> -> memref<128xi32, #tpu.memory_space<vmem>>
      %dma_wait3A_82 = arith.constant 0 : i32
      %dma_wait3A_83 = arith.constant 0 : i32
      %dma_wait3A_84 = tpu.memref_slice %arg2[%dma_wait3A_82, %dma_wait3A_83] : memref<51024x40xf32, #tpu.memory_space<hbm>> -> memref<51024x40xf32, #tpu.memory_space<hbm>>
      tpu.wait_indirect_dma semaphore(%arg8 : memref<!tpu.dma_semaphore, #tpu.memory_space<semaphore_mem>>) src(%dma_wait3A_84 : memref<51024x40xf32, #tpu.memory_space<hbm>>) dst(%dma_wait3A_78 : memref<128x40xf32, #tpu.memory_space<vmem>>)
      %dma_wait3A_85 = arith.constant 0 : i32
      %dma_wait3A_86 = arith.constant 256 : i32
      %dma_wait3A_87 = arith.constant 0 : i32
      %dma_wait3A_88 = tpu.memref_slice %arg6[%dma_wait3A_86, %dma_wait3A_87] : memref<640x40xf32, #tpu.memory_space<vmem>> -> memref<128x40xf32, #tpu.memory_space<vmem>>
      %dma_wait3A_89 = arith.constant 0 : i32
      %dma_wait3A_90 = tpu.memref_slice %arg5[%dma_wait3A_85, %dma_wait3A_89] : memref<50x128xi32, #tpu.memory_space<vmem>> -> memref<1x128xi32, #tpu.memory_space<vmem>>
      %dma_wait3A_91 = tpu.memref_squeeze %dma_wait3A_90 : memref<1x128xi32, #tpu.memory_space<vmem>> -> memref<128xi32, #tpu.memory_space<vmem>>
      %dma_wait3A_92 = arith.constant 0 : i32
      %dma_wait3A_93 = arith.constant 0 : i32
      %dma_wait3A_94 = tpu.memref_slice %arg2[%dma_wait3A_92, %dma_wait3A_93] : memref<51024x40xf32, #tpu.memory_space<hbm>> -> memref<51024x40xf32, #tpu.memory_space<hbm>>
      tpu.wait_indirect_dma semaphore(%arg8 : memref<!tpu.dma_semaphore, #tpu.memory_space<semaphore_mem>>) src(%dma_wait3A_94 : memref<51024x40xf32, #tpu.memory_space<hbm>>) dst(%dma_wait3A_88 : memref<128x40xf32, #tpu.memory_space<vmem>>)
      %dma_wait3A_95 = arith.constant 0 : i32
      %dma_wait3A_96 = arith.constant 384 : i32
      %dma_wait3A_97 = arith.constant 0 : i32
      %dma_wait3A_98 = tpu.memref_slice %arg6[%dma_wait3A_96, %dma_wait3A_97] : memref<640x40xf32, #tpu.memory_space<vmem>> -> memref<128x40xf32, #tpu.memory_space<vmem>>
      %dma_wait3A_99 = arith.constant 0 : i32
      %dma_wait3A_100 = tpu.memref_slice %arg5[%dma_wait3A_95, %dma_wait3A_99] : memref<50x128xi32, #tpu.memory_space<vmem>> -> memref<1x128xi32, #tpu.memory_space<vmem>>
      %dma_wait3A_101 = tpu.memref_squeeze %dma_wait3A_100 : memref<1x128xi32, #tpu.memory_space<vmem>> -> memref<128xi32, #tpu.memory_space<vmem>>
      %dma_wait3A_102 = arith.constant 0 : i32
      %dma_wait3A_103 = arith.constant 0 : i32
      %dma_wait3A_104 = tpu.memref_slice %arg2[%dma_wait3A_102, %dma_wait3A_103] : memref<51024x40xf32, #tpu.memory_space<hbm>> -> memref<51024x40xf32, #tpu.memory_space<hbm>>
      tpu.wait_indirect_dma semaphore(%arg8 : memref<!tpu.dma_semaphore, #tpu.memory_space<semaphore_mem>>) src(%dma_wait3A_104 : memref<51024x40xf32, #tpu.memory_space<hbm>>) dst(%dma_wait3A_98 : memref<128x40xf32, #tpu.memory_space<vmem>>)
      %dma_wait3A_105 = arith.constant 0 : i32
      %dma_wait3A_106 = arith.constant 512 : i32
      %dma_wait3A_107 = arith.constant 0 : i32
      %dma_wait3A_108 = tpu.memref_slice %arg6[%dma_wait3A_106, %dma_wait3A_107] : memref<640x40xf32, #tpu.memory_space<vmem>> -> memref<128x40xf32, #tpu.memory_space<vmem>>
      %dma_wait3A_109 = arith.constant 0 : i32
      %dma_wait3A_110 = tpu.memref_slice %arg5[%dma_wait3A_105, %dma_wait3A_109] : memref<50x128xi32, #tpu.memory_space<vmem>> -> memref<1x128xi32, #tpu.memory_space<vmem>>
      %dma_wait3A_111 = tpu.memref_squeeze %dma_wait3A_110 : memref<1x128xi32, #tpu.memory_space<vmem>> -> memref<128xi32, #tpu.memory_space<vmem>>
      %dma_wait3A_112 = arith.constant 0 : i32
      %dma_wait3A_113 = arith.constant 0 : i32
      %dma_wait3A_114 = tpu.memref_slice %arg2[%dma_wait3A_112, %dma_wait3A_113] : memref<51024x40xf32, #tpu.memory_space<hbm>> -> memref<51024x40xf32, #tpu.memory_space<hbm>>
      tpu.wait_indirect_dma semaphore(%arg8 : memref<!tpu.dma_semaphore, #tpu.memory_space<semaphore_mem>>) src(%dma_wait3A_114 : memref<51024x40xf32, #tpu.memory_space<hbm>>) dst(%dma_wait3A_108 : memref<128x40xf32, #tpu.memory_space<vmem>>)
      %mul3A_115 = arith.constant 640 : i32
      %mul3A_116 = arith.muli %mul3A_64, %mul3A_115 : i32
      %add3A_117 = arith.addi %mul3A_2, %mul3A_116 : i32
      %dma_start3A_118 = arith.constant 0 : i32
      %dma_start3A_119 = tpu.memref_slice %arg4[%add3A_117, %dma_start3A_118] : memref<204800x40xf32, #tpu.memory_space<hbm>> -> memref<640x40xf32, #tpu.memory_space<hbm>>
      %dma_start3A_120 = arith.constant 0 : i32
      %dma_start3A_121 = tpu.memref_slice %arg4[%add3A_117, %dma_start3A_120] : memref<204800x40xf32, #tpu.memory_space<hbm>> -> memref<640x40xf32, #tpu.memory_space<hbm>>
      tpu.enqueue_dma source(%arg6 : memref<640x40xf32, #tpu.memory_space<vmem>>) target(%dma_start3A_121 : memref<640x40xf32, #tpu.memory_space<hbm>>) target_semaphore(%arg10 : memref<!tpu.dma_semaphore, #tpu.memory_space<semaphore_mem>>)
      %gt3A = arith.constant 0 : i32
      %gt3A_122 = arith.cmpi sgt, %scan3A_62, %gt3A : i32
      %convert_element_type3A = arith.extui %gt3A_122 : i1 to i32
      %cond3A = arith.constant 0 : i32
      %cond3A_123 = arith.cmpi ne, %convert_element_type3A, %cond3A : i32
      scf.if %cond3A_123 {
        %dma_wait3A_258 = arith.constant 0 : i32
        %dma_wait3A_259 = tpu.memref_slice %arg4[%mul3A_2, %dma_wait3A_258] : memref<204800x40xf32, #tpu.memory_space<hbm>> -> memref<640x40xf32, #tpu.memory_space<hbm>>
        %dma_wait3A_260 = arith.constant 0 : i32
        %dma_wait3A_261 = tpu.memref_slice %arg4[%mul3A_2, %dma_wait3A_260] : memref<204800x40xf32, #tpu.memory_space<hbm>> -> memref<640x40xf32, #tpu.memory_space<hbm>>
        tpu.wait_dma2 semaphore(%arg11 : memref<!tpu.dma_semaphore, #tpu.memory_space<semaphore_mem>>) src(%arg7 : memref<640x40xf32, #tpu.memory_space<vmem>>) dst(%dma_wait3A_261 : memref<640x40xf32, #tpu.memory_space<hbm>>)
      } else {
      }
      %add3A_124 = arith.constant 1 : i32
      %add3A_125 = arith.addi %mul3A_64, %add3A_124 : i32
      %mul3A_126 = arith.constant 5 : i32
      %mul3A_127 = arith.muli %add3A_125, %mul3A_126 : i32
      %add3A_128 = arith.constant 0 : i32
      %add3A_129 = arith.addi %mul3A_127, %add3A_128 : i32
      %dma_start3A_130 = arith.constant 0 : i32
      %dma_start3A_131 = arith.constant 0 : i32
      %dma_start3A_132 = tpu.memref_slice %arg7[%dma_start3A_130, %dma_start3A_131] : memref<640x40xf32, #tpu.memory_space<vmem>> -> memref<128x40xf32, #tpu.memory_space<vmem>>
      %dma_start3A_133 = arith.constant 0 : i32
      %dma_start3A_134 = tpu.memref_slice %arg5[%add3A_129, %dma_start3A_133] : memref<50x128xi32, #tpu.memory_space<vmem>> -> memref<1x128xi32, #tpu.memory_space<vmem>>
      %dma_start3A_135 = tpu.memref_squeeze %dma_start3A_134 : memref<1x128xi32, #tpu.memory_space<vmem>> -> memref<128xi32, #tpu.memory_space<vmem>>
      %dma_start3A_136 = arith.constant 0 : i32
      %dma_start3A_137 = arith.constant 0 : i32
      %dma_start3A_138 = tpu.memref_slice %arg2[%dma_start3A_136, %dma_start3A_137] : memref<51024x40xf32, #tpu.memory_space<hbm>> -> memref<51024x40xf32, #tpu.memory_space<hbm>>
      tpu.enqueue_indirect_dma source(%dma_start3A_138 : memref<51024x40xf32, #tpu.memory_space<hbm>>) target(%dma_start3A_132 : memref<128x40xf32, #tpu.memory_space<vmem>>) offsets(%dma_start3A_135 : memref<128xi32, #tpu.memory_space<vmem>>) semaphore(%arg9 : memref<!tpu.dma_semaphore, #tpu.memory_space<semaphore_mem>>)
      %mul3A_139 = arith.constant 5 : i32
      %mul3A_140 = arith.muli %add3A_125, %mul3A_139 : i32
      %add3A_141 = arith.constant 1 : i32
      %add3A_142 = arith.addi %mul3A_140, %add3A_141 : i32
      %dma_start3A_143 = arith.constant 128 : i32
      %dma_start3A_144 = arith.constant 0 : i32
      %dma_start3A_145 = tpu.memref_slice %arg7[%dma_start3A_143, %dma_start3A_144] : memref<640x40xf32, #tpu.memory_space<vmem>> -> memref<128x40xf32, #tpu.memory_space<vmem>>
      %dma_start3A_146 = arith.constant 0 : i32
      %dma_start3A_147 = tpu.memref_slice %arg5[%add3A_142, %dma_start3A_146] : memref<50x128xi32, #tpu.memory_space<vmem>> -> memref<1x128xi32, #tpu.memory_space<vmem>>
      %dma_start3A_148 = tpu.memref_squeeze %dma_start3A_147 : memref<1x128xi32, #tpu.memory_space<vmem>> -> memref<128xi32, #tpu.memory_space<vmem>>
      %dma_start3A_149 = arith.constant 0 : i32
      %dma_start3A_150 = arith.constant 0 : i32
      %dma_start3A_151 = tpu.memref_slice %arg2[%dma_start3A_149, %dma_start3A_150] : memref<51024x40xf32, #tpu.memory_space<hbm>> -> memref<51024x40xf32, #tpu.memory_space<hbm>>
      tpu.enqueue_indirect_dma source(%dma_start3A_151 : memref<51024x40xf32, #tpu.memory_space<hbm>>) target(%dma_start3A_145 : memref<128x40xf32, #tpu.memory_space<vmem>>) offsets(%dma_start3A_148 : memref<128xi32, #tpu.memory_space<vmem>>) semaphore(%arg9 : memref<!tpu.dma_semaphore, #tpu.memory_space<semaphore_mem>>)
      %mul3A_152 = arith.constant 5 : i32
      %mul3A_153 = arith.muli %add3A_125, %mul3A_152 : i32
      %add3A_154 = arith.constant 2 : i32
      %add3A_155 = arith.addi %mul3A_153, %add3A_154 : i32
      %dma_start3A_156 = arith.constant 256 : i32
      %dma_start3A_157 = arith.constant 0 : i32
      %dma_start3A_158 = tpu.memref_slice %arg7[%dma_start3A_156, %dma_start3A_157] : memref<640x40xf32, #tpu.memory_space<vmem>> -> memref<128x40xf32, #tpu.memory_space<vmem>>
      %dma_start3A_159 = arith.constant 0 : i32
      %dma_start3A_160 = tpu.memref_slice %arg5[%add3A_155, %dma_start3A_159] : memref<50x128xi32, #tpu.memory_space<vmem>> -> memref<1x128xi32, #tpu.memory_space<vmem>>
      %dma_start3A_161 = tpu.memref_squeeze %dma_start3A_160 : memref<1x128xi32, #tpu.memory_space<vmem>> -> memref<128xi32, #tpu.memory_space<vmem>>
      %dma_start3A_162 = arith.constant 0 : i32
      %dma_start3A_163 = arith.constant 0 : i32
      %dma_start3A_164 = tpu.memref_slice %arg2[%dma_start3A_162, %dma_start3A_163] : memref<51024x40xf32, #tpu.memory_space<hbm>> -> memref<51024x40xf32, #tpu.memory_space<hbm>>
      tpu.enqueue_indirect_dma source(%dma_start3A_164 : memref<51024x40xf32, #tpu.memory_space<hbm>>) target(%dma_start3A_158 : memref<128x40xf32, #tpu.memory_space<vmem>>) offsets(%dma_start3A_161 : memref<128xi32, #tpu.memory_space<vmem>>) semaphore(%arg9 : memref<!tpu.dma_semaphore, #tpu.memory_space<semaphore_mem>>)
      %mul3A_165 = arith.constant 5 : i32
      %mul3A_166 = arith.muli %add3A_125, %mul3A_165 : i32
      %add3A_167 = arith.constant 3 : i32
      %add3A_168 = arith.addi %mul3A_166, %add3A_167 : i32
      %dma_start3A_169 = arith.constant 384 : i32
      %dma_start3A_170 = arith.constant 0 : i32
      %dma_start3A_171 = tpu.memref_slice %arg7[%dma_start3A_169, %dma_start3A_170] : memref<640x40xf32, #tpu.memory_space<vmem>> -> memref<128x40xf32, #tpu.memory_space<vmem>>
      %dma_start3A_172 = arith.constant 0 : i32
      %dma_start3A_173 = tpu.memref_slice %arg5[%add3A_168, %dma_start3A_172] : memref<50x128xi32, #tpu.memory_space<vmem>> -> memref<1x128xi32, #tpu.memory_space<vmem>>
      %dma_start3A_174 = tpu.memref_squeeze %dma_start3A_173 : memref<1x128xi32, #tpu.memory_space<vmem>> -> memref<128xi32, #tpu.memory_space<vmem>>
      %dma_start3A_175 = arith.constant 0 : i32
      %dma_start3A_176 = arith.constant 0 : i32
      %dma_start3A_177 = tpu.memref_slice %arg2[%dma_start3A_175, %dma_start3A_176] : memref<51024x40xf32, #tpu.memory_space<hbm>> -> memref<51024x40xf32, #tpu.memory_space<hbm>>
      tpu.enqueue_indirect_dma source(%dma_start3A_177 : memref<51024x40xf32, #tpu.memory_space<hbm>>) target(%dma_start3A_171 : memref<128x40xf32, #tpu.memory_space<vmem>>) offsets(%dma_start3A_174 : memref<128xi32, #tpu.memory_space<vmem>>) semaphore(%arg9 : memref<!tpu.dma_semaphore, #tpu.memory_space<semaphore_mem>>)
      %mul3A_178 = arith.constant 5 : i32
      %mul3A_179 = arith.muli %add3A_125, %mul3A_178 : i32
      %add3A_180 = arith.constant 4 : i32
      %add3A_181 = arith.addi %mul3A_179, %add3A_180 : i32
      %dma_start3A_182 = arith.constant 512 : i32
      %dma_start3A_183 = arith.constant 0 : i32
      %dma_start3A_184 = tpu.memref_slice %arg7[%dma_start3A_182, %dma_start3A_183] : memref<640x40xf32, #tpu.memory_space<vmem>> -> memref<128x40xf32, #tpu.memory_space<vmem>>
      %dma_start3A_185 = arith.constant 0 : i32
      %dma_start3A_186 = tpu.memref_slice %arg5[%add3A_181, %dma_start3A_185] : memref<50x128xi32, #tpu.memory_space<vmem>> -> memref<1x128xi32, #tpu.memory_space<vmem>>
      %dma_start3A_187 = tpu.memref_squeeze %dma_start3A_186 : memref<1x128xi32, #tpu.memory_space<vmem>> -> memref<128xi32, #tpu.memory_space<vmem>>
      %dma_start3A_188 = arith.constant 0 : i32
      %dma_start3A_189 = arith.constant 0 : i32
      %dma_start3A_190 = tpu.memref_slice %arg2[%dma_start3A_188, %dma_start3A_189] : memref<51024x40xf32, #tpu.memory_space<hbm>> -> memref<51024x40xf32, #tpu.memory_space<hbm>>
      tpu.enqueue_indirect_dma source(%dma_start3A_190 : memref<51024x40xf32, #tpu.memory_space<hbm>>) target(%dma_start3A_184 : memref<128x40xf32, #tpu.memory_space<vmem>>) offsets(%dma_start3A_187 : memref<128xi32, #tpu.memory_space<vmem>>) semaphore(%arg9 : memref<!tpu.dma_semaphore, #tpu.memory_space<semaphore_mem>>)
      %dma_wait3A_191 = arith.constant 0 : i32
      %dma_wait3A_192 = arith.constant 0 : i32
      %dma_wait3A_193 = arith.constant 0 : i32
      %dma_wait3A_194 = tpu.memref_slice %arg7[%dma_wait3A_192, %dma_wait3A_193] : memref<640x40xf32, #tpu.memory_space<vmem>> -> memref<128x40xf32, #tpu.memory_space<vmem>>
      %dma_wait3A_195 = arith.constant 0 : i32
      %dma_wait3A_196 = tpu.memref_slice %arg5[%dma_wait3A_191, %dma_wait3A_195] : memref<50x128xi32, #tpu.memory_space<vmem>> -> memref<1x128xi32, #tpu.memory_space<vmem>>
      %dma_wait3A_197 = tpu.memref_squeeze %dma_wait3A_196 : memref<1x128xi32, #tpu.memory_space<vmem>> -> memref<128xi32, #tpu.memory_space<vmem>>
      %dma_wait3A_198 = arith.constant 0 : i32
      %dma_wait3A_199 = arith.constant 0 : i32
      %dma_wait3A_200 = tpu.memref_slice %arg2[%dma_wait3A_198, %dma_wait3A_199] : memref<51024x40xf32, #tpu.memory_space<hbm>> -> memref<51024x40xf32, #tpu.memory_space<hbm>>
      tpu.wait_indirect_dma semaphore(%arg9 : memref<!tpu.dma_semaphore, #tpu.memory_space<semaphore_mem>>) src(%dma_wait3A_200 : memref<51024x40xf32, #tpu.memory_space<hbm>>) dst(%dma_wait3A_194 : memref<128x40xf32, #tpu.memory_space<vmem>>)
      %dma_wait3A_201 = arith.constant 0 : i32
      %dma_wait3A_202 = arith.constant 128 : i32
      %dma_wait3A_203 = arith.constant 0 : i32
      %dma_wait3A_204 = tpu.memref_slice %arg7[%dma_wait3A_202, %dma_wait3A_203] : memref<640x40xf32, #tpu.memory_space<vmem>> -> memref<128x40xf32, #tpu.memory_space<vmem>>
      %dma_wait3A_205 = arith.constant 0 : i32
      %dma_wait3A_206 = tpu.memref_slice %arg5[%dma_wait3A_201, %dma_wait3A_205] : memref<50x128xi32, #tpu.memory_space<vmem>> -> memref<1x128xi32, #tpu.memory_space<vmem>>
      %dma_wait3A_207 = tpu.memref_squeeze %dma_wait3A_206 : memref<1x128xi32, #tpu.memory_space<vmem>> -> memref<128xi32, #tpu.memory_space<vmem>>
      %dma_wait3A_208 = arith.constant 0 : i32
      %dma_wait3A_209 = arith.constant 0 : i32
      %dma_wait3A_210 = tpu.memref_slice %arg2[%dma_wait3A_208, %dma_wait3A_209] : memref<51024x40xf32, #tpu.memory_space<hbm>> -> memref<51024x40xf32, #tpu.memory_space<hbm>>
      tpu.wait_indirect_dma semaphore(%arg9 : memref<!tpu.dma_semaphore, #tpu.memory_space<semaphore_mem>>) src(%dma_wait3A_210 : memref<51024x40xf32, #tpu.memory_space<hbm>>) dst(%dma_wait3A_204 : memref<128x40xf32, #tpu.memory_space<vmem>>)
      %dma_wait3A_211 = arith.constant 0 : i32
      %dma_wait3A_212 = arith.constant 256 : i32
      %dma_wait3A_213 = arith.constant 0 : i32
      %dma_wait3A_214 = tpu.memref_slice %arg7[%dma_wait3A_212, %dma_wait3A_213] : memref<640x40xf32, #tpu.memory_space<vmem>> -> memref<128x40xf32, #tpu.memory_space<vmem>>
      %dma_wait3A_215 = arith.constant 0 : i32
      %dma_wait3A_216 = tpu.memref_slice %arg5[%dma_wait3A_211, %dma_wait3A_215] : memref<50x128xi32, #tpu.memory_space<vmem>> -> memref<1x128xi32, #tpu.memory_space<vmem>>
      %dma_wait3A_217 = tpu.memref_squeeze %dma_wait3A_216 : memref<1x128xi32, #tpu.memory_space<vmem>> -> memref<128xi32, #tpu.memory_space<vmem>>
      %dma_wait3A_218 = arith.constant 0 : i32
      %dma_wait3A_219 = arith.constant 0 : i32
      %dma_wait3A_220 = tpu.memref_slice %arg2[%dma_wait3A_218, %dma_wait3A_219] : memref<51024x40xf32, #tpu.memory_space<hbm>> -> memref<51024x40xf32, #tpu.memory_space<hbm>>
      tpu.wait_indirect_dma semaphore(%arg9 : memref<!tpu.dma_semaphore, #tpu.memory_space<semaphore_mem>>) src(%dma_wait3A_220 : memref<51024x40xf32, #tpu.memory_space<hbm>>) dst(%dma_wait3A_214 : memref<128x40xf32, #tpu.memory_space<vmem>>)
      %dma_wait3A_221 = arith.constant 0 : i32
      %dma_wait3A_222 = arith.constant 384 : i32
      %dma_wait3A_223 = arith.constant 0 : i32
      %dma_wait3A_224 = tpu.memref_slice %arg7[%dma_wait3A_222, %dma_wait3A_223] : memref<640x40xf32, #tpu.memory_space<vmem>> -> memref<128x40xf32, #tpu.memory_space<vmem>>
      %dma_wait3A_225 = arith.constant 0 : i32
      %dma_wait3A_226 = tpu.memref_slice %arg5[%dma_wait3A_221, %dma_wait3A_225] : memref<50x128xi32, #tpu.memory_space<vmem>> -> memref<1x128xi32, #tpu.memory_space<vmem>>
      %dma_wait3A_227 = tpu.memref_squeeze %dma_wait3A_226 : memref<1x128xi32, #tpu.memory_space<vmem>> -> memref<128xi32, #tpu.memory_space<vmem>>
      %dma_wait3A_228 = arith.constant 0 : i32
      %dma_wait3A_229 = arith.constant 0 : i32
      %dma_wait3A_230 = tpu.memref_slice %arg2[%dma_wait3A_228, %dma_wait3A_229] : memref<51024x40xf32, #tpu.memory_space<hbm>> -> memref<51024x40xf32, #tpu.memory_space<hbm>>
      tpu.wait_indirect_dma semaphore(%arg9 : memref<!tpu.dma_semaphore, #tpu.memory_space<semaphore_mem>>) src(%dma_wait3A_230 : memref<51024x40xf32, #tpu.memory_space<hbm>>) dst(%dma_wait3A_224 : memref<128x40xf32, #tpu.memory_space<vmem>>)
      %dma_wait3A_231 = arith.constant 0 : i32
      %dma_wait3A_232 = arith.constant 512 : i32
      %dma_wait3A_233 = arith.constant 0 : i32
      %dma_wait3A_234 = tpu.memref_slice %arg7[%dma_wait3A_232, %dma_wait3A_233] : memref<640x40xf32, #tpu.memory_space<vmem>> -> memref<128x40xf32, #tpu.memory_space<vmem>>
      %dma_wait3A_235 = arith.constant 0 : i32
      %dma_wait3A_236 = tpu.memref_slice %arg5[%dma_wait3A_231, %dma_wait3A_235] : memref<50x128xi32, #tpu.memory_space<vmem>> -> memref<1x128xi32, #tpu.memory_space<vmem>>
      %dma_wait3A_237 = tpu.memref_squeeze %dma_wait3A_236 : memref<1x128xi32, #tpu.memory_space<vmem>> -> memref<128xi32, #tpu.memory_space<vmem>>
      %dma_wait3A_238 = arith.constant 0 : i32
      %dma_wait3A_239 = arith.constant 0 : i32
      %dma_wait3A_240 = tpu.memref_slice %arg2[%dma_wait3A_238, %dma_wait3A_239] : memref<51024x40xf32, #tpu.memory_space<hbm>> -> memref<51024x40xf32, #tpu.memory_space<hbm>>
      tpu.wait_indirect_dma semaphore(%arg9 : memref<!tpu.dma_semaphore, #tpu.memory_space<semaphore_mem>>) src(%dma_wait3A_240 : memref<51024x40xf32, #tpu.memory_space<hbm>>) dst(%dma_wait3A_234 : memref<128x40xf32, #tpu.memory_space<vmem>>)
      %add3A_241 = arith.constant 1 : i32
      %add3A_242 = arith.addi %mul3A_64, %add3A_241 : i32
      %mul3A_243 = arith.constant 640 : i32
      %mul3A_244 = arith.muli %add3A_242, %mul3A_243 : i32
      %add3A_245 = arith.addi %mul3A_2, %mul3A_244 : i32
      %dma_start3A_246 = arith.constant 0 : i32
      %dma_start3A_247 = tpu.memref_slice %arg4[%add3A_245, %dma_start3A_246] : memref<204800x40xf32, #tpu.memory_space<hbm>> -> memref<640x40xf32, #tpu.memory_space<hbm>>
      %dma_start3A_248 = arith.constant 0 : i32
      %dma_start3A_249 = tpu.memref_slice %arg4[%add3A_245, %dma_start3A_248] : memref<204800x40xf32, #tpu.memory_space<hbm>> -> memref<640x40xf32, #tpu.memory_space<hbm>>
      tpu.enqueue_dma source(%arg7 : memref<640x40xf32, #tpu.memory_space<vmem>>) target(%dma_start3A_249 : memref<640x40xf32, #tpu.memory_space<hbm>>) target_semaphore(%arg11 : memref<!tpu.dma_semaphore, #tpu.memory_space<semaphore_mem>>)
      %dma_wait3A_250 = arith.constant 0 : i32
      %dma_wait3A_251 = tpu.memref_slice %arg4[%mul3A_2, %dma_wait3A_250] : memref<204800x40xf32, #tpu.memory_space<hbm>> -> memref<640x40xf32, #tpu.memory_space<hbm>>
      %dma_wait3A_252 = arith.constant 0 : i32
      %dma_wait3A_253 = tpu.memref_slice %arg4[%mul3A_2, %dma_wait3A_252] : memref<204800x40xf32, #tpu.memory_space<hbm>> -> memref<640x40xf32, #tpu.memory_space<hbm>>
      tpu.wait_dma2 semaphore(%arg10 : memref<!tpu.dma_semaphore, #tpu.memory_space<semaphore_mem>>) src(%arg6 : memref<640x40xf32, #tpu.memory_space<vmem>>) dst(%dma_wait3A_253 : memref<640x40xf32, #tpu.memory_space<hbm>>)
      %lt3A = arith.constant 4 : i32
      %lt3A_254 = arith.cmpi slt, %scan3A_62, %lt3A : i32
      %convert_element_type3A_255 = arith.extui %lt3A_254 : i1 to i32
      %cond3A_256 = arith.constant 0 : i32
      %cond3A_257 = arith.cmpi ne, %convert_element_type3A_255, %cond3A_256 : i32
      scf.if %cond3A_257 {
        %add3A_258 = arith.constant 2 : i32
        %add3A_259 = arith.addi %mul3A_64, %add3A_258 : i32
        %mul3A_260 = arith.constant 5 : i32
        %mul3A_261 = arith.muli %add3A_259, %mul3A_260 : i32
        %add3A_262 = arith.constant 0 : i32
        %add3A_263 = arith.addi %mul3A_261, %add3A_262 : i32
        %dma_start3A_264 = arith.constant 0 : i32
        %dma_start3A_265 = arith.constant 0 : i32
        %dma_start3A_266 = tpu.memref_slice %arg6[%dma_start3A_264, %dma_start3A_265] : memref<640x40xf32, #tpu.memory_space<vmem>> -> memref<128x40xf32, #tpu.memory_space<vmem>>
        %dma_start3A_267 = arith.constant 0 : i32
        %dma_start3A_268 = tpu.memref_slice %arg5[%add3A_263, %dma_start3A_267] : memref<50x128xi32, #tpu.memory_space<vmem>> -> memref<1x128xi32, #tpu.memory_space<vmem>>
        %dma_start3A_269 = tpu.memref_squeeze %dma_start3A_268 : memref<1x128xi32, #tpu.memory_space<vmem>> -> memref<128xi32, #tpu.memory_space<vmem>>
        %dma_start3A_270 = arith.constant 0 : i32
        %dma_start3A_271 = arith.constant 0 : i32
        %dma_start3A_272 = tpu.memref_slice %arg2[%dma_start3A_270, %dma_start3A_271] : memref<51024x40xf32, #tpu.memory_space<hbm>> -> memref<51024x40xf32, #tpu.memory_space<hbm>>
        tpu.enqueue_indirect_dma source(%dma_start3A_272 : memref<51024x40xf32, #tpu.memory_space<hbm>>) target(%dma_start3A_266 : memref<128x40xf32, #tpu.memory_space<vmem>>) offsets(%dma_start3A_269 : memref<128xi32, #tpu.memory_space<vmem>>) semaphore(%arg8 : memref<!tpu.dma_semaphore, #tpu.memory_space<semaphore_mem>>)
        %mul3A_273 = arith.constant 5 : i32
        %mul3A_274 = arith.muli %add3A_259, %mul3A_273 : i32
        %add3A_275 = arith.constant 1 : i32
        %add3A_276 = arith.addi %mul3A_274, %add3A_275 : i32
        %dma_start3A_277 = arith.constant 128 : i32
        %dma_start3A_278 = arith.constant 0 : i32
        %dma_start3A_279 = tpu.memref_slice %arg6[%dma_start3A_277, %dma_start3A_278] : memref<640x40xf32, #tpu.memory_space<vmem>> -> memref<128x40xf32, #tpu.memory_space<vmem>>
        %dma_start3A_280 = arith.constant 0 : i32
        %dma_start3A_281 = tpu.memref_slice %arg5[%add3A_276, %dma_start3A_280] : memref<50x128xi32, #tpu.memory_space<vmem>> -> memref<1x128xi32, #tpu.memory_space<vmem>>
        %dma_start3A_282 = tpu.memref_squeeze %dma_start3A_281 : memref<1x128xi32, #tpu.memory_space<vmem>> -> memref<128xi32, #tpu.memory_space<vmem>>
        %dma_start3A_283 = arith.constant 0 : i32
        %dma_start3A_284 = arith.constant 0 : i32
        %dma_start3A_285 = tpu.memref_slice %arg2[%dma_start3A_283, %dma_start3A_284] : memref<51024x40xf32, #tpu.memory_space<hbm>> -> memref<51024x40xf32, #tpu.memory_space<hbm>>
        tpu.enqueue_indirect_dma source(%dma_start3A_285 : memref<51024x40xf32, #tpu.memory_space<hbm>>) target(%dma_start3A_279 : memref<128x40xf32, #tpu.memory_space<vmem>>) offsets(%dma_start3A_282 : memref<128xi32, #tpu.memory_space<vmem>>) semaphore(%arg8 : memref<!tpu.dma_semaphore, #tpu.memory_space<semaphore_mem>>)
        %mul3A_286 = arith.constant 5 : i32
        %mul3A_287 = arith.muli %add3A_259, %mul3A_286 : i32
        %add3A_288 = arith.constant 2 : i32
        %add3A_289 = arith.addi %mul3A_287, %add3A_288 : i32
        %dma_start3A_290 = arith.constant 256 : i32
        %dma_start3A_291 = arith.constant 0 : i32
        %dma_start3A_292 = tpu.memref_slice %arg6[%dma_start3A_290, %dma_start3A_291] : memref<640x40xf32, #tpu.memory_space<vmem>> -> memref<128x40xf32, #tpu.memory_space<vmem>>
        %dma_start3A_293 = arith.constant 0 : i32
        %dma_start3A_294 = tpu.memref_slice %arg5[%add3A_289, %dma_start3A_293] : memref<50x128xi32, #tpu.memory_space<vmem>> -> memref<1x128xi32, #tpu.memory_space<vmem>>
        %dma_start3A_295 = tpu.memref_squeeze %dma_start3A_294 : memref<1x128xi32, #tpu.memory_space<vmem>> -> memref<128xi32, #tpu.memory_space<vmem>>
        %dma_start3A_296 = arith.constant 0 : i32
        %dma_start3A_297 = arith.constant 0 : i32
        %dma_start3A_298 = tpu.memref_slice %arg2[%dma_start3A_296, %dma_start3A_297] : memref<51024x40xf32, #tpu.memory_space<hbm>> -> memref<51024x40xf32, #tpu.memory_space<hbm>>
        tpu.enqueue_indirect_dma source(%dma_start3A_298 : memref<51024x40xf32, #tpu.memory_space<hbm>>) target(%dma_start3A_292 : memref<128x40xf32, #tpu.memory_space<vmem>>) offsets(%dma_start3A_295 : memref<128xi32, #tpu.memory_space<vmem>>) semaphore(%arg8 : memref<!tpu.dma_semaphore, #tpu.memory_space<semaphore_mem>>)
        %mul3A_299 = arith.constant 5 : i32
        %mul3A_300 = arith.muli %add3A_259, %mul3A_299 : i32
        %add3A_301 = arith.constant 3 : i32
        %add3A_302 = arith.addi %mul3A_300, %add3A_301 : i32
        %dma_start3A_303 = arith.constant 384 : i32
        %dma_start3A_304 = arith.constant 0 : i32
        %dma_start3A_305 = tpu.memref_slice %arg6[%dma_start3A_303, %dma_start3A_304] : memref<640x40xf32, #tpu.memory_space<vmem>> -> memref<128x40xf32, #tpu.memory_space<vmem>>
        %dma_start3A_306 = arith.constant 0 : i32
        %dma_start3A_307 = tpu.memref_slice %arg5[%add3A_302, %dma_start3A_306] : memref<50x128xi32, #tpu.memory_space<vmem>> -> memref<1x128xi32, #tpu.memory_space<vmem>>
        %dma_start3A_308 = tpu.memref_squeeze %dma_start3A_307 : memref<1x128xi32, #tpu.memory_space<vmem>> -> memref<128xi32, #tpu.memory_space<vmem>>
        %dma_start3A_309 = arith.constant 0 : i32
        %dma_start3A_310 = arith.constant 0 : i32
        %dma_start3A_311 = tpu.memref_slice %arg2[%dma_start3A_309, %dma_start3A_310] : memref<51024x40xf32, #tpu.memory_space<hbm>> -> memref<51024x40xf32, #tpu.memory_space<hbm>>
        tpu.enqueue_indirect_dma source(%dma_start3A_311 : memref<51024x40xf32, #tpu.memory_space<hbm>>) target(%dma_start3A_305 : memref<128x40xf32, #tpu.memory_space<vmem>>) offsets(%dma_start3A_308 : memref<128xi32, #tpu.memory_space<vmem>>) semaphore(%arg8 : memref<!tpu.dma_semaphore, #tpu.memory_space<semaphore_mem>>)
        %mul3A_312 = arith.constant 5 : i32
        %mul3A_313 = arith.muli %add3A_259, %mul3A_312 : i32
        %add3A_314 = arith.constant 4 : i32
        %add3A_315 = arith.addi %mul3A_313, %add3A_314 : i32
        %dma_start3A_316 = arith.constant 512 : i32
        %dma_start3A_317 = arith.constant 0 : i32
        %dma_start3A_318 = tpu.memref_slice %arg6[%dma_start3A_316, %dma_start3A_317] : memref<640x40xf32, #tpu.memory_space<vmem>> -> memref<128x40xf32, #tpu.memory_space<vmem>>
        %dma_start3A_319 = arith.constant 0 : i32
        %dma_start3A_320 = tpu.memref_slice %arg5[%add3A_315, %dma_start3A_319] : memref<50x128xi32, #tpu.memory_space<vmem>> -> memref<1x128xi32, #tpu.memory_space<vmem>>
        %dma_start3A_321 = tpu.memref_squeeze %dma_start3A_320 : memref<1x128xi32, #tpu.memory_space<vmem>> -> memref<128xi32, #tpu.memory_space<vmem>>
        %dma_start3A_322 = arith.constant 0 : i32
        %dma_start3A_323 = arith.constant 0 : i32
        %dma_start3A_324 = tpu.memref_slice %arg2[%dma_start3A_322, %dma_start3A_323] : memref<51024x40xf32, #tpu.memory_space<hbm>> -> memref<51024x40xf32, #tpu.memory_space<hbm>>
        tpu.enqueue_indirect_dma source(%dma_start3A_324 : memref<51024x40xf32, #tpu.memory_space<hbm>>) target(%dma_start3A_318 : memref<128x40xf32, #tpu.memory_space<vmem>>) offsets(%dma_start3A_321 : memref<128xi32, #tpu.memory_space<vmem>>) semaphore(%arg8 : memref<!tpu.dma_semaphore, #tpu.memory_space<semaphore_mem>>)
      } else {
      }
    }
    %scan3A_58 = arith.constant 5 : i32
    %dma_wait3A = arith.constant 0 : i32
    %dma_wait3A_59 = tpu.memref_slice %arg4[%mul3A_2, %dma_wait3A] : memref<204800x40xf32, #tpu.memory_space<hbm>> -> memref<640x40xf32, #tpu.memory_space<hbm>>
    %dma_wait3A_60 = arith.constant 0 : i32
    %dma_wait3A_61 = tpu.memref_slice %arg4[%mul3A_2, %dma_wait3A_60] : memref<204800x40xf32, #tpu.memory_space<hbm>> -> memref<640x40xf32, #tpu.memory_space<hbm>>
    tpu.wait_dma2 semaphore(%arg11 : memref<!tpu.dma_semaphore, #tpu.memory_space<semaphore_mem>>) src(%arg7 : memref<640x40xf32, #tpu.memory_space<vmem>>) dst(%dma_wait3A_61 : memref<640x40xf32, #tpu.memory_space<hbm>>)
    return
  }
}

#map = affine_map<(d0, d1) -> (0, 0)>
module attributes {stable_mosaic.version = 14 : i64} {
  func.func @gather_kernel(%arg0: i32, %arg1: i32, %arg2: memref<51024x40xf32, #tpu.memory_space<hbm>>, %arg3: memref<1600x128xi32, #tpu.memory_space<hbm>>, %arg4: memref<204800x40xf32, #tpu.memory_space<hbm>>, %arg5: memref<50x128xi32, #tpu.memory_space<vmem>>, %arg6: memref<640x40xf32, #tpu.memory_space<vmem>>, %arg7: memref<640x40xf32, #tpu.memory_space<vmem>>, %arg8: memref<!tpu.dma_semaphore, #tpu.memory_space<semaphore_mem>>, %arg9: memref<!tpu.dma_semaphore, #tpu.memory_space<semaphore_mem>>, %arg10: memref<!tpu.dma_semaphore, #tpu.memory_space<semaphore_mem>>, %arg11: memref<!tpu.dma_semaphore, #tpu.memory_space<semaphore_mem>>) attributes {dimension_semantics = [#tpu.dimension_semantics<core_parallel>, #tpu.dimension_semantics<subcore_parallel>], iteration_bounds = array<i64: 2, 16>, scalar_prefetch = 0 : i64, scratch_operands = 7 : i64, tpu.core_type = #tpu.core_type<sc_vector_subcore>, window_params = [{transform_indices = #map}, {transform_indices = #map}, {transform_indices = #map}]} {
    %mul3A = arith.constant 2 : i32
    %mul3A_0 = arith.muli %arg1, %mul3A : i32
    %add3A = arith.addi %mul3A_0, %arg0 : i32
    %mul3A_1 = arith.constant 6400 : i32
    %mul3A_2 = arith.muli %add3A, %mul3A_1 : i32
    %mul3A_3 = arith.constant 50 : i32
    %mul3A_4 = arith.muli %add3A, %mul3A_3 : i32
    "tpu.region"() ({
      %run_scoped3A = tpu.sem_alloc : memref<!tpu.dma_semaphore, #tpu.memory_space<semaphore_mem>>
      %dma_start3A_62 = arith.constant 0 : i32
      %dma_start3A_63 = tpu.memref_slice %arg3[%mul3A_4, %dma_start3A_62] : memref<1600x128xi32, #tpu.memory_space<hbm>> -> memref<50x128xi32, #tpu.memory_space<hbm>>
      %dma_start3A_64 = arith.constant 0 : i32
      %dma_start3A_65 = tpu.memref_slice %arg3[%mul3A_4, %dma_start3A_64] : memref<1600x128xi32, #tpu.memory_space<hbm>> -> memref<50x128xi32, #tpu.memory_space<hbm>>
      tpu.enqueue_dma source(%dma_start3A_65 : memref<50x128xi32, #tpu.memory_space<hbm>>) target(%arg5 : memref<50x128xi32, #tpu.memory_space<vmem>>) target_semaphore(%run_scoped3A : memref<!tpu.dma_semaphore, #tpu.memory_space<semaphore_mem>>)
      %dma_wait3A_66 = arith.constant 0 : i32
      %dma_wait3A_67 = tpu.memref_slice %arg3[%mul3A_4, %dma_wait3A_66] : memref<1600x128xi32, #tpu.memory_space<hbm>> -> memref<50x128xi32, #tpu.memory_space<hbm>>
      %dma_wait3A_68 = arith.constant 0 : i32
      %dma_wait3A_69 = tpu.memref_slice %arg3[%mul3A_4, %dma_wait3A_68] : memref<1600x128xi32, #tpu.memory_space<hbm>> -> memref<50x128xi32, #tpu.memory_space<hbm>>
      tpu.wait_dma2 semaphore(%run_scoped3A : memref<!tpu.dma_semaphore, #tpu.memory_space<semaphore_mem>>) src(%dma_wait3A_69 : memref<50x128xi32, #tpu.memory_space<hbm>>) dst(%arg5 : memref<50x128xi32, #tpu.memory_space<vmem>>)
      tpu.yield
    }) : () -> ()
    %dma_start3A = arith.constant 0 : i32
    %dma_start3A_5 = arith.constant 0 : i32
    %dma_start3A_6 = arith.constant 0 : i32
    %dma_start3A_7 = tpu.memref_slice %arg6[%dma_start3A_5, %dma_start3A_6] : memref<640x40xf32, #tpu.memory_space<vmem>> -> memref<128x40xf32, #tpu.memory_space<vmem>>
    %dma_start3A_8 = arith.constant 0 : i32
    %dma_start3A_9 = tpu.memref_slice %arg5[%dma_start3A, %dma_start3A_8] : memref<50x128xi32, #tpu.memory_space<vmem>> -> memref<1x128xi32, #tpu.memory_space<vmem>>
    %dma_start3A_10 = tpu.memref_squeeze %dma_start3A_9 : memref<1x128xi32, #tpu.memory_space<vmem>> -> memref<128xi32, #tpu.memory_space<vmem>>
    %dma_start3A_11 = arith.constant 0 : i32
    %dma_start3A_12 = arith.constant 0 : i32
    %dma_start3A_13 = tpu.memref_slice %arg2[%dma_start3A_11, %dma_start3A_12] : memref<51024x40xf32, #tpu.memory_space<hbm>> -> memref<51024x40xf32, #tpu.memory_space<hbm>>
    tpu.enqueue_indirect_dma source(%dma_start3A_13 : memref<51024x40xf32, #tpu.memory_space<hbm>>) target(%dma_start3A_7 : memref<128x40xf32, #tpu.memory_space<vmem>>) offsets(%dma_start3A_10 : memref<128xi32, #tpu.memory_space<vmem>>) semaphore(%arg8 : memref<!tpu.dma_semaphore, #tpu.memory_space<semaphore_mem>>)
    %dma_start3A_14 = arith.constant 1 : i32
    %dma_start3A_15 = arith.constant 128 : i32
    %dma_start3A_16 = arith.constant 0 : i32
    %dma_start3A_17 = tpu.memref_slice %arg6[%dma_start3A_15, %dma_start3A_16] : memref<640x40xf32, #tpu.memory_space<vmem>> -> memref<128x40xf32, #tpu.memory_space<vmem>>
    %dma_start3A_18 = arith.constant 0 : i32
    %dma_start3A_19 = tpu.memref_slice %arg5[%dma_start3A_14, %dma_start3A_18] : memref<50x128xi32, #tpu.memory_space<vmem>> -> memref<1x128xi32, #tpu.memory_space<vmem>>
    %dma_start3A_20 = tpu.memref_squeeze %dma_start3A_19 : memref<1x128xi32, #tpu.memory_space<vmem>> -> memref<128xi32, #tpu.memory_space<vmem>>
    %dma_start3A_21 = arith.constant 0 : i32
    %dma_start3A_22 = arith.constant 0 : i32
    %dma_start3A_23 = tpu.memref_slice %arg2[%dma_start3A_21, %dma_start3A_22] : memref<51024x40xf32, #tpu.memory_space<hbm>> -> memref<51024x40xf32, #tpu.memory_space<hbm>>
    tpu.enqueue_indirect_dma source(%dma_start3A_23 : memref<51024x40xf32, #tpu.memory_space<hbm>>) target(%dma_start3A_17 : memref<128x40xf32, #tpu.memory_space<vmem>>) offsets(%dma_start3A_20 : memref<128xi32, #tpu.memory_space<vmem>>) semaphore(%arg8 : memref<!tpu.dma_semaphore, #tpu.memory_space<semaphore_mem>>)
    %dma_start3A_24 = arith.constant 2 : i32
    %dma_start3A_25 = arith.constant 256 : i32
    %dma_start3A_26 = arith.constant 0 : i32
    %dma_start3A_27 = tpu.memref_slice %arg6[%dma_start3A_25, %dma_start3A_26] : memref<640x40xf32, #tpu.memory_space<vmem>> -> memref<128x40xf32, #tpu.memory_space<vmem>>
    %dma_start3A_28 = arith.constant 0 : i32
    %dma_start3A_29 = tpu.memref_slice %arg5[%dma_start3A_24, %dma_start3A_28] : memref<50x128xi32, #tpu.memory_space<vmem>> -> memref<1x128xi32, #tpu.memory_space<vmem>>
    %dma_start3A_30 = tpu.memref_squeeze %dma_start3A_29 : memref<1x128xi32, #tpu.memory_space<vmem>> -> memref<128xi32, #tpu.memory_space<vmem>>
    %dma_start3A_31 = arith.constant 0 : i32
    %dma_start3A_32 = arith.constant 0 : i32
    %dma_start3A_33 = tpu.memref_slice %arg2[%dma_start3A_31, %dma_start3A_32] : memref<51024x40xf32, #tpu.memory_space<hbm>> -> memref<51024x40xf32, #tpu.memory_space<hbm>>
    tpu.enqueue_indirect_dma source(%dma_start3A_33 : memref<51024x40xf32, #tpu.memory_space<hbm>>) target(%dma_start3A_27 : memref<128x40xf32, #tpu.memory_space<vmem>>) offsets(%dma_start3A_30 : memref<128xi32, #tpu.memory_space<vmem>>) semaphore(%arg8 : memref<!tpu.dma_semaphore, #tpu.memory_space<semaphore_mem>>)
    %dma_start3A_34 = arith.constant 3 : i32
    %dma_start3A_35 = arith.constant 384 : i32
    %dma_start3A_36 = arith.constant 0 : i32
    %dma_start3A_37 = tpu.memref_slice %arg6[%dma_start3A_35, %dma_start3A_36] : memref<640x40xf32, #tpu.memory_space<vmem>> -> memref<128x40xf32, #tpu.memory_space<vmem>>
    %dma_start3A_38 = arith.constant 0 : i32
    %dma_start3A_39 = tpu.memref_slice %arg5[%dma_start3A_34, %dma_start3A_38] : memref<50x128xi32, #tpu.memory_space<vmem>> -> memref<1x128xi32, #tpu.memory_space<vmem>>
    %dma_start3A_40 = tpu.memref_squeeze %dma_start3A_39 : memref<1x128xi32, #tpu.memory_space<vmem>> -> memref<128xi32, #tpu.memory_space<vmem>>
    %dma_start3A_41 = arith.constant 0 : i32
    %dma_start3A_42 = arith.constant 0 : i32
    %dma_start3A_43 = tpu.memref_slice %arg2[%dma_start3A_41, %dma_start3A_42] : memref<51024x40xf32, #tpu.memory_space<hbm>> -> memref<51024x40xf32, #tpu.memory_space<hbm>>
    tpu.enqueue_indirect_dma source(%dma_start3A_43 : memref<51024x40xf32, #tpu.memory_space<hbm>>) target(%dma_start3A_37 : memref<128x40xf32, #tpu.memory_space<vmem>>) offsets(%dma_start3A_40 : memref<128xi32, #tpu.memory_space<vmem>>) semaphore(%arg8 : memref<!tpu.dma_semaphore, #tpu.memory_space<semaphore_mem>>)
    %dma_start3A_44 = arith.constant 4 : i32
    %dma_start3A_45 = arith.constant 512 : i32
    %dma_start3A_46 = arith.constant 0 : i32
    %dma_start3A_47 = tpu.memref_slice %arg6[%dma_start3A_45, %dma_start3A_46] : memref<640x40xf32, #tpu.memory_space<vmem>> -> memref<128x40xf32, #tpu.memory_space<vmem>>
    %dma_start3A_48 = arith.constant 0 : i32
    %dma_start3A_49 = tpu.memref_slice %arg5[%dma_start3A_44, %dma_start3A_48] : memref<50x128xi32, #tpu.memory_space<vmem>> -> memref<1x128xi32, #tpu.memory_space<vmem>>
    %dma_start3A_50 = tpu.memref_squeeze %dma_start3A_49 : memref<1x128xi32, #tpu.memory_space<vmem>> -> memref<128xi32, #tpu.memory_space<vmem>>
    %dma_start3A_51 = arith.constant 0 : i32
    %dma_start3A_52 = arith.constant 0 : i32
    %dma_start3A_53 = tpu.memref_slice %arg2[%dma_start3A_51, %dma_start3A_52] : memref<51024x40xf32, #tpu.memory_space<hbm>> -> memref<51024x40xf32, #tpu.memory_space<hbm>>
    tpu.enqueue_indirect_dma source(%dma_start3A_53 : memref<51024x40xf32, #tpu.memory_space<hbm>>) target(%dma_start3A_47 : memref<128x40xf32, #tpu.memory_space<vmem>>) offsets(%dma_start3A_50 : memref<128xi32, #tpu.memory_space<vmem>>) semaphore(%arg8 : memref<!tpu.dma_semaphore, #tpu.memory_space<semaphore_mem>>)
    %scan3A = arith.constant 0 : i32
    %scan3A_54 = arith.constant 0 : i32
    %scan3A_55 = arith.constant 5 : i32
    %scan3A_56 = arith.addi %scan3A_54, %scan3A_55 : i32
    %scan3A_57 = arith.constant 1 : i32
    scf.for %scan3A_62 = %scan3A_54 to %scan3A_56 step %scan3A_57  : i32 {
      %mul3A_63 = arith.constant 2 : i32
      %mul3A_64 = arith.muli %mul3A_63, %scan3A_62 : i32
      %dma_wait3A_65 = arith.constant 0 : i32
      %dma_wait3A_66 = arith.constant 0 : i32
      %dma_wait3A_67 = arith.constant 0 : i32
      %dma_wait3A_68 = tpu.memref_slice %arg6[%dma_wait3A_66, %dma_wait3A_67] : memref<640x40xf32, #tpu.memory_space<vmem>> -> memref<128x40xf32, #tpu.memory_space<vmem>>
      %dma_wait3A_69 = arith.constant 0 : i32
      %dma_wait3A_70 = tpu.memref_slice %arg5[%dma_wait3A_65, %dma_wait3A_69] : memref<50x128xi32, #tpu.memory_space<vmem>> -> memref<1x128xi32, #tpu.memory_space<vmem>>
      %dma_wait3A_71 = tpu.memref_squeeze %dma_wait3A_70 : memref<1x128xi32, #tpu.memory_space<vmem>> -> memref<128xi32, #tpu.memory_space<vmem>>
      %dma_wait3A_72 = arith.constant 0 : i32
      %dma_wait3A_73 = arith.constant 0 : i32
      %dma_wait3A_74 = tpu.memref_slice %arg2[%dma_wait3A_72, %dma_wait3A_73] : memref<51024x40xf32, #tpu.memory_space<hbm>> -> memref<51024x40xf32, #tpu.memory_space<hbm>>
      tpu.wait_indirect_dma semaphore(%arg8 : memref<!tpu.dma_semaphore, #tpu.memory_space<semaphore_mem>>) src(%dma_wait3A_74 : memref<51024x40xf32, #tpu.memory_space<hbm>>) dst(%dma_wait3A_68 : memref<128x40xf32, #tpu.memory_space<vmem>>)
      %dma_wait3A_75 = arith.constant 0 : i32
      %dma_wait3A_76 = arith.constant 128 : i32
      %dma_wait3A_77 = arith.constant 0 : i32
      %dma_wait3A_78 = tpu.memref_slice %arg6[%dma_wait3A_76, %dma_wait3A_77] : memref<640x40xf32, #tpu.memory_space<vmem>> -> memref<128x40xf32, #tpu.memory_space<vmem>>
      %dma_wait3A_79 = arith.constant 0 : i32
      %dma_wait3A_80 = tpu.memref_slice %arg5[%dma_wait3A_75, %dma_wait3A_79] : memref<50x128xi32, #tpu.memory_space<vmem>> -> memref<1x128xi32, #tpu.memory_space<vmem>>
      %dma_wait3A_81 = tpu.memref_squeeze %dma_wait3A_80 : memref<1x128xi32, #tpu.memory_space<vmem>> -> memref<128xi32, #tpu.memory_space<vmem>>
      %dma_wait3A_82 = arith.constant 0 : i32
      %dma_wait3A_83 = arith.constant 0 : i32
      %dma_wait3A_84 = tpu.memref_slice %arg2[%dma_wait3A_82, %dma_wait3A_83] : memref<51024x40xf32, #tpu.memory_space<hbm>> -> memref<51024x40xf32, #tpu.memory_space<hbm>>
      tpu.wait_indirect_dma semaphore(%arg8 : memref<!tpu.dma_semaphore, #tpu.memory_space<semaphore_mem>>) src(%dma_wait3A_84 : memref<51024x40xf32, #tpu.memory_space<hbm>>) dst(%dma_wait3A_78 : memref<128x40xf32, #tpu.memory_space<vmem>>)
      %dma_wait3A_85 = arith.constant 0 : i32
      %dma_wait3A_86 = arith.constant 256 : i32
      %dma_wait3A_87 = arith.constant 0 : i32
      %dma_wait3A_88 = tpu.memref_slice %arg6[%dma_wait3A_86, %dma_wait3A_87] : memref<640x40xf32, #tpu.memory_space<vmem>> -> memref<128x40xf32, #tpu.memory_space<vmem>>
      %dma_wait3A_89 = arith.constant 0 : i32
      %dma_wait3A_90 = tpu.memref_slice %arg5[%dma_wait3A_85, %dma_wait3A_89] : memref<50x128xi32, #tpu.memory_space<vmem>> -> memref<1x128xi32, #tpu.memory_space<vmem>>
      %dma_wait3A_91 = tpu.memref_squeeze %dma_wait3A_90 : memref<1x128xi32, #tpu.memory_space<vmem>> -> memref<128xi32, #tpu.memory_space<vmem>>
      %dma_wait3A_92 = arith.constant 0 : i32
      %dma_wait3A_93 = arith.constant 0 : i32
      %dma_wait3A_94 = tpu.memref_slice %arg2[%dma_wait3A_92, %dma_wait3A_93] : memref<51024x40xf32, #tpu.memory_space<hbm>> -> memref<51024x40xf32, #tpu.memory_space<hbm>>
      tpu.wait_indirect_dma semaphore(%arg8 : memref<!tpu.dma_semaphore, #tpu.memory_space<semaphore_mem>>) src(%dma_wait3A_94 : memref<51024x40xf32, #tpu.memory_space<hbm>>) dst(%dma_wait3A_88 : memref<128x40xf32, #tpu.memory_space<vmem>>)
      %dma_wait3A_95 = arith.constant 0 : i32
      %dma_wait3A_96 = arith.constant 384 : i32
      %dma_wait3A_97 = arith.constant 0 : i32
      %dma_wait3A_98 = tpu.memref_slice %arg6[%dma_wait3A_96, %dma_wait3A_97] : memref<640x40xf32, #tpu.memory_space<vmem>> -> memref<128x40xf32, #tpu.memory_space<vmem>>
      %dma_wait3A_99 = arith.constant 0 : i32
      %dma_wait3A_100 = tpu.memref_slice %arg5[%dma_wait3A_95, %dma_wait3A_99] : memref<50x128xi32, #tpu.memory_space<vmem>> -> memref<1x128xi32, #tpu.memory_space<vmem>>
      %dma_wait3A_101 = tpu.memref_squeeze %dma_wait3A_100 : memref<1x128xi32, #tpu.memory_space<vmem>> -> memref<128xi32, #tpu.memory_space<vmem>>
      %dma_wait3A_102 = arith.constant 0 : i32
      %dma_wait3A_103 = arith.constant 0 : i32
      %dma_wait3A_104 = tpu.memref_slice %arg2[%dma_wait3A_102, %dma_wait3A_103] : memref<51024x40xf32, #tpu.memory_space<hbm>> -> memref<51024x40xf32, #tpu.memory_space<hbm>>
      tpu.wait_indirect_dma semaphore(%arg8 : memref<!tpu.dma_semaphore, #tpu.memory_space<semaphore_mem>>) src(%dma_wait3A_104 : memref<51024x40xf32, #tpu.memory_space<hbm>>) dst(%dma_wait3A_98 : memref<128x40xf32, #tpu.memory_space<vmem>>)
      %dma_wait3A_105 = arith.constant 0 : i32
      %dma_wait3A_106 = arith.constant 512 : i32
      %dma_wait3A_107 = arith.constant 0 : i32
      %dma_wait3A_108 = tpu.memref_slice %arg6[%dma_wait3A_106, %dma_wait3A_107] : memref<640x40xf32, #tpu.memory_space<vmem>> -> memref<128x40xf32, #tpu.memory_space<vmem>>
      %dma_wait3A_109 = arith.constant 0 : i32
      %dma_wait3A_110 = tpu.memref_slice %arg5[%dma_wait3A_105, %dma_wait3A_109] : memref<50x128xi32, #tpu.memory_space<vmem>> -> memref<1x128xi32, #tpu.memory_space<vmem>>
      %dma_wait3A_111 = tpu.memref_squeeze %dma_wait3A_110 : memref<1x128xi32, #tpu.memory_space<vmem>> -> memref<128xi32, #tpu.memory_space<vmem>>
      %dma_wait3A_112 = arith.constant 0 : i32
      %dma_wait3A_113 = arith.constant 0 : i32
      %dma_wait3A_114 = tpu.memref_slice %arg2[%dma_wait3A_112, %dma_wait3A_113] : memref<51024x40xf32, #tpu.memory_space<hbm>> -> memref<51024x40xf32, #tpu.memory_space<hbm>>
      tpu.wait_indirect_dma semaphore(%arg8 : memref<!tpu.dma_semaphore, #tpu.memory_space<semaphore_mem>>) src(%dma_wait3A_114 : memref<51024x40xf32, #tpu.memory_space<hbm>>) dst(%dma_wait3A_108 : memref<128x40xf32, #tpu.memory_space<vmem>>)
      %mul3A_115 = arith.constant 640 : i32
      %mul3A_116 = arith.muli %mul3A_64, %mul3A_115 : i32
      %add3A_117 = arith.addi %mul3A_2, %mul3A_116 : i32
      %dma_start3A_118 = arith.constant 0 : i32
      %dma_start3A_119 = tpu.memref_slice %arg4[%add3A_117, %dma_start3A_118] : memref<204800x40xf32, #tpu.memory_space<hbm>> -> memref<640x40xf32, #tpu.memory_space<hbm>>
      %dma_start3A_120 = arith.constant 0 : i32
      %dma_start3A_121 = tpu.memref_slice %arg4[%add3A_117, %dma_start3A_120] : memref<204800x40xf32, #tpu.memory_space<hbm>> -> memref<640x40xf32, #tpu.memory_space<hbm>>
      tpu.enqueue_dma source(%arg6 : memref<640x40xf32, #tpu.memory_space<vmem>>) target(%dma_start3A_121 : memref<640x40xf32, #tpu.memory_space<hbm>>) target_semaphore(%arg10 : memref<!tpu.dma_semaphore, #tpu.memory_space<semaphore_mem>>)
      %gt3A = arith.constant 0 : i32
      %gt3A_122 = arith.cmpi sgt, %scan3A_62, %gt3A : i32
      %convert_element_type3A = arith.extui %gt3A_122 : i1 to i32
      %cond3A = arith.constant 0 : i32
      %cond3A_123 = arith.cmpi ne, %convert_element_type3A, %cond3A : i32
      scf.if %cond3A_123 {
        %dma_wait3A_258 = arith.constant 0 : i32
        %dma_wait3A_259 = tpu.memref_slice %arg4[%mul3A_2, %dma_wait3A_258] : memref<204800x40xf32, #tpu.memory_space<hbm>> -> memref<640x40xf32, #tpu.memory_space<hbm>>
        %dma_wait3A_260 = arith.constant 0 : i32
        %dma_wait3A_261 = tpu.memref_slice %arg4[%mul3A_2, %dma_wait3A_260] : memref<204800x40xf32, #tpu.memory_space<hbm>> -> memref<640x40xf32, #tpu.memory_space<hbm>>
        tpu.wait_dma2 semaphore(%arg11 : memref<!tpu.dma_semaphore, #tpu.memory_space<semaphore_mem>>) src(%arg7 : memref<640x40xf32, #tpu.memory_space<vmem>>) dst(%dma_wait3A_261 : memref<640x40xf32, #tpu.memory_space<hbm>>)
      } else {
      }
      %add3A_124 = arith.constant 1 : i32
      %add3A_125 = arith.addi %mul3A_64, %add3A_124 : i32
      %mul3A_126 = arith.constant 5 : i32
      %mul3A_127 = arith.muli %add3A_125, %mul3A_126 : i32
      %add3A_128 = arith.constant 0 : i32
      %add3A_129 = arith.addi %mul3A_127, %add3A_128 : i32
      %dma_start3A_130 = arith.constant 0 : i32
      %dma_start3A_131 = arith.constant 0 : i32
      %dma_start3A_132 = tpu.memref_slice %arg7[%dma_start3A_130, %dma_start3A_131] : memref<640x40xf32, #tpu.memory_space<vmem>> -> memref<128x40xf32, #tpu.memory_space<vmem>>
      %dma_start3A_133 = arith.constant 0 : i32
      %dma_start3A_134 = tpu.memref_slice %arg5[%add3A_129, %dma_start3A_133] : memref<50x128xi32, #tpu.memory_space<vmem>> -> memref<1x128xi32, #tpu.memory_space<vmem>>
      %dma_start3A_135 = tpu.memref_squeeze %dma_start3A_134 : memref<1x128xi32, #tpu.memory_space<vmem>> -> memref<128xi32, #tpu.memory_space<vmem>>
      %dma_start3A_136 = arith.constant 0 : i32
      %dma_start3A_137 = arith.constant 0 : i32
      %dma_start3A_138 = tpu.memref_slice %arg2[%dma_start3A_136, %dma_start3A_137] : memref<51024x40xf32, #tpu.memory_space<hbm>> -> memref<51024x40xf32, #tpu.memory_space<hbm>>
      tpu.enqueue_indirect_dma source(%dma_start3A_138 : memref<51024x40xf32, #tpu.memory_space<hbm>>) target(%dma_start3A_132 : memref<128x40xf32, #tpu.memory_space<vmem>>) offsets(%dma_start3A_135 : memref<128xi32, #tpu.memory_space<vmem>>) semaphore(%arg9 : memref<!tpu.dma_semaphore, #tpu.memory_space<semaphore_mem>>)
      %mul3A_139 = arith.constant 5 : i32
      %mul3A_140 = arith.muli %add3A_125, %mul3A_139 : i32
      %add3A_141 = arith.constant 1 : i32
      %add3A_142 = arith.addi %mul3A_140, %add3A_141 : i32
      %dma_start3A_143 = arith.constant 128 : i32
      %dma_start3A_144 = arith.constant 0 : i32
      %dma_start3A_145 = tpu.memref_slice %arg7[%dma_start3A_143, %dma_start3A_144] : memref<640x40xf32, #tpu.memory_space<vmem>> -> memref<128x40xf32, #tpu.memory_space<vmem>>
      %dma_start3A_146 = arith.constant 0 : i32
      %dma_start3A_147 = tpu.memref_slice %arg5[%add3A_142, %dma_start3A_146] : memref<50x128xi32, #tpu.memory_space<vmem>> -> memref<1x128xi32, #tpu.memory_space<vmem>>
      %dma_start3A_148 = tpu.memref_squeeze %dma_start3A_147 : memref<1x128xi32, #tpu.memory_space<vmem>> -> memref<128xi32, #tpu.memory_space<vmem>>
      %dma_start3A_149 = arith.constant 0 : i32
      %dma_start3A_150 = arith.constant 0 : i32
      %dma_start3A_151 = tpu.memref_slice %arg2[%dma_start3A_149, %dma_start3A_150] : memref<51024x40xf32, #tpu.memory_space<hbm>> -> memref<51024x40xf32, #tpu.memory_space<hbm>>
      tpu.enqueue_indirect_dma source(%dma_start3A_151 : memref<51024x40xf32, #tpu.memory_space<hbm>>) target(%dma_start3A_145 : memref<128x40xf32, #tpu.memory_space<vmem>>) offsets(%dma_start3A_148 : memref<128xi32, #tpu.memory_space<vmem>>) semaphore(%arg9 : memref<!tpu.dma_semaphore, #tpu.memory_space<semaphore_mem>>)
      %mul3A_152 = arith.constant 5 : i32
      %mul3A_153 = arith.muli %add3A_125, %mul3A_152 : i32
      %add3A_154 = arith.constant 2 : i32
      %add3A_155 = arith.addi %mul3A_153, %add3A_154 : i32
      %dma_start3A_156 = arith.constant 256 : i32
      %dma_start3A_157 = arith.constant 0 : i32
      %dma_start3A_158 = tpu.memref_slice %arg7[%dma_start3A_156, %dma_start3A_157] : memref<640x40xf32, #tpu.memory_space<vmem>> -> memref<128x40xf32, #tpu.memory_space<vmem>>
      %dma_start3A_159 = arith.constant 0 : i32
      %dma_start3A_160 = tpu.memref_slice %arg5[%add3A_155, %dma_start3A_159] : memref<50x128xi32, #tpu.memory_space<vmem>> -> memref<1x128xi32, #tpu.memory_space<vmem>>
      %dma_start3A_161 = tpu.memref_squeeze %dma_start3A_160 : memref<1x128xi32, #tpu.memory_space<vmem>> -> memref<128xi32, #tpu.memory_space<vmem>>
      %dma_start3A_162 = arith.constant 0 : i32
      %dma_start3A_163 = arith.constant 0 : i32
      %dma_start3A_164 = tpu.memref_slice %arg2[%dma_start3A_162, %dma_start3A_163] : memref<51024x40xf32, #tpu.memory_space<hbm>> -> memref<51024x40xf32, #tpu.memory_space<hbm>>
      tpu.enqueue_indirect_dma source(%dma_start3A_164 : memref<51024x40xf32, #tpu.memory_space<hbm>>) target(%dma_start3A_158 : memref<128x40xf32, #tpu.memory_space<vmem>>) offsets(%dma_start3A_161 : memref<128xi32, #tpu.memory_space<vmem>>) semaphore(%arg9 : memref<!tpu.dma_semaphore, #tpu.memory_space<semaphore_mem>>)
      %mul3A_165 = arith.constant 5 : i32
      %mul3A_166 = arith.muli %add3A_125, %mul3A_165 : i32
      %add3A_167 = arith.constant 3 : i32
      %add3A_168 = arith.addi %mul3A_166, %add3A_167 : i32
      %dma_start3A_169 = arith.constant 384 : i32
      %dma_start3A_170 = arith.constant 0 : i32
      %dma_start3A_171 = tpu.memref_slice %arg7[%dma_start3A_169, %dma_start3A_170] : memref<640x40xf32, #tpu.memory_space<vmem>> -> memref<128x40xf32, #tpu.memory_space<vmem>>
      %dma_start3A_172 = arith.constant 0 : i32
      %dma_start3A_173 = tpu.memref_slice %arg5[%add3A_168, %dma_start3A_172] : memref<50x128xi32, #tpu.memory_space<vmem>> -> memref<1x128xi32, #tpu.memory_space<vmem>>
      %dma_start3A_174 = tpu.memref_squeeze %dma_start3A_173 : memref<1x128xi32, #tpu.memory_space<vmem>> -> memref<128xi32, #tpu.memory_space<vmem>>
      %dma_start3A_175 = arith.constant 0 : i32
      %dma_start3A_176 = arith.constant 0 : i32
      %dma_start3A_177 = tpu.memref_slice %arg2[%dma_start3A_175, %dma_start3A_176] : memref<51024x40xf32, #tpu.memory_space<hbm>> -> memref<51024x40xf32, #tpu.memory_space<hbm>>
      tpu.enqueue_indirect_dma source(%dma_start3A_177 : memref<51024x40xf32, #tpu.memory_space<hbm>>) target(%dma_start3A_171 : memref<128x40xf32, #tpu.memory_space<vmem>>) offsets(%dma_start3A_174 : memref<128xi32, #tpu.memory_space<vmem>>) semaphore(%arg9 : memref<!tpu.dma_semaphore, #tpu.memory_space<semaphore_mem>>)
      %mul3A_178 = arith.constant 5 : i32
      %mul3A_179 = arith.muli %add3A_125, %mul3A_178 : i32
      %add3A_180 = arith.constant 4 : i32
      %add3A_181 = arith.addi %mul3A_179, %add3A_180 : i32
      %dma_start3A_182 = arith.constant 512 : i32
      %dma_start3A_183 = arith.constant 0 : i32
      %dma_start3A_184 = tpu.memref_slice %arg7[%dma_start3A_182, %dma_start3A_183] : memref<640x40xf32, #tpu.memory_space<vmem>> -> memref<128x40xf32, #tpu.memory_space<vmem>>
      %dma_start3A_185 = arith.constant 0 : i32
      %dma_start3A_186 = tpu.memref_slice %arg5[%add3A_181, %dma_start3A_185] : memref<50x128xi32, #tpu.memory_space<vmem>> -> memref<1x128xi32, #tpu.memory_space<vmem>>
      %dma_start3A_187 = tpu.memref_squeeze %dma_start3A_186 : memref<1x128xi32, #tpu.memory_space<vmem>> -> memref<128xi32, #tpu.memory_space<vmem>>
      %dma_start3A_188 = arith.constant 0 : i32
      %dma_start3A_189 = arith.constant 0 : i32
      %dma_start3A_190 = tpu.memref_slice %arg2[%dma_start3A_188, %dma_start3A_189] : memref<51024x40xf32, #tpu.memory_space<hbm>> -> memref<51024x40xf32, #tpu.memory_space<hbm>>
      tpu.enqueue_indirect_dma source(%dma_start3A_190 : memref<51024x40xf32, #tpu.memory_space<hbm>>) target(%dma_start3A_184 : memref<128x40xf32, #tpu.memory_space<vmem>>) offsets(%dma_start3A_187 : memref<128xi32, #tpu.memory_space<vmem>>) semaphore(%arg9 : memref<!tpu.dma_semaphore, #tpu.memory_space<semaphore_mem>>)
      %dma_wait3A_191 = arith.constant 0 : i32
      %dma_wait3A_192 = arith.constant 0 : i32
      %dma_wait3A_193 = arith.constant 0 : i32
      %dma_wait3A_194 = tpu.memref_slice %arg7[%dma_wait3A_192, %dma_wait3A_193] : memref<640x40xf32, #tpu.memory_space<vmem>> -> memref<128x40xf32, #tpu.memory_space<vmem>>
      %dma_wait3A_195 = arith.constant 0 : i32
      %dma_wait3A_196 = tpu.memref_slice %arg5[%dma_wait3A_191, %dma_wait3A_195] : memref<50x128xi32, #tpu.memory_space<vmem>> -> memref<1x128xi32, #tpu.memory_space<vmem>>
      %dma_wait3A_197 = tpu.memref_squeeze %dma_wait3A_196 : memref<1x128xi32, #tpu.memory_space<vmem>> -> memref<128xi32, #tpu.memory_space<vmem>>
      %dma_wait3A_198 = arith.constant 0 : i32
      %dma_wait3A_199 = arith.constant 0 : i32
      %dma_wait3A_200 = tpu.memref_slice %arg2[%dma_wait3A_198, %dma_wait3A_199] : memref<51024x40xf32, #tpu.memory_space<hbm>> -> memref<51024x40xf32, #tpu.memory_space<hbm>>
      tpu.wait_indirect_dma semaphore(%arg9 : memref<!tpu.dma_semaphore, #tpu.memory_space<semaphore_mem>>) src(%dma_wait3A_200 : memref<51024x40xf32, #tpu.memory_space<hbm>>) dst(%dma_wait3A_194 : memref<128x40xf32, #tpu.memory_space<vmem>>)
      %dma_wait3A_201 = arith.constant 0 : i32
      %dma_wait3A_202 = arith.constant 128 : i32
      %dma_wait3A_203 = arith.constant 0 : i32
      %dma_wait3A_204 = tpu.memref_slice %arg7[%dma_wait3A_202, %dma_wait3A_203] : memref<640x40xf32, #tpu.memory_space<vmem>> -> memref<128x40xf32, #tpu.memory_space<vmem>>
      %dma_wait3A_205 = arith.constant 0 : i32
      %dma_wait3A_206 = tpu.memref_slice %arg5[%dma_wait3A_201, %dma_wait3A_205] : memref<50x128xi32, #tpu.memory_space<vmem>> -> memref<1x128xi32, #tpu.memory_space<vmem>>
      %dma_wait3A_207 = tpu.memref_squeeze %dma_wait3A_206 : memref<1x128xi32, #tpu.memory_space<vmem>> -> memref<128xi32, #tpu.memory_space<vmem>>
      %dma_wait3A_208 = arith.constant 0 : i32
      %dma_wait3A_209 = arith.constant 0 : i32
      %dma_wait3A_210 = tpu.memref_slice %arg2[%dma_wait3A_208, %dma_wait3A_209] : memref<51024x40xf32, #tpu.memory_space<hbm>> -> memref<51024x40xf32, #tpu.memory_space<hbm>>
      tpu.wait_indirect_dma semaphore(%arg9 : memref<!tpu.dma_semaphore, #tpu.memory_space<semaphore_mem>>) src(%dma_wait3A_210 : memref<51024x40xf32, #tpu.memory_space<hbm>>) dst(%dma_wait3A_204 : memref<128x40xf32, #tpu.memory_space<vmem>>)
      %dma_wait3A_211 = arith.constant 0 : i32
      %dma_wait3A_212 = arith.constant 256 : i32
      %dma_wait3A_213 = arith.constant 0 : i32
      %dma_wait3A_214 = tpu.memref_slice %arg7[%dma_wait3A_212, %dma_wait3A_213] : memref<640x40xf32, #tpu.memory_space<vmem>> -> memref<128x40xf32, #tpu.memory_space<vmem>>
      %dma_wait3A_215 = arith.constant 0 : i32
      %dma_wait3A_216 = tpu.memref_slice %arg5[%dma_wait3A_211, %dma_wait3A_215] : memref<50x128xi32, #tpu.memory_space<vmem>> -> memref<1x128xi32, #tpu.memory_space<vmem>>
      %dma_wait3A_217 = tpu.memref_squeeze %dma_wait3A_216 : memref<1x128xi32, #tpu.memory_space<vmem>> -> memref<128xi32, #tpu.memory_space<vmem>>
      %dma_wait3A_218 = arith.constant 0 : i32
      %dma_wait3A_219 = arith.constant 0 : i32
      %dma_wait3A_220 = tpu.memref_slice %arg2[%dma_wait3A_218, %dma_wait3A_219] : memref<51024x40xf32, #tpu.memory_space<hbm>> -> memref<51024x40xf32, #tpu.memory_space<hbm>>
      tpu.wait_indirect_dma semaphore(%arg9 : memref<!tpu.dma_semaphore, #tpu.memory_space<semaphore_mem>>) src(%dma_wait3A_220 : memref<51024x40xf32, #tpu.memory_space<hbm>>) dst(%dma_wait3A_214 : memref<128x40xf32, #tpu.memory_space<vmem>>)
      %dma_wait3A_221 = arith.constant 0 : i32
      %dma_wait3A_222 = arith.constant 384 : i32
      %dma_wait3A_223 = arith.constant 0 : i32
      %dma_wait3A_224 = tpu.memref_slice %arg7[%dma_wait3A_222, %dma_wait3A_223] : memref<640x40xf32, #tpu.memory_space<vmem>> -> memref<128x40xf32, #tpu.memory_space<vmem>>
      %dma_wait3A_225 = arith.constant 0 : i32
      %dma_wait3A_226 = tpu.memref_slice %arg5[%dma_wait3A_221, %dma_wait3A_225] : memref<50x128xi32, #tpu.memory_space<vmem>> -> memref<1x128xi32, #tpu.memory_space<vmem>>
      %dma_wait3A_227 = tpu.memref_squeeze %dma_wait3A_226 : memref<1x128xi32, #tpu.memory_space<vmem>> -> memref<128xi32, #tpu.memory_space<vmem>>
      %dma_wait3A_228 = arith.constant 0 : i32
      %dma_wait3A_229 = arith.constant 0 : i32
      %dma_wait3A_230 = tpu.memref_slice %arg2[%dma_wait3A_228, %dma_wait3A_229] : memref<51024x40xf32, #tpu.memory_space<hbm>> -> memref<51024x40xf32, #tpu.memory_space<hbm>>
      tpu.wait_indirect_dma semaphore(%arg9 : memref<!tpu.dma_semaphore, #tpu.memory_space<semaphore_mem>>) src(%dma_wait3A_230 : memref<51024x40xf32, #tpu.memory_space<hbm>>) dst(%dma_wait3A_224 : memref<128x40xf32, #tpu.memory_space<vmem>>)
      %dma_wait3A_231 = arith.constant 0 : i32
      %dma_wait3A_232 = arith.constant 512 : i32
      %dma_wait3A_233 = arith.constant 0 : i32
      %dma_wait3A_234 = tpu.memref_slice %arg7[%dma_wait3A_232, %dma_wait3A_233] : memref<640x40xf32, #tpu.memory_space<vmem>> -> memref<128x40xf32, #tpu.memory_space<vmem>>
      %dma_wait3A_235 = arith.constant 0 : i32
      %dma_wait3A_236 = tpu.memref_slice %arg5[%dma_wait3A_231, %dma_wait3A_235] : memref<50x128xi32, #tpu.memory_space<vmem>> -> memref<1x128xi32, #tpu.memory_space<vmem>>
      %dma_wait3A_237 = tpu.memref_squeeze %dma_wait3A_236 : memref<1x128xi32, #tpu.memory_space<vmem>> -> memref<128xi32, #tpu.memory_space<vmem>>
      %dma_wait3A_238 = arith.constant 0 : i32
      %dma_wait3A_239 = arith.constant 0 : i32
      %dma_wait3A_240 = tpu.memref_slice %arg2[%dma_wait3A_238, %dma_wait3A_239] : memref<51024x40xf32, #tpu.memory_space<hbm>> -> memref<51024x40xf32, #tpu.memory_space<hbm>>
      tpu.wait_indirect_dma semaphore(%arg9 : memref<!tpu.dma_semaphore, #tpu.memory_space<semaphore_mem>>) src(%dma_wait3A_240 : memref<51024x40xf32, #tpu.memory_space<hbm>>) dst(%dma_wait3A_234 : memref<128x40xf32, #tpu.memory_space<vmem>>)
      %add3A_241 = arith.constant 1 : i32
      %add3A_242 = arith.addi %mul3A_64, %add3A_241 : i32
      %mul3A_243 = arith.constant 640 : i32
      %mul3A_244 = arith.muli %add3A_242, %mul3A_243 : i32
      %add3A_245 = arith.addi %mul3A_2, %mul3A_244 : i32
      %dma_start3A_246 = arith.constant 0 : i32
      %dma_start3A_247 = tpu.memref_slice %arg4[%add3A_245, %dma_start3A_246] : memref<204800x40xf32, #tpu.memory_space<hbm>> -> memref<640x40xf32, #tpu.memory_space<hbm>>
      %dma_start3A_248 = arith.constant 0 : i32
      %dma_start3A_249 = tpu.memref_slice %arg4[%add3A_245, %dma_start3A_248] : memref<204800x40xf32, #tpu.memory_space<hbm>> -> memref<640x40xf32, #tpu.memory_space<hbm>>
      tpu.enqueue_dma source(%arg7 : memref<640x40xf32, #tpu.memory_space<vmem>>) target(%dma_start3A_249 : memref<640x40xf32, #tpu.memory_space<hbm>>) target_semaphore(%arg11 : memref<!tpu.dma_semaphore, #tpu.memory_space<semaphore_mem>>)
      %dma_wait3A_250 = arith.constant 0 : i32
      %dma_wait3A_251 = tpu.memref_slice %arg4[%mul3A_2, %dma_wait3A_250] : memref<204800x40xf32, #tpu.memory_space<hbm>> -> memref<640x40xf32, #tpu.memory_space<hbm>>
      %dma_wait3A_252 = arith.constant 0 : i32
      %dma_wait3A_253 = tpu.memref_slice %arg4[%mul3A_2, %dma_wait3A_252] : memref<204800x40xf32, #tpu.memory_space<hbm>> -> memref<640x40xf32, #tpu.memory_space<hbm>>
      tpu.wait_dma2 semaphore(%arg10 : memref<!tpu.dma_semaphore, #tpu.memory_space<semaphore_mem>>) src(%arg6 : memref<640x40xf32, #tpu.memory_space<vmem>>) dst(%dma_wait3A_253 : memref<640x40xf32, #tpu.memory_space<hbm>>)
      %lt3A = arith.constant 4 : i32
      %lt3A_254 = arith.cmpi slt, %scan3A_62, %lt3A : i32
      %convert_element_type3A_255 = arith.extui %lt3A_254 : i1 to i32
      %cond3A_256 = arith.constant 0 : i32
      %cond3A_257 = arith.cmpi ne, %convert_element_type3A_255, %cond3A_256 : i32
      scf.if %cond3A_257 {
        %add3A_258 = arith.constant 2 : i32
        %add3A_259 = arith.addi %mul3A_64, %add3A_258 : i32
        %mul3A_260 = arith.constant 5 : i32
        %mul3A_261 = arith.muli %add3A_259, %mul3A_260 : i32
        %add3A_262 = arith.constant 0 : i32
        %add3A_263 = arith.addi %mul3A_261, %add3A_262 : i32
        %dma_start3A_264 = arith.constant 0 : i32
        %dma_start3A_265 = arith.constant 0 : i32
        %dma_start3A_266 = tpu.memref_slice %arg6[%dma_start3A_264, %dma_start3A_265] : memref<640x40xf32, #tpu.memory_space<vmem>> -> memref<128x40xf32, #tpu.memory_space<vmem>>
        %dma_start3A_267 = arith.constant 0 : i32
        %dma_start3A_268 = tpu.memref_slice %arg5[%add3A_263, %dma_start3A_267] : memref<50x128xi32, #tpu.memory_space<vmem>> -> memref<1x128xi32, #tpu.memory_space<vmem>>
        %dma_start3A_269 = tpu.memref_squeeze %dma_start3A_268 : memref<1x128xi32, #tpu.memory_space<vmem>> -> memref<128xi32, #tpu.memory_space<vmem>>
        %dma_start3A_270 = arith.constant 0 : i32
        %dma_start3A_271 = arith.constant 0 : i32
        %dma_start3A_272 = tpu.memref_slice %arg2[%dma_start3A_270, %dma_start3A_271] : memref<51024x40xf32, #tpu.memory_space<hbm>> -> memref<51024x40xf32, #tpu.memory_space<hbm>>
        tpu.enqueue_indirect_dma source(%dma_start3A_272 : memref<51024x40xf32, #tpu.memory_space<hbm>>) target(%dma_start3A_266 : memref<128x40xf32, #tpu.memory_space<vmem>>) offsets(%dma_start3A_269 : memref<128xi32, #tpu.memory_space<vmem>>) semaphore(%arg8 : memref<!tpu.dma_semaphore, #tpu.memory_space<semaphore_mem>>)
        %mul3A_273 = arith.constant 5 : i32
        %mul3A_274 = arith.muli %add3A_259, %mul3A_273 : i32
        %add3A_275 = arith.constant 1 : i32
        %add3A_276 = arith.addi %mul3A_274, %add3A_275 : i32
        %dma_start3A_277 = arith.constant 128 : i32
        %dma_start3A_278 = arith.constant 0 : i32
        %dma_start3A_279 = tpu.memref_slice %arg6[%dma_start3A_277, %dma_start3A_278] : memref<640x40xf32, #tpu.memory_space<vmem>> -> memref<128x40xf32, #tpu.memory_space<vmem>>
        %dma_start3A_280 = arith.constant 0 : i32
        %dma_start3A_281 = tpu.memref_slice %arg5[%add3A_276, %dma_start3A_280] : memref<50x128xi32, #tpu.memory_space<vmem>> -> memref<1x128xi32, #tpu.memory_space<vmem>>
        %dma_start3A_282 = tpu.memref_squeeze %dma_start3A_281 : memref<1x128xi32, #tpu.memory_space<vmem>> -> memref<128xi32, #tpu.memory_space<vmem>>
        %dma_start3A_283 = arith.constant 0 : i32
        %dma_start3A_284 = arith.constant 0 : i32
        %dma_start3A_285 = tpu.memref_slice %arg2[%dma_start3A_283, %dma_start3A_284] : memref<51024x40xf32, #tpu.memory_space<hbm>> -> memref<51024x40xf32, #tpu.memory_space<hbm>>
        tpu.enqueue_indirect_dma source(%dma_start3A_285 : memref<51024x40xf32, #tpu.memory_space<hbm>>) target(%dma_start3A_279 : memref<128x40xf32, #tpu.memory_space<vmem>>) offsets(%dma_start3A_282 : memref<128xi32, #tpu.memory_space<vmem>>) semaphore(%arg8 : memref<!tpu.dma_semaphore, #tpu.memory_space<semaphore_mem>>)
        %mul3A_286 = arith.constant 5 : i32
        %mul3A_287 = arith.muli %add3A_259, %mul3A_286 : i32
        %add3A_288 = arith.constant 2 : i32
        %add3A_289 = arith.addi %mul3A_287, %add3A_288 : i32
        %dma_start3A_290 = arith.constant 256 : i32
        %dma_start3A_291 = arith.constant 0 : i32
        %dma_start3A_292 = tpu.memref_slice %arg6[%dma_start3A_290, %dma_start3A_291] : memref<640x40xf32, #tpu.memory_space<vmem>> -> memref<128x40xf32, #tpu.memory_space<vmem>>
        %dma_start3A_293 = arith.constant 0 : i32
        %dma_start3A_294 = tpu.memref_slice %arg5[%add3A_289, %dma_start3A_293] : memref<50x128xi32, #tpu.memory_space<vmem>> -> memref<1x128xi32, #tpu.memory_space<vmem>>
        %dma_start3A_295 = tpu.memref_squeeze %dma_start3A_294 : memref<1x128xi32, #tpu.memory_space<vmem>> -> memref<128xi32, #tpu.memory_space<vmem>>
        %dma_start3A_296 = arith.constant 0 : i32
        %dma_start3A_297 = arith.constant 0 : i32
        %dma_start3A_298 = tpu.memref_slice %arg2[%dma_start3A_296, %dma_start3A_297] : memref<51024x40xf32, #tpu.memory_space<hbm>> -> memref<51024x40xf32, #tpu.memory_space<hbm>>
        tpu.enqueue_indirect_dma source(%dma_start3A_298 : memref<51024x40xf32, #tpu.memory_space<hbm>>) target(%dma_start3A_292 : memref<128x40xf32, #tpu.memory_space<vmem>>) offsets(%dma_start3A_295 : memref<128xi32, #tpu.memory_space<vmem>>) semaphore(%arg8 : memref<!tpu.dma_semaphore, #tpu.memory_space<semaphore_mem>>)
        %mul3A_299 = arith.constant 5 : i32
        %mul3A_300 = arith.muli %add3A_259, %mul3A_299 : i32
        %add3A_301 = arith.constant 3 : i32
        %add3A_302 = arith.addi %mul3A_300, %add3A_301 : i32
        %dma_start3A_303 = arith.constant 384 : i32
        %dma_start3A_304 = arith.constant 0 : i32
        %dma_start3A_305 = tpu.memref_slice %arg6[%dma_start3A_303, %dma_start3A_304] : memref<640x40xf32, #tpu.memory_space<vmem>> -> memref<128x40xf32, #tpu.memory_space<vmem>>
        %dma_start3A_306 = arith.constant 0 : i32
        %dma_start3A_307 = tpu.memref_slice %arg5[%add3A_302, %dma_start3A_306] : memref<50x128xi32, #tpu.memory_space<vmem>> -> memref<1x128xi32, #tpu.memory_space<vmem>>
        %dma_start3A_308 = tpu.memref_squeeze %dma_start3A_307 : memref<1x128xi32, #tpu.memory_space<vmem>> -> memref<128xi32, #tpu.memory_space<vmem>>
        %dma_start3A_309 = arith.constant 0 : i32
        %dma_start3A_310 = arith.constant 0 : i32
        %dma_start3A_311 = tpu.memref_slice %arg2[%dma_start3A_309, %dma_start3A_310] : memref<51024x40xf32, #tpu.memory_space<hbm>> -> memref<51024x40xf32, #tpu.memory_space<hbm>>
        tpu.enqueue_indirect_dma source(%dma_start3A_311 : memref<51024x40xf32, #tpu.memory_space<hbm>>) target(%dma_start3A_305 : memref<128x40xf32, #tpu.memory_space<vmem>>) offsets(%dma_start3A_308 : memref<128xi32, #tpu.memory_space<vmem>>) semaphore(%arg8 : memref<!tpu.dma_semaphore, #tpu.memory_space<semaphore_mem>>)
        %mul3A_312 = arith.constant 5 : i32
        %mul3A_313 = arith.muli %add3A_259, %mul3A_312 : i32
        %add3A_314 = arith.constant 4 : i32
        %add3A_315 = arith.addi %mul3A_313, %add3A_314 : i32
        %dma_start3A_316 = arith.constant 512 : i32
        %dma_start3A_317 = arith.constant 0 : i32
        %dma_start3A_318 = tpu.memref_slice %arg6[%dma_start3A_316, %dma_start3A_317] : memref<640x40xf32, #tpu.memory_space<vmem>> -> memref<128x40xf32, #tpu.memory_space<vmem>>
        %dma_start3A_319 = arith.constant 0 : i32
        %dma_start3A_320 = tpu.memref_slice %arg5[%add3A_315, %dma_start3A_319] : memref<50x128xi32, #tpu.memory_space<vmem>> -> memref<1x128xi32, #tpu.memory_space<vmem>>
        %dma_start3A_321 = tpu.memref_squeeze %dma_start3A_320 : memref<1x128xi32, #tpu.memory_space<vmem>> -> memref<128xi32, #tpu.memory_space<vmem>>
        %dma_start3A_322 = arith.constant 0 : i32
        %dma_start3A_323 = arith.constant 0 : i32
        %dma_start3A_324 = tpu.memref_slice %arg2[%dma_start3A_322, %dma_start3A_323] : memref<51024x40xf32, #tpu.memory_space<hbm>> -> memref<51024x40xf32, #tpu.memory_space<hbm>>
        tpu.enqueue_indirect_dma source(%dma_start3A_324 : memref<51024x40xf32, #tpu.memory_space<hbm>>) target(%dma_start3A_318 : memref<128x40xf32, #tpu.memory_space<vmem>>) offsets(%dma_start3A_321 : memref<128xi32, #tpu.memory_space<vmem>>) semaphore(%arg8 : memref<!tpu.dma_semaphore, #tpu.memory_space<semaphore_mem>>)
      } else {
      }
    }
    %scan3A_58 = arith.constant 5 : i32
    %dma_wait3A = arith.constant 0 : i32
    %dma_wait3A_59 = tpu.memref_slice %arg4[%mul3A_2, %dma_wait3A] : memref<204800x40xf32, #tpu.memory_space<hbm>> -> memref<640x40xf32, #tpu.memory_space<hbm>>
    %dma_wait3A_60 = arith.constant 0 : i32
    %dma_wait3A_61 = tpu.memref_slice %arg4[%mul3A_2, %dma_wait3A_60] : memref<204800x40xf32, #tpu.memory_space<hbm>> -> memref<640x40xf32, #tpu.memory_space<hbm>>
    tpu.wait_dma2 semaphore(%arg11 : memref<!tpu.dma_semaphore, #tpu.memory_space<semaphore_mem>>) src(%arg7 : memref<640x40xf32, #tpu.memory_space<vmem>>) dst(%dma_wait3A_61 : memref<640x40xf32, #tpu.memory_space<hbm>>)
    return
  }
}

#map = affine_map<(d0, d1) -> (0, 0)>
module attributes {stable_mosaic.version = 14 : i64} {
  func.func @gather_kernel(%arg0: i32, %arg1: i32, %arg2: memref<51024x40xf32, #tpu.memory_space<hbm>>, %arg3: memref<1600x128xi32, #tpu.memory_space<hbm>>, %arg4: memref<204800x40xf32, #tpu.memory_space<hbm>>, %arg5: memref<50x128xi32, #tpu.memory_space<vmem>>, %arg6: memref<640x40xf32, #tpu.memory_space<vmem>>, %arg7: memref<640x40xf32, #tpu.memory_space<vmem>>, %arg8: memref<!tpu.dma_semaphore, #tpu.memory_space<semaphore_mem>>, %arg9: memref<!tpu.dma_semaphore, #tpu.memory_space<semaphore_mem>>, %arg10: memref<!tpu.dma_semaphore, #tpu.memory_space<semaphore_mem>>, %arg11: memref<!tpu.dma_semaphore, #tpu.memory_space<semaphore_mem>>) attributes {dimension_semantics = [#tpu.dimension_semantics<core_parallel>, #tpu.dimension_semantics<subcore_parallel>], iteration_bounds = array<i64: 2, 16>, scalar_prefetch = 0 : i64, scratch_operands = 7 : i64, tpu.core_type = #tpu.core_type<sc_vector_subcore>, window_params = [{transform_indices = #map}, {transform_indices = #map}, {transform_indices = #map}]} {
    %mul3A = arith.constant 2 : i32
    %mul3A_0 = arith.muli %arg1, %mul3A : i32
    %add3A = arith.addi %mul3A_0, %arg0 : i32
    %mul3A_1 = arith.constant 6400 : i32
    %mul3A_2 = arith.muli %add3A, %mul3A_1 : i32
    %mul3A_3 = arith.constant 50 : i32
    %mul3A_4 = arith.muli %add3A, %mul3A_3 : i32
    "tpu.region"() ({
      %run_scoped3A = tpu.sem_alloc : memref<!tpu.dma_semaphore, #tpu.memory_space<semaphore_mem>>
      %dma_start3A_62 = arith.constant 0 : i32
      %dma_start3A_63 = tpu.memref_slice %arg3[%mul3A_4, %dma_start3A_62] : memref<1600x128xi32, #tpu.memory_space<hbm>> -> memref<50x128xi32, #tpu.memory_space<hbm>>
      %dma_start3A_64 = arith.constant 0 : i32
      %dma_start3A_65 = tpu.memref_slice %arg3[%mul3A_4, %dma_start3A_64] : memref<1600x128xi32, #tpu.memory_space<hbm>> -> memref<50x128xi32, #tpu.memory_space<hbm>>
      tpu.enqueue_dma source(%dma_start3A_65 : memref<50x128xi32, #tpu.memory_space<hbm>>) target(%arg5 : memref<50x128xi32, #tpu.memory_space<vmem>>) target_semaphore(%run_scoped3A : memref<!tpu.dma_semaphore, #tpu.memory_space<semaphore_mem>>)
      %dma_wait3A_66 = arith.constant 0 : i32
      %dma_wait3A_67 = tpu.memref_slice %arg3[%mul3A_4, %dma_wait3A_66] : memref<1600x128xi32, #tpu.memory_space<hbm>> -> memref<50x128xi32, #tpu.memory_space<hbm>>
      %dma_wait3A_68 = arith.constant 0 : i32
      %dma_wait3A_69 = tpu.memref_slice %arg3[%mul3A_4, %dma_wait3A_68] : memref<1600x128xi32, #tpu.memory_space<hbm>> -> memref<50x128xi32, #tpu.memory_space<hbm>>
      tpu.wait_dma2 semaphore(%run_scoped3A : memref<!tpu.dma_semaphore, #tpu.memory_space<semaphore_mem>>) src(%dma_wait3A_69 : memref<50x128xi32, #tpu.memory_space<hbm>>) dst(%arg5 : memref<50x128xi32, #tpu.memory_space<vmem>>)
      tpu.yield
    }) : () -> ()
    %dma_start3A = arith.constant 0 : i32
    %dma_start3A_5 = arith.constant 0 : i32
    %dma_start3A_6 = arith.constant 0 : i32
    %dma_start3A_7 = tpu.memref_slice %arg6[%dma_start3A_5, %dma_start3A_6] : memref<640x40xf32, #tpu.memory_space<vmem>> -> memref<128x40xf32, #tpu.memory_space<vmem>>
    %dma_start3A_8 = arith.constant 0 : i32
    %dma_start3A_9 = tpu.memref_slice %arg5[%dma_start3A, %dma_start3A_8] : memref<50x128xi32, #tpu.memory_space<vmem>> -> memref<1x128xi32, #tpu.memory_space<vmem>>
    %dma_start3A_10 = tpu.memref_squeeze %dma_start3A_9 : memref<1x128xi32, #tpu.memory_space<vmem>> -> memref<128xi32, #tpu.memory_space<vmem>>
    %dma_start3A_11 = arith.constant 0 : i32
    %dma_start3A_12 = arith.constant 0 : i32
    %dma_start3A_13 = tpu.memref_slice %arg2[%dma_start3A_11, %dma_start3A_12] : memref<51024x40xf32, #tpu.memory_space<hbm>> -> memref<51024x40xf32, #tpu.memory_space<hbm>>
    tpu.enqueue_indirect_dma source(%dma_start3A_13 : memref<51024x40xf32, #tpu.memory_space<hbm>>) target(%dma_start3A_7 : memref<128x40xf32, #tpu.memory_space<vmem>>) offsets(%dma_start3A_10 : memref<128xi32, #tpu.memory_space<vmem>>) semaphore(%arg8 : memref<!tpu.dma_semaphore, #tpu.memory_space<semaphore_mem>>)
    %dma_start3A_14 = arith.constant 1 : i32
    %dma_start3A_15 = arith.constant 128 : i32
    %dma_start3A_16 = arith.constant 0 : i32
    %dma_start3A_17 = tpu.memref_slice %arg6[%dma_start3A_15, %dma_start3A_16] : memref<640x40xf32, #tpu.memory_space<vmem>> -> memref<128x40xf32, #tpu.memory_space<vmem>>
    %dma_start3A_18 = arith.constant 0 : i32
    %dma_start3A_19 = tpu.memref_slice %arg5[%dma_start3A_14, %dma_start3A_18] : memref<50x128xi32, #tpu.memory_space<vmem>> -> memref<1x128xi32, #tpu.memory_space<vmem>>
    %dma_start3A_20 = tpu.memref_squeeze %dma_start3A_19 : memref<1x128xi32, #tpu.memory_space<vmem>> -> memref<128xi32, #tpu.memory_space<vmem>>
    %dma_start3A_21 = arith.constant 0 : i32
    %dma_start3A_22 = arith.constant 0 : i32
    %dma_start3A_23 = tpu.memref_slice %arg2[%dma_start3A_21, %dma_start3A_22] : memref<51024x40xf32, #tpu.memory_space<hbm>> -> memref<51024x40xf32, #tpu.memory_space<hbm>>
    tpu.enqueue_indirect_dma source(%dma_start3A_23 : memref<51024x40xf32, #tpu.memory_space<hbm>>) target(%dma_start3A_17 : memref<128x40xf32, #tpu.memory_space<vmem>>) offsets(%dma_start3A_20 : memref<128xi32, #tpu.memory_space<vmem>>) semaphore(%arg8 : memref<!tpu.dma_semaphore, #tpu.memory_space<semaphore_mem>>)
    %dma_start3A_24 = arith.constant 2 : i32
    %dma_start3A_25 = arith.constant 256 : i32
    %dma_start3A_26 = arith.constant 0 : i32
    %dma_start3A_27 = tpu.memref_slice %arg6[%dma_start3A_25, %dma_start3A_26] : memref<640x40xf32, #tpu.memory_space<vmem>> -> memref<128x40xf32, #tpu.memory_space<vmem>>
    %dma_start3A_28 = arith.constant 0 : i32
    %dma_start3A_29 = tpu.memref_slice %arg5[%dma_start3A_24, %dma_start3A_28] : memref<50x128xi32, #tpu.memory_space<vmem>> -> memref<1x128xi32, #tpu.memory_space<vmem>>
    %dma_start3A_30 = tpu.memref_squeeze %dma_start3A_29 : memref<1x128xi32, #tpu.memory_space<vmem>> -> memref<128xi32, #tpu.memory_space<vmem>>
    %dma_start3A_31 = arith.constant 0 : i32
    %dma_start3A_32 = arith.constant 0 : i32
    %dma_start3A_33 = tpu.memref_slice %arg2[%dma_start3A_31, %dma_start3A_32] : memref<51024x40xf32, #tpu.memory_space<hbm>> -> memref<51024x40xf32, #tpu.memory_space<hbm>>
    tpu.enqueue_indirect_dma source(%dma_start3A_33 : memref<51024x40xf32, #tpu.memory_space<hbm>>) target(%dma_start3A_27 : memref<128x40xf32, #tpu.memory_space<vmem>>) offsets(%dma_start3A_30 : memref<128xi32, #tpu.memory_space<vmem>>) semaphore(%arg8 : memref<!tpu.dma_semaphore, #tpu.memory_space<semaphore_mem>>)
    %dma_start3A_34 = arith.constant 3 : i32
    %dma_start3A_35 = arith.constant 384 : i32
    %dma_start3A_36 = arith.constant 0 : i32
    %dma_start3A_37 = tpu.memref_slice %arg6[%dma_start3A_35, %dma_start3A_36] : memref<640x40xf32, #tpu.memory_space<vmem>> -> memref<128x40xf32, #tpu.memory_space<vmem>>
    %dma_start3A_38 = arith.constant 0 : i32
    %dma_start3A_39 = tpu.memref_slice %arg5[%dma_start3A_34, %dma_start3A_38] : memref<50x128xi32, #tpu.memory_space<vmem>> -> memref<1x128xi32, #tpu.memory_space<vmem>>
    %dma_start3A_40 = tpu.memref_squeeze %dma_start3A_39 : memref<1x128xi32, #tpu.memory_space<vmem>> -> memref<128xi32, #tpu.memory_space<vmem>>
    %dma_start3A_41 = arith.constant 0 : i32
    %dma_start3A_42 = arith.constant 0 : i32
    %dma_start3A_43 = tpu.memref_slice %arg2[%dma_start3A_41, %dma_start3A_42] : memref<51024x40xf32, #tpu.memory_space<hbm>> -> memref<51024x40xf32, #tpu.memory_space<hbm>>
    tpu.enqueue_indirect_dma source(%dma_start3A_43 : memref<51024x40xf32, #tpu.memory_space<hbm>>) target(%dma_start3A_37 : memref<128x40xf32, #tpu.memory_space<vmem>>) offsets(%dma_start3A_40 : memref<128xi32, #tpu.memory_space<vmem>>) semaphore(%arg8 : memref<!tpu.dma_semaphore, #tpu.memory_space<semaphore_mem>>)
    %dma_start3A_44 = arith.constant 4 : i32
    %dma_start3A_45 = arith.constant 512 : i32
    %dma_start3A_46 = arith.constant 0 : i32
    %dma_start3A_47 = tpu.memref_slice %arg6[%dma_start3A_45, %dma_start3A_46] : memref<640x40xf32, #tpu.memory_space<vmem>> -> memref<128x40xf32, #tpu.memory_space<vmem>>
    %dma_start3A_48 = arith.constant 0 : i32
    %dma_start3A_49 = tpu.memref_slice %arg5[%dma_start3A_44, %dma_start3A_48] : memref<50x128xi32, #tpu.memory_space<vmem>> -> memref<1x128xi32, #tpu.memory_space<vmem>>
    %dma_start3A_50 = tpu.memref_squeeze %dma_start3A_49 : memref<1x128xi32, #tpu.memory_space<vmem>> -> memref<128xi32, #tpu.memory_space<vmem>>
    %dma_start3A_51 = arith.constant 0 : i32
    %dma_start3A_52 = arith.constant 0 : i32
    %dma_start3A_53 = tpu.memref_slice %arg2[%dma_start3A_51, %dma_start3A_52] : memref<51024x40xf32, #tpu.memory_space<hbm>> -> memref<51024x40xf32, #tpu.memory_space<hbm>>
    tpu.enqueue_indirect_dma source(%dma_start3A_53 : memref<51024x40xf32, #tpu.memory_space<hbm>>) target(%dma_start3A_47 : memref<128x40xf32, #tpu.memory_space<vmem>>) offsets(%dma_start3A_50 : memref<128xi32, #tpu.memory_space<vmem>>) semaphore(%arg8 : memref<!tpu.dma_semaphore, #tpu.memory_space<semaphore_mem>>)
    %scan3A = arith.constant 0 : i32
    %scan3A_54 = arith.constant 0 : i32
    %scan3A_55 = arith.constant 5 : i32
    %scan3A_56 = arith.addi %scan3A_54, %scan3A_55 : i32
    %scan3A_57 = arith.constant 1 : i32
    scf.for %scan3A_62 = %scan3A_54 to %scan3A_56 step %scan3A_57  : i32 {
      %mul3A_63 = arith.constant 2 : i32
      %mul3A_64 = arith.muli %mul3A_63, %scan3A_62 : i32
      %dma_wait3A_65 = arith.constant 0 : i32
      %dma_wait3A_66 = arith.constant 0 : i32
      %dma_wait3A_67 = arith.constant 0 : i32
      %dma_wait3A_68 = tpu.memref_slice %arg6[%dma_wait3A_66, %dma_wait3A_67] : memref<640x40xf32, #tpu.memory_space<vmem>> -> memref<128x40xf32, #tpu.memory_space<vmem>>
      %dma_wait3A_69 = arith.constant 0 : i32
      %dma_wait3A_70 = tpu.memref_slice %arg5[%dma_wait3A_65, %dma_wait3A_69] : memref<50x128xi32, #tpu.memory_space<vmem>> -> memref<1x128xi32, #tpu.memory_space<vmem>>
      %dma_wait3A_71 = tpu.memref_squeeze %dma_wait3A_70 : memref<1x128xi32, #tpu.memory_space<vmem>> -> memref<128xi32, #tpu.memory_space<vmem>>
      %dma_wait3A_72 = arith.constant 0 : i32
      %dma_wait3A_73 = arith.constant 0 : i32
      %dma_wait3A_74 = tpu.memref_slice %arg2[%dma_wait3A_72, %dma_wait3A_73] : memref<51024x40xf32, #tpu.memory_space<hbm>> -> memref<51024x40xf32, #tpu.memory_space<hbm>>
      tpu.wait_indirect_dma semaphore(%arg8 : memref<!tpu.dma_semaphore, #tpu.memory_space<semaphore_mem>>) src(%dma_wait3A_74 : memref<51024x40xf32, #tpu.memory_space<hbm>>) dst(%dma_wait3A_68 : memref<128x40xf32, #tpu.memory_space<vmem>>)
      %dma_wait3A_75 = arith.constant 0 : i32
      %dma_wait3A_76 = arith.constant 128 : i32
      %dma_wait3A_77 = arith.constant 0 : i32
      %dma_wait3A_78 = tpu.memref_slice %arg6[%dma_wait3A_76, %dma_wait3A_77] : memref<640x40xf32, #tpu.memory_space<vmem>> -> memref<128x40xf32, #tpu.memory_space<vmem>>
      %dma_wait3A_79 = arith.constant 0 : i32
      %dma_wait3A_80 = tpu.memref_slice %arg5[%dma_wait3A_75, %dma_wait3A_79] : memref<50x128xi32, #tpu.memory_space<vmem>> -> memref<1x128xi32, #tpu.memory_space<vmem>>
      %dma_wait3A_81 = tpu.memref_squeeze %dma_wait3A_80 : memref<1x128xi32, #tpu.memory_space<vmem>> -> memref<128xi32, #tpu.memory_space<vmem>>
      %dma_wait3A_82 = arith.constant 0 : i32
      %dma_wait3A_83 = arith.constant 0 : i32
      %dma_wait3A_84 = tpu.memref_slice %arg2[%dma_wait3A_82, %dma_wait3A_83] : memref<51024x40xf32, #tpu.memory_space<hbm>> -> memref<51024x40xf32, #tpu.memory_space<hbm>>
      tpu.wait_indirect_dma semaphore(%arg8 : memref<!tpu.dma_semaphore, #tpu.memory_space<semaphore_mem>>) src(%dma_wait3A_84 : memref<51024x40xf32, #tpu.memory_space<hbm>>) dst(%dma_wait3A_78 : memref<128x40xf32, #tpu.memory_space<vmem>>)
      %dma_wait3A_85 = arith.constant 0 : i32
      %dma_wait3A_86 = arith.constant 256 : i32
      %dma_wait3A_87 = arith.constant 0 : i32
      %dma_wait3A_88 = tpu.memref_slice %arg6[%dma_wait3A_86, %dma_wait3A_87] : memref<640x40xf32, #tpu.memory_space<vmem>> -> memref<128x40xf32, #tpu.memory_space<vmem>>
      %dma_wait3A_89 = arith.constant 0 : i32
      %dma_wait3A_90 = tpu.memref_slice %arg5[%dma_wait3A_85, %dma_wait3A_89] : memref<50x128xi32, #tpu.memory_space<vmem>> -> memref<1x128xi32, #tpu.memory_space<vmem>>
      %dma_wait3A_91 = tpu.memref_squeeze %dma_wait3A_90 : memref<1x128xi32, #tpu.memory_space<vmem>> -> memref<128xi32, #tpu.memory_space<vmem>>
      %dma_wait3A_92 = arith.constant 0 : i32
      %dma_wait3A_93 = arith.constant 0 : i32
      %dma_wait3A_94 = tpu.memref_slice %arg2[%dma_wait3A_92, %dma_wait3A_93] : memref<51024x40xf32, #tpu.memory_space<hbm>> -> memref<51024x40xf32, #tpu.memory_space<hbm>>
      tpu.wait_indirect_dma semaphore(%arg8 : memref<!tpu.dma_semaphore, #tpu.memory_space<semaphore_mem>>) src(%dma_wait3A_94 : memref<51024x40xf32, #tpu.memory_space<hbm>>) dst(%dma_wait3A_88 : memref<128x40xf32, #tpu.memory_space<vmem>>)
      %dma_wait3A_95 = arith.constant 0 : i32
      %dma_wait3A_96 = arith.constant 384 : i32
      %dma_wait3A_97 = arith.constant 0 : i32
      %dma_wait3A_98 = tpu.memref_slice %arg6[%dma_wait3A_96, %dma_wait3A_97] : memref<640x40xf32, #tpu.memory_space<vmem>> -> memref<128x40xf32, #tpu.memory_space<vmem>>
      %dma_wait3A_99 = arith.constant 0 : i32
      %dma_wait3A_100 = tpu.memref_slice %arg5[%dma_wait3A_95, %dma_wait3A_99] : memref<50x128xi32, #tpu.memory_space<vmem>> -> memref<1x128xi32, #tpu.memory_space<vmem>>
      %dma_wait3A_101 = tpu.memref_squeeze %dma_wait3A_100 : memref<1x128xi32, #tpu.memory_space<vmem>> -> memref<128xi32, #tpu.memory_space<vmem>>
      %dma_wait3A_102 = arith.constant 0 : i32
      %dma_wait3A_103 = arith.constant 0 : i32
      %dma_wait3A_104 = tpu.memref_slice %arg2[%dma_wait3A_102, %dma_wait3A_103] : memref<51024x40xf32, #tpu.memory_space<hbm>> -> memref<51024x40xf32, #tpu.memory_space<hbm>>
      tpu.wait_indirect_dma semaphore(%arg8 : memref<!tpu.dma_semaphore, #tpu.memory_space<semaphore_mem>>) src(%dma_wait3A_104 : memref<51024x40xf32, #tpu.memory_space<hbm>>) dst(%dma_wait3A_98 : memref<128x40xf32, #tpu.memory_space<vmem>>)
      %dma_wait3A_105 = arith.constant 0 : i32
      %dma_wait3A_106 = arith.constant 512 : i32
      %dma_wait3A_107 = arith.constant 0 : i32
      %dma_wait3A_108 = tpu.memref_slice %arg6[%dma_wait3A_106, %dma_wait3A_107] : memref<640x40xf32, #tpu.memory_space<vmem>> -> memref<128x40xf32, #tpu.memory_space<vmem>>
      %dma_wait3A_109 = arith.constant 0 : i32
      %dma_wait3A_110 = tpu.memref_slice %arg5[%dma_wait3A_105, %dma_wait3A_109] : memref<50x128xi32, #tpu.memory_space<vmem>> -> memref<1x128xi32, #tpu.memory_space<vmem>>
      %dma_wait3A_111 = tpu.memref_squeeze %dma_wait3A_110 : memref<1x128xi32, #tpu.memory_space<vmem>> -> memref<128xi32, #tpu.memory_space<vmem>>
      %dma_wait3A_112 = arith.constant 0 : i32
      %dma_wait3A_113 = arith.constant 0 : i32
      %dma_wait3A_114 = tpu.memref_slice %arg2[%dma_wait3A_112, %dma_wait3A_113] : memref<51024x40xf32, #tpu.memory_space<hbm>> -> memref<51024x40xf32, #tpu.memory_space<hbm>>
      tpu.wait_indirect_dma semaphore(%arg8 : memref<!tpu.dma_semaphore, #tpu.memory_space<semaphore_mem>>) src(%dma_wait3A_114 : memref<51024x40xf32, #tpu.memory_space<hbm>>) dst(%dma_wait3A_108 : memref<128x40xf32, #tpu.memory_space<vmem>>)
      %mul3A_115 = arith.constant 640 : i32
      %mul3A_116 = arith.muli %mul3A_64, %mul3A_115 : i32
      %add3A_117 = arith.addi %mul3A_2, %mul3A_116 : i32
      %dma_start3A_118 = arith.constant 0 : i32
      %dma_start3A_119 = tpu.memref_slice %arg4[%add3A_117, %dma_start3A_118] : memref<204800x40xf32, #tpu.memory_space<hbm>> -> memref<640x40xf32, #tpu.memory_space<hbm>>
      %dma_start3A_120 = arith.constant 0 : i32
      %dma_start3A_121 = tpu.memref_slice %arg4[%add3A_117, %dma_start3A_120] : memref<204800x40xf32, #tpu.memory_space<hbm>> -> memref<640x40xf32, #tpu.memory_space<hbm>>
      tpu.enqueue_dma source(%arg6 : memref<640x40xf32, #tpu.memory_space<vmem>>) target(%dma_start3A_121 : memref<640x40xf32, #tpu.memory_space<hbm>>) target_semaphore(%arg10 : memref<!tpu.dma_semaphore, #tpu.memory_space<semaphore_mem>>)
      %gt3A = arith.constant 0 : i32
      %gt3A_122 = arith.cmpi sgt, %scan3A_62, %gt3A : i32
      %convert_element_type3A = arith.extui %gt3A_122 : i1 to i32
      %cond3A = arith.constant 0 : i32
      %cond3A_123 = arith.cmpi ne, %convert_element_type3A, %cond3A : i32
      scf.if %cond3A_123 {
        %dma_wait3A_258 = arith.constant 0 : i32
        %dma_wait3A_259 = tpu.memref_slice %arg4[%mul3A_2, %dma_wait3A_258] : memref<204800x40xf32, #tpu.memory_space<hbm>> -> memref<640x40xf32, #tpu.memory_space<hbm>>
        %dma_wait3A_260 = arith.constant 0 : i32
        %dma_wait3A_261 = tpu.memref_slice %arg4[%mul3A_2, %dma_wait3A_260] : memref<204800x40xf32, #tpu.memory_space<hbm>> -> memref<640x40xf32, #tpu.memory_space<hbm>>
        tpu.wait_dma2 semaphore(%arg11 : memref<!tpu.dma_semaphore, #tpu.memory_space<semaphore_mem>>) src(%arg7 : memref<640x40xf32, #tpu.memory_space<vmem>>) dst(%dma_wait3A_261 : memref<640x40xf32, #tpu.memory_space<hbm>>)
      } else {
      }
      %add3A_124 = arith.constant 1 : i32
      %add3A_125 = arith.addi %mul3A_64, %add3A_124 : i32
      %mul3A_126 = arith.constant 5 : i32
      %mul3A_127 = arith.muli %add3A_125, %mul3A_126 : i32
      %add3A_128 = arith.constant 0 : i32
      %add3A_129 = arith.addi %mul3A_127, %add3A_128 : i32
      %dma_start3A_130 = arith.constant 0 : i32
      %dma_start3A_131 = arith.constant 0 : i32
      %dma_start3A_132 = tpu.memref_slice %arg7[%dma_start3A_130, %dma_start3A_131] : memref<640x40xf32, #tpu.memory_space<vmem>> -> memref<128x40xf32, #tpu.memory_space<vmem>>
      %dma_start3A_133 = arith.constant 0 : i32
      %dma_start3A_134 = tpu.memref_slice %arg5[%add3A_129, %dma_start3A_133] : memref<50x128xi32, #tpu.memory_space<vmem>> -> memref<1x128xi32, #tpu.memory_space<vmem>>
      %dma_start3A_135 = tpu.memref_squeeze %dma_start3A_134 : memref<1x128xi32, #tpu.memory_space<vmem>> -> memref<128xi32, #tpu.memory_space<vmem>>
      %dma_start3A_136 = arith.constant 0 : i32
      %dma_start3A_137 = arith.constant 0 : i32
      %dma_start3A_138 = tpu.memref_slice %arg2[%dma_start3A_136, %dma_start3A_137] : memref<51024x40xf32, #tpu.memory_space<hbm>> -> memref<51024x40xf32, #tpu.memory_space<hbm>>
      tpu.enqueue_indirect_dma source(%dma_start3A_138 : memref<51024x40xf32, #tpu.memory_space<hbm>>) target(%dma_start3A_132 : memref<128x40xf32, #tpu.memory_space<vmem>>) offsets(%dma_start3A_135 : memref<128xi32, #tpu.memory_space<vmem>>) semaphore(%arg9 : memref<!tpu.dma_semaphore, #tpu.memory_space<semaphore_mem>>)
      %mul3A_139 = arith.constant 5 : i32
      %mul3A_140 = arith.muli %add3A_125, %mul3A_139 : i32
      %add3A_141 = arith.constant 1 : i32
      %add3A_142 = arith.addi %mul3A_140, %add3A_141 : i32
      %dma_start3A_143 = arith.constant 128 : i32
      %dma_start3A_144 = arith.constant 0 : i32
      %dma_start3A_145 = tpu.memref_slice %arg7[%dma_start3A_143, %dma_start3A_144] : memref<640x40xf32, #tpu.memory_space<vmem>> -> memref<128x40xf32, #tpu.memory_space<vmem>>
      %dma_start3A_146 = arith.constant 0 : i32
      %dma_start3A_147 = tpu.memref_slice %arg5[%add3A_142, %dma_start3A_146] : memref<50x128xi32, #tpu.memory_space<vmem>> -> memref<1x128xi32, #tpu.memory_space<vmem>>
      %dma_start3A_148 = tpu.memref_squeeze %dma_start3A_147 : memref<1x128xi32, #tpu.memory_space<vmem>> -> memref<128xi32, #tpu.memory_space<vmem>>
      %dma_start3A_149 = arith.constant 0 : i32
      %dma_start3A_150 = arith.constant 0 : i32
      %dma_start3A_151 = tpu.memref_slice %arg2[%dma_start3A_149, %dma_start3A_150] : memref<51024x40xf32, #tpu.memory_space<hbm>> -> memref<51024x40xf32, #tpu.memory_space<hbm>>
      tpu.enqueue_indirect_dma source(%dma_start3A_151 : memref<51024x40xf32, #tpu.memory_space<hbm>>) target(%dma_start3A_145 : memref<128x40xf32, #tpu.memory_space<vmem>>) offsets(%dma_start3A_148 : memref<128xi32, #tpu.memory_space<vmem>>) semaphore(%arg9 : memref<!tpu.dma_semaphore, #tpu.memory_space<semaphore_mem>>)
      %mul3A_152 = arith.constant 5 : i32
      %mul3A_153 = arith.muli %add3A_125, %mul3A_152 : i32
      %add3A_154 = arith.constant 2 : i32
      %add3A_155 = arith.addi %mul3A_153, %add3A_154 : i32
      %dma_start3A_156 = arith.constant 256 : i32
      %dma_start3A_157 = arith.constant 0 : i32
      %dma_start3A_158 = tpu.memref_slice %arg7[%dma_start3A_156, %dma_start3A_157] : memref<640x40xf32, #tpu.memory_space<vmem>> -> memref<128x40xf32, #tpu.memory_space<vmem>>
      %dma_start3A_159 = arith.constant 0 : i32
      %dma_start3A_160 = tpu.memref_slice %arg5[%add3A_155, %dma_start3A_159] : memref<50x128xi32, #tpu.memory_space<vmem>> -> memref<1x128xi32, #tpu.memory_space<vmem>>
      %dma_start3A_161 = tpu.memref_squeeze %dma_start3A_160 : memref<1x128xi32, #tpu.memory_space<vmem>> -> memref<128xi32, #tpu.memory_space<vmem>>
      %dma_start3A_162 = arith.constant 0 : i32
      %dma_start3A_163 = arith.constant 0 : i32
      %dma_start3A_164 = tpu.memref_slice %arg2[%dma_start3A_162, %dma_start3A_163] : memref<51024x40xf32, #tpu.memory_space<hbm>> -> memref<51024x40xf32, #tpu.memory_space<hbm>>
      tpu.enqueue_indirect_dma source(%dma_start3A_164 : memref<51024x40xf32, #tpu.memory_space<hbm>>) target(%dma_start3A_158 : memref<128x40xf32, #tpu.memory_space<vmem>>) offsets(%dma_start3A_161 : memref<128xi32, #tpu.memory_space<vmem>>) semaphore(%arg9 : memref<!tpu.dma_semaphore, #tpu.memory_space<semaphore_mem>>)
      %mul3A_165 = arith.constant 5 : i32
      %mul3A_166 = arith.muli %add3A_125, %mul3A_165 : i32
      %add3A_167 = arith.constant 3 : i32
      %add3A_168 = arith.addi %mul3A_166, %add3A_167 : i32
      %dma_start3A_169 = arith.constant 384 : i32
      %dma_start3A_170 = arith.constant 0 : i32
      %dma_start3A_171 = tpu.memref_slice %arg7[%dma_start3A_169, %dma_start3A_170] : memref<640x40xf32, #tpu.memory_space<vmem>> -> memref<128x40xf32, #tpu.memory_space<vmem>>
      %dma_start3A_172 = arith.constant 0 : i32
      %dma_start3A_173 = tpu.memref_slice %arg5[%add3A_168, %dma_start3A_172] : memref<50x128xi32, #tpu.memory_space<vmem>> -> memref<1x128xi32, #tpu.memory_space<vmem>>
      %dma_start3A_174 = tpu.memref_squeeze %dma_start3A_173 : memref<1x128xi32, #tpu.memory_space<vmem>> -> memref<128xi32, #tpu.memory_space<vmem>>
      %dma_start3A_175 = arith.constant 0 : i32
      %dma_start3A_176 = arith.constant 0 : i32
      %dma_start3A_177 = tpu.memref_slice %arg2[%dma_start3A_175, %dma_start3A_176] : memref<51024x40xf32, #tpu.memory_space<hbm>> -> memref<51024x40xf32, #tpu.memory_space<hbm>>
      tpu.enqueue_indirect_dma source(%dma_start3A_177 : memref<51024x40xf32, #tpu.memory_space<hbm>>) target(%dma_start3A_171 : memref<128x40xf32, #tpu.memory_space<vmem>>) offsets(%dma_start3A_174 : memref<128xi32, #tpu.memory_space<vmem>>) semaphore(%arg9 : memref<!tpu.dma_semaphore, #tpu.memory_space<semaphore_mem>>)
      %mul3A_178 = arith.constant 5 : i32
      %mul3A_179 = arith.muli %add3A_125, %mul3A_178 : i32
      %add3A_180 = arith.constant 4 : i32
      %add3A_181 = arith.addi %mul3A_179, %add3A_180 : i32
      %dma_start3A_182 = arith.constant 512 : i32
      %dma_start3A_183 = arith.constant 0 : i32
      %dma_start3A_184 = tpu.memref_slice %arg7[%dma_start3A_182, %dma_start3A_183] : memref<640x40xf32, #tpu.memory_space<vmem>> -> memref<128x40xf32, #tpu.memory_space<vmem>>
      %dma_start3A_185 = arith.constant 0 : i32
      %dma_start3A_186 = tpu.memref_slice %arg5[%add3A_181, %dma_start3A_185] : memref<50x128xi32, #tpu.memory_space<vmem>> -> memref<1x128xi32, #tpu.memory_space<vmem>>
      %dma_start3A_187 = tpu.memref_squeeze %dma_start3A_186 : memref<1x128xi32, #tpu.memory_space<vmem>> -> memref<128xi32, #tpu.memory_space<vmem>>
      %dma_start3A_188 = arith.constant 0 : i32
      %dma_start3A_189 = arith.constant 0 : i32
      %dma_start3A_190 = tpu.memref_slice %arg2[%dma_start3A_188, %dma_start3A_189] : memref<51024x40xf32, #tpu.memory_space<hbm>> -> memref<51024x40xf32, #tpu.memory_space<hbm>>
      tpu.enqueue_indirect_dma source(%dma_start3A_190 : memref<51024x40xf32, #tpu.memory_space<hbm>>) target(%dma_start3A_184 : memref<128x40xf32, #tpu.memory_space<vmem>>) offsets(%dma_start3A_187 : memref<128xi32, #tpu.memory_space<vmem>>) semaphore(%arg9 : memref<!tpu.dma_semaphore, #tpu.memory_space<semaphore_mem>>)
      %dma_wait3A_191 = arith.constant 0 : i32
      %dma_wait3A_192 = arith.constant 0 : i32
      %dma_wait3A_193 = arith.constant 0 : i32
      %dma_wait3A_194 = tpu.memref_slice %arg7[%dma_wait3A_192, %dma_wait3A_193] : memref<640x40xf32, #tpu.memory_space<vmem>> -> memref<128x40xf32, #tpu.memory_space<vmem>>
      %dma_wait3A_195 = arith.constant 0 : i32
      %dma_wait3A_196 = tpu.memref_slice %arg5[%dma_wait3A_191, %dma_wait3A_195] : memref<50x128xi32, #tpu.memory_space<vmem>> -> memref<1x128xi32, #tpu.memory_space<vmem>>
      %dma_wait3A_197 = tpu.memref_squeeze %dma_wait3A_196 : memref<1x128xi32, #tpu.memory_space<vmem>> -> memref<128xi32, #tpu.memory_space<vmem>>
      %dma_wait3A_198 = arith.constant 0 : i32
      %dma_wait3A_199 = arith.constant 0 : i32
      %dma_wait3A_200 = tpu.memref_slice %arg2[%dma_wait3A_198, %dma_wait3A_199] : memref<51024x40xf32, #tpu.memory_space<hbm>> -> memref<51024x40xf32, #tpu.memory_space<hbm>>
      tpu.wait_indirect_dma semaphore(%arg9 : memref<!tpu.dma_semaphore, #tpu.memory_space<semaphore_mem>>) src(%dma_wait3A_200 : memref<51024x40xf32, #tpu.memory_space<hbm>>) dst(%dma_wait3A_194 : memref<128x40xf32, #tpu.memory_space<vmem>>)
      %dma_wait3A_201 = arith.constant 0 : i32
      %dma_wait3A_202 = arith.constant 128 : i32
      %dma_wait3A_203 = arith.constant 0 : i32
      %dma_wait3A_204 = tpu.memref_slice %arg7[%dma_wait3A_202, %dma_wait3A_203] : memref<640x40xf32, #tpu.memory_space<vmem>> -> memref<128x40xf32, #tpu.memory_space<vmem>>
      %dma_wait3A_205 = arith.constant 0 : i32
      %dma_wait3A_206 = tpu.memref_slice %arg5[%dma_wait3A_201, %dma_wait3A_205] : memref<50x128xi32, #tpu.memory_space<vmem>> -> memref<1x128xi32, #tpu.memory_space<vmem>>
      %dma_wait3A_207 = tpu.memref_squeeze %dma_wait3A_206 : memref<1x128xi32, #tpu.memory_space<vmem>> -> memref<128xi32, #tpu.memory_space<vmem>>
      %dma_wait3A_208 = arith.constant 0 : i32
      %dma_wait3A_209 = arith.constant 0 : i32
      %dma_wait3A_210 = tpu.memref_slice %arg2[%dma_wait3A_208, %dma_wait3A_209] : memref<51024x40xf32, #tpu.memory_space<hbm>> -> memref<51024x40xf32, #tpu.memory_space<hbm>>
      tpu.wait_indirect_dma semaphore(%arg9 : memref<!tpu.dma_semaphore, #tpu.memory_space<semaphore_mem>>) src(%dma_wait3A_210 : memref<51024x40xf32, #tpu.memory_space<hbm>>) dst(%dma_wait3A_204 : memref<128x40xf32, #tpu.memory_space<vmem>>)
      %dma_wait3A_211 = arith.constant 0 : i32
      %dma_wait3A_212 = arith.constant 256 : i32
      %dma_wait3A_213 = arith.constant 0 : i32
      %dma_wait3A_214 = tpu.memref_slice %arg7[%dma_wait3A_212, %dma_wait3A_213] : memref<640x40xf32, #tpu.memory_space<vmem>> -> memref<128x40xf32, #tpu.memory_space<vmem>>
      %dma_wait3A_215 = arith.constant 0 : i32
      %dma_wait3A_216 = tpu.memref_slice %arg5[%dma_wait3A_211, %dma_wait3A_215] : memref<50x128xi32, #tpu.memory_space<vmem>> -> memref<1x128xi32, #tpu.memory_space<vmem>>
      %dma_wait3A_217 = tpu.memref_squeeze %dma_wait3A_216 : memref<1x128xi32, #tpu.memory_space<vmem>> -> memref<128xi32, #tpu.memory_space<vmem>>
      %dma_wait3A_218 = arith.constant 0 : i32
      %dma_wait3A_219 = arith.constant 0 : i32
      %dma_wait3A_220 = tpu.memref_slice %arg2[%dma_wait3A_218, %dma_wait3A_219] : memref<51024x40xf32, #tpu.memory_space<hbm>> -> memref<51024x40xf32, #tpu.memory_space<hbm>>
      tpu.wait_indirect_dma semaphore(%arg9 : memref<!tpu.dma_semaphore, #tpu.memory_space<semaphore_mem>>) src(%dma_wait3A_220 : memref<51024x40xf32, #tpu.memory_space<hbm>>) dst(%dma_wait3A_214 : memref<128x40xf32, #tpu.memory_space<vmem>>)
      %dma_wait3A_221 = arith.constant 0 : i32
      %dma_wait3A_222 = arith.constant 384 : i32
      %dma_wait3A_223 = arith.constant 0 : i32
      %dma_wait3A_224 = tpu.memref_slice %arg7[%dma_wait3A_222, %dma_wait3A_223] : memref<640x40xf32, #tpu.memory_space<vmem>> -> memref<128x40xf32, #tpu.memory_space<vmem>>
      %dma_wait3A_225 = arith.constant 0 : i32
      %dma_wait3A_226 = tpu.memref_slice %arg5[%dma_wait3A_221, %dma_wait3A_225] : memref<50x128xi32, #tpu.memory_space<vmem>> -> memref<1x128xi32, #tpu.memory_space<vmem>>
      %dma_wait3A_227 = tpu.memref_squeeze %dma_wait3A_226 : memref<1x128xi32, #tpu.memory_space<vmem>> -> memref<128xi32, #tpu.memory_space<vmem>>
      %dma_wait3A_228 = arith.constant 0 : i32
      %dma_wait3A_229 = arith.constant 0 : i32
      %dma_wait3A_230 = tpu.memref_slice %arg2[%dma_wait3A_228, %dma_wait3A_229] : memref<51024x40xf32, #tpu.memory_space<hbm>> -> memref<51024x40xf32, #tpu.memory_space<hbm>>
      tpu.wait_indirect_dma semaphore(%arg9 : memref<!tpu.dma_semaphore, #tpu.memory_space<semaphore_mem>>) src(%dma_wait3A_230 : memref<51024x40xf32, #tpu.memory_space<hbm>>) dst(%dma_wait3A_224 : memref<128x40xf32, #tpu.memory_space<vmem>>)
      %dma_wait3A_231 = arith.constant 0 : i32
      %dma_wait3A_232 = arith.constant 512 : i32
      %dma_wait3A_233 = arith.constant 0 : i32
      %dma_wait3A_234 = tpu.memref_slice %arg7[%dma_wait3A_232, %dma_wait3A_233] : memref<640x40xf32, #tpu.memory_space<vmem>> -> memref<128x40xf32, #tpu.memory_space<vmem>>
      %dma_wait3A_235 = arith.constant 0 : i32
      %dma_wait3A_236 = tpu.memref_slice %arg5[%dma_wait3A_231, %dma_wait3A_235] : memref<50x128xi32, #tpu.memory_space<vmem>> -> memref<1x128xi32, #tpu.memory_space<vmem>>
      %dma_wait3A_237 = tpu.memref_squeeze %dma_wait3A_236 : memref<1x128xi32, #tpu.memory_space<vmem>> -> memref<128xi32, #tpu.memory_space<vmem>>
      %dma_wait3A_238 = arith.constant 0 : i32
      %dma_wait3A_239 = arith.constant 0 : i32
      %dma_wait3A_240 = tpu.memref_slice %arg2[%dma_wait3A_238, %dma_wait3A_239] : memref<51024x40xf32, #tpu.memory_space<hbm>> -> memref<51024x40xf32, #tpu.memory_space<hbm>>
      tpu.wait_indirect_dma semaphore(%arg9 : memref<!tpu.dma_semaphore, #tpu.memory_space<semaphore_mem>>) src(%dma_wait3A_240 : memref<51024x40xf32, #tpu.memory_space<hbm>>) dst(%dma_wait3A_234 : memref<128x40xf32, #tpu.memory_space<vmem>>)
      %add3A_241 = arith.constant 1 : i32
      %add3A_242 = arith.addi %mul3A_64, %add3A_241 : i32
      %mul3A_243 = arith.constant 640 : i32
      %mul3A_244 = arith.muli %add3A_242, %mul3A_243 : i32
      %add3A_245 = arith.addi %mul3A_2, %mul3A_244 : i32
      %dma_start3A_246 = arith.constant 0 : i32
      %dma_start3A_247 = tpu.memref_slice %arg4[%add3A_245, %dma_start3A_246] : memref<204800x40xf32, #tpu.memory_space<hbm>> -> memref<640x40xf32, #tpu.memory_space<hbm>>
      %dma_start3A_248 = arith.constant 0 : i32
      %dma_start3A_249 = tpu.memref_slice %arg4[%add3A_245, %dma_start3A_248] : memref<204800x40xf32, #tpu.memory_space<hbm>> -> memref<640x40xf32, #tpu.memory_space<hbm>>
      tpu.enqueue_dma source(%arg7 : memref<640x40xf32, #tpu.memory_space<vmem>>) target(%dma_start3A_249 : memref<640x40xf32, #tpu.memory_space<hbm>>) target_semaphore(%arg11 : memref<!tpu.dma_semaphore, #tpu.memory_space<semaphore_mem>>)
      %dma_wait3A_250 = arith.constant 0 : i32
      %dma_wait3A_251 = tpu.memref_slice %arg4[%mul3A_2, %dma_wait3A_250] : memref<204800x40xf32, #tpu.memory_space<hbm>> -> memref<640x40xf32, #tpu.memory_space<hbm>>
      %dma_wait3A_252 = arith.constant 0 : i32
      %dma_wait3A_253 = tpu.memref_slice %arg4[%mul3A_2, %dma_wait3A_252] : memref<204800x40xf32, #tpu.memory_space<hbm>> -> memref<640x40xf32, #tpu.memory_space<hbm>>
      tpu.wait_dma2 semaphore(%arg10 : memref<!tpu.dma_semaphore, #tpu.memory_space<semaphore_mem>>) src(%arg6 : memref<640x40xf32, #tpu.memory_space<vmem>>) dst(%dma_wait3A_253 : memref<640x40xf32, #tpu.memory_space<hbm>>)
      %lt3A = arith.constant 4 : i32
      %lt3A_254 = arith.cmpi slt, %scan3A_62, %lt3A : i32
      %convert_element_type3A_255 = arith.extui %lt3A_254 : i1 to i32
      %cond3A_256 = arith.constant 0 : i32
      %cond3A_257 = arith.cmpi ne, %convert_element_type3A_255, %cond3A_256 : i32
      scf.if %cond3A_257 {
        %add3A_258 = arith.constant 2 : i32
        %add3A_259 = arith.addi %mul3A_64, %add3A_258 : i32
        %mul3A_260 = arith.constant 5 : i32
        %mul3A_261 = arith.muli %add3A_259, %mul3A_260 : i32
        %add3A_262 = arith.constant 0 : i32
        %add3A_263 = arith.addi %mul3A_261, %add3A_262 : i32
        %dma_start3A_264 = arith.constant 0 : i32
        %dma_start3A_265 = arith.constant 0 : i32
        %dma_start3A_266 = tpu.memref_slice %arg6[%dma_start3A_264, %dma_start3A_265] : memref<640x40xf32, #tpu.memory_space<vmem>> -> memref<128x40xf32, #tpu.memory_space<vmem>>
        %dma_start3A_267 = arith.constant 0 : i32
        %dma_start3A_268 = tpu.memref_slice %arg5[%add3A_263, %dma_start3A_267] : memref<50x128xi32, #tpu.memory_space<vmem>> -> memref<1x128xi32, #tpu.memory_space<vmem>>
        %dma_start3A_269 = tpu.memref_squeeze %dma_start3A_268 : memref<1x128xi32, #tpu.memory_space<vmem>> -> memref<128xi32, #tpu.memory_space<vmem>>
        %dma_start3A_270 = arith.constant 0 : i32
        %dma_start3A_271 = arith.constant 0 : i32
        %dma_start3A_272 = tpu.memref_slice %arg2[%dma_start3A_270, %dma_start3A_271] : memref<51024x40xf32, #tpu.memory_space<hbm>> -> memref<51024x40xf32, #tpu.memory_space<hbm>>
        tpu.enqueue_indirect_dma source(%dma_start3A_272 : memref<51024x40xf32, #tpu.memory_space<hbm>>) target(%dma_start3A_266 : memref<128x40xf32, #tpu.memory_space<vmem>>) offsets(%dma_start3A_269 : memref<128xi32, #tpu.memory_space<vmem>>) semaphore(%arg8 : memref<!tpu.dma_semaphore, #tpu.memory_space<semaphore_mem>>)
        %mul3A_273 = arith.constant 5 : i32
        %mul3A_274 = arith.muli %add3A_259, %mul3A_273 : i32
        %add3A_275 = arith.constant 1 : i32
        %add3A_276 = arith.addi %mul3A_274, %add3A_275 : i32
        %dma_start3A_277 = arith.constant 128 : i32
        %dma_start3A_278 = arith.constant 0 : i32
        %dma_start3A_279 = tpu.memref_slice %arg6[%dma_start3A_277, %dma_start3A_278] : memref<640x40xf32, #tpu.memory_space<vmem>> -> memref<128x40xf32, #tpu.memory_space<vmem>>
        %dma_start3A_280 = arith.constant 0 : i32
        %dma_start3A_281 = tpu.memref_slice %arg5[%add3A_276, %dma_start3A_280] : memref<50x128xi32, #tpu.memory_space<vmem>> -> memref<1x128xi32, #tpu.memory_space<vmem>>
        %dma_start3A_282 = tpu.memref_squeeze %dma_start3A_281 : memref<1x128xi32, #tpu.memory_space<vmem>> -> memref<128xi32, #tpu.memory_space<vmem>>
        %dma_start3A_283 = arith.constant 0 : i32
        %dma_start3A_284 = arith.constant 0 : i32
        %dma_start3A_285 = tpu.memref_slice %arg2[%dma_start3A_283, %dma_start3A_284] : memref<51024x40xf32, #tpu.memory_space<hbm>> -> memref<51024x40xf32, #tpu.memory_space<hbm>>
        tpu.enqueue_indirect_dma source(%dma_start3A_285 : memref<51024x40xf32, #tpu.memory_space<hbm>>) target(%dma_start3A_279 : memref<128x40xf32, #tpu.memory_space<vmem>>) offsets(%dma_start3A_282 : memref<128xi32, #tpu.memory_space<vmem>>) semaphore(%arg8 : memref<!tpu.dma_semaphore, #tpu.memory_space<semaphore_mem>>)
        %mul3A_286 = arith.constant 5 : i32
        %mul3A_287 = arith.muli %add3A_259, %mul3A_286 : i32
        %add3A_288 = arith.constant 2 : i32
        %add3A_289 = arith.addi %mul3A_287, %add3A_288 : i32
        %dma_start3A_290 = arith.constant 256 : i32
        %dma_start3A_291 = arith.constant 0 : i32
        %dma_start3A_292 = tpu.memref_slice %arg6[%dma_start3A_290, %dma_start3A_291] : memref<640x40xf32, #tpu.memory_space<vmem>> -> memref<128x40xf32, #tpu.memory_space<vmem>>
        %dma_start3A_293 = arith.constant 0 : i32
        %dma_start3A_294 = tpu.memref_slice %arg5[%add3A_289, %dma_start3A_293] : memref<50x128xi32, #tpu.memory_space<vmem>> -> memref<1x128xi32, #tpu.memory_space<vmem>>
        %dma_start3A_295 = tpu.memref_squeeze %dma_start3A_294 : memref<1x128xi32, #tpu.memory_space<vmem>> -> memref<128xi32, #tpu.memory_space<vmem>>
        %dma_start3A_296 = arith.constant 0 : i32
        %dma_start3A_297 = arith.constant 0 : i32
        %dma_start3A_298 = tpu.memref_slice %arg2[%dma_start3A_296, %dma_start3A_297] : memref<51024x40xf32, #tpu.memory_space<hbm>> -> memref<51024x40xf32, #tpu.memory_space<hbm>>
        tpu.enqueue_indirect_dma source(%dma_start3A_298 : memref<51024x40xf32, #tpu.memory_space<hbm>>) target(%dma_start3A_292 : memref<128x40xf32, #tpu.memory_space<vmem>>) offsets(%dma_start3A_295 : memref<128xi32, #tpu.memory_space<vmem>>) semaphore(%arg8 : memref<!tpu.dma_semaphore, #tpu.memory_space<semaphore_mem>>)
        %mul3A_299 = arith.constant 5 : i32
        %mul3A_300 = arith.muli %add3A_259, %mul3A_299 : i32
        %add3A_301 = arith.constant 3 : i32
        %add3A_302 = arith.addi %mul3A_300, %add3A_301 : i32
        %dma_start3A_303 = arith.constant 384 : i32
        %dma_start3A_304 = arith.constant 0 : i32
        %dma_start3A_305 = tpu.memref_slice %arg6[%dma_start3A_303, %dma_start3A_304] : memref<640x40xf32, #tpu.memory_space<vmem>> -> memref<128x40xf32, #tpu.memory_space<vmem>>
        %dma_start3A_306 = arith.constant 0 : i32
        %dma_start3A_307 = tpu.memref_slice %arg5[%add3A_302, %dma_start3A_306] : memref<50x128xi32, #tpu.memory_space<vmem>> -> memref<1x128xi32, #tpu.memory_space<vmem>>
        %dma_start3A_308 = tpu.memref_squeeze %dma_start3A_307 : memref<1x128xi32, #tpu.memory_space<vmem>> -> memref<128xi32, #tpu.memory_space<vmem>>
        %dma_start3A_309 = arith.constant 0 : i32
        %dma_start3A_310 = arith.constant 0 : i32
        %dma_start3A_311 = tpu.memref_slice %arg2[%dma_start3A_309, %dma_start3A_310] : memref<51024x40xf32, #tpu.memory_space<hbm>> -> memref<51024x40xf32, #tpu.memory_space<hbm>>
        tpu.enqueue_indirect_dma source(%dma_start3A_311 : memref<51024x40xf32, #tpu.memory_space<hbm>>) target(%dma_start3A_305 : memref<128x40xf32, #tpu.memory_space<vmem>>) offsets(%dma_start3A_308 : memref<128xi32, #tpu.memory_space<vmem>>) semaphore(%arg8 : memref<!tpu.dma_semaphore, #tpu.memory_space<semaphore_mem>>)
        %mul3A_312 = arith.constant 5 : i32
        %mul3A_313 = arith.muli %add3A_259, %mul3A_312 : i32
        %add3A_314 = arith.constant 4 : i32
        %add3A_315 = arith.addi %mul3A_313, %add3A_314 : i32
        %dma_start3A_316 = arith.constant 512 : i32
        %dma_start3A_317 = arith.constant 0 : i32
        %dma_start3A_318 = tpu.memref_slice %arg6[%dma_start3A_316, %dma_start3A_317] : memref<640x40xf32, #tpu.memory_space<vmem>> -> memref<128x40xf32, #tpu.memory_space<vmem>>
        %dma_start3A_319 = arith.constant 0 : i32
        %dma_start3A_320 = tpu.memref_slice %arg5[%add3A_315, %dma_start3A_319] : memref<50x128xi32, #tpu.memory_space<vmem>> -> memref<1x128xi32, #tpu.memory_space<vmem>>
        %dma_start3A_321 = tpu.memref_squeeze %dma_start3A_320 : memref<1x128xi32, #tpu.memory_space<vmem>> -> memref<128xi32, #tpu.memory_space<vmem>>
        %dma_start3A_322 = arith.constant 0 : i32
        %dma_start3A_323 = arith.constant 0 : i32
        %dma_start3A_324 = tpu.memref_slice %arg2[%dma_start3A_322, %dma_start3A_323] : memref<51024x40xf32, #tpu.memory_space<hbm>> -> memref<51024x40xf32, #tpu.memory_space<hbm>>
        tpu.enqueue_indirect_dma source(%dma_start3A_324 : memref<51024x40xf32, #tpu.memory_space<hbm>>) target(%dma_start3A_318 : memref<128x40xf32, #tpu.memory_space<vmem>>) offsets(%dma_start3A_321 : memref<128xi32, #tpu.memory_space<vmem>>) semaphore(%arg8 : memref<!tpu.dma_semaphore, #tpu.memory_space<semaphore_mem>>)
      } else {
      }
    }
    %scan3A_58 = arith.constant 5 : i32
    %dma_wait3A = arith.constant 0 : i32
    %dma_wait3A_59 = tpu.memref_slice %arg4[%mul3A_2, %dma_wait3A] : memref<204800x40xf32, #tpu.memory_space<hbm>> -> memref<640x40xf32, #tpu.memory_space<hbm>>
    %dma_wait3A_60 = arith.constant 0 : i32
    %dma_wait3A_61 = tpu.memref_slice %arg4[%mul3A_2, %dma_wait3A_60] : memref<204800x40xf32, #tpu.memory_space<hbm>> -> memref<640x40xf32, #tpu.memory_space<hbm>>
    tpu.wait_dma2 semaphore(%arg11 : memref<!tpu.dma_semaphore, #tpu.memory_space<semaphore_mem>>) src(%arg7 : memref<640x40xf32, #tpu.memory_space<vmem>>) dst(%dma_wait3A_61 : memref<640x40xf32, #tpu.memory_space<hbm>>)
    return
  }
}

module attributes {stable_mosaic.version = 14 : i64} {
  func.func @_tc_body(%arg0: i32, %arg1: memref<400x64xf32, #tpu.memory_space<vmem>>, %arg2: memref<16x400x40xf32, #tpu.memory_space<vmem>>, %arg3: memref<400x3xf32, #tpu.memory_space<vmem>>, %arg4: memref<64x64xf32, #tpu.memory_space<vmem>>, %arg5: memref<64x64xf32, #tpu.memory_space<vmem>>, %arg6: memref<64x64xf32, #tpu.memory_space<vmem>>, %arg7: memref<1x64xf32, #tpu.memory_space<vmem>>, %arg8: memref<1x64xf32, #tpu.memory_space<vmem>>, %arg9: memref<1x64xf32, #tpu.memory_space<vmem>>, %arg10: memref<3x64xf32, #tpu.memory_space<vmem>>, %arg11: memref<1x64xf32, #tpu.memory_space<vmem>>, %arg12: memref<64x64xf32, #tpu.memory_space<vmem>>, %arg13: memref<1x64xf32, #tpu.memory_space<vmem>>, %arg14: memref<1x64xf32, #tpu.memory_space<vmem>>, %arg15: memref<1x64xf32, #tpu.memory_space<vmem>>, %arg16: memref<64x128xf32, #tpu.memory_space<vmem>>, %arg17: memref<1x128xf32, #tpu.memory_space<vmem>>, %arg18: memref<128x64xf32, #tpu.memory_space<vmem>>, %arg19: memref<1x64xf32, #tpu.memory_space<vmem>>, %arg20: memref<1x64xf32, #tpu.memory_space<vmem>>, %arg21: memref<1x64xf32, #tpu.memory_space<vmem>>, %arg22: memref<64x64xf32, #tpu.memory_space<vmem>>, %arg23: memref<1x64xf32, #tpu.memory_space<vmem>>, %arg24: memref<1x64xf32, #tpu.memory_space<vmem>>, %arg25: memref<1x64xf32, #tpu.memory_space<vmem>>, %arg26: memref<64x4xf32, #tpu.memory_space<vmem>>, %arg27: memref<4x64xf32, #tpu.memory_space<vmem>>, %arg28: memref<400x64xf32, #tpu.memory_space<vmem>>) attributes {dimension_semantics = [#tpu.dimension_semantics<arbitrary>], iteration_bounds = array<i64: 29>, scalar_prefetch = 0 : i64, scratch_operands = 0 : i64, tpu.core_type = #tpu.core_type<tc>, window_params = [{transform_indices = @transform_0, window_bounds = array<i64: 400, 64>}, {transform_indices = @transform_1, window_bounds = array<i64: 16, 400, 40>}, {transform_indices = @transform_2, window_bounds = array<i64: 400, 3>}, {pipeline_mode = #tpu.pipeline_mode<synchronous>, transform_indices = @transform_3, window_bounds = array<i64: 64, 64>}, {pipeline_mode = #tpu.pipeline_mode<synchronous>, transform_indices = @transform_4, window_bounds = array<i64: 64, 64>}, {pipeline_mode = #tpu.pipeline_mode<synchronous>, transform_indices = @transform_5, window_bounds = array<i64: 64, 64>}, {pipeline_mode = #tpu.pipeline_mode<synchronous>, transform_indices = @transform_6, window_bounds = array<i64: 1, 64>}, {pipeline_mode = #tpu.pipeline_mode<synchronous>, transform_indices = @transform_7, window_bounds = array<i64: 1, 64>}, {pipeline_mode = #tpu.pipeline_mode<synchronous>, transform_indices = @transform_8, window_bounds = array<i64: 1, 64>}, {pipeline_mode = #tpu.pipeline_mode<synchronous>, transform_indices = @transform_9, window_bounds = array<i64: 3, 64>}, {pipeline_mode = #tpu.pipeline_mode<synchronous>, transform_indices = @transform_10, window_bounds = array<i64: 1, 64>}, {pipeline_mode = #tpu.pipeline_mode<synchronous>, transform_indices = @transform_11, window_bounds = array<i64: 64, 64>}, {pipeline_mode = #tpu.pipeline_mode<synchronous>, transform_indices = @transform_12, window_bounds = array<i64: 1, 64>}, {pipeline_mode = #tpu.pipeline_mode<synchronous>, transform_indices = @transform_13, window_bounds = array<i64: 1, 64>}, {pipeline_mode = #tpu.pipeline_mode<synchronous>, transform_indices = @transform_14, window_bounds = array<i64: 1, 64>}, {pipeline_mode = #tpu.pipeline_mode<synchronous>, transform_indices = @transform_15, window_bounds = array<i64: 64, 128>}, {pipeline_mode = #tpu.pipeline_mode<synchronous>, transform_indices = @transform_16, window_bounds = array<i64: 1, 128>}, {pipeline_mode = #tpu.pipeline_mode<synchronous>, transform_indices = @transform_17, window_bounds = array<i64: 128, 64>}, {pipeline_mode = #tpu.pipeline_mode<synchronous>, transform_indices = @transform_18, window_bounds = array<i64: 1, 64>}, {pipeline_mode = #tpu.pipeline_mode<synchronous>, transform_indices = @transform_19, window_bounds = array<i64: 1, 64>}, {pipeline_mode = #tpu.pipeline_mode<synchronous>, transform_indices = @transform_20, window_bounds = array<i64: 1, 64>}, {pipeline_mode = #tpu.pipeline_mode<synchronous>, transform_indices = @transform_21, window_bounds = array<i64: 64, 64>}, {pipeline_mode = #tpu.pipeline_mode<synchronous>, transform_indices = @transform_22, window_bounds = array<i64: 1, 64>}, {pipeline_mode = #tpu.pipeline_mode<synchronous>, transform_indices = @transform_23, window_bounds = array<i64: 1, 64>}, {pipeline_mode = #tpu.pipeline_mode<synchronous>, transform_indices = @transform_24, window_bounds = array<i64: 1, 64>}, {pipeline_mode = #tpu.pipeline_mode<synchronous>, transform_indices = @transform_25, window_bounds = array<i64: 64, 4>}, {pipeline_mode = #tpu.pipeline_mode<synchronous>, transform_indices = @transform_26, window_bounds = array<i64: 4, 64>}, {transform_indices = @transform_27, window_bounds = array<i64: 400, 64>}]} {
    %get3A = arith.constant 0 : index
    %get3A_0 = arith.constant 0 : index
    %get3A_1 = vector.load %arg1[%get3A, %get3A_0] : memref<400x64xf32, #tpu.memory_space<vmem>>, vector<400x64xf32>
    %get3A_2 = arith.constant 0 : index
    %get3A_3 = arith.constant 0 : index
    %get3A_4 = vector.load %arg3[%get3A_2, %get3A_3] : memref<400x3xf32, #tpu.memory_space<vmem>>, vector<400x3xf32>
    %get3A_5 = arith.constant 0 : index
    %get3A_6 = arith.constant 0 : index
    %get3A_7 = arith.constant 0 : index
    %get3A_8 = vector.load %arg2[%get3A_5, %get3A_6, %get3A_7] : memref<16x400x40xf32, #tpu.memory_space<vmem>>, vector<16x400x40xf32>
    %reshape3A = vector.shape_cast %get3A_8 : vector<16x400x40xf32> to vector<6400x40xf32>
    %slice3A = vector.extract_strided_slice %reshape3A {offsets = [0, 0], sizes = [6400, 32], strides = [1, 1]} : vector<6400x40xf32> to vector<6400x32xf32>
    %bitcast_convert_type3A = tpu.bitcast %slice3A : vector<6400x32xf32> -> vector<6400x32xi32>
    %and3A = arith.constant 65535 : i32
    %and3A_9 = vector.broadcast %and3A : i32 to vector<6400x32xi32>
    %and3A_10 = arith.andi %bitcast_convert_type3A, %and3A_9 : vector<6400x32xi32>
    %shift_left3A = arith.constant 16 : i32
    %shift_left3A_11 = vector.broadcast %shift_left3A : i32 to vector<6400x32xi32>
    %shift_left3A_12 = arith.shli %and3A_10, %shift_left3A_11 : vector<6400x32xi32>
    %bitcast_convert_type3A_13 = tpu.bitcast %shift_left3A_12 : vector<6400x32xi32> -> vector<6400x32xf32>
    %and3A_14 = arith.constant -65536 : i32
    %and3A_15 = vector.broadcast %and3A_14 : i32 to vector<6400x32xi32>
    %and3A_16 = arith.andi %bitcast_convert_type3A, %and3A_15 : vector<6400x32xi32>
    %bitcast_convert_type3A_17 = tpu.bitcast %and3A_16 : vector<6400x32xi32> -> vector<6400x32xf32>
    %concatenate3A = tpu.concatenate %bitcast_convert_type3A_13, %bitcast_convert_type3A_17 in 1 : vector<6400x32xf32>, vector<6400x32xf32> -> vector<6400x64xf32>
    %slice3A_18 = vector.extract_strided_slice %reshape3A {offsets = [0, 32], sizes = [6400, 3], strides = [1, 1]} : vector<6400x40xf32> to vector<6400x3xf32>
    %slice3A_19 = vector.extract_strided_slice %reshape3A {offsets = [0, 35], sizes = [6400, 1], strides = [1, 1]} : vector<6400x40xf32> to vector<6400x1xf32>
    %concatenate3A_20 = tpu.concatenate %get3A_4, %get3A_4, %get3A_4, %get3A_4, %get3A_4, %get3A_4, %get3A_4, %get3A_4, %get3A_4, %get3A_4, %get3A_4, %get3A_4, %get3A_4, %get3A_4, %get3A_4, %get3A_4 in 0 : vector<400x3xf32>, vector<400x3xf32>, vector<400x3xf32>, vector<400x3xf32>, vector<400x3xf32>, vector<400x3xf32>, vector<400x3xf32>, vector<400x3xf32>, vector<400x3xf32>, vector<400x3xf32>, vector<400x3xf32>, vector<400x3xf32>, vector<400x3xf32>, vector<400x3xf32>, vector<400x3xf32>, vector<400x3xf32> -> vector<6400x3xf32>
    %sub3A = arith.subf %slice3A_18, %concatenate3A_20 : vector<6400x3xf32>
    %get3A_21 = arith.constant 0 : index
    %get3A_22 = arith.constant 0 : index
    %get3A_23 = vector.load %arg10[%get3A_21, %get3A_22] : memref<3x64xf32, #tpu.memory_space<vmem>>, vector<3x64xf32>
    %dot_general3A = arith.constant dense<0.000000e+00> : vector<6400x64xf32>
    %dot_general3A_24 = tpu.matmul %sub3A, %get3A_23, %dot_general3A {dimension_numbers = #tpu.dot_dimension_numbers<[1], [0], [0], [1], [0, 0, 1, 1], [], []>, transpose_lhs_hint = false} : vector<6400x3xf32>, vector<3x64xf32>, vector<6400x64xf32> -> vector<6400x64xf32>
    %get3A_25 = arith.constant 0 : index
    %get3A_26 = arith.constant 0 : index
    %get3A_27 = vector.load %arg11[%get3A_25, %get3A_26] : memref<1x64xf32, #tpu.memory_space<vmem>>, vector<1x64xf32>
    %add3A = vector.broadcast %get3A_27 : vector<1x64xf32> to vector<6400x64xf32>
    %add3A_28 = arith.addf %dot_general3A_24, %add3A : vector<6400x64xf32>
    %max3A = arith.constant 0.000000e+00 : f32
    %max3A_29 = vector.broadcast %max3A : f32 to vector<6400x64xf32>
    %max3A_30 = arith.maximumf %add3A_28, %max3A_29 : vector<6400x64xf32>
    %add3A_31 = arith.addf %concatenate3A, %max3A_30 : vector<6400x64xf32>
    %get3A_32 = arith.constant 0 : index
    %get3A_33 = arith.constant 0 : index
    %get3A_34 = vector.load %arg5[%get3A_32, %get3A_33] : memref<64x64xf32, #tpu.memory_space<vmem>>, vector<64x64xf32>
    %dot_general3A_35 = arith.constant dense<0.000000e+00> : vector<6400x64xf32>
    %dot_general3A_36 = tpu.matmul %add3A_31, %get3A_34, %dot_general3A_35 {dimension_numbers = #tpu.dot_dimension_numbers<[1], [0], [0], [1], [0, 0, 1, 1], [], []>, transpose_lhs_hint = false} : vector<6400x64xf32>, vector<64x64xf32>, vector<6400x64xf32> -> vector<6400x64xf32>
    %get3A_37 = arith.constant 0 : index
    %get3A_38 = arith.constant 0 : index
    %get3A_39 = vector.load %arg8[%get3A_37, %get3A_38] : memref<1x64xf32, #tpu.memory_space<vmem>>, vector<1x64xf32>
    %add3A_40 = vector.broadcast %get3A_39 : vector<1x64xf32> to vector<6400x64xf32>
    %add3A_41 = arith.addf %dot_general3A_36, %add3A_40 : vector<6400x64xf32>
    %get3A_42 = arith.constant 0 : index
    %get3A_43 = arith.constant 0 : index
    %get3A_44 = vector.load %arg6[%get3A_42, %get3A_43] : memref<64x64xf32, #tpu.memory_space<vmem>>, vector<64x64xf32>
    %dot_general3A_45 = arith.constant dense<0.000000e+00> : vector<6400x64xf32>
    %dot_general3A_46 = tpu.matmul %add3A_31, %get3A_44, %dot_general3A_45 {dimension_numbers = #tpu.dot_dimension_numbers<[1], [0], [0], [1], [0, 0, 1, 1], [], []>, transpose_lhs_hint = false} : vector<6400x64xf32>, vector<64x64xf32>, vector<6400x64xf32> -> vector<6400x64xf32>
    %get3A_47 = arith.constant 0 : index
    %get3A_48 = arith.constant 0 : index
    %get3A_49 = vector.load %arg9[%get3A_47, %get3A_48] : memref<1x64xf32, #tpu.memory_space<vmem>>, vector<1x64xf32>
    %add3A_50 = vector.broadcast %get3A_49 : vector<1x64xf32> to vector<6400x64xf32>
    %add3A_51 = arith.addf %dot_general3A_46, %add3A_50 : vector<6400x64xf32>
    %get3A_52 = arith.constant 0 : index
    %get3A_53 = arith.constant 0 : index
    %get3A_54 = vector.load %arg4[%get3A_52, %get3A_53] : memref<64x64xf32, #tpu.memory_space<vmem>>, vector<64x64xf32>
    %dot_general3A_55 = arith.constant dense<0.000000e+00> : vector<400x64xf32>
    %dot_general3A_56 = tpu.matmul %get3A_1, %get3A_54, %dot_general3A_55 {dimension_numbers = #tpu.dot_dimension_numbers<[1], [0], [0], [1], [0, 0, 1, 1], [], []>, transpose_lhs_hint = false} : vector<400x64xf32>, vector<64x64xf32>, vector<400x64xf32> -> vector<400x64xf32>
    %get3A_57 = arith.constant 0 : index
    %get3A_58 = arith.constant 0 : index
    %get3A_59 = vector.load %arg7[%get3A_57, %get3A_58] : memref<1x64xf32, #tpu.memory_space<vmem>>, vector<1x64xf32>
    %add3A_60 = vector.broadcast %get3A_59 : vector<1x64xf32> to vector<400x64xf32>
    %add3A_61 = arith.addf %dot_general3A_56, %add3A_60 : vector<400x64xf32>
    %mul3A = arith.constant 2.500000e-01 : f32
    %mul3A_62 = vector.broadcast %mul3A : f32 to vector<400x64xf32>
    %mul3A_63 = arith.mulf %add3A_61, %mul3A_62 : vector<400x64xf32>
    %concatenate3A_64 = tpu.concatenate %mul3A_63, %mul3A_63, %mul3A_63, %mul3A_63, %mul3A_63, %mul3A_63, %mul3A_63, %mul3A_63, %mul3A_63, %mul3A_63, %mul3A_63, %mul3A_63, %mul3A_63, %mul3A_63, %mul3A_63, %mul3A_63 in 0 : vector<400x64xf32>, vector<400x64xf32>, vector<400x64xf32>, vector<400x64xf32>, vector<400x64xf32>, vector<400x64xf32>, vector<400x64xf32>, vector<400x64xf32>, vector<400x64xf32>, vector<400x64xf32>, vector<400x64xf32>, vector<400x64xf32>, vector<400x64xf32>, vector<400x64xf32>, vector<400x64xf32>, vector<400x64xf32> -> vector<6400x64xf32>
    %mul3A_65 = arith.mulf %concatenate3A_64, %add3A_41 : vector<6400x64xf32>
    %get3A_66 = arith.constant 0 : index
    %get3A_67 = arith.constant 0 : index
    %get3A_68 = vector.load %arg26[%get3A_66, %get3A_67] : memref<64x4xf32, #tpu.memory_space<vmem>>, vector<64x4xf32>
    %dot_general3A_69 = arith.constant dense<0.000000e+00> : vector<6400x4xf32>
    %dot_general3A_70 = tpu.matmul %mul3A_65, %get3A_68, %dot_general3A_69 {dimension_numbers = #tpu.dot_dimension_numbers<[1], [0], [0], [1], [0, 0, 1, 1], [], []>, transpose_lhs_hint = false} : vector<6400x64xf32>, vector<64x4xf32>, vector<6400x4xf32> -> vector<6400x4xf32>
    %gt3A = arith.constant 0.000000e+00 : f32
    %gt3A_71 = vector.broadcast %gt3A : f32 to vector<6400x1xf32>
    %gt3A_72 = arith.cmpf ogt, %slice3A_19, %gt3A_71 : vector<6400x1xf32>
    %jit3A = arith.constant -1.000000e+09 : f32
    %broadcast_in_dim3A = vector.shape_cast %gt3A_72 : vector<6400x1xi1> to vector<6400x1xi1>
    %broadcast_in_dim3A_73 = vector.broadcast %broadcast_in_dim3A : vector<6400x1xi1> to vector<6400x4xi1>
    %broadcast_in_dim3A_74 = vector.broadcast %jit3A : f32 to vector<6400x4xf32>
    %select_n3A = arith.select %broadcast_in_dim3A_73, %broadcast_in_dim3A_74, %dot_general3A_70 : vector<6400x4xi1>, vector<6400x4xf32>
    %slice3A_75 = vector.extract_strided_slice %select_n3A {offsets = [0, 0], sizes = [400, 4], strides = [1, 1]} : vector<6400x4xf32> to vector<400x4xf32>
    %slice3A_76 = vector.extract_strided_slice %select_n3A {offsets = [400, 0], sizes = [400, 4], strides = [1, 1]} : vector<6400x4xf32> to vector<400x4xf32>
    %slice3A_77 = vector.extract_strided_slice %select_n3A {offsets = [800, 0], sizes = [400, 4], strides = [1, 1]} : vector<6400x4xf32> to vector<400x4xf32>
    %slice3A_78 = vector.extract_strided_slice %select_n3A {offsets = [1200, 0], sizes = [400, 4], strides = [1, 1]} : vector<6400x4xf32> to vector<400x4xf32>
    %slice3A_79 = vector.extract_strided_slice %select_n3A {offsets = [1600, 0], sizes = [400, 4], strides = [1, 1]} : vector<6400x4xf32> to vector<400x4xf32>
    %slice3A_80 = vector.extract_strided_slice %select_n3A {offsets = [2000, 0], sizes = [400, 4], strides = [1, 1]} : vector<6400x4xf32> to vector<400x4xf32>
    %slice3A_81 = vector.extract_strided_slice %select_n3A {offsets = [2400, 0], sizes = [400, 4], strides = [1, 1]} : vector<6400x4xf32> to vector<400x4xf32>
    %slice3A_82 = vector.extract_strided_slice %select_n3A {offsets = [2800, 0], sizes = [400, 4], strides = [1, 1]} : vector<6400x4xf32> to vector<400x4xf32>
    %slice3A_83 = vector.extract_strided_slice %select_n3A {offsets = [3200, 0], sizes = [400, 4], strides = [1, 1]} : vector<6400x4xf32> to vector<400x4xf32>
    %slice3A_84 = vector.extract_strided_slice %select_n3A {offsets = [3600, 0], sizes = [400, 4], strides = [1, 1]} : vector<6400x4xf32> to vector<400x4xf32>
    %slice3A_85 = vector.extract_strided_slice %select_n3A {offsets = [4000, 0], sizes = [400, 4], strides = [1, 1]} : vector<6400x4xf32> to vector<400x4xf32>
    %slice3A_86 = vector.extract_strided_slice %select_n3A {offsets = [4400, 0], sizes = [400, 4], strides = [1, 1]} : vector<6400x4xf32> to vector<400x4xf32>
    %slice3A_87 = vector.extract_strided_slice %select_n3A {offsets = [4800, 0], sizes = [400, 4], strides = [1, 1]} : vector<6400x4xf32> to vector<400x4xf32>
    %slice3A_88 = vector.extract_strided_slice %select_n3A {offsets = [5200, 0], sizes = [400, 4], strides = [1, 1]} : vector<6400x4xf32> to vector<400x4xf32>
    %slice3A_89 = vector.extract_strided_slice %select_n3A {offsets = [5600, 0], sizes = [400, 4], strides = [1, 1]} : vector<6400x4xf32> to vector<400x4xf32>
    %slice3A_90 = vector.extract_strided_slice %select_n3A {offsets = [6000, 0], sizes = [400, 4], strides = [1, 1]} : vector<6400x4xf32> to vector<400x4xf32>
    %max3A_91 = arith.maximumf %slice3A_75, %slice3A_76 : vector<400x4xf32>
    %max3A_92 = arith.maximumf %max3A_91, %slice3A_77 : vector<400x4xf32>
    %max3A_93 = arith.maximumf %max3A_92, %slice3A_78 : vector<400x4xf32>
    %max3A_94 = arith.maximumf %max3A_93, %slice3A_79 : vector<400x4xf32>
    %max3A_95 = arith.maximumf %max3A_94, %slice3A_80 : vector<400x4xf32>
    %max3A_96 = arith.maximumf %max3A_95, %slice3A_81 : vector<400x4xf32>
    %max3A_97 = arith.maximumf %max3A_96, %slice3A_82 : vector<400x4xf32>
    %max3A_98 = arith.maximumf %max3A_97, %slice3A_83 : vector<400x4xf32>
    %max3A_99 = arith.maximumf %max3A_98, %slice3A_84 : vector<400x4xf32>
    %max3A_100 = arith.maximumf %max3A_99, %slice3A_85 : vector<400x4xf32>
    %max3A_101 = arith.maximumf %max3A_100, %slice3A_86 : vector<400x4xf32>
    %max3A_102 = arith.maximumf %max3A_101, %slice3A_87 : vector<400x4xf32>
    %max3A_103 = arith.maximumf %max3A_102, %slice3A_88 : vector<400x4xf32>
    %max3A_104 = arith.maximumf %max3A_103, %slice3A_89 : vector<400x4xf32>
    %max3A_105 = arith.maximumf %max3A_104, %slice3A_90 : vector<400x4xf32>
    %sub3A_106 = arith.subf %slice3A_75, %max3A_105 : vector<400x4xf32>
    %exp3A = math.exp %sub3A_106 : vector<400x4xf32>
    %sub3A_107 = arith.subf %slice3A_76, %max3A_105 : vector<400x4xf32>
    %exp3A_108 = math.exp %sub3A_107 : vector<400x4xf32>
    %sub3A_109 = arith.subf %slice3A_77, %max3A_105 : vector<400x4xf32>
    %exp3A_110 = math.exp %sub3A_109 : vector<400x4xf32>
    %sub3A_111 = arith.subf %slice3A_78, %max3A_105 : vector<400x4xf32>
    %exp3A_112 = math.exp %sub3A_111 : vector<400x4xf32>
    %sub3A_113 = arith.subf %slice3A_79, %max3A_105 : vector<400x4xf32>
    %exp3A_114 = math.exp %sub3A_113 : vector<400x4xf32>
    %sub3A_115 = arith.subf %slice3A_80, %max3A_105 : vector<400x4xf32>
    %exp3A_116 = math.exp %sub3A_115 : vector<400x4xf32>
    %sub3A_117 = arith.subf %slice3A_81, %max3A_105 : vector<400x4xf32>
    %exp3A_118 = math.exp %sub3A_117 : vector<400x4xf32>
    %sub3A_119 = arith.subf %slice3A_82, %max3A_105 : vector<400x4xf32>
    %exp3A_120 = math.exp %sub3A_119 : vector<400x4xf32>
    %sub3A_121 = arith.subf %slice3A_83, %max3A_105 : vector<400x4xf32>
    %exp3A_122 = math.exp %sub3A_121 : vector<400x4xf32>
    %sub3A_123 = arith.subf %slice3A_84, %max3A_105 : vector<400x4xf32>
    %exp3A_124 = math.exp %sub3A_123 : vector<400x4xf32>
    %sub3A_125 = arith.subf %slice3A_85, %max3A_105 : vector<400x4xf32>
    %exp3A_126 = math.exp %sub3A_125 : vector<400x4xf32>
    %sub3A_127 = arith.subf %slice3A_86, %max3A_105 : vector<400x4xf32>
    %exp3A_128 = math.exp %sub3A_127 : vector<400x4xf32>
    %sub3A_129 = arith.subf %slice3A_87, %max3A_105 : vector<400x4xf32>
    %exp3A_130 = math.exp %sub3A_129 : vector<400x4xf32>
    %sub3A_131 = arith.subf %slice3A_88, %max3A_105 : vector<400x4xf32>
    %exp3A_132 = math.exp %sub3A_131 : vector<400x4xf32>
    %sub3A_133 = arith.subf %slice3A_89, %max3A_105 : vector<400x4xf32>
    %exp3A_134 = math.exp %sub3A_133 : vector<400x4xf32>
    %sub3A_135 = arith.subf %slice3A_90, %max3A_105 : vector<400x4xf32>
    %exp3A_136 = math.exp %sub3A_135 : vector<400x4xf32>
    %add3A_137 = arith.addf %exp3A, %exp3A_108 : vector<400x4xf32>
    %add3A_138 = arith.addf %add3A_137, %exp3A_110 : vector<400x4xf32>
    %add3A_139 = arith.addf %add3A_138, %exp3A_112 : vector<400x4xf32>
    %add3A_140 = arith.addf %add3A_139, %exp3A_114 : vector<400x4xf32>
    %add3A_141 = arith.addf %add3A_140, %exp3A_116 : vector<400x4xf32>
    %add3A_142 = arith.addf %add3A_141, %exp3A_118 : vector<400x4xf32>
    %add3A_143 = arith.addf %add3A_142, %exp3A_120 : vector<400x4xf32>
    %add3A_144 = arith.addf %add3A_143, %exp3A_122 : vector<400x4xf32>
    %add3A_145 = arith.addf %add3A_144, %exp3A_124 : vector<400x4xf32>
    %add3A_146 = arith.addf %add3A_145, %exp3A_126 : vector<400x4xf32>
    %add3A_147 = arith.addf %add3A_146, %exp3A_128 : vector<400x4xf32>
    %add3A_148 = arith.addf %add3A_147, %exp3A_130 : vector<400x4xf32>
    %add3A_149 = arith.addf %add3A_148, %exp3A_132 : vector<400x4xf32>
    %add3A_150 = arith.addf %add3A_149, %exp3A_134 : vector<400x4xf32>
    %add3A_151 = arith.addf %add3A_150, %exp3A_136 : vector<400x4xf32>
    %div3A = arith.constant 1.000000e+00 : f32
    %div3A_152 = vector.broadcast %div3A : f32 to vector<400x4xf32>
    %div3A_153 = arith.divf %div3A_152, %add3A_151 : vector<400x4xf32>
    %mul3A_154 = arith.mulf %exp3A, %div3A_153 : vector<400x4xf32>
    %mul3A_155 = arith.mulf %exp3A_108, %div3A_153 : vector<400x4xf32>
    %mul3A_156 = arith.mulf %exp3A_110, %div3A_153 : vector<400x4xf32>
    %mul3A_157 = arith.mulf %exp3A_112, %div3A_153 : vector<400x4xf32>
    %mul3A_158 = arith.mulf %exp3A_114, %div3A_153 : vector<400x4xf32>
    %mul3A_159 = arith.mulf %exp3A_116, %div3A_153 : vector<400x4xf32>
    %mul3A_160 = arith.mulf %exp3A_118, %div3A_153 : vector<400x4xf32>
    %mul3A_161 = arith.mulf %exp3A_120, %div3A_153 : vector<400x4xf32>
    %mul3A_162 = arith.mulf %exp3A_122, %div3A_153 : vector<400x4xf32>
    %mul3A_163 = arith.mulf %exp3A_124, %div3A_153 : vector<400x4xf32>
    %mul3A_164 = arith.mulf %exp3A_126, %div3A_153 : vector<400x4xf32>
    %mul3A_165 = arith.mulf %exp3A_128, %div3A_153 : vector<400x4xf32>
    %mul3A_166 = arith.mulf %exp3A_130, %div3A_153 : vector<400x4xf32>
    %mul3A_167 = arith.mulf %exp3A_132, %div3A_153 : vector<400x4xf32>
    %mul3A_168 = arith.mulf %exp3A_134, %div3A_153 : vector<400x4xf32>
    %mul3A_169 = arith.mulf %exp3A_136, %div3A_153 : vector<400x4xf32>
    %concatenate3A_170 = tpu.concatenate %mul3A_154, %mul3A_155, %mul3A_156, %mul3A_157, %mul3A_158, %mul3A_159, %mul3A_160, %mul3A_161, %mul3A_162, %mul3A_163, %mul3A_164, %mul3A_165, %mul3A_166, %mul3A_167, %mul3A_168, %mul3A_169 in 0 : vector<400x4xf32>, vector<400x4xf32>, vector<400x4xf32>, vector<400x4xf32>, vector<400x4xf32>, vector<400x4xf32>, vector<400x4xf32>, vector<400x4xf32>, vector<400x4xf32>, vector<400x4xf32>, vector<400x4xf32>, vector<400x4xf32>, vector<400x4xf32>, vector<400x4xf32>, vector<400x4xf32>, vector<400x4xf32> -> vector<6400x4xf32>
    %get3A_171 = arith.constant 0 : index
    %get3A_172 = arith.constant 0 : index
    %get3A_173 = vector.load %arg27[%get3A_171, %get3A_172] : memref<4x64xf32, #tpu.memory_space<vmem>>, vector<4x64xf32>
    %dot_general3A_174 = arith.constant dense<0.000000e+00> : vector<6400x64xf32>
    %dot_general3A_175 = tpu.matmul %concatenate3A_170, %get3A_173, %dot_general3A_174 {dimension_numbers = #tpu.dot_dimension_numbers<[1], [0], [0], [1], [0, 0, 1, 1], [], []>, transpose_lhs_hint = false} : vector<6400x4xf32>, vector<4x64xf32>, vector<6400x64xf32> -> vector<6400x64xf32>
    %mul3A_176 = arith.mulf %dot_general3A_175, %add3A_51 : vector<6400x64xf32>
    %slice3A_177 = vector.extract_strided_slice %mul3A_176 {offsets = [0, 0], sizes = [400, 64], strides = [1, 1]} : vector<6400x64xf32> to vector<400x64xf32>
    %slice3A_178 = vector.extract_strided_slice %mul3A_176 {offsets = [400, 0], sizes = [400, 64], strides = [1, 1]} : vector<6400x64xf32> to vector<400x64xf32>
    %add3A_179 = arith.addf %slice3A_177, %slice3A_178 : vector<400x64xf32>
    %slice3A_180 = vector.extract_strided_slice %mul3A_176 {offsets = [800, 0], sizes = [400, 64], strides = [1, 1]} : vector<6400x64xf32> to vector<400x64xf32>
    %add3A_181 = arith.addf %add3A_179, %slice3A_180 : vector<400x64xf32>
    %slice3A_182 = vector.extract_strided_slice %mul3A_176 {offsets = [1200, 0], sizes = [400, 64], strides = [1, 1]} : vector<6400x64xf32> to vector<400x64xf32>
    %add3A_183 = arith.addf %add3A_181, %slice3A_182 : vector<400x64xf32>
    %slice3A_184 = vector.extract_strided_slice %mul3A_176 {offsets = [1600, 0], sizes = [400, 64], strides = [1, 1]} : vector<6400x64xf32> to vector<400x64xf32>
    %add3A_185 = arith.addf %add3A_183, %slice3A_184 : vector<400x64xf32>
    %slice3A_186 = vector.extract_strided_slice %mul3A_176 {offsets = [2000, 0], sizes = [400, 64], strides = [1, 1]} : vector<6400x64xf32> to vector<400x64xf32>
    %add3A_187 = arith.addf %add3A_185, %slice3A_186 : vector<400x64xf32>
    %slice3A_188 = vector.extract_strided_slice %mul3A_176 {offsets = [2400, 0], sizes = [400, 64], strides = [1, 1]} : vector<6400x64xf32> to vector<400x64xf32>
    %add3A_189 = arith.addf %add3A_187, %slice3A_188 : vector<400x64xf32>
    %slice3A_190 = vector.extract_strided_slice %mul3A_176 {offsets = [2800, 0], sizes = [400, 64], strides = [1, 1]} : vector<6400x64xf32> to vector<400x64xf32>
    %add3A_191 = arith.addf %add3A_189, %slice3A_190 : vector<400x64xf32>
    %slice3A_192 = vector.extract_strided_slice %mul3A_176 {offsets = [3200, 0], sizes = [400, 64], strides = [1, 1]} : vector<6400x64xf32> to vector<400x64xf32>
    %add3A_193 = arith.addf %add3A_191, %slice3A_192 : vector<400x64xf32>
    %slice3A_194 = vector.extract_strided_slice %mul3A_176 {offsets = [3600, 0], sizes = [400, 64], strides = [1, 1]} : vector<6400x64xf32> to vector<400x64xf32>
    %add3A_195 = arith.addf %add3A_193, %slice3A_194 : vector<400x64xf32>
    %slice3A_196 = vector.extract_strided_slice %mul3A_176 {offsets = [4000, 0], sizes = [400, 64], strides = [1, 1]} : vector<6400x64xf32> to vector<400x64xf32>
    %add3A_197 = arith.addf %add3A_195, %slice3A_196 : vector<400x64xf32>
    %slice3A_198 = vector.extract_strided_slice %mul3A_176 {offsets = [4400, 0], sizes = [400, 64], strides = [1, 1]} : vector<6400x64xf32> to vector<400x64xf32>
    %add3A_199 = arith.addf %add3A_197, %slice3A_198 : vector<400x64xf32>
    %slice3A_200 = vector.extract_strided_slice %mul3A_176 {offsets = [4800, 0], sizes = [400, 64], strides = [1, 1]} : vector<6400x64xf32> to vector<400x64xf32>
    %add3A_201 = arith.addf %add3A_199, %slice3A_200 : vector<400x64xf32>
    %slice3A_202 = vector.extract_strided_slice %mul3A_176 {offsets = [5200, 0], sizes = [400, 64], strides = [1, 1]} : vector<6400x64xf32> to vector<400x64xf32>
    %add3A_203 = arith.addf %add3A_201, %slice3A_202 : vector<400x64xf32>
    %slice3A_204 = vector.extract_strided_slice %mul3A_176 {offsets = [5600, 0], sizes = [400, 64], strides = [1, 1]} : vector<6400x64xf32> to vector<400x64xf32>
    %add3A_205 = arith.addf %add3A_203, %slice3A_204 : vector<400x64xf32>
    %slice3A_206 = vector.extract_strided_slice %mul3A_176 {offsets = [6000, 0], sizes = [400, 64], strides = [1, 1]} : vector<6400x64xf32> to vector<400x64xf32>
    %add3A_207 = arith.addf %add3A_205, %slice3A_206 : vector<400x64xf32>
    %get3A_208 = arith.constant 0 : index
    %get3A_209 = arith.constant 0 : index
    %get3A_210 = vector.load %arg12[%get3A_208, %get3A_209] : memref<64x64xf32, #tpu.memory_space<vmem>>, vector<64x64xf32>
    %dot_general3A_211 = arith.constant dense<0.000000e+00> : vector<400x64xf32>
    %dot_general3A_212 = tpu.matmul %add3A_207, %get3A_210, %dot_general3A_211 {dimension_numbers = #tpu.dot_dimension_numbers<[1], [0], [0], [1], [0, 0, 1, 1], [], []>, transpose_lhs_hint = false} : vector<400x64xf32>, vector<64x64xf32>, vector<400x64xf32> -> vector<400x64xf32>
    %get3A_213 = arith.constant 0 : index
    %get3A_214 = arith.constant 0 : index
    %get3A_215 = vector.load %arg13[%get3A_213, %get3A_214] : memref<1x64xf32, #tpu.memory_space<vmem>>, vector<1x64xf32>
    %add3A_216 = vector.broadcast %get3A_215 : vector<1x64xf32> to vector<400x64xf32>
    %add3A_217 = arith.addf %dot_general3A_212, %add3A_216 : vector<400x64xf32>
    %add3A_218 = arith.addf %get3A_1, %add3A_217 : vector<400x64xf32>
    %get3A_219 = arith.constant 0 : index
    %get3A_220 = arith.constant 0 : index
    %get3A_221 = vector.load %arg14[%get3A_219, %get3A_220] : memref<1x64xf32, #tpu.memory_space<vmem>>, vector<1x64xf32>
    %get3A_222 = arith.constant 0 : index
    %get3A_223 = arith.constant 0 : index
    %get3A_224 = vector.load %arg15[%get3A_222, %get3A_223] : memref<1x64xf32, #tpu.memory_space<vmem>>, vector<1x64xf32>
    %reduce_sum3A = arith.constant dense<0.000000e+00> : vector<400xf32>
    %reduce_sum3A_225 = vector.multi_reduction <add>, %add3A_218, %reduce_sum3A [1] : vector<400x64xf32> to vector<400xf32>
    %broadcast_in_dim3A_226 = vector.shape_cast %reduce_sum3A_225 : vector<400xf32> to vector<400x1xf32>
    %div3A_227 = arith.constant 6.400000e+01 : f32
    %div3A_228 = vector.broadcast %div3A_227 : f32 to vector<400x1xf32>
    %div3A_229 = arith.divf %broadcast_in_dim3A_226, %div3A_228 : vector<400x1xf32>
    %sub3A_230 = vector.broadcast %div3A_229 : vector<400x1xf32> to vector<400x64xf32>
    %sub3A_231 = arith.subf %add3A_218, %sub3A_230 : vector<400x64xf32>
    %mul3A_232 = arith.mulf %sub3A_231, %sub3A_231 : vector<400x64xf32>
    %reduce_sum3A_233 = arith.constant dense<0.000000e+00> : vector<400xf32>
    %reduce_sum3A_234 = vector.multi_reduction <add>, %mul3A_232, %reduce_sum3A_233 [1] : vector<400x64xf32> to vector<400xf32>
    %broadcast_in_dim3A_235 = vector.shape_cast %reduce_sum3A_234 : vector<400xf32> to vector<400x1xf32>
    %div3A_236 = arith.constant 6.400000e+01 : f32
    %div3A_237 = vector.broadcast %div3A_236 : f32 to vector<400x1xf32>
    %div3A_238 = arith.divf %broadcast_in_dim3A_235, %div3A_237 : vector<400x1xf32>
    %add3A_239 = arith.constant 9.99999974E-6 : f32
    %add3A_240 = vector.broadcast %add3A_239 : f32 to vector<400x1xf32>
    %add3A_241 = arith.addf %div3A_238, %add3A_240 : vector<400x1xf32>
    %rsqrt3A = math.rsqrt %add3A_241 : vector<400x1xf32>
    %mul3A_242 = vector.broadcast %rsqrt3A : vector<400x1xf32> to vector<400x64xf32>
    %mul3A_243 = arith.mulf %sub3A_231, %mul3A_242 : vector<400x64xf32>
    %mul3A_244 = vector.broadcast %get3A_221 : vector<1x64xf32> to vector<400x64xf32>
    %mul3A_245 = arith.mulf %mul3A_243, %mul3A_244 : vector<400x64xf32>
    %add3A_246 = vector.broadcast %get3A_224 : vector<1x64xf32> to vector<400x64xf32>
    %add3A_247 = arith.addf %mul3A_245, %add3A_246 : vector<400x64xf32>
    %get3A_248 = arith.constant 0 : index
    %get3A_249 = arith.constant 0 : index
    %get3A_250 = vector.load %arg16[%get3A_248, %get3A_249] : memref<64x128xf32, #tpu.memory_space<vmem>>, vector<64x128xf32>
    %dot_general3A_251 = arith.constant dense<0.000000e+00> : vector<400x128xf32>
    %dot_general3A_252 = tpu.matmul %add3A_247, %get3A_250, %dot_general3A_251 {dimension_numbers = #tpu.dot_dimension_numbers<[1], [0], [0], [1], [0, 0, 1, 1], [], []>, transpose_lhs_hint = false} : vector<400x64xf32>, vector<64x128xf32>, vector<400x128xf32> -> vector<400x128xf32>
    %get3A_253 = arith.constant 0 : index
    %get3A_254 = arith.constant 0 : index
    %get3A_255 = vector.load %arg17[%get3A_253, %get3A_254] : memref<1x128xf32, #tpu.memory_space<vmem>>, vector<1x128xf32>
    %add3A_256 = vector.broadcast %get3A_255 : vector<1x128xf32> to vector<400x128xf32>
    %add3A_257 = arith.addf %dot_general3A_252, %add3A_256 : vector<400x128xf32>
    %max3A_258 = arith.constant 0.000000e+00 : f32
    %max3A_259 = vector.broadcast %max3A_258 : f32 to vector<400x128xf32>
    %max3A_260 = arith.maximumf %add3A_257, %max3A_259 : vector<400x128xf32>
    %get3A_261 = arith.constant 0 : index
    %get3A_262 = arith.constant 0 : index
    %get3A_263 = vector.load %arg18[%get3A_261, %get3A_262] : memref<128x64xf32, #tpu.memory_space<vmem>>, vector<128x64xf32>
    %dot_general3A_264 = arith.constant dense<0.000000e+00> : vector<400x64xf32>
    %dot_general3A_265 = tpu.matmul %max3A_260, %get3A_263, %dot_general3A_264 {dimension_numbers = #tpu.dot_dimension_numbers<[1], [0], [0], [1], [0, 0, 1, 1], [], []>, transpose_lhs_hint = false} : vector<400x128xf32>, vector<128x64xf32>, vector<400x64xf32> -> vector<400x64xf32>
    %get3A_266 = arith.constant 0 : index
    %get3A_267 = arith.constant 0 : index
    %get3A_268 = vector.load %arg19[%get3A_266, %get3A_267] : memref<1x64xf32, #tpu.memory_space<vmem>>, vector<1x64xf32>
    %add3A_269 = vector.broadcast %get3A_268 : vector<1x64xf32> to vector<400x64xf32>
    %add3A_270 = arith.addf %dot_general3A_265, %add3A_269 : vector<400x64xf32>
    %add3A_271 = arith.addf %add3A_247, %add3A_270 : vector<400x64xf32>
    %get3A_272 = arith.constant 0 : index
    %get3A_273 = arith.constant 0 : index
    %get3A_274 = vector.load %arg20[%get3A_272, %get3A_273] : memref<1x64xf32, #tpu.memory_space<vmem>>, vector<1x64xf32>
    %get3A_275 = arith.constant 0 : index
    %get3A_276 = arith.constant 0 : index
    %get3A_277 = vector.load %arg21[%get3A_275, %get3A_276] : memref<1x64xf32, #tpu.memory_space<vmem>>, vector<1x64xf32>
    %reduce_sum3A_278 = arith.constant dense<0.000000e+00> : vector<400xf32>
    %reduce_sum3A_279 = vector.multi_reduction <add>, %add3A_271, %reduce_sum3A_278 [1] : vector<400x64xf32> to vector<400xf32>
    %broadcast_in_dim3A_280 = vector.shape_cast %reduce_sum3A_279 : vector<400xf32> to vector<400x1xf32>
    %div3A_281 = arith.constant 6.400000e+01 : f32
    %div3A_282 = vector.broadcast %div3A_281 : f32 to vector<400x1xf32>
    %div3A_283 = arith.divf %broadcast_in_dim3A_280, %div3A_282 : vector<400x1xf32>
    %sub3A_284 = vector.broadcast %div3A_283 : vector<400x1xf32> to vector<400x64xf32>
    %sub3A_285 = arith.subf %add3A_271, %sub3A_284 : vector<400x64xf32>
    %mul3A_286 = arith.mulf %sub3A_285, %sub3A_285 : vector<400x64xf32>
    %reduce_sum3A_287 = arith.constant dense<0.000000e+00> : vector<400xf32>
    %reduce_sum3A_288 = vector.multi_reduction <add>, %mul3A_286, %reduce_sum3A_287 [1] : vector<400x64xf32> to vector<400xf32>
    %broadcast_in_dim3A_289 = vector.shape_cast %reduce_sum3A_288 : vector<400xf32> to vector<400x1xf32>
    %div3A_290 = arith.constant 6.400000e+01 : f32
    %div3A_291 = vector.broadcast %div3A_290 : f32 to vector<400x1xf32>
    %div3A_292 = arith.divf %broadcast_in_dim3A_289, %div3A_291 : vector<400x1xf32>
    %add3A_293 = arith.constant 9.99999974E-6 : f32
    %add3A_294 = vector.broadcast %add3A_293 : f32 to vector<400x1xf32>
    %add3A_295 = arith.addf %div3A_292, %add3A_294 : vector<400x1xf32>
    %rsqrt3A_296 = math.rsqrt %add3A_295 : vector<400x1xf32>
    %mul3A_297 = vector.broadcast %rsqrt3A_296 : vector<400x1xf32> to vector<400x64xf32>
    %mul3A_298 = arith.mulf %sub3A_285, %mul3A_297 : vector<400x64xf32>
    %mul3A_299 = vector.broadcast %get3A_274 : vector<1x64xf32> to vector<400x64xf32>
    %mul3A_300 = arith.mulf %mul3A_298, %mul3A_299 : vector<400x64xf32>
    %add3A_301 = vector.broadcast %get3A_277 : vector<1x64xf32> to vector<400x64xf32>
    %add3A_302 = arith.addf %mul3A_300, %add3A_301 : vector<400x64xf32>
    %get3A_303 = arith.constant 0 : index
    %get3A_304 = arith.constant 0 : index
    %get3A_305 = vector.load %arg22[%get3A_303, %get3A_304] : memref<64x64xf32, #tpu.memory_space<vmem>>, vector<64x64xf32>
    %dot_general3A_306 = arith.constant dense<0.000000e+00> : vector<400x64xf32>
    %dot_general3A_307 = tpu.matmul %add3A_302, %get3A_305, %dot_general3A_306 {dimension_numbers = #tpu.dot_dimension_numbers<[1], [0], [0], [1], [0, 0, 1, 1], [], []>, transpose_lhs_hint = false} : vector<400x64xf32>, vector<64x64xf32>, vector<400x64xf32> -> vector<400x64xf32>
    %get3A_308 = arith.constant 0 : index
    %get3A_309 = arith.constant 0 : index
    %get3A_310 = vector.load %arg23[%get3A_308, %get3A_309] : memref<1x64xf32, #tpu.memory_space<vmem>>, vector<1x64xf32>
    %add3A_311 = vector.broadcast %get3A_310 : vector<1x64xf32> to vector<400x64xf32>
    %add3A_312 = arith.addf %dot_general3A_307, %add3A_311 : vector<400x64xf32>
    %get3A_313 = arith.constant 0 : index
    %get3A_314 = arith.constant 0 : index
    %get3A_315 = vector.load %arg24[%get3A_313, %get3A_314] : memref<1x64xf32, #tpu.memory_space<vmem>>, vector<1x64xf32>
    %get3A_316 = arith.constant 0 : index
    %get3A_317 = arith.constant 0 : index
    %get3A_318 = vector.load %arg25[%get3A_316, %get3A_317] : memref<1x64xf32, #tpu.memory_space<vmem>>, vector<1x64xf32>
    %reduce_sum3A_319 = arith.constant dense<0.000000e+00> : vector<400xf32>
    %reduce_sum3A_320 = vector.multi_reduction <add>, %add3A_312, %reduce_sum3A_319 [1] : vector<400x64xf32> to vector<400xf32>
    %broadcast_in_dim3A_321 = vector.shape_cast %reduce_sum3A_320 : vector<400xf32> to vector<400x1xf32>
    %div3A_322 = arith.constant 6.400000e+01 : f32
    %div3A_323 = vector.broadcast %div3A_322 : f32 to vector<400x1xf32>
    %div3A_324 = arith.divf %broadcast_in_dim3A_321, %div3A_323 : vector<400x1xf32>
    %sub3A_325 = vector.broadcast %div3A_324 : vector<400x1xf32> to vector<400x64xf32>
    %sub3A_326 = arith.subf %add3A_312, %sub3A_325 : vector<400x64xf32>
    %mul3A_327 = arith.mulf %sub3A_326, %sub3A_326 : vector<400x64xf32>
    %reduce_sum3A_328 = arith.constant dense<0.000000e+00> : vector<400xf32>
    %reduce_sum3A_329 = vector.multi_reduction <add>, %mul3A_327, %reduce_sum3A_328 [1] : vector<400x64xf32> to vector<400xf32>
    %broadcast_in_dim3A_330 = vector.shape_cast %reduce_sum3A_329 : vector<400xf32> to vector<400x1xf32>
    %div3A_331 = arith.constant 6.400000e+01 : f32
    %div3A_332 = vector.broadcast %div3A_331 : f32 to vector<400x1xf32>
    %div3A_333 = arith.divf %broadcast_in_dim3A_330, %div3A_332 : vector<400x1xf32>
    %add3A_334 = arith.constant 9.99999974E-6 : f32
    %add3A_335 = vector.broadcast %add3A_334 : f32 to vector<400x1xf32>
    %add3A_336 = arith.addf %div3A_333, %add3A_335 : vector<400x1xf32>
    %rsqrt3A_337 = math.rsqrt %add3A_336 : vector<400x1xf32>
    %mul3A_338 = vector.broadcast %rsqrt3A_337 : vector<400x1xf32> to vector<400x64xf32>
    %mul3A_339 = arith.mulf %sub3A_326, %mul3A_338 : vector<400x64xf32>
    %mul3A_340 = vector.broadcast %get3A_315 : vector<1x64xf32> to vector<400x64xf32>
    %mul3A_341 = arith.mulf %mul3A_339, %mul3A_340 : vector<400x64xf32>
    %add3A_342 = vector.broadcast %get3A_318 : vector<1x64xf32> to vector<400x64xf32>
    %add3A_343 = arith.addf %mul3A_341, %add3A_342 : vector<400x64xf32>
    %max3A_344 = arith.constant 0.000000e+00 : f32
    %max3A_345 = vector.broadcast %max3A_344 : f32 to vector<400x64xf32>
    %max3A_346 = arith.maximumf %add3A_343, %max3A_345 : vector<400x64xf32>
    %swap3A = arith.constant 0 : index
    %swap3A_347 = arith.constant 0 : index
    %swap3A_348 = vector.load %arg28[%swap3A, %swap3A_347] : memref<400x64xf32, #tpu.memory_space<vmem>>, vector<400x64xf32>
    tpu.vector_store %arg28[%swap3A, %swap3A_347], %max3A_346 {strides = array<i32>} : memref<400x64xf32, #tpu.memory_space<vmem>>, vector<400x64xf32>,
    return
  }
  func.func @transform_0(%arg0: i32) -> (i32, i32) {
    %add3A = arith.constant 96 : i32
    %add3A_0 = arith.addi %arg0, %add3A : i32
    %c0_i32 = arith.constant 0 : i32
    %c0_i32_1 = arith.constant 0 : i32
    return %add3A_0, %c0_i32 : i32, i32
  }
  func.func @transform_1(%arg0: i32) -> (i32, i32, i32) {
    %c0_i32 = arith.constant 0 : i32
    %c0_i32_0 = arith.constant 0 : i32
    %c0_i32_1 = arith.constant 0 : i32
    return %c0_i32, %arg0, %c0_i32_0 : i32, i32, i32
  }
  func.func @transform_2(%arg0: i32) -> (i32, i32) {
    %add3A = arith.constant 96 : i32
    %add3A_0 = arith.addi %arg0, %add3A : i32
    %c0_i32 = arith.constant 0 : i32
    %c0_i32_1 = arith.constant 0 : i32
    return %add3A_0, %c0_i32 : i32, i32
  }
  func.func @transform_3(%arg0: i32) -> (i32, i32) {
    %c0_i32 = arith.constant 0 : i32
    %c0_i32_0 = arith.constant 0 : i32
    %c0_i32_1 = arith.constant 0 : i32
    return %c0_i32, %c0_i32_0 : i32, i32
  }
  func.func @transform_4(%arg0: i32) -> (i32, i32) {
    %c0_i32 = arith.constant 0 : i32
    %c0_i32_0 = arith.constant 0 : i32
    %c0_i32_1 = arith.constant 0 : i32
    return %c0_i32, %c0_i32_0 : i32, i32
  }
  func.func @transform_5(%arg0: i32) -> (i32, i32) {
    %c0_i32 = arith.constant 0 : i32
    %c0_i32_0 = arith.constant 0 : i32
    %c0_i32_1 = arith.constant 0 : i32
    return %c0_i32, %c0_i32_0 : i32, i32
  }
  func.func @transform_6(%arg0: i32) -> (i32, i32) {
    %c0_i32 = arith.constant 0 : i32
    %c0_i32_0 = arith.constant 0 : i32
    %c0_i32_1 = arith.constant 0 : i32
    return %c0_i32, %c0_i32_0 : i32, i32
  }
  func.func @transform_7(%arg0: i32) -> (i32, i32) {
    %c0_i32 = arith.constant 0 : i32
    %c0_i32_0 = arith.constant 0 : i32
    %c0_i32_1 = arith.constant 0 : i32
    return %c0_i32, %c0_i32_0 : i32, i32
  }
  func.func @transform_8(%arg0: i32) -> (i32, i32) {
    %c0_i32 = arith.constant 0 : i32
    %c0_i32_0 = arith.constant 0 : i32
    %c0_i32_1 = arith.constant 0 : i32
    return %c0_i32, %c0_i32_0 : i32, i32
  }
  func.func @transform_9(%arg0: i32) -> (i32, i32) {
    %c0_i32 = arith.constant 0 : i32
    %c0_i32_0 = arith.constant 0 : i32
    %c0_i32_1 = arith.constant 0 : i32
    return %c0_i32, %c0_i32_0 : i32, i32
  }
  func.func @transform_10(%arg0: i32) -> (i32, i32) {
    %c0_i32 = arith.constant 0 : i32
    %c0_i32_0 = arith.constant 0 : i32
    %c0_i32_1 = arith.constant 0 : i32
    return %c0_i32, %c0_i32_0 : i32, i32
  }
  func.func @transform_11(%arg0: i32) -> (i32, i32) {
    %c0_i32 = arith.constant 0 : i32
    %c0_i32_0 = arith.constant 0 : i32
    %c0_i32_1 = arith.constant 0 : i32
    return %c0_i32, %c0_i32_0 : i32, i32
  }
  func.func @transform_12(%arg0: i32) -> (i32, i32) {
    %c0_i32 = arith.constant 0 : i32
    %c0_i32_0 = arith.constant 0 : i32
    %c0_i32_1 = arith.constant 0 : i32
    return %c0_i32, %c0_i32_0 : i32, i32
  }
  func.func @transform_13(%arg0: i32) -> (i32, i32) {
    %c0_i32 = arith.constant 0 : i32
    %c0_i32_0 = arith.constant 0 : i32
    %c0_i32_1 = arith.constant 0 : i32
    return %c0_i32, %c0_i32_0 : i32, i32
  }
  func.func @transform_14(%arg0: i32) -> (i32, i32) {
    %c0_i32 = arith.constant 0 : i32
    %c0_i32_0 = arith.constant 0 : i32
    %c0_i32_1 = arith.constant 0 : i32
    return %c0_i32, %c0_i32_0 : i32, i32
  }
  func.func @transform_15(%arg0: i32) -> (i32, i32) {
    %c0_i32 = arith.constant 0 : i32
    %c0_i32_0 = arith.constant 0 : i32
    %c0_i32_1 = arith.constant 0 : i32
    return %c0_i32, %c0_i32_0 : i32, i32
  }
  func.func @transform_16(%arg0: i32) -> (i32, i32) {
    %c0_i32 = arith.constant 0 : i32
    %c0_i32_0 = arith.constant 0 : i32
    %c0_i32_1 = arith.constant 0 : i32
    return %c0_i32, %c0_i32_0 : i32, i32
  }
  func.func @transform_17(%arg0: i32) -> (i32, i32) {
    %c0_i32 = arith.constant 0 : i32
    %c0_i32_0 = arith.constant 0 : i32
    %c0_i32_1 = arith.constant 0 : i32
    return %c0_i32, %c0_i32_0 : i32, i32
  }
  func.func @transform_18(%arg0: i32) -> (i32, i32) {
    %c0_i32 = arith.constant 0 : i32
    %c0_i32_0 = arith.constant 0 : i32
    %c0_i32_1 = arith.constant 0 : i32
    return %c0_i32, %c0_i32_0 : i32, i32
  }
  func.func @transform_19(%arg0: i32) -> (i32, i32) {
    %c0_i32 = arith.constant 0 : i32
    %c0_i32_0 = arith.constant 0 : i32
    %c0_i32_1 = arith.constant 0 : i32
    return %c0_i32, %c0_i32_0 : i32, i32
  }
  func.func @transform_20(%arg0: i32) -> (i32, i32) {
    %c0_i32 = arith.constant 0 : i32
    %c0_i32_0 = arith.constant 0 : i32
    %c0_i32_1 = arith.constant 0 : i32
    return %c0_i32, %c0_i32_0 : i32, i32
  }
  func.func @transform_21(%arg0: i32) -> (i32, i32) {
    %c0_i32 = arith.constant 0 : i32
    %c0_i32_0 = arith.constant 0 : i32
    %c0_i32_1 = arith.constant 0 : i32
    return %c0_i32, %c0_i32_0 : i32, i32
  }
  func.func @transform_22(%arg0: i32) -> (i32, i32) {
    %c0_i32 = arith.constant 0 : i32
    %c0_i32_0 = arith.constant 0 : i32
    %c0_i32_1 = arith.constant 0 : i32
    return %c0_i32, %c0_i32_0 : i32, i32
  }
  func.func @transform_23(%arg0: i32) -> (i32, i32) {
    %c0_i32 = arith.constant 0 : i32
    %c0_i32_0 = arith.constant 0 : i32
    %c0_i32_1 = arith.constant 0 : i32
    return %c0_i32, %c0_i32_0 : i32, i32
  }
  func.func @transform_24(%arg0: i32) -> (i32, i32) {
    %c0_i32 = arith.constant 0 : i32
    %c0_i32_0 = arith.constant 0 : i32
    %c0_i32_1 = arith.constant 0 : i32
    return %c0_i32, %c0_i32_0 : i32, i32
  }
  func.func @transform_25(%arg0: i32) -> (i32, i32) {
    %c0_i32 = arith.constant 0 : i32
    %c0_i32_0 = arith.constant 0 : i32
    %c0_i32_1 = arith.constant 0 : i32
    return %c0_i32, %c0_i32_0 : i32, i32
  }
  func.func @transform_26(%arg0: i32) -> (i32, i32) {
    %c0_i32 = arith.constant 0 : i32
    %c0_i32_0 = arith.constant 0 : i32
    %c0_i32_1 = arith.constant 0 : i32
    return %c0_i32, %c0_i32_0 : i32, i32
  }
  func.func @transform_27(%arg0: i32) -> (i32, i32) {
    %c0_i32 = arith.constant 0 : i32
    %c0_i32_0 = arith.constant 0 : i32
    return %arg0, %c0_i32 : i32, i32
  }
}

module attributes {stable_mosaic.version = 14 : i64} {
  func.func @_tc_body(%arg0: i32, %arg1: memref<400x64xf32, #tpu.memory_space<vmem>>, %arg2: memref<16x400x40xf32, #tpu.memory_space<vmem>>, %arg3: memref<400x3xf32, #tpu.memory_space<vmem>>, %arg4: memref<64x64xf32, #tpu.memory_space<vmem>>, %arg5: memref<64x64xf32, #tpu.memory_space<vmem>>, %arg6: memref<64x64xf32, #tpu.memory_space<vmem>>, %arg7: memref<1x64xf32, #tpu.memory_space<vmem>>, %arg8: memref<1x64xf32, #tpu.memory_space<vmem>>, %arg9: memref<1x64xf32, #tpu.memory_space<vmem>>, %arg10: memref<3x64xf32, #tpu.memory_space<vmem>>, %arg11: memref<1x64xf32, #tpu.memory_space<vmem>>, %arg12: memref<64x64xf32, #tpu.memory_space<vmem>>, %arg13: memref<1x64xf32, #tpu.memory_space<vmem>>, %arg14: memref<1x64xf32, #tpu.memory_space<vmem>>, %arg15: memref<1x64xf32, #tpu.memory_space<vmem>>, %arg16: memref<64x128xf32, #tpu.memory_space<vmem>>, %arg17: memref<1x128xf32, #tpu.memory_space<vmem>>, %arg18: memref<128x64xf32, #tpu.memory_space<vmem>>, %arg19: memref<1x64xf32, #tpu.memory_space<vmem>>, %arg20: memref<1x64xf32, #tpu.memory_space<vmem>>, %arg21: memref<1x64xf32, #tpu.memory_space<vmem>>, %arg22: memref<64x64xf32, #tpu.memory_space<vmem>>, %arg23: memref<1x64xf32, #tpu.memory_space<vmem>>, %arg24: memref<1x64xf32, #tpu.memory_space<vmem>>, %arg25: memref<1x64xf32, #tpu.memory_space<vmem>>, %arg26: memref<64x4xf32, #tpu.memory_space<vmem>>, %arg27: memref<4x64xf32, #tpu.memory_space<vmem>>, %arg28: memref<400x64xf32, #tpu.memory_space<vmem>>) attributes {dimension_semantics = [#tpu.dimension_semantics<arbitrary>], iteration_bounds = array<i64: 32>, scalar_prefetch = 0 : i64, scratch_operands = 0 : i64, tpu.core_type = #tpu.core_type<tc>, window_params = [{transform_indices = @transform_0, window_bounds = array<i64: 400, 64>}, {transform_indices = @transform_1, window_bounds = array<i64: 16, 400, 40>}, {transform_indices = @transform_2, window_bounds = array<i64: 400, 3>}, {pipeline_mode = #tpu.pipeline_mode<synchronous>, transform_indices = @transform_3, window_bounds = array<i64: 64, 64>}, {pipeline_mode = #tpu.pipeline_mode<synchronous>, transform_indices = @transform_4, window_bounds = array<i64: 64, 64>}, {pipeline_mode = #tpu.pipeline_mode<synchronous>, transform_indices = @transform_5, window_bounds = array<i64: 64, 64>}, {pipeline_mode = #tpu.pipeline_mode<synchronous>, transform_indices = @transform_6, window_bounds = array<i64: 1, 64>}, {pipeline_mode = #tpu.pipeline_mode<synchronous>, transform_indices = @transform_7, window_bounds = array<i64: 1, 64>}, {pipeline_mode = #tpu.pipeline_mode<synchronous>, transform_indices = @transform_8, window_bounds = array<i64: 1, 64>}, {pipeline_mode = #tpu.pipeline_mode<synchronous>, transform_indices = @transform_9, window_bounds = array<i64: 3, 64>}, {pipeline_mode = #tpu.pipeline_mode<synchronous>, transform_indices = @transform_10, window_bounds = array<i64: 1, 64>}, {pipeline_mode = #tpu.pipeline_mode<synchronous>, transform_indices = @transform_11, window_bounds = array<i64: 64, 64>}, {pipeline_mode = #tpu.pipeline_mode<synchronous>, transform_indices = @transform_12, window_bounds = array<i64: 1, 64>}, {pipeline_mode = #tpu.pipeline_mode<synchronous>, transform_indices = @transform_13, window_bounds = array<i64: 1, 64>}, {pipeline_mode = #tpu.pipeline_mode<synchronous>, transform_indices = @transform_14, window_bounds = array<i64: 1, 64>}, {pipeline_mode = #tpu.pipeline_mode<synchronous>, transform_indices = @transform_15, window_bounds = array<i64: 64, 128>}, {pipeline_mode = #tpu.pipeline_mode<synchronous>, transform_indices = @transform_16, window_bounds = array<i64: 1, 128>}, {pipeline_mode = #tpu.pipeline_mode<synchronous>, transform_indices = @transform_17, window_bounds = array<i64: 128, 64>}, {pipeline_mode = #tpu.pipeline_mode<synchronous>, transform_indices = @transform_18, window_bounds = array<i64: 1, 64>}, {pipeline_mode = #tpu.pipeline_mode<synchronous>, transform_indices = @transform_19, window_bounds = array<i64: 1, 64>}, {pipeline_mode = #tpu.pipeline_mode<synchronous>, transform_indices = @transform_20, window_bounds = array<i64: 1, 64>}, {pipeline_mode = #tpu.pipeline_mode<synchronous>, transform_indices = @transform_21, window_bounds = array<i64: 64, 64>}, {pipeline_mode = #tpu.pipeline_mode<synchronous>, transform_indices = @transform_22, window_bounds = array<i64: 1, 64>}, {pipeline_mode = #tpu.pipeline_mode<synchronous>, transform_indices = @transform_23, window_bounds = array<i64: 1, 64>}, {pipeline_mode = #tpu.pipeline_mode<synchronous>, transform_indices = @transform_24, window_bounds = array<i64: 1, 64>}, {pipeline_mode = #tpu.pipeline_mode<synchronous>, transform_indices = @transform_25, window_bounds = array<i64: 64, 4>}, {pipeline_mode = #tpu.pipeline_mode<synchronous>, transform_indices = @transform_26, window_bounds = array<i64: 4, 64>}, {transform_indices = @transform_27, window_bounds = array<i64: 400, 64>}]} {
    %get3A = arith.constant 0 : index
    %get3A_0 = arith.constant 0 : index
    %get3A_1 = vector.load %arg1[%get3A, %get3A_0] : memref<400x64xf32, #tpu.memory_space<vmem>>, vector<400x64xf32>
    %get3A_2 = arith.constant 0 : index
    %get3A_3 = arith.constant 0 : index
    %get3A_4 = vector.load %arg3[%get3A_2, %get3A_3] : memref<400x3xf32, #tpu.memory_space<vmem>>, vector<400x3xf32>
    %get3A_5 = arith.constant 0 : index
    %get3A_6 = arith.constant 0 : index
    %get3A_7 = arith.constant 0 : index
    %get3A_8 = vector.load %arg2[%get3A_5, %get3A_6, %get3A_7] : memref<16x400x40xf32, #tpu.memory_space<vmem>>, vector<16x400x40xf32>
    %reshape3A = vector.shape_cast %get3A_8 : vector<16x400x40xf32> to vector<6400x40xf32>
    %slice3A = vector.extract_strided_slice %reshape3A {offsets = [0, 0], sizes = [6400, 32], strides = [1, 1]} : vector<6400x40xf32> to vector<6400x32xf32>
    %bitcast_convert_type3A = tpu.bitcast %slice3A : vector<6400x32xf32> -> vector<6400x32xi32>
    %and3A = arith.constant 65535 : i32
    %and3A_9 = vector.broadcast %and3A : i32 to vector<6400x32xi32>
    %and3A_10 = arith.andi %bitcast_convert_type3A, %and3A_9 : vector<6400x32xi32>
    %shift_left3A = arith.constant 16 : i32
    %shift_left3A_11 = vector.broadcast %shift_left3A : i32 to vector<6400x32xi32>
    %shift_left3A_12 = arith.shli %and3A_10, %shift_left3A_11 : vector<6400x32xi32>
    %bitcast_convert_type3A_13 = tpu.bitcast %shift_left3A_12 : vector<6400x32xi32> -> vector<6400x32xf32>
    %and3A_14 = arith.constant -65536 : i32
    %and3A_15 = vector.broadcast %and3A_14 : i32 to vector<6400x32xi32>
    %and3A_16 = arith.andi %bitcast_convert_type3A, %and3A_15 : vector<6400x32xi32>
    %bitcast_convert_type3A_17 = tpu.bitcast %and3A_16 : vector<6400x32xi32> -> vector<6400x32xf32>
    %concatenate3A = tpu.concatenate %bitcast_convert_type3A_13, %bitcast_convert_type3A_17 in 1 : vector<6400x32xf32>, vector<6400x32xf32> -> vector<6400x64xf32>
    %slice3A_18 = vector.extract_strided_slice %reshape3A {offsets = [0, 32], sizes = [6400, 3], strides = [1, 1]} : vector<6400x40xf32> to vector<6400x3xf32>
    %slice3A_19 = vector.extract_strided_slice %reshape3A {offsets = [0, 35], sizes = [6400, 1], strides = [1, 1]} : vector<6400x40xf32> to vector<6400x1xf32>
    %concatenate3A_20 = tpu.concatenate %get3A_4, %get3A_4, %get3A_4, %get3A_4, %get3A_4, %get3A_4, %get3A_4, %get3A_4, %get3A_4, %get3A_4, %get3A_4, %get3A_4, %get3A_4, %get3A_4, %get3A_4, %get3A_4 in 0 : vector<400x3xf32>, vector<400x3xf32>, vector<400x3xf32>, vector<400x3xf32>, vector<400x3xf32>, vector<400x3xf32>, vector<400x3xf32>, vector<400x3xf32>, vector<400x3xf32>, vector<400x3xf32>, vector<400x3xf32>, vector<400x3xf32>, vector<400x3xf32>, vector<400x3xf32>, vector<400x3xf32>, vector<400x3xf32> -> vector<6400x3xf32>
    %sub3A = arith.subf %slice3A_18, %concatenate3A_20 : vector<6400x3xf32>
    %get3A_21 = arith.constant 0 : index
    %get3A_22 = arith.constant 0 : index
    %get3A_23 = vector.load %arg10[%get3A_21, %get3A_22] : memref<3x64xf32, #tpu.memory_space<vmem>>, vector<3x64xf32>
    %dot_general3A = arith.constant dense<0.000000e+00> : vector<6400x64xf32>
    %dot_general3A_24 = tpu.matmul %sub3A, %get3A_23, %dot_general3A {dimension_numbers = #tpu.dot_dimension_numbers<[1], [0], [0], [1], [0, 0, 1, 1], [], []>, transpose_lhs_hint = false} : vector<6400x3xf32>, vector<3x64xf32>, vector<6400x64xf32> -> vector<6400x64xf32>
    %get3A_25 = arith.constant 0 : index
    %get3A_26 = arith.constant 0 : index
    %get3A_27 = vector.load %arg11[%get3A_25, %get3A_26] : memref<1x64xf32, #tpu.memory_space<vmem>>, vector<1x64xf32>
    %add3A = vector.broadcast %get3A_27 : vector<1x64xf32> to vector<6400x64xf32>
    %add3A_28 = arith.addf %dot_general3A_24, %add3A : vector<6400x64xf32>
    %max3A = arith.constant 0.000000e+00 : f32
    %max3A_29 = vector.broadcast %max3A : f32 to vector<6400x64xf32>
    %max3A_30 = arith.maximumf %add3A_28, %max3A_29 : vector<6400x64xf32>
    %add3A_31 = arith.addf %concatenate3A, %max3A_30 : vector<6400x64xf32>
    %get3A_32 = arith.constant 0 : index
    %get3A_33 = arith.constant 0 : index
    %get3A_34 = vector.load %arg5[%get3A_32, %get3A_33] : memref<64x64xf32, #tpu.memory_space<vmem>>, vector<64x64xf32>
    %dot_general3A_35 = arith.constant dense<0.000000e+00> : vector<6400x64xf32>
    %dot_general3A_36 = tpu.matmul %add3A_31, %get3A_34, %dot_general3A_35 {dimension_numbers = #tpu.dot_dimension_numbers<[1], [0], [0], [1], [0, 0, 1, 1], [], []>, transpose_lhs_hint = false} : vector<6400x64xf32>, vector<64x64xf32>, vector<6400x64xf32> -> vector<6400x64xf32>
    %get3A_37 = arith.constant 0 : index
    %get3A_38 = arith.constant 0 : index
    %get3A_39 = vector.load %arg8[%get3A_37, %get3A_38] : memref<1x64xf32, #tpu.memory_space<vmem>>, vector<1x64xf32>
    %add3A_40 = vector.broadcast %get3A_39 : vector<1x64xf32> to vector<6400x64xf32>
    %add3A_41 = arith.addf %dot_general3A_36, %add3A_40 : vector<6400x64xf32>
    %get3A_42 = arith.constant 0 : index
    %get3A_43 = arith.constant 0 : index
    %get3A_44 = vector.load %arg6[%get3A_42, %get3A_43] : memref<64x64xf32, #tpu.memory_space<vmem>>, vector<64x64xf32>
    %dot_general3A_45 = arith.constant dense<0.000000e+00> : vector<6400x64xf32>
    %dot_general3A_46 = tpu.matmul %add3A_31, %get3A_44, %dot_general3A_45 {dimension_numbers = #tpu.dot_dimension_numbers<[1], [0], [0], [1], [0, 0, 1, 1], [], []>, transpose_lhs_hint = false} : vector<6400x64xf32>, vector<64x64xf32>, vector<6400x64xf32> -> vector<6400x64xf32>
    %get3A_47 = arith.constant 0 : index
    %get3A_48 = arith.constant 0 : index
    %get3A_49 = vector.load %arg9[%get3A_47, %get3A_48] : memref<1x64xf32, #tpu.memory_space<vmem>>, vector<1x64xf32>
    %add3A_50 = vector.broadcast %get3A_49 : vector<1x64xf32> to vector<6400x64xf32>
    %add3A_51 = arith.addf %dot_general3A_46, %add3A_50 : vector<6400x64xf32>
    %get3A_52 = arith.constant 0 : index
    %get3A_53 = arith.constant 0 : index
    %get3A_54 = vector.load %arg4[%get3A_52, %get3A_53] : memref<64x64xf32, #tpu.memory_space<vmem>>, vector<64x64xf32>
    %dot_general3A_55 = arith.constant dense<0.000000e+00> : vector<400x64xf32>
    %dot_general3A_56 = tpu.matmul %get3A_1, %get3A_54, %dot_general3A_55 {dimension_numbers = #tpu.dot_dimension_numbers<[1], [0], [0], [1], [0, 0, 1, 1], [], []>, transpose_lhs_hint = false} : vector<400x64xf32>, vector<64x64xf32>, vector<400x64xf32> -> vector<400x64xf32>
    %get3A_57 = arith.constant 0 : index
    %get3A_58 = arith.constant 0 : index
    %get3A_59 = vector.load %arg7[%get3A_57, %get3A_58] : memref<1x64xf32, #tpu.memory_space<vmem>>, vector<1x64xf32>
    %add3A_60 = vector.broadcast %get3A_59 : vector<1x64xf32> to vector<400x64xf32>
    %add3A_61 = arith.addf %dot_general3A_56, %add3A_60 : vector<400x64xf32>
    %mul3A = arith.constant 2.500000e-01 : f32
    %mul3A_62 = vector.broadcast %mul3A : f32 to vector<400x64xf32>
    %mul3A_63 = arith.mulf %add3A_61, %mul3A_62 : vector<400x64xf32>
    %concatenate3A_64 = tpu.concatenate %mul3A_63, %mul3A_63, %mul3A_63, %mul3A_63, %mul3A_63, %mul3A_63, %mul3A_63, %mul3A_63, %mul3A_63, %mul3A_63, %mul3A_63, %mul3A_63, %mul3A_63, %mul3A_63, %mul3A_63, %mul3A_63 in 0 : vector<400x64xf32>, vector<400x64xf32>, vector<400x64xf32>, vector<400x64xf32>, vector<400x64xf32>, vector<400x64xf32>, vector<400x64xf32>, vector<400x64xf32>, vector<400x64xf32>, vector<400x64xf32>, vector<400x64xf32>, vector<400x64xf32>, vector<400x64xf32>, vector<400x64xf32>, vector<400x64xf32>, vector<400x64xf32> -> vector<6400x64xf32>
    %mul3A_65 = arith.mulf %concatenate3A_64, %add3A_41 : vector<6400x64xf32>
    %get3A_66 = arith.constant 0 : index
    %get3A_67 = arith.constant 0 : index
    %get3A_68 = vector.load %arg26[%get3A_66, %get3A_67] : memref<64x4xf32, #tpu.memory_space<vmem>>, vector<64x4xf32>
    %dot_general3A_69 = arith.constant dense<0.000000e+00> : vector<6400x4xf32>
    %dot_general3A_70 = tpu.matmul %mul3A_65, %get3A_68, %dot_general3A_69 {dimension_numbers = #tpu.dot_dimension_numbers<[1], [0], [0], [1], [0, 0, 1, 1], [], []>, transpose_lhs_hint = false} : vector<6400x64xf32>, vector<64x4xf32>, vector<6400x4xf32> -> vector<6400x4xf32>
    %gt3A = arith.constant 0.000000e+00 : f32
    %gt3A_71 = vector.broadcast %gt3A : f32 to vector<6400x1xf32>
    %gt3A_72 = arith.cmpf ogt, %slice3A_19, %gt3A_71 : vector<6400x1xf32>
    %jit3A = arith.constant -1.000000e+09 : f32
    %broadcast_in_dim3A = vector.shape_cast %gt3A_72 : vector<6400x1xi1> to vector<6400x1xi1>
    %broadcast_in_dim3A_73 = vector.broadcast %broadcast_in_dim3A : vector<6400x1xi1> to vector<6400x4xi1>
    %broadcast_in_dim3A_74 = vector.broadcast %jit3A : f32 to vector<6400x4xf32>
    %select_n3A = arith.select %broadcast_in_dim3A_73, %broadcast_in_dim3A_74, %dot_general3A_70 : vector<6400x4xi1>, vector<6400x4xf32>
    %slice3A_75 = vector.extract_strided_slice %select_n3A {offsets = [0, 0], sizes = [400, 4], strides = [1, 1]} : vector<6400x4xf32> to vector<400x4xf32>
    %slice3A_76 = vector.extract_strided_slice %select_n3A {offsets = [400, 0], sizes = [400, 4], strides = [1, 1]} : vector<6400x4xf32> to vector<400x4xf32>
    %slice3A_77 = vector.extract_strided_slice %select_n3A {offsets = [800, 0], sizes = [400, 4], strides = [1, 1]} : vector<6400x4xf32> to vector<400x4xf32>
    %slice3A_78 = vector.extract_strided_slice %select_n3A {offsets = [1200, 0], sizes = [400, 4], strides = [1, 1]} : vector<6400x4xf32> to vector<400x4xf32>
    %slice3A_79 = vector.extract_strided_slice %select_n3A {offsets = [1600, 0], sizes = [400, 4], strides = [1, 1]} : vector<6400x4xf32> to vector<400x4xf32>
    %slice3A_80 = vector.extract_strided_slice %select_n3A {offsets = [2000, 0], sizes = [400, 4], strides = [1, 1]} : vector<6400x4xf32> to vector<400x4xf32>
    %slice3A_81 = vector.extract_strided_slice %select_n3A {offsets = [2400, 0], sizes = [400, 4], strides = [1, 1]} : vector<6400x4xf32> to vector<400x4xf32>
    %slice3A_82 = vector.extract_strided_slice %select_n3A {offsets = [2800, 0], sizes = [400, 4], strides = [1, 1]} : vector<6400x4xf32> to vector<400x4xf32>
    %slice3A_83 = vector.extract_strided_slice %select_n3A {offsets = [3200, 0], sizes = [400, 4], strides = [1, 1]} : vector<6400x4xf32> to vector<400x4xf32>
    %slice3A_84 = vector.extract_strided_slice %select_n3A {offsets = [3600, 0], sizes = [400, 4], strides = [1, 1]} : vector<6400x4xf32> to vector<400x4xf32>
    %slice3A_85 = vector.extract_strided_slice %select_n3A {offsets = [4000, 0], sizes = [400, 4], strides = [1, 1]} : vector<6400x4xf32> to vector<400x4xf32>
    %slice3A_86 = vector.extract_strided_slice %select_n3A {offsets = [4400, 0], sizes = [400, 4], strides = [1, 1]} : vector<6400x4xf32> to vector<400x4xf32>
    %slice3A_87 = vector.extract_strided_slice %select_n3A {offsets = [4800, 0], sizes = [400, 4], strides = [1, 1]} : vector<6400x4xf32> to vector<400x4xf32>
    %slice3A_88 = vector.extract_strided_slice %select_n3A {offsets = [5200, 0], sizes = [400, 4], strides = [1, 1]} : vector<6400x4xf32> to vector<400x4xf32>
    %slice3A_89 = vector.extract_strided_slice %select_n3A {offsets = [5600, 0], sizes = [400, 4], strides = [1, 1]} : vector<6400x4xf32> to vector<400x4xf32>
    %slice3A_90 = vector.extract_strided_slice %select_n3A {offsets = [6000, 0], sizes = [400, 4], strides = [1, 1]} : vector<6400x4xf32> to vector<400x4xf32>
    %max3A_91 = arith.maximumf %slice3A_75, %slice3A_76 : vector<400x4xf32>
    %max3A_92 = arith.maximumf %max3A_91, %slice3A_77 : vector<400x4xf32>
    %max3A_93 = arith.maximumf %max3A_92, %slice3A_78 : vector<400x4xf32>
    %max3A_94 = arith.maximumf %max3A_93, %slice3A_79 : vector<400x4xf32>
    %max3A_95 = arith.maximumf %max3A_94, %slice3A_80 : vector<400x4xf32>
    %max3A_96 = arith.maximumf %max3A_95, %slice3A_81 : vector<400x4xf32>
    %max3A_97 = arith.maximumf %max3A_96, %slice3A_82 : vector<400x4xf32>
    %max3A_98 = arith.maximumf %max3A_97, %slice3A_83 : vector<400x4xf32>
    %max3A_99 = arith.maximumf %max3A_98, %slice3A_84 : vector<400x4xf32>
    %max3A_100 = arith.maximumf %max3A_99, %slice3A_85 : vector<400x4xf32>
    %max3A_101 = arith.maximumf %max3A_100, %slice3A_86 : vector<400x4xf32>
    %max3A_102 = arith.maximumf %max3A_101, %slice3A_87 : vector<400x4xf32>
    %max3A_103 = arith.maximumf %max3A_102, %slice3A_88 : vector<400x4xf32>
    %max3A_104 = arith.maximumf %max3A_103, %slice3A_89 : vector<400x4xf32>
    %max3A_105 = arith.maximumf %max3A_104, %slice3A_90 : vector<400x4xf32>
    %sub3A_106 = arith.subf %slice3A_75, %max3A_105 : vector<400x4xf32>
    %exp3A = math.exp %sub3A_106 : vector<400x4xf32>
    %sub3A_107 = arith.subf %slice3A_76, %max3A_105 : vector<400x4xf32>
    %exp3A_108 = math.exp %sub3A_107 : vector<400x4xf32>
    %sub3A_109 = arith.subf %slice3A_77, %max3A_105 : vector<400x4xf32>
    %exp3A_110 = math.exp %sub3A_109 : vector<400x4xf32>
    %sub3A_111 = arith.subf %slice3A_78, %max3A_105 : vector<400x4xf32>
    %exp3A_112 = math.exp %sub3A_111 : vector<400x4xf32>
    %sub3A_113 = arith.subf %slice3A_79, %max3A_105 : vector<400x4xf32>
    %exp3A_114 = math.exp %sub3A_113 : vector<400x4xf32>
    %sub3A_115 = arith.subf %slice3A_80, %max3A_105 : vector<400x4xf32>
    %exp3A_116 = math.exp %sub3A_115 : vector<400x4xf32>
    %sub3A_117 = arith.subf %slice3A_81, %max3A_105 : vector<400x4xf32>
    %exp3A_118 = math.exp %sub3A_117 : vector<400x4xf32>
    %sub3A_119 = arith.subf %slice3A_82, %max3A_105 : vector<400x4xf32>
    %exp3A_120 = math.exp %sub3A_119 : vector<400x4xf32>
    %sub3A_121 = arith.subf %slice3A_83, %max3A_105 : vector<400x4xf32>
    %exp3A_122 = math.exp %sub3A_121 : vector<400x4xf32>
    %sub3A_123 = arith.subf %slice3A_84, %max3A_105 : vector<400x4xf32>
    %exp3A_124 = math.exp %sub3A_123 : vector<400x4xf32>
    %sub3A_125 = arith.subf %slice3A_85, %max3A_105 : vector<400x4xf32>
    %exp3A_126 = math.exp %sub3A_125 : vector<400x4xf32>
    %sub3A_127 = arith.subf %slice3A_86, %max3A_105 : vector<400x4xf32>
    %exp3A_128 = math.exp %sub3A_127 : vector<400x4xf32>
    %sub3A_129 = arith.subf %slice3A_87, %max3A_105 : vector<400x4xf32>
    %exp3A_130 = math.exp %sub3A_129 : vector<400x4xf32>
    %sub3A_131 = arith.subf %slice3A_88, %max3A_105 : vector<400x4xf32>
    %exp3A_132 = math.exp %sub3A_131 : vector<400x4xf32>
    %sub3A_133 = arith.subf %slice3A_89, %max3A_105 : vector<400x4xf32>
    %exp3A_134 = math.exp %sub3A_133 : vector<400x4xf32>
    %sub3A_135 = arith.subf %slice3A_90, %max3A_105 : vector<400x4xf32>
    %exp3A_136 = math.exp %sub3A_135 : vector<400x4xf32>
    %add3A_137 = arith.addf %exp3A, %exp3A_108 : vector<400x4xf32>
    %add3A_138 = arith.addf %add3A_137, %exp3A_110 : vector<400x4xf32>
    %add3A_139 = arith.addf %add3A_138, %exp3A_112 : vector<400x4xf32>
    %add3A_140 = arith.addf %add3A_139, %exp3A_114 : vector<400x4xf32>
    %add3A_141 = arith.addf %add3A_140, %exp3A_116 : vector<400x4xf32>
    %add3A_142 = arith.addf %add3A_141, %exp3A_118 : vector<400x4xf32>
    %add3A_143 = arith.addf %add3A_142, %exp3A_120 : vector<400x4xf32>
    %add3A_144 = arith.addf %add3A_143, %exp3A_122 : vector<400x4xf32>
    %add3A_145 = arith.addf %add3A_144, %exp3A_124 : vector<400x4xf32>
    %add3A_146 = arith.addf %add3A_145, %exp3A_126 : vector<400x4xf32>
    %add3A_147 = arith.addf %add3A_146, %exp3A_128 : vector<400x4xf32>
    %add3A_148 = arith.addf %add3A_147, %exp3A_130 : vector<400x4xf32>
    %add3A_149 = arith.addf %add3A_148, %exp3A_132 : vector<400x4xf32>
    %add3A_150 = arith.addf %add3A_149, %exp3A_134 : vector<400x4xf32>
    %add3A_151 = arith.addf %add3A_150, %exp3A_136 : vector<400x4xf32>
    %div3A = arith.constant 1.000000e+00 : f32
    %div3A_152 = vector.broadcast %div3A : f32 to vector<400x4xf32>
    %div3A_153 = arith.divf %div3A_152, %add3A_151 : vector<400x4xf32>
    %mul3A_154 = arith.mulf %exp3A, %div3A_153 : vector<400x4xf32>
    %mul3A_155 = arith.mulf %exp3A_108, %div3A_153 : vector<400x4xf32>
    %mul3A_156 = arith.mulf %exp3A_110, %div3A_153 : vector<400x4xf32>
    %mul3A_157 = arith.mulf %exp3A_112, %div3A_153 : vector<400x4xf32>
    %mul3A_158 = arith.mulf %exp3A_114, %div3A_153 : vector<400x4xf32>
    %mul3A_159 = arith.mulf %exp3A_116, %div3A_153 : vector<400x4xf32>
    %mul3A_160 = arith.mulf %exp3A_118, %div3A_153 : vector<400x4xf32>
    %mul3A_161 = arith.mulf %exp3A_120, %div3A_153 : vector<400x4xf32>
    %mul3A_162 = arith.mulf %exp3A_122, %div3A_153 : vector<400x4xf32>
    %mul3A_163 = arith.mulf %exp3A_124, %div3A_153 : vector<400x4xf32>
    %mul3A_164 = arith.mulf %exp3A_126, %div3A_153 : vector<400x4xf32>
    %mul3A_165 = arith.mulf %exp3A_128, %div3A_153 : vector<400x4xf32>
    %mul3A_166 = arith.mulf %exp3A_130, %div3A_153 : vector<400x4xf32>
    %mul3A_167 = arith.mulf %exp3A_132, %div3A_153 : vector<400x4xf32>
    %mul3A_168 = arith.mulf %exp3A_134, %div3A_153 : vector<400x4xf32>
    %mul3A_169 = arith.mulf %exp3A_136, %div3A_153 : vector<400x4xf32>
    %concatenate3A_170 = tpu.concatenate %mul3A_154, %mul3A_155, %mul3A_156, %mul3A_157, %mul3A_158, %mul3A_159, %mul3A_160, %mul3A_161, %mul3A_162, %mul3A_163, %mul3A_164, %mul3A_165, %mul3A_166, %mul3A_167, %mul3A_168, %mul3A_169 in 0 : vector<400x4xf32>, vector<400x4xf32>, vector<400x4xf32>, vector<400x4xf32>, vector<400x4xf32>, vector<400x4xf32>, vector<400x4xf32>, vector<400x4xf32>, vector<400x4xf32>, vector<400x4xf32>, vector<400x4xf32>, vector<400x4xf32>, vector<400x4xf32>, vector<400x4xf32>, vector<400x4xf32>, vector<400x4xf32> -> vector<6400x4xf32>
    %get3A_171 = arith.constant 0 : index
    %get3A_172 = arith.constant 0 : index
    %get3A_173 = vector.load %arg27[%get3A_171, %get3A_172] : memref<4x64xf32, #tpu.memory_space<vmem>>, vector<4x64xf32>
    %dot_general3A_174 = arith.constant dense<0.000000e+00> : vector<6400x64xf32>
    %dot_general3A_175 = tpu.matmul %concatenate3A_170, %get3A_173, %dot_general3A_174 {dimension_numbers = #tpu.dot_dimension_numbers<[1], [0], [0], [1], [0, 0, 1, 1], [], []>, transpose_lhs_hint = false} : vector<6400x4xf32>, vector<4x64xf32>, vector<6400x64xf32> -> vector<6400x64xf32>
    %mul3A_176 = arith.mulf %dot_general3A_175, %add3A_51 : vector<6400x64xf32>
    %slice3A_177 = vector.extract_strided_slice %mul3A_176 {offsets = [0, 0], sizes = [400, 64], strides = [1, 1]} : vector<6400x64xf32> to vector<400x64xf32>
    %slice3A_178 = vector.extract_strided_slice %mul3A_176 {offsets = [400, 0], sizes = [400, 64], strides = [1, 1]} : vector<6400x64xf32> to vector<400x64xf32>
    %add3A_179 = arith.addf %slice3A_177, %slice3A_178 : vector<400x64xf32>
    %slice3A_180 = vector.extract_strided_slice %mul3A_176 {offsets = [800, 0], sizes = [400, 64], strides = [1, 1]} : vector<6400x64xf32> to vector<400x64xf32>
    %add3A_181 = arith.addf %add3A_179, %slice3A_180 : vector<400x64xf32>
    %slice3A_182 = vector.extract_strided_slice %mul3A_176 {offsets = [1200, 0], sizes = [400, 64], strides = [1, 1]} : vector<6400x64xf32> to vector<400x64xf32>
    %add3A_183 = arith.addf %add3A_181, %slice3A_182 : vector<400x64xf32>
    %slice3A_184 = vector.extract_strided_slice %mul3A_176 {offsets = [1600, 0], sizes = [400, 64], strides = [1, 1]} : vector<6400x64xf32> to vector<400x64xf32>
    %add3A_185 = arith.addf %add3A_183, %slice3A_184 : vector<400x64xf32>
    %slice3A_186 = vector.extract_strided_slice %mul3A_176 {offsets = [2000, 0], sizes = [400, 64], strides = [1, 1]} : vector<6400x64xf32> to vector<400x64xf32>
    %add3A_187 = arith.addf %add3A_185, %slice3A_186 : vector<400x64xf32>
    %slice3A_188 = vector.extract_strided_slice %mul3A_176 {offsets = [2400, 0], sizes = [400, 64], strides = [1, 1]} : vector<6400x64xf32> to vector<400x64xf32>
    %add3A_189 = arith.addf %add3A_187, %slice3A_188 : vector<400x64xf32>
    %slice3A_190 = vector.extract_strided_slice %mul3A_176 {offsets = [2800, 0], sizes = [400, 64], strides = [1, 1]} : vector<6400x64xf32> to vector<400x64xf32>
    %add3A_191 = arith.addf %add3A_189, %slice3A_190 : vector<400x64xf32>
    %slice3A_192 = vector.extract_strided_slice %mul3A_176 {offsets = [3200, 0], sizes = [400, 64], strides = [1, 1]} : vector<6400x64xf32> to vector<400x64xf32>
    %add3A_193 = arith.addf %add3A_191, %slice3A_192 : vector<400x64xf32>
    %slice3A_194 = vector.extract_strided_slice %mul3A_176 {offsets = [3600, 0], sizes = [400, 64], strides = [1, 1]} : vector<6400x64xf32> to vector<400x64xf32>
    %add3A_195 = arith.addf %add3A_193, %slice3A_194 : vector<400x64xf32>
    %slice3A_196 = vector.extract_strided_slice %mul3A_176 {offsets = [4000, 0], sizes = [400, 64], strides = [1, 1]} : vector<6400x64xf32> to vector<400x64xf32>
    %add3A_197 = arith.addf %add3A_195, %slice3A_196 : vector<400x64xf32>
    %slice3A_198 = vector.extract_strided_slice %mul3A_176 {offsets = [4400, 0], sizes = [400, 64], strides = [1, 1]} : vector<6400x64xf32> to vector<400x64xf32>
    %add3A_199 = arith.addf %add3A_197, %slice3A_198 : vector<400x64xf32>
    %slice3A_200 = vector.extract_strided_slice %mul3A_176 {offsets = [4800, 0], sizes = [400, 64], strides = [1, 1]} : vector<6400x64xf32> to vector<400x64xf32>
    %add3A_201 = arith.addf %add3A_199, %slice3A_200 : vector<400x64xf32>
    %slice3A_202 = vector.extract_strided_slice %mul3A_176 {offsets = [5200, 0], sizes = [400, 64], strides = [1, 1]} : vector<6400x64xf32> to vector<400x64xf32>
    %add3A_203 = arith.addf %add3A_201, %slice3A_202 : vector<400x64xf32>
    %slice3A_204 = vector.extract_strided_slice %mul3A_176 {offsets = [5600, 0], sizes = [400, 64], strides = [1, 1]} : vector<6400x64xf32> to vector<400x64xf32>
    %add3A_205 = arith.addf %add3A_203, %slice3A_204 : vector<400x64xf32>
    %slice3A_206 = vector.extract_strided_slice %mul3A_176 {offsets = [6000, 0], sizes = [400, 64], strides = [1, 1]} : vector<6400x64xf32> to vector<400x64xf32>
    %add3A_207 = arith.addf %add3A_205, %slice3A_206 : vector<400x64xf32>
    %get3A_208 = arith.constant 0 : index
    %get3A_209 = arith.constant 0 : index
    %get3A_210 = vector.load %arg12[%get3A_208, %get3A_209] : memref<64x64xf32, #tpu.memory_space<vmem>>, vector<64x64xf32>
    %dot_general3A_211 = arith.constant dense<0.000000e+00> : vector<400x64xf32>
    %dot_general3A_212 = tpu.matmul %add3A_207, %get3A_210, %dot_general3A_211 {dimension_numbers = #tpu.dot_dimension_numbers<[1], [0], [0], [1], [0, 0, 1, 1], [], []>, transpose_lhs_hint = false} : vector<400x64xf32>, vector<64x64xf32>, vector<400x64xf32> -> vector<400x64xf32>
    %get3A_213 = arith.constant 0 : index
    %get3A_214 = arith.constant 0 : index
    %get3A_215 = vector.load %arg13[%get3A_213, %get3A_214] : memref<1x64xf32, #tpu.memory_space<vmem>>, vector<1x64xf32>
    %add3A_216 = vector.broadcast %get3A_215 : vector<1x64xf32> to vector<400x64xf32>
    %add3A_217 = arith.addf %dot_general3A_212, %add3A_216 : vector<400x64xf32>
    %add3A_218 = arith.addf %get3A_1, %add3A_217 : vector<400x64xf32>
    %get3A_219 = arith.constant 0 : index
    %get3A_220 = arith.constant 0 : index
    %get3A_221 = vector.load %arg14[%get3A_219, %get3A_220] : memref<1x64xf32, #tpu.memory_space<vmem>>, vector<1x64xf32>
    %get3A_222 = arith.constant 0 : index
    %get3A_223 = arith.constant 0 : index
    %get3A_224 = vector.load %arg15[%get3A_222, %get3A_223] : memref<1x64xf32, #tpu.memory_space<vmem>>, vector<1x64xf32>
    %reduce_sum3A = arith.constant dense<0.000000e+00> : vector<400xf32>
    %reduce_sum3A_225 = vector.multi_reduction <add>, %add3A_218, %reduce_sum3A [1] : vector<400x64xf32> to vector<400xf32>
    %broadcast_in_dim3A_226 = vector.shape_cast %reduce_sum3A_225 : vector<400xf32> to vector<400x1xf32>
    %div3A_227 = arith.constant 6.400000e+01 : f32
    %div3A_228 = vector.broadcast %div3A_227 : f32 to vector<400x1xf32>
    %div3A_229 = arith.divf %broadcast_in_dim3A_226, %div3A_228 : vector<400x1xf32>
    %sub3A_230 = vector.broadcast %div3A_229 : vector<400x1xf32> to vector<400x64xf32>
    %sub3A_231 = arith.subf %add3A_218, %sub3A_230 : vector<400x64xf32>
    %mul3A_232 = arith.mulf %sub3A_231, %sub3A_231 : vector<400x64xf32>
    %reduce_sum3A_233 = arith.constant dense<0.000000e+00> : vector<400xf32>
    %reduce_sum3A_234 = vector.multi_reduction <add>, %mul3A_232, %reduce_sum3A_233 [1] : vector<400x64xf32> to vector<400xf32>
    %broadcast_in_dim3A_235 = vector.shape_cast %reduce_sum3A_234 : vector<400xf32> to vector<400x1xf32>
    %div3A_236 = arith.constant 6.400000e+01 : f32
    %div3A_237 = vector.broadcast %div3A_236 : f32 to vector<400x1xf32>
    %div3A_238 = arith.divf %broadcast_in_dim3A_235, %div3A_237 : vector<400x1xf32>
    %add3A_239 = arith.constant 9.99999974E-6 : f32
    %add3A_240 = vector.broadcast %add3A_239 : f32 to vector<400x1xf32>
    %add3A_241 = arith.addf %div3A_238, %add3A_240 : vector<400x1xf32>
    %rsqrt3A = math.rsqrt %add3A_241 : vector<400x1xf32>
    %mul3A_242 = vector.broadcast %rsqrt3A : vector<400x1xf32> to vector<400x64xf32>
    %mul3A_243 = arith.mulf %sub3A_231, %mul3A_242 : vector<400x64xf32>
    %mul3A_244 = vector.broadcast %get3A_221 : vector<1x64xf32> to vector<400x64xf32>
    %mul3A_245 = arith.mulf %mul3A_243, %mul3A_244 : vector<400x64xf32>
    %add3A_246 = vector.broadcast %get3A_224 : vector<1x64xf32> to vector<400x64xf32>
    %add3A_247 = arith.addf %mul3A_245, %add3A_246 : vector<400x64xf32>
    %get3A_248 = arith.constant 0 : index
    %get3A_249 = arith.constant 0 : index
    %get3A_250 = vector.load %arg16[%get3A_248, %get3A_249] : memref<64x128xf32, #tpu.memory_space<vmem>>, vector<64x128xf32>
    %dot_general3A_251 = arith.constant dense<0.000000e+00> : vector<400x128xf32>
    %dot_general3A_252 = tpu.matmul %add3A_247, %get3A_250, %dot_general3A_251 {dimension_numbers = #tpu.dot_dimension_numbers<[1], [0], [0], [1], [0, 0, 1, 1], [], []>, transpose_lhs_hint = false} : vector<400x64xf32>, vector<64x128xf32>, vector<400x128xf32> -> vector<400x128xf32>
    %get3A_253 = arith.constant 0 : index
    %get3A_254 = arith.constant 0 : index
    %get3A_255 = vector.load %arg17[%get3A_253, %get3A_254] : memref<1x128xf32, #tpu.memory_space<vmem>>, vector<1x128xf32>
    %add3A_256 = vector.broadcast %get3A_255 : vector<1x128xf32> to vector<400x128xf32>
    %add3A_257 = arith.addf %dot_general3A_252, %add3A_256 : vector<400x128xf32>
    %max3A_258 = arith.constant 0.000000e+00 : f32
    %max3A_259 = vector.broadcast %max3A_258 : f32 to vector<400x128xf32>
    %max3A_260 = arith.maximumf %add3A_257, %max3A_259 : vector<400x128xf32>
    %get3A_261 = arith.constant 0 : index
    %get3A_262 = arith.constant 0 : index
    %get3A_263 = vector.load %arg18[%get3A_261, %get3A_262] : memref<128x64xf32, #tpu.memory_space<vmem>>, vector<128x64xf32>
    %dot_general3A_264 = arith.constant dense<0.000000e+00> : vector<400x64xf32>
    %dot_general3A_265 = tpu.matmul %max3A_260, %get3A_263, %dot_general3A_264 {dimension_numbers = #tpu.dot_dimension_numbers<[1], [0], [0], [1], [0, 0, 1, 1], [], []>, transpose_lhs_hint = false} : vector<400x128xf32>, vector<128x64xf32>, vector<400x64xf32> -> vector<400x64xf32>
    %get3A_266 = arith.constant 0 : index
    %get3A_267 = arith.constant 0 : index
    %get3A_268 = vector.load %arg19[%get3A_266, %get3A_267] : memref<1x64xf32, #tpu.memory_space<vmem>>, vector<1x64xf32>
    %add3A_269 = vector.broadcast %get3A_268 : vector<1x64xf32> to vector<400x64xf32>
    %add3A_270 = arith.addf %dot_general3A_265, %add3A_269 : vector<400x64xf32>
    %add3A_271 = arith.addf %add3A_247, %add3A_270 : vector<400x64xf32>
    %get3A_272 = arith.constant 0 : index
    %get3A_273 = arith.constant 0 : index
    %get3A_274 = vector.load %arg20[%get3A_272, %get3A_273] : memref<1x64xf32, #tpu.memory_space<vmem>>, vector<1x64xf32>
    %get3A_275 = arith.constant 0 : index
    %get3A_276 = arith.constant 0 : index
    %get3A_277 = vector.load %arg21[%get3A_275, %get3A_276] : memref<1x64xf32, #tpu.memory_space<vmem>>, vector<1x64xf32>
    %reduce_sum3A_278 = arith.constant dense<0.000000e+00> : vector<400xf32>
    %reduce_sum3A_279 = vector.multi_reduction <add>, %add3A_271, %reduce_sum3A_278 [1] : vector<400x64xf32> to vector<400xf32>
    %broadcast_in_dim3A_280 = vector.shape_cast %reduce_sum3A_279 : vector<400xf32> to vector<400x1xf32>
    %div3A_281 = arith.constant 6.400000e+01 : f32
    %div3A_282 = vector.broadcast %div3A_281 : f32 to vector<400x1xf32>
    %div3A_283 = arith.divf %broadcast_in_dim3A_280, %div3A_282 : vector<400x1xf32>
    %sub3A_284 = vector.broadcast %div3A_283 : vector<400x1xf32> to vector<400x64xf32>
    %sub3A_285 = arith.subf %add3A_271, %sub3A_284 : vector<400x64xf32>
    %mul3A_286 = arith.mulf %sub3A_285, %sub3A_285 : vector<400x64xf32>
    %reduce_sum3A_287 = arith.constant dense<0.000000e+00> : vector<400xf32>
    %reduce_sum3A_288 = vector.multi_reduction <add>, %mul3A_286, %reduce_sum3A_287 [1] : vector<400x64xf32> to vector<400xf32>
    %broadcast_in_dim3A_289 = vector.shape_cast %reduce_sum3A_288 : vector<400xf32> to vector<400x1xf32>
    %div3A_290 = arith.constant 6.400000e+01 : f32
    %div3A_291 = vector.broadcast %div3A_290 : f32 to vector<400x1xf32>
    %div3A_292 = arith.divf %broadcast_in_dim3A_289, %div3A_291 : vector<400x1xf32>
    %add3A_293 = arith.constant 9.99999974E-6 : f32
    %add3A_294 = vector.broadcast %add3A_293 : f32 to vector<400x1xf32>
    %add3A_295 = arith.addf %div3A_292, %add3A_294 : vector<400x1xf32>
    %rsqrt3A_296 = math.rsqrt %add3A_295 : vector<400x1xf32>
    %mul3A_297 = vector.broadcast %rsqrt3A_296 : vector<400x1xf32> to vector<400x64xf32>
    %mul3A_298 = arith.mulf %sub3A_285, %mul3A_297 : vector<400x64xf32>
    %mul3A_299 = vector.broadcast %get3A_274 : vector<1x64xf32> to vector<400x64xf32>
    %mul3A_300 = arith.mulf %mul3A_298, %mul3A_299 : vector<400x64xf32>
    %add3A_301 = vector.broadcast %get3A_277 : vector<1x64xf32> to vector<400x64xf32>
    %add3A_302 = arith.addf %mul3A_300, %add3A_301 : vector<400x64xf32>
    %get3A_303 = arith.constant 0 : index
    %get3A_304 = arith.constant 0 : index
    %get3A_305 = vector.load %arg22[%get3A_303, %get3A_304] : memref<64x64xf32, #tpu.memory_space<vmem>>, vector<64x64xf32>
    %dot_general3A_306 = arith.constant dense<0.000000e+00> : vector<400x64xf32>
    %dot_general3A_307 = tpu.matmul %add3A_302, %get3A_305, %dot_general3A_306 {dimension_numbers = #tpu.dot_dimension_numbers<[1], [0], [0], [1], [0, 0, 1, 1], [], []>, transpose_lhs_hint = false} : vector<400x64xf32>, vector<64x64xf32>, vector<400x64xf32> -> vector<400x64xf32>
    %get3A_308 = arith.constant 0 : index
    %get3A_309 = arith.constant 0 : index
    %get3A_310 = vector.load %arg23[%get3A_308, %get3A_309] : memref<1x64xf32, #tpu.memory_space<vmem>>, vector<1x64xf32>
    %add3A_311 = vector.broadcast %get3A_310 : vector<1x64xf32> to vector<400x64xf32>
    %add3A_312 = arith.addf %dot_general3A_307, %add3A_311 : vector<400x64xf32>
    %get3A_313 = arith.constant 0 : index
    %get3A_314 = arith.constant 0 : index
    %get3A_315 = vector.load %arg24[%get3A_313, %get3A_314] : memref<1x64xf32, #tpu.memory_space<vmem>>, vector<1x64xf32>
    %get3A_316 = arith.constant 0 : index
    %get3A_317 = arith.constant 0 : index
    %get3A_318 = vector.load %arg25[%get3A_316, %get3A_317] : memref<1x64xf32, #tpu.memory_space<vmem>>, vector<1x64xf32>
    %reduce_sum3A_319 = arith.constant dense<0.000000e+00> : vector<400xf32>
    %reduce_sum3A_320 = vector.multi_reduction <add>, %add3A_312, %reduce_sum3A_319 [1] : vector<400x64xf32> to vector<400xf32>
    %broadcast_in_dim3A_321 = vector.shape_cast %reduce_sum3A_320 : vector<400xf32> to vector<400x1xf32>
    %div3A_322 = arith.constant 6.400000e+01 : f32
    %div3A_323 = vector.broadcast %div3A_322 : f32 to vector<400x1xf32>
    %div3A_324 = arith.divf %broadcast_in_dim3A_321, %div3A_323 : vector<400x1xf32>
    %sub3A_325 = vector.broadcast %div3A_324 : vector<400x1xf32> to vector<400x64xf32>
    %sub3A_326 = arith.subf %add3A_312, %sub3A_325 : vector<400x64xf32>
    %mul3A_327 = arith.mulf %sub3A_326, %sub3A_326 : vector<400x64xf32>
    %reduce_sum3A_328 = arith.constant dense<0.000000e+00> : vector<400xf32>
    %reduce_sum3A_329 = vector.multi_reduction <add>, %mul3A_327, %reduce_sum3A_328 [1] : vector<400x64xf32> to vector<400xf32>
    %broadcast_in_dim3A_330 = vector.shape_cast %reduce_sum3A_329 : vector<400xf32> to vector<400x1xf32>
    %div3A_331 = arith.constant 6.400000e+01 : f32
    %div3A_332 = vector.broadcast %div3A_331 : f32 to vector<400x1xf32>
    %div3A_333 = arith.divf %broadcast_in_dim3A_330, %div3A_332 : vector<400x1xf32>
    %add3A_334 = arith.constant 9.99999974E-6 : f32
    %add3A_335 = vector.broadcast %add3A_334 : f32 to vector<400x1xf32>
    %add3A_336 = arith.addf %div3A_333, %add3A_335 : vector<400x1xf32>
    %rsqrt3A_337 = math.rsqrt %add3A_336 : vector<400x1xf32>
    %mul3A_338 = vector.broadcast %rsqrt3A_337 : vector<400x1xf32> to vector<400x64xf32>
    %mul3A_339 = arith.mulf %sub3A_326, %mul3A_338 : vector<400x64xf32>
    %mul3A_340 = vector.broadcast %get3A_315 : vector<1x64xf32> to vector<400x64xf32>
    %mul3A_341 = arith.mulf %mul3A_339, %mul3A_340 : vector<400x64xf32>
    %add3A_342 = vector.broadcast %get3A_318 : vector<1x64xf32> to vector<400x64xf32>
    %add3A_343 = arith.addf %mul3A_341, %add3A_342 : vector<400x64xf32>
    %max3A_344 = arith.constant 0.000000e+00 : f32
    %max3A_345 = vector.broadcast %max3A_344 : f32 to vector<400x64xf32>
    %max3A_346 = arith.maximumf %add3A_343, %max3A_345 : vector<400x64xf32>
    %swap3A = arith.constant 0 : index
    %swap3A_347 = arith.constant 0 : index
    %swap3A_348 = vector.load %arg28[%swap3A, %swap3A_347] : memref<400x64xf32, #tpu.memory_space<vmem>>, vector<400x64xf32>
    tpu.vector_store %arg28[%swap3A, %swap3A_347], %max3A_346 {strides = array<i32>} : memref<400x64xf32, #tpu.memory_space<vmem>>, vector<400x64xf32>,
    return
  }
  func.func @transform_0(%arg0: i32) -> (i32, i32) {
    %add3A = arith.constant 64 : i32
    %add3A_0 = arith.addi %arg0, %add3A : i32
    %c0_i32 = arith.constant 0 : i32
    %c0_i32_1 = arith.constant 0 : i32
    return %add3A_0, %c0_i32 : i32, i32
  }
  func.func @transform_1(%arg0: i32) -> (i32, i32, i32) {
    %c0_i32 = arith.constant 0 : i32
    %c0_i32_0 = arith.constant 0 : i32
    %c0_i32_1 = arith.constant 0 : i32
    return %c0_i32, %arg0, %c0_i32_0 : i32, i32, i32
  }
  func.func @transform_2(%arg0: i32) -> (i32, i32) {
    %add3A = arith.constant 64 : i32
    %add3A_0 = arith.addi %arg0, %add3A : i32
    %c0_i32 = arith.constant 0 : i32
    %c0_i32_1 = arith.constant 0 : i32
    return %add3A_0, %c0_i32 : i32, i32
  }
  func.func @transform_3(%arg0: i32) -> (i32, i32) {
    %c0_i32 = arith.constant 0 : i32
    %c0_i32_0 = arith.constant 0 : i32
    %c0_i32_1 = arith.constant 0 : i32
    return %c0_i32, %c0_i32_0 : i32, i32
  }
  func.func @transform_4(%arg0: i32) -> (i32, i32) {
    %c0_i32 = arith.constant 0 : i32
    %c0_i32_0 = arith.constant 0 : i32
    %c0_i32_1 = arith.constant 0 : i32
    return %c0_i32, %c0_i32_0 : i32, i32
  }
  func.func @transform_5(%arg0: i32) -> (i32, i32) {
    %c0_i32 = arith.constant 0 : i32
    %c0_i32_0 = arith.constant 0 : i32
    %c0_i32_1 = arith.constant 0 : i32
    return %c0_i32, %c0_i32_0 : i32, i32
  }
  func.func @transform_6(%arg0: i32) -> (i32, i32) {
    %c0_i32 = arith.constant 0 : i32
    %c0_i32_0 = arith.constant 0 : i32
    %c0_i32_1 = arith.constant 0 : i32
    return %c0_i32, %c0_i32_0 : i32, i32
  }
  func.func @transform_7(%arg0: i32) -> (i32, i32) {
    %c0_i32 = arith.constant 0 : i32
    %c0_i32_0 = arith.constant 0 : i32
    %c0_i32_1 = arith.constant 0 : i32
    return %c0_i32, %c0_i32_0 : i32, i32
  }
  func.func @transform_8(%arg0: i32) -> (i32, i32) {
    %c0_i32 = arith.constant 0 : i32
    %c0_i32_0 = arith.constant 0 : i32
    %c0_i32_1 = arith.constant 0 : i32
    return %c0_i32, %c0_i32_0 : i32, i32
  }
  func.func @transform_9(%arg0: i32) -> (i32, i32) {
    %c0_i32 = arith.constant 0 : i32
    %c0_i32_0 = arith.constant 0 : i32
    %c0_i32_1 = arith.constant 0 : i32
    return %c0_i32, %c0_i32_0 : i32, i32
  }
  func.func @transform_10(%arg0: i32) -> (i32, i32) {
    %c0_i32 = arith.constant 0 : i32
    %c0_i32_0 = arith.constant 0 : i32
    %c0_i32_1 = arith.constant 0 : i32
    return %c0_i32, %c0_i32_0 : i32, i32
  }
  func.func @transform_11(%arg0: i32) -> (i32, i32) {
    %c0_i32 = arith.constant 0 : i32
    %c0_i32_0 = arith.constant 0 : i32
    %c0_i32_1 = arith.constant 0 : i32
    return %c0_i32, %c0_i32_0 : i32, i32
  }
  func.func @transform_12(%arg0: i32) -> (i32, i32) {
    %c0_i32 = arith.constant 0 : i32
    %c0_i32_0 = arith.constant 0 : i32
    %c0_i32_1 = arith.constant 0 : i32
    return %c0_i32, %c0_i32_0 : i32, i32
  }
  func.func @transform_13(%arg0: i32) -> (i32, i32) {
    %c0_i32 = arith.constant 0 : i32
    %c0_i32_0 = arith.constant 0 : i32
    %c0_i32_1 = arith.constant 0 : i32
    return %c0_i32, %c0_i32_0 : i32, i32
  }
  func.func @transform_14(%arg0: i32) -> (i32, i32) {
    %c0_i32 = arith.constant 0 : i32
    %c0_i32_0 = arith.constant 0 : i32
    %c0_i32_1 = arith.constant 0 : i32
    return %c0_i32, %c0_i32_0 : i32, i32
  }
  func.func @transform_15(%arg0: i32) -> (i32, i32) {
    %c0_i32 = arith.constant 0 : i32
    %c0_i32_0 = arith.constant 0 : i32
    %c0_i32_1 = arith.constant 0 : i32
    return %c0_i32, %c0_i32_0 : i32, i32
  }
  func.func @transform_16(%arg0: i32) -> (i32, i32) {
    %c0_i32 = arith.constant 0 : i32
    %c0_i32_0 = arith.constant 0 : i32
    %c0_i32_1 = arith.constant 0 : i32
    return %c0_i32, %c0_i32_0 : i32, i32
  }
  func.func @transform_17(%arg0: i32) -> (i32, i32) {
    %c0_i32 = arith.constant 0 : i32
    %c0_i32_0 = arith.constant 0 : i32
    %c0_i32_1 = arith.constant 0 : i32
    return %c0_i32, %c0_i32_0 : i32, i32
  }
  func.func @transform_18(%arg0: i32) -> (i32, i32) {
    %c0_i32 = arith.constant 0 : i32
    %c0_i32_0 = arith.constant 0 : i32
    %c0_i32_1 = arith.constant 0 : i32
    return %c0_i32, %c0_i32_0 : i32, i32
  }
  func.func @transform_19(%arg0: i32) -> (i32, i32) {
    %c0_i32 = arith.constant 0 : i32
    %c0_i32_0 = arith.constant 0 : i32
    %c0_i32_1 = arith.constant 0 : i32
    return %c0_i32, %c0_i32_0 : i32, i32
  }
  func.func @transform_20(%arg0: i32) -> (i32, i32) {
    %c0_i32 = arith.constant 0 : i32
    %c0_i32_0 = arith.constant 0 : i32
    %c0_i32_1 = arith.constant 0 : i32
    return %c0_i32, %c0_i32_0 : i32, i32
  }
  func.func @transform_21(%arg0: i32) -> (i32, i32) {
    %c0_i32 = arith.constant 0 : i32
    %c0_i32_0 = arith.constant 0 : i32
    %c0_i32_1 = arith.constant 0 : i32
    return %c0_i32, %c0_i32_0 : i32, i32
  }
  func.func @transform_22(%arg0: i32) -> (i32, i32) {
    %c0_i32 = arith.constant 0 : i32
    %c0_i32_0 = arith.constant 0 : i32
    %c0_i32_1 = arith.constant 0 : i32
    return %c0_i32, %c0_i32_0 : i32, i32
  }
  func.func @transform_23(%arg0: i32) -> (i32, i32) {
    %c0_i32 = arith.constant 0 : i32
    %c0_i32_0 = arith.constant 0 : i32
    %c0_i32_1 = arith.constant 0 : i32
    return %c0_i32, %c0_i32_0 : i32, i32
  }
  func.func @transform_24(%arg0: i32) -> (i32, i32) {
    %c0_i32 = arith.constant 0 : i32
    %c0_i32_0 = arith.constant 0 : i32
    %c0_i32_1 = arith.constant 0 : i32
    return %c0_i32, %c0_i32_0 : i32, i32
  }
  func.func @transform_25(%arg0: i32) -> (i32, i32) {
    %c0_i32 = arith.constant 0 : i32
    %c0_i32_0 = arith.constant 0 : i32
    %c0_i32_1 = arith.constant 0 : i32
    return %c0_i32, %c0_i32_0 : i32, i32
  }
  func.func @transform_26(%arg0: i32) -> (i32, i32) {
    %c0_i32 = arith.constant 0 : i32
    %c0_i32_0 = arith.constant 0 : i32
    %c0_i32_1 = arith.constant 0 : i32
    return %c0_i32, %c0_i32_0 : i32, i32
  }
  func.func @transform_27(%arg0: i32) -> (i32, i32) {
    %c0_i32 = arith.constant 0 : i32
    %c0_i32_0 = arith.constant 0 : i32
    return %arg0, %c0_i32 : i32, i32
  }
}

module attributes {stable_mosaic.version = 14 : i64} {
  func.func @_tc_body(%arg0: i32, %arg1: memref<400x64xf32, #tpu.memory_space<vmem>>, %arg2: memref<16x400x40xf32, #tpu.memory_space<vmem>>, %arg3: memref<400x3xf32, #tpu.memory_space<vmem>>, %arg4: memref<64x64xf32, #tpu.memory_space<vmem>>, %arg5: memref<64x64xf32, #tpu.memory_space<vmem>>, %arg6: memref<64x64xf32, #tpu.memory_space<vmem>>, %arg7: memref<1x64xf32, #tpu.memory_space<vmem>>, %arg8: memref<1x64xf32, #tpu.memory_space<vmem>>, %arg9: memref<1x64xf32, #tpu.memory_space<vmem>>, %arg10: memref<3x64xf32, #tpu.memory_space<vmem>>, %arg11: memref<1x64xf32, #tpu.memory_space<vmem>>, %arg12: memref<64x64xf32, #tpu.memory_space<vmem>>, %arg13: memref<1x64xf32, #tpu.memory_space<vmem>>, %arg14: memref<1x64xf32, #tpu.memory_space<vmem>>, %arg15: memref<1x64xf32, #tpu.memory_space<vmem>>, %arg16: memref<64x128xf32, #tpu.memory_space<vmem>>, %arg17: memref<1x128xf32, #tpu.memory_space<vmem>>, %arg18: memref<128x64xf32, #tpu.memory_space<vmem>>, %arg19: memref<1x64xf32, #tpu.memory_space<vmem>>, %arg20: memref<1x64xf32, #tpu.memory_space<vmem>>, %arg21: memref<1x64xf32, #tpu.memory_space<vmem>>, %arg22: memref<64x64xf32, #tpu.memory_space<vmem>>, %arg23: memref<1x64xf32, #tpu.memory_space<vmem>>, %arg24: memref<1x64xf32, #tpu.memory_space<vmem>>, %arg25: memref<1x64xf32, #tpu.memory_space<vmem>>, %arg26: memref<64x4xf32, #tpu.memory_space<vmem>>, %arg27: memref<4x64xf32, #tpu.memory_space<vmem>>, %arg28: memref<400x64xf32, #tpu.memory_space<vmem>>) attributes {dimension_semantics = [#tpu.dimension_semantics<arbitrary>], iteration_bounds = array<i64: 32>, scalar_prefetch = 0 : i64, scratch_operands = 0 : i64, tpu.core_type = #tpu.core_type<tc>, window_params = [{transform_indices = @transform_0, window_bounds = array<i64: 400, 64>}, {transform_indices = @transform_1, window_bounds = array<i64: 16, 400, 40>}, {transform_indices = @transform_2, window_bounds = array<i64: 400, 3>}, {pipeline_mode = #tpu.pipeline_mode<synchronous>, transform_indices = @transform_3, window_bounds = array<i64: 64, 64>}, {pipeline_mode = #tpu.pipeline_mode<synchronous>, transform_indices = @transform_4, window_bounds = array<i64: 64, 64>}, {pipeline_mode = #tpu.pipeline_mode<synchronous>, transform_indices = @transform_5, window_bounds = array<i64: 64, 64>}, {pipeline_mode = #tpu.pipeline_mode<synchronous>, transform_indices = @transform_6, window_bounds = array<i64: 1, 64>}, {pipeline_mode = #tpu.pipeline_mode<synchronous>, transform_indices = @transform_7, window_bounds = array<i64: 1, 64>}, {pipeline_mode = #tpu.pipeline_mode<synchronous>, transform_indices = @transform_8, window_bounds = array<i64: 1, 64>}, {pipeline_mode = #tpu.pipeline_mode<synchronous>, transform_indices = @transform_9, window_bounds = array<i64: 3, 64>}, {pipeline_mode = #tpu.pipeline_mode<synchronous>, transform_indices = @transform_10, window_bounds = array<i64: 1, 64>}, {pipeline_mode = #tpu.pipeline_mode<synchronous>, transform_indices = @transform_11, window_bounds = array<i64: 64, 64>}, {pipeline_mode = #tpu.pipeline_mode<synchronous>, transform_indices = @transform_12, window_bounds = array<i64: 1, 64>}, {pipeline_mode = #tpu.pipeline_mode<synchronous>, transform_indices = @transform_13, window_bounds = array<i64: 1, 64>}, {pipeline_mode = #tpu.pipeline_mode<synchronous>, transform_indices = @transform_14, window_bounds = array<i64: 1, 64>}, {pipeline_mode = #tpu.pipeline_mode<synchronous>, transform_indices = @transform_15, window_bounds = array<i64: 64, 128>}, {pipeline_mode = #tpu.pipeline_mode<synchronous>, transform_indices = @transform_16, window_bounds = array<i64: 1, 128>}, {pipeline_mode = #tpu.pipeline_mode<synchronous>, transform_indices = @transform_17, window_bounds = array<i64: 128, 64>}, {pipeline_mode = #tpu.pipeline_mode<synchronous>, transform_indices = @transform_18, window_bounds = array<i64: 1, 64>}, {pipeline_mode = #tpu.pipeline_mode<synchronous>, transform_indices = @transform_19, window_bounds = array<i64: 1, 64>}, {pipeline_mode = #tpu.pipeline_mode<synchronous>, transform_indices = @transform_20, window_bounds = array<i64: 1, 64>}, {pipeline_mode = #tpu.pipeline_mode<synchronous>, transform_indices = @transform_21, window_bounds = array<i64: 64, 64>}, {pipeline_mode = #tpu.pipeline_mode<synchronous>, transform_indices = @transform_22, window_bounds = array<i64: 1, 64>}, {pipeline_mode = #tpu.pipeline_mode<synchronous>, transform_indices = @transform_23, window_bounds = array<i64: 1, 64>}, {pipeline_mode = #tpu.pipeline_mode<synchronous>, transform_indices = @transform_24, window_bounds = array<i64: 1, 64>}, {pipeline_mode = #tpu.pipeline_mode<synchronous>, transform_indices = @transform_25, window_bounds = array<i64: 64, 4>}, {pipeline_mode = #tpu.pipeline_mode<synchronous>, transform_indices = @transform_26, window_bounds = array<i64: 4, 64>}, {transform_indices = @transform_27, window_bounds = array<i64: 400, 64>}]} {
    %get3A = arith.constant 0 : index
    %get3A_0 = arith.constant 0 : index
    %get3A_1 = vector.load %arg1[%get3A, %get3A_0] : memref<400x64xf32, #tpu.memory_space<vmem>>, vector<400x64xf32>
    %get3A_2 = arith.constant 0 : index
    %get3A_3 = arith.constant 0 : index
    %get3A_4 = vector.load %arg3[%get3A_2, %get3A_3] : memref<400x3xf32, #tpu.memory_space<vmem>>, vector<400x3xf32>
    %get3A_5 = arith.constant 0 : index
    %get3A_6 = arith.constant 0 : index
    %get3A_7 = arith.constant 0 : index
    %get3A_8 = vector.load %arg2[%get3A_5, %get3A_6, %get3A_7] : memref<16x400x40xf32, #tpu.memory_space<vmem>>, vector<16x400x40xf32>
    %reshape3A = vector.shape_cast %get3A_8 : vector<16x400x40xf32> to vector<6400x40xf32>
    %slice3A = vector.extract_strided_slice %reshape3A {offsets = [0, 0], sizes = [6400, 32], strides = [1, 1]} : vector<6400x40xf32> to vector<6400x32xf32>
    %bitcast_convert_type3A = tpu.bitcast %slice3A : vector<6400x32xf32> -> vector<6400x32xi32>
    %and3A = arith.constant 65535 : i32
    %and3A_9 = vector.broadcast %and3A : i32 to vector<6400x32xi32>
    %and3A_10 = arith.andi %bitcast_convert_type3A, %and3A_9 : vector<6400x32xi32>
    %shift_left3A = arith.constant 16 : i32
    %shift_left3A_11 = vector.broadcast %shift_left3A : i32 to vector<6400x32xi32>
    %shift_left3A_12 = arith.shli %and3A_10, %shift_left3A_11 : vector<6400x32xi32>
    %bitcast_convert_type3A_13 = tpu.bitcast %shift_left3A_12 : vector<6400x32xi32> -> vector<6400x32xf32>
    %and3A_14 = arith.constant -65536 : i32
    %and3A_15 = vector.broadcast %and3A_14 : i32 to vector<6400x32xi32>
    %and3A_16 = arith.andi %bitcast_convert_type3A, %and3A_15 : vector<6400x32xi32>
    %bitcast_convert_type3A_17 = tpu.bitcast %and3A_16 : vector<6400x32xi32> -> vector<6400x32xf32>
    %concatenate3A = tpu.concatenate %bitcast_convert_type3A_13, %bitcast_convert_type3A_17 in 1 : vector<6400x32xf32>, vector<6400x32xf32> -> vector<6400x64xf32>
    %slice3A_18 = vector.extract_strided_slice %reshape3A {offsets = [0, 32], sizes = [6400, 3], strides = [1, 1]} : vector<6400x40xf32> to vector<6400x3xf32>
    %slice3A_19 = vector.extract_strided_slice %reshape3A {offsets = [0, 35], sizes = [6400, 1], strides = [1, 1]} : vector<6400x40xf32> to vector<6400x1xf32>
    %concatenate3A_20 = tpu.concatenate %get3A_4, %get3A_4, %get3A_4, %get3A_4, %get3A_4, %get3A_4, %get3A_4, %get3A_4, %get3A_4, %get3A_4, %get3A_4, %get3A_4, %get3A_4, %get3A_4, %get3A_4, %get3A_4 in 0 : vector<400x3xf32>, vector<400x3xf32>, vector<400x3xf32>, vector<400x3xf32>, vector<400x3xf32>, vector<400x3xf32>, vector<400x3xf32>, vector<400x3xf32>, vector<400x3xf32>, vector<400x3xf32>, vector<400x3xf32>, vector<400x3xf32>, vector<400x3xf32>, vector<400x3xf32>, vector<400x3xf32>, vector<400x3xf32> -> vector<6400x3xf32>
    %sub3A = arith.subf %slice3A_18, %concatenate3A_20 : vector<6400x3xf32>
    %get3A_21 = arith.constant 0 : index
    %get3A_22 = arith.constant 0 : index
    %get3A_23 = vector.load %arg10[%get3A_21, %get3A_22] : memref<3x64xf32, #tpu.memory_space<vmem>>, vector<3x64xf32>
    %dot_general3A = arith.constant dense<0.000000e+00> : vector<6400x64xf32>
    %dot_general3A_24 = tpu.matmul %sub3A, %get3A_23, %dot_general3A {dimension_numbers = #tpu.dot_dimension_numbers<[1], [0], [0], [1], [0, 0, 1, 1], [], []>, transpose_lhs_hint = false} : vector<6400x3xf32>, vector<3x64xf32>, vector<6400x64xf32> -> vector<6400x64xf32>
    %get3A_25 = arith.constant 0 : index
    %get3A_26 = arith.constant 0 : index
    %get3A_27 = vector.load %arg11[%get3A_25, %get3A_26] : memref<1x64xf32, #tpu.memory_space<vmem>>, vector<1x64xf32>
    %add3A = vector.broadcast %get3A_27 : vector<1x64xf32> to vector<6400x64xf32>
    %add3A_28 = arith.addf %dot_general3A_24, %add3A : vector<6400x64xf32>
    %max3A = arith.constant 0.000000e+00 : f32
    %max3A_29 = vector.broadcast %max3A : f32 to vector<6400x64xf32>
    %max3A_30 = arith.maximumf %add3A_28, %max3A_29 : vector<6400x64xf32>
    %add3A_31 = arith.addf %concatenate3A, %max3A_30 : vector<6400x64xf32>
    %get3A_32 = arith.constant 0 : index
    %get3A_33 = arith.constant 0 : index
    %get3A_34 = vector.load %arg5[%get3A_32, %get3A_33] : memref<64x64xf32, #tpu.memory_space<vmem>>, vector<64x64xf32>
    %dot_general3A_35 = arith.constant dense<0.000000e+00> : vector<6400x64xf32>
    %dot_general3A_36 = tpu.matmul %add3A_31, %get3A_34, %dot_general3A_35 {dimension_numbers = #tpu.dot_dimension_numbers<[1], [0], [0], [1], [0, 0, 1, 1], [], []>, transpose_lhs_hint = false} : vector<6400x64xf32>, vector<64x64xf32>, vector<6400x64xf32> -> vector<6400x64xf32>
    %get3A_37 = arith.constant 0 : index
    %get3A_38 = arith.constant 0 : index
    %get3A_39 = vector.load %arg8[%get3A_37, %get3A_38] : memref<1x64xf32, #tpu.memory_space<vmem>>, vector<1x64xf32>
    %add3A_40 = vector.broadcast %get3A_39 : vector<1x64xf32> to vector<6400x64xf32>
    %add3A_41 = arith.addf %dot_general3A_36, %add3A_40 : vector<6400x64xf32>
    %get3A_42 = arith.constant 0 : index
    %get3A_43 = arith.constant 0 : index
    %get3A_44 = vector.load %arg6[%get3A_42, %get3A_43] : memref<64x64xf32, #tpu.memory_space<vmem>>, vector<64x64xf32>
    %dot_general3A_45 = arith.constant dense<0.000000e+00> : vector<6400x64xf32>
    %dot_general3A_46 = tpu.matmul %add3A_31, %get3A_44, %dot_general3A_45 {dimension_numbers = #tpu.dot_dimension_numbers<[1], [0], [0], [1], [0, 0, 1, 1], [], []>, transpose_lhs_hint = false} : vector<6400x64xf32>, vector<64x64xf32>, vector<6400x64xf32> -> vector<6400x64xf32>
    %get3A_47 = arith.constant 0 : index
    %get3A_48 = arith.constant 0 : index
    %get3A_49 = vector.load %arg9[%get3A_47, %get3A_48] : memref<1x64xf32, #tpu.memory_space<vmem>>, vector<1x64xf32>
    %add3A_50 = vector.broadcast %get3A_49 : vector<1x64xf32> to vector<6400x64xf32>
    %add3A_51 = arith.addf %dot_general3A_46, %add3A_50 : vector<6400x64xf32>
    %get3A_52 = arith.constant 0 : index
    %get3A_53 = arith.constant 0 : index
    %get3A_54 = vector.load %arg4[%get3A_52, %get3A_53] : memref<64x64xf32, #tpu.memory_space<vmem>>, vector<64x64xf32>
    %dot_general3A_55 = arith.constant dense<0.000000e+00> : vector<400x64xf32>
    %dot_general3A_56 = tpu.matmul %get3A_1, %get3A_54, %dot_general3A_55 {dimension_numbers = #tpu.dot_dimension_numbers<[1], [0], [0], [1], [0, 0, 1, 1], [], []>, transpose_lhs_hint = false} : vector<400x64xf32>, vector<64x64xf32>, vector<400x64xf32> -> vector<400x64xf32>
    %get3A_57 = arith.constant 0 : index
    %get3A_58 = arith.constant 0 : index
    %get3A_59 = vector.load %arg7[%get3A_57, %get3A_58] : memref<1x64xf32, #tpu.memory_space<vmem>>, vector<1x64xf32>
    %add3A_60 = vector.broadcast %get3A_59 : vector<1x64xf32> to vector<400x64xf32>
    %add3A_61 = arith.addf %dot_general3A_56, %add3A_60 : vector<400x64xf32>
    %mul3A = arith.constant 2.500000e-01 : f32
    %mul3A_62 = vector.broadcast %mul3A : f32 to vector<400x64xf32>
    %mul3A_63 = arith.mulf %add3A_61, %mul3A_62 : vector<400x64xf32>
    %concatenate3A_64 = tpu.concatenate %mul3A_63, %mul3A_63, %mul3A_63, %mul3A_63, %mul3A_63, %mul3A_63, %mul3A_63, %mul3A_63, %mul3A_63, %mul3A_63, %mul3A_63, %mul3A_63, %mul3A_63, %mul3A_63, %mul3A_63, %mul3A_63 in 0 : vector<400x64xf32>, vector<400x64xf32>, vector<400x64xf32>, vector<400x64xf32>, vector<400x64xf32>, vector<400x64xf32>, vector<400x64xf32>, vector<400x64xf32>, vector<400x64xf32>, vector<400x64xf32>, vector<400x64xf32>, vector<400x64xf32>, vector<400x64xf32>, vector<400x64xf32>, vector<400x64xf32>, vector<400x64xf32> -> vector<6400x64xf32>
    %mul3A_65 = arith.mulf %concatenate3A_64, %add3A_41 : vector<6400x64xf32>
    %get3A_66 = arith.constant 0 : index
    %get3A_67 = arith.constant 0 : index
    %get3A_68 = vector.load %arg26[%get3A_66, %get3A_67] : memref<64x4xf32, #tpu.memory_space<vmem>>, vector<64x4xf32>
    %dot_general3A_69 = arith.constant dense<0.000000e+00> : vector<6400x4xf32>
    %dot_general3A_70 = tpu.matmul %mul3A_65, %get3A_68, %dot_general3A_69 {dimension_numbers = #tpu.dot_dimension_numbers<[1], [0], [0], [1], [0, 0, 1, 1], [], []>, transpose_lhs_hint = false} : vector<6400x64xf32>, vector<64x4xf32>, vector<6400x4xf32> -> vector<6400x4xf32>
    %gt3A = arith.constant 0.000000e+00 : f32
    %gt3A_71 = vector.broadcast %gt3A : f32 to vector<6400x1xf32>
    %gt3A_72 = arith.cmpf ogt, %slice3A_19, %gt3A_71 : vector<6400x1xf32>
    %jit3A = arith.constant -1.000000e+09 : f32
    %broadcast_in_dim3A = vector.shape_cast %gt3A_72 : vector<6400x1xi1> to vector<6400x1xi1>
    %broadcast_in_dim3A_73 = vector.broadcast %broadcast_in_dim3A : vector<6400x1xi1> to vector<6400x4xi1>
    %broadcast_in_dim3A_74 = vector.broadcast %jit3A : f32 to vector<6400x4xf32>
    %select_n3A = arith.select %broadcast_in_dim3A_73, %broadcast_in_dim3A_74, %dot_general3A_70 : vector<6400x4xi1>, vector<6400x4xf32>
    %slice3A_75 = vector.extract_strided_slice %select_n3A {offsets = [0, 0], sizes = [400, 4], strides = [1, 1]} : vector<6400x4xf32> to vector<400x4xf32>
    %slice3A_76 = vector.extract_strided_slice %select_n3A {offsets = [400, 0], sizes = [400, 4], strides = [1, 1]} : vector<6400x4xf32> to vector<400x4xf32>
    %slice3A_77 = vector.extract_strided_slice %select_n3A {offsets = [800, 0], sizes = [400, 4], strides = [1, 1]} : vector<6400x4xf32> to vector<400x4xf32>
    %slice3A_78 = vector.extract_strided_slice %select_n3A {offsets = [1200, 0], sizes = [400, 4], strides = [1, 1]} : vector<6400x4xf32> to vector<400x4xf32>
    %slice3A_79 = vector.extract_strided_slice %select_n3A {offsets = [1600, 0], sizes = [400, 4], strides = [1, 1]} : vector<6400x4xf32> to vector<400x4xf32>
    %slice3A_80 = vector.extract_strided_slice %select_n3A {offsets = [2000, 0], sizes = [400, 4], strides = [1, 1]} : vector<6400x4xf32> to vector<400x4xf32>
    %slice3A_81 = vector.extract_strided_slice %select_n3A {offsets = [2400, 0], sizes = [400, 4], strides = [1, 1]} : vector<6400x4xf32> to vector<400x4xf32>
    %slice3A_82 = vector.extract_strided_slice %select_n3A {offsets = [2800, 0], sizes = [400, 4], strides = [1, 1]} : vector<6400x4xf32> to vector<400x4xf32>
    %slice3A_83 = vector.extract_strided_slice %select_n3A {offsets = [3200, 0], sizes = [400, 4], strides = [1, 1]} : vector<6400x4xf32> to vector<400x4xf32>
    %slice3A_84 = vector.extract_strided_slice %select_n3A {offsets = [3600, 0], sizes = [400, 4], strides = [1, 1]} : vector<6400x4xf32> to vector<400x4xf32>
    %slice3A_85 = vector.extract_strided_slice %select_n3A {offsets = [4000, 0], sizes = [400, 4], strides = [1, 1]} : vector<6400x4xf32> to vector<400x4xf32>
    %slice3A_86 = vector.extract_strided_slice %select_n3A {offsets = [4400, 0], sizes = [400, 4], strides = [1, 1]} : vector<6400x4xf32> to vector<400x4xf32>
    %slice3A_87 = vector.extract_strided_slice %select_n3A {offsets = [4800, 0], sizes = [400, 4], strides = [1, 1]} : vector<6400x4xf32> to vector<400x4xf32>
    %slice3A_88 = vector.extract_strided_slice %select_n3A {offsets = [5200, 0], sizes = [400, 4], strides = [1, 1]} : vector<6400x4xf32> to vector<400x4xf32>
    %slice3A_89 = vector.extract_strided_slice %select_n3A {offsets = [5600, 0], sizes = [400, 4], strides = [1, 1]} : vector<6400x4xf32> to vector<400x4xf32>
    %slice3A_90 = vector.extract_strided_slice %select_n3A {offsets = [6000, 0], sizes = [400, 4], strides = [1, 1]} : vector<6400x4xf32> to vector<400x4xf32>
    %max3A_91 = arith.maximumf %slice3A_75, %slice3A_76 : vector<400x4xf32>
    %max3A_92 = arith.maximumf %max3A_91, %slice3A_77 : vector<400x4xf32>
    %max3A_93 = arith.maximumf %max3A_92, %slice3A_78 : vector<400x4xf32>
    %max3A_94 = arith.maximumf %max3A_93, %slice3A_79 : vector<400x4xf32>
    %max3A_95 = arith.maximumf %max3A_94, %slice3A_80 : vector<400x4xf32>
    %max3A_96 = arith.maximumf %max3A_95, %slice3A_81 : vector<400x4xf32>
    %max3A_97 = arith.maximumf %max3A_96, %slice3A_82 : vector<400x4xf32>
    %max3A_98 = arith.maximumf %max3A_97, %slice3A_83 : vector<400x4xf32>
    %max3A_99 = arith.maximumf %max3A_98, %slice3A_84 : vector<400x4xf32>
    %max3A_100 = arith.maximumf %max3A_99, %slice3A_85 : vector<400x4xf32>
    %max3A_101 = arith.maximumf %max3A_100, %slice3A_86 : vector<400x4xf32>
    %max3A_102 = arith.maximumf %max3A_101, %slice3A_87 : vector<400x4xf32>
    %max3A_103 = arith.maximumf %max3A_102, %slice3A_88 : vector<400x4xf32>
    %max3A_104 = arith.maximumf %max3A_103, %slice3A_89 : vector<400x4xf32>
    %max3A_105 = arith.maximumf %max3A_104, %slice3A_90 : vector<400x4xf32>
    %sub3A_106 = arith.subf %slice3A_75, %max3A_105 : vector<400x4xf32>
    %exp3A = math.exp %sub3A_106 : vector<400x4xf32>
    %sub3A_107 = arith.subf %slice3A_76, %max3A_105 : vector<400x4xf32>
    %exp3A_108 = math.exp %sub3A_107 : vector<400x4xf32>
    %sub3A_109 = arith.subf %slice3A_77, %max3A_105 : vector<400x4xf32>
    %exp3A_110 = math.exp %sub3A_109 : vector<400x4xf32>
    %sub3A_111 = arith.subf %slice3A_78, %max3A_105 : vector<400x4xf32>
    %exp3A_112 = math.exp %sub3A_111 : vector<400x4xf32>
    %sub3A_113 = arith.subf %slice3A_79, %max3A_105 : vector<400x4xf32>
    %exp3A_114 = math.exp %sub3A_113 : vector<400x4xf32>
    %sub3A_115 = arith.subf %slice3A_80, %max3A_105 : vector<400x4xf32>
    %exp3A_116 = math.exp %sub3A_115 : vector<400x4xf32>
    %sub3A_117 = arith.subf %slice3A_81, %max3A_105 : vector<400x4xf32>
    %exp3A_118 = math.exp %sub3A_117 : vector<400x4xf32>
    %sub3A_119 = arith.subf %slice3A_82, %max3A_105 : vector<400x4xf32>
    %exp3A_120 = math.exp %sub3A_119 : vector<400x4xf32>
    %sub3A_121 = arith.subf %slice3A_83, %max3A_105 : vector<400x4xf32>
    %exp3A_122 = math.exp %sub3A_121 : vector<400x4xf32>
    %sub3A_123 = arith.subf %slice3A_84, %max3A_105 : vector<400x4xf32>
    %exp3A_124 = math.exp %sub3A_123 : vector<400x4xf32>
    %sub3A_125 = arith.subf %slice3A_85, %max3A_105 : vector<400x4xf32>
    %exp3A_126 = math.exp %sub3A_125 : vector<400x4xf32>
    %sub3A_127 = arith.subf %slice3A_86, %max3A_105 : vector<400x4xf32>
    %exp3A_128 = math.exp %sub3A_127 : vector<400x4xf32>
    %sub3A_129 = arith.subf %slice3A_87, %max3A_105 : vector<400x4xf32>
    %exp3A_130 = math.exp %sub3A_129 : vector<400x4xf32>
    %sub3A_131 = arith.subf %slice3A_88, %max3A_105 : vector<400x4xf32>
    %exp3A_132 = math.exp %sub3A_131 : vector<400x4xf32>
    %sub3A_133 = arith.subf %slice3A_89, %max3A_105 : vector<400x4xf32>
    %exp3A_134 = math.exp %sub3A_133 : vector<400x4xf32>
    %sub3A_135 = arith.subf %slice3A_90, %max3A_105 : vector<400x4xf32>
    %exp3A_136 = math.exp %sub3A_135 : vector<400x4xf32>
    %add3A_137 = arith.addf %exp3A, %exp3A_108 : vector<400x4xf32>
    %add3A_138 = arith.addf %add3A_137, %exp3A_110 : vector<400x4xf32>
    %add3A_139 = arith.addf %add3A_138, %exp3A_112 : vector<400x4xf32>
    %add3A_140 = arith.addf %add3A_139, %exp3A_114 : vector<400x4xf32>
    %add3A_141 = arith.addf %add3A_140, %exp3A_116 : vector<400x4xf32>
    %add3A_142 = arith.addf %add3A_141, %exp3A_118 : vector<400x4xf32>
    %add3A_143 = arith.addf %add3A_142, %exp3A_120 : vector<400x4xf32>
    %add3A_144 = arith.addf %add3A_143, %exp3A_122 : vector<400x4xf32>
    %add3A_145 = arith.addf %add3A_144, %exp3A_124 : vector<400x4xf32>
    %add3A_146 = arith.addf %add3A_145, %exp3A_126 : vector<400x4xf32>
    %add3A_147 = arith.addf %add3A_146, %exp3A_128 : vector<400x4xf32>
    %add3A_148 = arith.addf %add3A_147, %exp3A_130 : vector<400x4xf32>
    %add3A_149 = arith.addf %add3A_148, %exp3A_132 : vector<400x4xf32>
    %add3A_150 = arith.addf %add3A_149, %exp3A_134 : vector<400x4xf32>
    %add3A_151 = arith.addf %add3A_150, %exp3A_136 : vector<400x4xf32>
    %div3A = arith.constant 1.000000e+00 : f32
    %div3A_152 = vector.broadcast %div3A : f32 to vector<400x4xf32>
    %div3A_153 = arith.divf %div3A_152, %add3A_151 : vector<400x4xf32>
    %mul3A_154 = arith.mulf %exp3A, %div3A_153 : vector<400x4xf32>
    %mul3A_155 = arith.mulf %exp3A_108, %div3A_153 : vector<400x4xf32>
    %mul3A_156 = arith.mulf %exp3A_110, %div3A_153 : vector<400x4xf32>
    %mul3A_157 = arith.mulf %exp3A_112, %div3A_153 : vector<400x4xf32>
    %mul3A_158 = arith.mulf %exp3A_114, %div3A_153 : vector<400x4xf32>
    %mul3A_159 = arith.mulf %exp3A_116, %div3A_153 : vector<400x4xf32>
    %mul3A_160 = arith.mulf %exp3A_118, %div3A_153 : vector<400x4xf32>
    %mul3A_161 = arith.mulf %exp3A_120, %div3A_153 : vector<400x4xf32>
    %mul3A_162 = arith.mulf %exp3A_122, %div3A_153 : vector<400x4xf32>
    %mul3A_163 = arith.mulf %exp3A_124, %div3A_153 : vector<400x4xf32>
    %mul3A_164 = arith.mulf %exp3A_126, %div3A_153 : vector<400x4xf32>
    %mul3A_165 = arith.mulf %exp3A_128, %div3A_153 : vector<400x4xf32>
    %mul3A_166 = arith.mulf %exp3A_130, %div3A_153 : vector<400x4xf32>
    %mul3A_167 = arith.mulf %exp3A_132, %div3A_153 : vector<400x4xf32>
    %mul3A_168 = arith.mulf %exp3A_134, %div3A_153 : vector<400x4xf32>
    %mul3A_169 = arith.mulf %exp3A_136, %div3A_153 : vector<400x4xf32>
    %concatenate3A_170 = tpu.concatenate %mul3A_154, %mul3A_155, %mul3A_156, %mul3A_157, %mul3A_158, %mul3A_159, %mul3A_160, %mul3A_161, %mul3A_162, %mul3A_163, %mul3A_164, %mul3A_165, %mul3A_166, %mul3A_167, %mul3A_168, %mul3A_169 in 0 : vector<400x4xf32>, vector<400x4xf32>, vector<400x4xf32>, vector<400x4xf32>, vector<400x4xf32>, vector<400x4xf32>, vector<400x4xf32>, vector<400x4xf32>, vector<400x4xf32>, vector<400x4xf32>, vector<400x4xf32>, vector<400x4xf32>, vector<400x4xf32>, vector<400x4xf32>, vector<400x4xf32>, vector<400x4xf32> -> vector<6400x4xf32>
    %get3A_171 = arith.constant 0 : index
    %get3A_172 = arith.constant 0 : index
    %get3A_173 = vector.load %arg27[%get3A_171, %get3A_172] : memref<4x64xf32, #tpu.memory_space<vmem>>, vector<4x64xf32>
    %dot_general3A_174 = arith.constant dense<0.000000e+00> : vector<6400x64xf32>
    %dot_general3A_175 = tpu.matmul %concatenate3A_170, %get3A_173, %dot_general3A_174 {dimension_numbers = #tpu.dot_dimension_numbers<[1], [0], [0], [1], [0, 0, 1, 1], [], []>, transpose_lhs_hint = false} : vector<6400x4xf32>, vector<4x64xf32>, vector<6400x64xf32> -> vector<6400x64xf32>
    %mul3A_176 = arith.mulf %dot_general3A_175, %add3A_51 : vector<6400x64xf32>
    %slice3A_177 = vector.extract_strided_slice %mul3A_176 {offsets = [0, 0], sizes = [400, 64], strides = [1, 1]} : vector<6400x64xf32> to vector<400x64xf32>
    %slice3A_178 = vector.extract_strided_slice %mul3A_176 {offsets = [400, 0], sizes = [400, 64], strides = [1, 1]} : vector<6400x64xf32> to vector<400x64xf32>
    %add3A_179 = arith.addf %slice3A_177, %slice3A_178 : vector<400x64xf32>
    %slice3A_180 = vector.extract_strided_slice %mul3A_176 {offsets = [800, 0], sizes = [400, 64], strides = [1, 1]} : vector<6400x64xf32> to vector<400x64xf32>
    %add3A_181 = arith.addf %add3A_179, %slice3A_180 : vector<400x64xf32>
    %slice3A_182 = vector.extract_strided_slice %mul3A_176 {offsets = [1200, 0], sizes = [400, 64], strides = [1, 1]} : vector<6400x64xf32> to vector<400x64xf32>
    %add3A_183 = arith.addf %add3A_181, %slice3A_182 : vector<400x64xf32>
    %slice3A_184 = vector.extract_strided_slice %mul3A_176 {offsets = [1600, 0], sizes = [400, 64], strides = [1, 1]} : vector<6400x64xf32> to vector<400x64xf32>
    %add3A_185 = arith.addf %add3A_183, %slice3A_184 : vector<400x64xf32>
    %slice3A_186 = vector.extract_strided_slice %mul3A_176 {offsets = [2000, 0], sizes = [400, 64], strides = [1, 1]} : vector<6400x64xf32> to vector<400x64xf32>
    %add3A_187 = arith.addf %add3A_185, %slice3A_186 : vector<400x64xf32>
    %slice3A_188 = vector.extract_strided_slice %mul3A_176 {offsets = [2400, 0], sizes = [400, 64], strides = [1, 1]} : vector<6400x64xf32> to vector<400x64xf32>
    %add3A_189 = arith.addf %add3A_187, %slice3A_188 : vector<400x64xf32>
    %slice3A_190 = vector.extract_strided_slice %mul3A_176 {offsets = [2800, 0], sizes = [400, 64], strides = [1, 1]} : vector<6400x64xf32> to vector<400x64xf32>
    %add3A_191 = arith.addf %add3A_189, %slice3A_190 : vector<400x64xf32>
    %slice3A_192 = vector.extract_strided_slice %mul3A_176 {offsets = [3200, 0], sizes = [400, 64], strides = [1, 1]} : vector<6400x64xf32> to vector<400x64xf32>
    %add3A_193 = arith.addf %add3A_191, %slice3A_192 : vector<400x64xf32>
    %slice3A_194 = vector.extract_strided_slice %mul3A_176 {offsets = [3600, 0], sizes = [400, 64], strides = [1, 1]} : vector<6400x64xf32> to vector<400x64xf32>
    %add3A_195 = arith.addf %add3A_193, %slice3A_194 : vector<400x64xf32>
    %slice3A_196 = vector.extract_strided_slice %mul3A_176 {offsets = [4000, 0], sizes = [400, 64], strides = [1, 1]} : vector<6400x64xf32> to vector<400x64xf32>
    %add3A_197 = arith.addf %add3A_195, %slice3A_196 : vector<400x64xf32>
    %slice3A_198 = vector.extract_strided_slice %mul3A_176 {offsets = [4400, 0], sizes = [400, 64], strides = [1, 1]} : vector<6400x64xf32> to vector<400x64xf32>
    %add3A_199 = arith.addf %add3A_197, %slice3A_198 : vector<400x64xf32>
    %slice3A_200 = vector.extract_strided_slice %mul3A_176 {offsets = [4800, 0], sizes = [400, 64], strides = [1, 1]} : vector<6400x64xf32> to vector<400x64xf32>
    %add3A_201 = arith.addf %add3A_199, %slice3A_200 : vector<400x64xf32>
    %slice3A_202 = vector.extract_strided_slice %mul3A_176 {offsets = [5200, 0], sizes = [400, 64], strides = [1, 1]} : vector<6400x64xf32> to vector<400x64xf32>
    %add3A_203 = arith.addf %add3A_201, %slice3A_202 : vector<400x64xf32>
    %slice3A_204 = vector.extract_strided_slice %mul3A_176 {offsets = [5600, 0], sizes = [400, 64], strides = [1, 1]} : vector<6400x64xf32> to vector<400x64xf32>
    %add3A_205 = arith.addf %add3A_203, %slice3A_204 : vector<400x64xf32>
    %slice3A_206 = vector.extract_strided_slice %mul3A_176 {offsets = [6000, 0], sizes = [400, 64], strides = [1, 1]} : vector<6400x64xf32> to vector<400x64xf32>
    %add3A_207 = arith.addf %add3A_205, %slice3A_206 : vector<400x64xf32>
    %get3A_208 = arith.constant 0 : index
    %get3A_209 = arith.constant 0 : index
    %get3A_210 = vector.load %arg12[%get3A_208, %get3A_209] : memref<64x64xf32, #tpu.memory_space<vmem>>, vector<64x64xf32>
    %dot_general3A_211 = arith.constant dense<0.000000e+00> : vector<400x64xf32>
    %dot_general3A_212 = tpu.matmul %add3A_207, %get3A_210, %dot_general3A_211 {dimension_numbers = #tpu.dot_dimension_numbers<[1], [0], [0], [1], [0, 0, 1, 1], [], []>, transpose_lhs_hint = false} : vector<400x64xf32>, vector<64x64xf32>, vector<400x64xf32> -> vector<400x64xf32>
    %get3A_213 = arith.constant 0 : index
    %get3A_214 = arith.constant 0 : index
    %get3A_215 = vector.load %arg13[%get3A_213, %get3A_214] : memref<1x64xf32, #tpu.memory_space<vmem>>, vector<1x64xf32>
    %add3A_216 = vector.broadcast %get3A_215 : vector<1x64xf32> to vector<400x64xf32>
    %add3A_217 = arith.addf %dot_general3A_212, %add3A_216 : vector<400x64xf32>
    %add3A_218 = arith.addf %get3A_1, %add3A_217 : vector<400x64xf32>
    %get3A_219 = arith.constant 0 : index
    %get3A_220 = arith.constant 0 : index
    %get3A_221 = vector.load %arg14[%get3A_219, %get3A_220] : memref<1x64xf32, #tpu.memory_space<vmem>>, vector<1x64xf32>
    %get3A_222 = arith.constant 0 : index
    %get3A_223 = arith.constant 0 : index
    %get3A_224 = vector.load %arg15[%get3A_222, %get3A_223] : memref<1x64xf32, #tpu.memory_space<vmem>>, vector<1x64xf32>
    %reduce_sum3A = arith.constant dense<0.000000e+00> : vector<400xf32>
    %reduce_sum3A_225 = vector.multi_reduction <add>, %add3A_218, %reduce_sum3A [1] : vector<400x64xf32> to vector<400xf32>
    %broadcast_in_dim3A_226 = vector.shape_cast %reduce_sum3A_225 : vector<400xf32> to vector<400x1xf32>
    %div3A_227 = arith.constant 6.400000e+01 : f32
    %div3A_228 = vector.broadcast %div3A_227 : f32 to vector<400x1xf32>
    %div3A_229 = arith.divf %broadcast_in_dim3A_226, %div3A_228 : vector<400x1xf32>
    %sub3A_230 = vector.broadcast %div3A_229 : vector<400x1xf32> to vector<400x64xf32>
    %sub3A_231 = arith.subf %add3A_218, %sub3A_230 : vector<400x64xf32>
    %mul3A_232 = arith.mulf %sub3A_231, %sub3A_231 : vector<400x64xf32>
    %reduce_sum3A_233 = arith.constant dense<0.000000e+00> : vector<400xf32>
    %reduce_sum3A_234 = vector.multi_reduction <add>, %mul3A_232, %reduce_sum3A_233 [1] : vector<400x64xf32> to vector<400xf32>
    %broadcast_in_dim3A_235 = vector.shape_cast %reduce_sum3A_234 : vector<400xf32> to vector<400x1xf32>
    %div3A_236 = arith.constant 6.400000e+01 : f32
    %div3A_237 = vector.broadcast %div3A_236 : f32 to vector<400x1xf32>
    %div3A_238 = arith.divf %broadcast_in_dim3A_235, %div3A_237 : vector<400x1xf32>
    %add3A_239 = arith.constant 9.99999974E-6 : f32
    %add3A_240 = vector.broadcast %add3A_239 : f32 to vector<400x1xf32>
    %add3A_241 = arith.addf %div3A_238, %add3A_240 : vector<400x1xf32>
    %rsqrt3A = math.rsqrt %add3A_241 : vector<400x1xf32>
    %mul3A_242 = vector.broadcast %rsqrt3A : vector<400x1xf32> to vector<400x64xf32>
    %mul3A_243 = arith.mulf %sub3A_231, %mul3A_242 : vector<400x64xf32>
    %mul3A_244 = vector.broadcast %get3A_221 : vector<1x64xf32> to vector<400x64xf32>
    %mul3A_245 = arith.mulf %mul3A_243, %mul3A_244 : vector<400x64xf32>
    %add3A_246 = vector.broadcast %get3A_224 : vector<1x64xf32> to vector<400x64xf32>
    %add3A_247 = arith.addf %mul3A_245, %add3A_246 : vector<400x64xf32>
    %get3A_248 = arith.constant 0 : index
    %get3A_249 = arith.constant 0 : index
    %get3A_250 = vector.load %arg16[%get3A_248, %get3A_249] : memref<64x128xf32, #tpu.memory_space<vmem>>, vector<64x128xf32>
    %dot_general3A_251 = arith.constant dense<0.000000e+00> : vector<400x128xf32>
    %dot_general3A_252 = tpu.matmul %add3A_247, %get3A_250, %dot_general3A_251 {dimension_numbers = #tpu.dot_dimension_numbers<[1], [0], [0], [1], [0, 0, 1, 1], [], []>, transpose_lhs_hint = false} : vector<400x64xf32>, vector<64x128xf32>, vector<400x128xf32> -> vector<400x128xf32>
    %get3A_253 = arith.constant 0 : index
    %get3A_254 = arith.constant 0 : index
    %get3A_255 = vector.load %arg17[%get3A_253, %get3A_254] : memref<1x128xf32, #tpu.memory_space<vmem>>, vector<1x128xf32>
    %add3A_256 = vector.broadcast %get3A_255 : vector<1x128xf32> to vector<400x128xf32>
    %add3A_257 = arith.addf %dot_general3A_252, %add3A_256 : vector<400x128xf32>
    %max3A_258 = arith.constant 0.000000e+00 : f32
    %max3A_259 = vector.broadcast %max3A_258 : f32 to vector<400x128xf32>
    %max3A_260 = arith.maximumf %add3A_257, %max3A_259 : vector<400x128xf32>
    %get3A_261 = arith.constant 0 : index
    %get3A_262 = arith.constant 0 : index
    %get3A_263 = vector.load %arg18[%get3A_261, %get3A_262] : memref<128x64xf32, #tpu.memory_space<vmem>>, vector<128x64xf32>
    %dot_general3A_264 = arith.constant dense<0.000000e+00> : vector<400x64xf32>
    %dot_general3A_265 = tpu.matmul %max3A_260, %get3A_263, %dot_general3A_264 {dimension_numbers = #tpu.dot_dimension_numbers<[1], [0], [0], [1], [0, 0, 1, 1], [], []>, transpose_lhs_hint = false} : vector<400x128xf32>, vector<128x64xf32>, vector<400x64xf32> -> vector<400x64xf32>
    %get3A_266 = arith.constant 0 : index
    %get3A_267 = arith.constant 0 : index
    %get3A_268 = vector.load %arg19[%get3A_266, %get3A_267] : memref<1x64xf32, #tpu.memory_space<vmem>>, vector<1x64xf32>
    %add3A_269 = vector.broadcast %get3A_268 : vector<1x64xf32> to vector<400x64xf32>
    %add3A_270 = arith.addf %dot_general3A_265, %add3A_269 : vector<400x64xf32>
    %add3A_271 = arith.addf %add3A_247, %add3A_270 : vector<400x64xf32>
    %get3A_272 = arith.constant 0 : index
    %get3A_273 = arith.constant 0 : index
    %get3A_274 = vector.load %arg20[%get3A_272, %get3A_273] : memref<1x64xf32, #tpu.memory_space<vmem>>, vector<1x64xf32>
    %get3A_275 = arith.constant 0 : index
    %get3A_276 = arith.constant 0 : index
    %get3A_277 = vector.load %arg21[%get3A_275, %get3A_276] : memref<1x64xf32, #tpu.memory_space<vmem>>, vector<1x64xf32>
    %reduce_sum3A_278 = arith.constant dense<0.000000e+00> : vector<400xf32>
    %reduce_sum3A_279 = vector.multi_reduction <add>, %add3A_271, %reduce_sum3A_278 [1] : vector<400x64xf32> to vector<400xf32>
    %broadcast_in_dim3A_280 = vector.shape_cast %reduce_sum3A_279 : vector<400xf32> to vector<400x1xf32>
    %div3A_281 = arith.constant 6.400000e+01 : f32
    %div3A_282 = vector.broadcast %div3A_281 : f32 to vector<400x1xf32>
    %div3A_283 = arith.divf %broadcast_in_dim3A_280, %div3A_282 : vector<400x1xf32>
    %sub3A_284 = vector.broadcast %div3A_283 : vector<400x1xf32> to vector<400x64xf32>
    %sub3A_285 = arith.subf %add3A_271, %sub3A_284 : vector<400x64xf32>
    %mul3A_286 = arith.mulf %sub3A_285, %sub3A_285 : vector<400x64xf32>
    %reduce_sum3A_287 = arith.constant dense<0.000000e+00> : vector<400xf32>
    %reduce_sum3A_288 = vector.multi_reduction <add>, %mul3A_286, %reduce_sum3A_287 [1] : vector<400x64xf32> to vector<400xf32>
    %broadcast_in_dim3A_289 = vector.shape_cast %reduce_sum3A_288 : vector<400xf32> to vector<400x1xf32>
    %div3A_290 = arith.constant 6.400000e+01 : f32
    %div3A_291 = vector.broadcast %div3A_290 : f32 to vector<400x1xf32>
    %div3A_292 = arith.divf %broadcast_in_dim3A_289, %div3A_291 : vector<400x1xf32>
    %add3A_293 = arith.constant 9.99999974E-6 : f32
    %add3A_294 = vector.broadcast %add3A_293 : f32 to vector<400x1xf32>
    %add3A_295 = arith.addf %div3A_292, %add3A_294 : vector<400x1xf32>
    %rsqrt3A_296 = math.rsqrt %add3A_295 : vector<400x1xf32>
    %mul3A_297 = vector.broadcast %rsqrt3A_296 : vector<400x1xf32> to vector<400x64xf32>
    %mul3A_298 = arith.mulf %sub3A_285, %mul3A_297 : vector<400x64xf32>
    %mul3A_299 = vector.broadcast %get3A_274 : vector<1x64xf32> to vector<400x64xf32>
    %mul3A_300 = arith.mulf %mul3A_298, %mul3A_299 : vector<400x64xf32>
    %add3A_301 = vector.broadcast %get3A_277 : vector<1x64xf32> to vector<400x64xf32>
    %add3A_302 = arith.addf %mul3A_300, %add3A_301 : vector<400x64xf32>
    %get3A_303 = arith.constant 0 : index
    %get3A_304 = arith.constant 0 : index
    %get3A_305 = vector.load %arg22[%get3A_303, %get3A_304] : memref<64x64xf32, #tpu.memory_space<vmem>>, vector<64x64xf32>
    %dot_general3A_306 = arith.constant dense<0.000000e+00> : vector<400x64xf32>
    %dot_general3A_307 = tpu.matmul %add3A_302, %get3A_305, %dot_general3A_306 {dimension_numbers = #tpu.dot_dimension_numbers<[1], [0], [0], [1], [0, 0, 1, 1], [], []>, transpose_lhs_hint = false} : vector<400x64xf32>, vector<64x64xf32>, vector<400x64xf32> -> vector<400x64xf32>
    %get3A_308 = arith.constant 0 : index
    %get3A_309 = arith.constant 0 : index
    %get3A_310 = vector.load %arg23[%get3A_308, %get3A_309] : memref<1x64xf32, #tpu.memory_space<vmem>>, vector<1x64xf32>
    %add3A_311 = vector.broadcast %get3A_310 : vector<1x64xf32> to vector<400x64xf32>
    %add3A_312 = arith.addf %dot_general3A_307, %add3A_311 : vector<400x64xf32>
    %get3A_313 = arith.constant 0 : index
    %get3A_314 = arith.constant 0 : index
    %get3A_315 = vector.load %arg24[%get3A_313, %get3A_314] : memref<1x64xf32, #tpu.memory_space<vmem>>, vector<1x64xf32>
    %get3A_316 = arith.constant 0 : index
    %get3A_317 = arith.constant 0 : index
    %get3A_318 = vector.load %arg25[%get3A_316, %get3A_317] : memref<1x64xf32, #tpu.memory_space<vmem>>, vector<1x64xf32>
    %reduce_sum3A_319 = arith.constant dense<0.000000e+00> : vector<400xf32>
    %reduce_sum3A_320 = vector.multi_reduction <add>, %add3A_312, %reduce_sum3A_319 [1] : vector<400x64xf32> to vector<400xf32>
    %broadcast_in_dim3A_321 = vector.shape_cast %reduce_sum3A_320 : vector<400xf32> to vector<400x1xf32>
    %div3A_322 = arith.constant 6.400000e+01 : f32
    %div3A_323 = vector.broadcast %div3A_322 : f32 to vector<400x1xf32>
    %div3A_324 = arith.divf %broadcast_in_dim3A_321, %div3A_323 : vector<400x1xf32>
    %sub3A_325 = vector.broadcast %div3A_324 : vector<400x1xf32> to vector<400x64xf32>
    %sub3A_326 = arith.subf %add3A_312, %sub3A_325 : vector<400x64xf32>
    %mul3A_327 = arith.mulf %sub3A_326, %sub3A_326 : vector<400x64xf32>
    %reduce_sum3A_328 = arith.constant dense<0.000000e+00> : vector<400xf32>
    %reduce_sum3A_329 = vector.multi_reduction <add>, %mul3A_327, %reduce_sum3A_328 [1] : vector<400x64xf32> to vector<400xf32>
    %broadcast_in_dim3A_330 = vector.shape_cast %reduce_sum3A_329 : vector<400xf32> to vector<400x1xf32>
    %div3A_331 = arith.constant 6.400000e+01 : f32
    %div3A_332 = vector.broadcast %div3A_331 : f32 to vector<400x1xf32>
    %div3A_333 = arith.divf %broadcast_in_dim3A_330, %div3A_332 : vector<400x1xf32>
    %add3A_334 = arith.constant 9.99999974E-6 : f32
    %add3A_335 = vector.broadcast %add3A_334 : f32 to vector<400x1xf32>
    %add3A_336 = arith.addf %div3A_333, %add3A_335 : vector<400x1xf32>
    %rsqrt3A_337 = math.rsqrt %add3A_336 : vector<400x1xf32>
    %mul3A_338 = vector.broadcast %rsqrt3A_337 : vector<400x1xf32> to vector<400x64xf32>
    %mul3A_339 = arith.mulf %sub3A_326, %mul3A_338 : vector<400x64xf32>
    %mul3A_340 = vector.broadcast %get3A_315 : vector<1x64xf32> to vector<400x64xf32>
    %mul3A_341 = arith.mulf %mul3A_339, %mul3A_340 : vector<400x64xf32>
    %add3A_342 = vector.broadcast %get3A_318 : vector<1x64xf32> to vector<400x64xf32>
    %add3A_343 = arith.addf %mul3A_341, %add3A_342 : vector<400x64xf32>
    %max3A_344 = arith.constant 0.000000e+00 : f32
    %max3A_345 = vector.broadcast %max3A_344 : f32 to vector<400x64xf32>
    %max3A_346 = arith.maximumf %add3A_343, %max3A_345 : vector<400x64xf32>
    %swap3A = arith.constant 0 : index
    %swap3A_347 = arith.constant 0 : index
    %swap3A_348 = vector.load %arg28[%swap3A, %swap3A_347] : memref<400x64xf32, #tpu.memory_space<vmem>>, vector<400x64xf32>
    tpu.vector_store %arg28[%swap3A, %swap3A_347], %max3A_346 {strides = array<i32>} : memref<400x64xf32, #tpu.memory_space<vmem>>, vector<400x64xf32>,
    return
  }
  func.func @transform_0(%arg0: i32) -> (i32, i32) {
    %add3A = arith.constant 32 : i32
    %add3A_0 = arith.addi %arg0, %add3A : i32
    %c0_i32 = arith.constant 0 : i32
    %c0_i32_1 = arith.constant 0 : i32
    return %add3A_0, %c0_i32 : i32, i32
  }
  func.func @transform_1(%arg0: i32) -> (i32, i32, i32) {
    %c0_i32 = arith.constant 0 : i32
    %c0_i32_0 = arith.constant 0 : i32
    %c0_i32_1 = arith.constant 0 : i32
    return %c0_i32, %arg0, %c0_i32_0 : i32, i32, i32
  }
  func.func @transform_2(%arg0: i32) -> (i32, i32) {
    %add3A = arith.constant 32 : i32
    %add3A_0 = arith.addi %arg0, %add3A : i32
    %c0_i32 = arith.constant 0 : i32
    %c0_i32_1 = arith.constant 0 : i32
    return %add3A_0, %c0_i32 : i32, i32
  }
  func.func @transform_3(%arg0: i32) -> (i32, i32) {
    %c0_i32 = arith.constant 0 : i32
    %c0_i32_0 = arith.constant 0 : i32
    %c0_i32_1 = arith.constant 0 : i32
    return %c0_i32, %c0_i32_0 : i32, i32
  }
  func.func @transform_4(%arg0: i32) -> (i32, i32) {
    %c0_i32 = arith.constant 0 : i32
    %c0_i32_0 = arith.constant 0 : i32
    %c0_i32_1 = arith.constant 0 : i32
    return %c0_i32, %c0_i32_0 : i32, i32
  }
  func.func @transform_5(%arg0: i32) -> (i32, i32) {
    %c0_i32 = arith.constant 0 : i32
    %c0_i32_0 = arith.constant 0 : i32
    %c0_i32_1 = arith.constant 0 : i32
    return %c0_i32, %c0_i32_0 : i32, i32
  }
  func.func @transform_6(%arg0: i32) -> (i32, i32) {
    %c0_i32 = arith.constant 0 : i32
    %c0_i32_0 = arith.constant 0 : i32
    %c0_i32_1 = arith.constant 0 : i32
    return %c0_i32, %c0_i32_0 : i32, i32
  }
  func.func @transform_7(%arg0: i32) -> (i32, i32) {
    %c0_i32 = arith.constant 0 : i32
    %c0_i32_0 = arith.constant 0 : i32
    %c0_i32_1 = arith.constant 0 : i32
    return %c0_i32, %c0_i32_0 : i32, i32
  }
  func.func @transform_8(%arg0: i32) -> (i32, i32) {
    %c0_i32 = arith.constant 0 : i32
    %c0_i32_0 = arith.constant 0 : i32
    %c0_i32_1 = arith.constant 0 : i32
    return %c0_i32, %c0_i32_0 : i32, i32
  }
  func.func @transform_9(%arg0: i32) -> (i32, i32) {
    %c0_i32 = arith.constant 0 : i32
    %c0_i32_0 = arith.constant 0 : i32
    %c0_i32_1 = arith.constant 0 : i32
    return %c0_i32, %c0_i32_0 : i32, i32
  }
  func.func @transform_10(%arg0: i32) -> (i32, i32) {
    %c0_i32 = arith.constant 0 : i32
    %c0_i32_0 = arith.constant 0 : i32
    %c0_i32_1 = arith.constant 0 : i32
    return %c0_i32, %c0_i32_0 : i32, i32
  }
  func.func @transform_11(%arg0: i32) -> (i32, i32) {
    %c0_i32 = arith.constant 0 : i32
    %c0_i32_0 = arith.constant 0 : i32
    %c0_i32_1 = arith.constant 0 : i32
    return %c0_i32, %c0_i32_0 : i32, i32
  }
  func.func @transform_12(%arg0: i32) -> (i32, i32) {
    %c0_i32 = arith.constant 0 : i32
    %c0_i32_0 = arith.constant 0 : i32
    %c0_i32_1 = arith.constant 0 : i32
    return %c0_i32, %c0_i32_0 : i32, i32
  }
  func.func @transform_13(%arg0: i32) -> (i32, i32) {
    %c0_i32 = arith.constant 0 : i32
    %c0_i32_0 = arith.constant 0 : i32
    %c0_i32_1 = arith.constant 0 : i32
    return %c0_i32, %c0_i32_0 : i32, i32
  }
  func.func @transform_14(%arg0: i32) -> (i32, i32) {
    %c0_i32 = arith.constant 0 : i32
    %c0_i32_0 = arith.constant 0 : i32
    %c0_i32_1 = arith.constant 0 : i32
    return %c0_i32, %c0_i32_0 : i32, i32
  }
  func.func @transform_15(%arg0: i32) -> (i32, i32) {
    %c0_i32 = arith.constant 0 : i32
    %c0_i32_0 = arith.constant 0 : i32
    %c0_i32_1 = arith.constant 0 : i32
    return %c0_i32, %c0_i32_0 : i32, i32
  }
  func.func @transform_16(%arg0: i32) -> (i32, i32) {
    %c0_i32 = arith.constant 0 : i32
    %c0_i32_0 = arith.constant 0 : i32
    %c0_i32_1 = arith.constant 0 : i32
    return %c0_i32, %c0_i32_0 : i32, i32
  }
  func.func @transform_17(%arg0: i32) -> (i32, i32) {
    %c0_i32 = arith.constant 0 : i32
    %c0_i32_0 = arith.constant 0 : i32
    %c0_i32_1 = arith.constant 0 : i32
    return %c0_i32, %c0_i32_0 : i32, i32
  }
  func.func @transform_18(%arg0: i32) -> (i32, i32) {
    %c0_i32 = arith.constant 0 : i32
    %c0_i32_0 = arith.constant 0 : i32
    %c0_i32_1 = arith.constant 0 : i32
    return %c0_i32, %c0_i32_0 : i32, i32
  }
  func.func @transform_19(%arg0: i32) -> (i32, i32) {
    %c0_i32 = arith.constant 0 : i32
    %c0_i32_0 = arith.constant 0 : i32
    %c0_i32_1 = arith.constant 0 : i32
    return %c0_i32, %c0_i32_0 : i32, i32
  }
  func.func @transform_20(%arg0: i32) -> (i32, i32) {
    %c0_i32 = arith.constant 0 : i32
    %c0_i32_0 = arith.constant 0 : i32
    %c0_i32_1 = arith.constant 0 : i32
    return %c0_i32, %c0_i32_0 : i32, i32
  }
  func.func @transform_21(%arg0: i32) -> (i32, i32) {
    %c0_i32 = arith.constant 0 : i32
    %c0_i32_0 = arith.constant 0 : i32
    %c0_i32_1 = arith.constant 0 : i32
    return %c0_i32, %c0_i32_0 : i32, i32
  }
  func.func @transform_22(%arg0: i32) -> (i32, i32) {
    %c0_i32 = arith.constant 0 : i32
    %c0_i32_0 = arith.constant 0 : i32
    %c0_i32_1 = arith.constant 0 : i32
    return %c0_i32, %c0_i32_0 : i32, i32
  }
  func.func @transform_23(%arg0: i32) -> (i32, i32) {
    %c0_i32 = arith.constant 0 : i32
    %c0_i32_0 = arith.constant 0 : i32
    %c0_i32_1 = arith.constant 0 : i32
    return %c0_i32, %c0_i32_0 : i32, i32
  }
  func.func @transform_24(%arg0: i32) -> (i32, i32) {
    %c0_i32 = arith.constant 0 : i32
    %c0_i32_0 = arith.constant 0 : i32
    %c0_i32_1 = arith.constant 0 : i32
    return %c0_i32, %c0_i32_0 : i32, i32
  }
  func.func @transform_25(%arg0: i32) -> (i32, i32) {
    %c0_i32 = arith.constant 0 : i32
    %c0_i32_0 = arith.constant 0 : i32
    %c0_i32_1 = arith.constant 0 : i32
    return %c0_i32, %c0_i32_0 : i32, i32
  }
  func.func @transform_26(%arg0: i32) -> (i32, i32) {
    %c0_i32 = arith.constant 0 : i32
    %c0_i32_0 = arith.constant 0 : i32
    %c0_i32_1 = arith.constant 0 : i32
    return %c0_i32, %c0_i32_0 : i32, i32
  }
  func.func @transform_27(%arg0: i32) -> (i32, i32) {
    %c0_i32 = arith.constant 0 : i32
    %c0_i32_0 = arith.constant 0 : i32
    return %arg0, %c0_i32 : i32, i32
  }
}

module attributes {stable_mosaic.version = 14 : i64} {
  func.func @_tc_body(%arg0: i32, %arg1: memref<400x64xf32, #tpu.memory_space<vmem>>, %arg2: memref<16x400x40xf32, #tpu.memory_space<vmem>>, %arg3: memref<400x3xf32, #tpu.memory_space<vmem>>, %arg4: memref<64x64xf32, #tpu.memory_space<vmem>>, %arg5: memref<64x64xf32, #tpu.memory_space<vmem>>, %arg6: memref<64x64xf32, #tpu.memory_space<vmem>>, %arg7: memref<1x64xf32, #tpu.memory_space<vmem>>, %arg8: memref<1x64xf32, #tpu.memory_space<vmem>>, %arg9: memref<1x64xf32, #tpu.memory_space<vmem>>, %arg10: memref<3x64xf32, #tpu.memory_space<vmem>>, %arg11: memref<1x64xf32, #tpu.memory_space<vmem>>, %arg12: memref<64x64xf32, #tpu.memory_space<vmem>>, %arg13: memref<1x64xf32, #tpu.memory_space<vmem>>, %arg14: memref<1x64xf32, #tpu.memory_space<vmem>>, %arg15: memref<1x64xf32, #tpu.memory_space<vmem>>, %arg16: memref<64x128xf32, #tpu.memory_space<vmem>>, %arg17: memref<1x128xf32, #tpu.memory_space<vmem>>, %arg18: memref<128x64xf32, #tpu.memory_space<vmem>>, %arg19: memref<1x64xf32, #tpu.memory_space<vmem>>, %arg20: memref<1x64xf32, #tpu.memory_space<vmem>>, %arg21: memref<1x64xf32, #tpu.memory_space<vmem>>, %arg22: memref<64x64xf32, #tpu.memory_space<vmem>>, %arg23: memref<1x64xf32, #tpu.memory_space<vmem>>, %arg24: memref<1x64xf32, #tpu.memory_space<vmem>>, %arg25: memref<1x64xf32, #tpu.memory_space<vmem>>, %arg26: memref<64x4xf32, #tpu.memory_space<vmem>>, %arg27: memref<4x64xf32, #tpu.memory_space<vmem>>, %arg28: memref<400x64xf32, #tpu.memory_space<vmem>>) attributes {dimension_semantics = [#tpu.dimension_semantics<arbitrary>], iteration_bounds = array<i64: 32>, scalar_prefetch = 0 : i64, scratch_operands = 0 : i64, tpu.core_type = #tpu.core_type<tc>, window_params = [{transform_indices = @transform_0, window_bounds = array<i64: 400, 64>}, {transform_indices = @transform_1, window_bounds = array<i64: 16, 400, 40>}, {transform_indices = @transform_2, window_bounds = array<i64: 400, 3>}, {pipeline_mode = #tpu.pipeline_mode<synchronous>, transform_indices = @transform_3, window_bounds = array<i64: 64, 64>}, {pipeline_mode = #tpu.pipeline_mode<synchronous>, transform_indices = @transform_4, window_bounds = array<i64: 64, 64>}, {pipeline_mode = #tpu.pipeline_mode<synchronous>, transform_indices = @transform_5, window_bounds = array<i64: 64, 64>}, {pipeline_mode = #tpu.pipeline_mode<synchronous>, transform_indices = @transform_6, window_bounds = array<i64: 1, 64>}, {pipeline_mode = #tpu.pipeline_mode<synchronous>, transform_indices = @transform_7, window_bounds = array<i64: 1, 64>}, {pipeline_mode = #tpu.pipeline_mode<synchronous>, transform_indices = @transform_8, window_bounds = array<i64: 1, 64>}, {pipeline_mode = #tpu.pipeline_mode<synchronous>, transform_indices = @transform_9, window_bounds = array<i64: 3, 64>}, {pipeline_mode = #tpu.pipeline_mode<synchronous>, transform_indices = @transform_10, window_bounds = array<i64: 1, 64>}, {pipeline_mode = #tpu.pipeline_mode<synchronous>, transform_indices = @transform_11, window_bounds = array<i64: 64, 64>}, {pipeline_mode = #tpu.pipeline_mode<synchronous>, transform_indices = @transform_12, window_bounds = array<i64: 1, 64>}, {pipeline_mode = #tpu.pipeline_mode<synchronous>, transform_indices = @transform_13, window_bounds = array<i64: 1, 64>}, {pipeline_mode = #tpu.pipeline_mode<synchronous>, transform_indices = @transform_14, window_bounds = array<i64: 1, 64>}, {pipeline_mode = #tpu.pipeline_mode<synchronous>, transform_indices = @transform_15, window_bounds = array<i64: 64, 128>}, {pipeline_mode = #tpu.pipeline_mode<synchronous>, transform_indices = @transform_16, window_bounds = array<i64: 1, 128>}, {pipeline_mode = #tpu.pipeline_mode<synchronous>, transform_indices = @transform_17, window_bounds = array<i64: 128, 64>}, {pipeline_mode = #tpu.pipeline_mode<synchronous>, transform_indices = @transform_18, window_bounds = array<i64: 1, 64>}, {pipeline_mode = #tpu.pipeline_mode<synchronous>, transform_indices = @transform_19, window_bounds = array<i64: 1, 64>}, {pipeline_mode = #tpu.pipeline_mode<synchronous>, transform_indices = @transform_20, window_bounds = array<i64: 1, 64>}, {pipeline_mode = #tpu.pipeline_mode<synchronous>, transform_indices = @transform_21, window_bounds = array<i64: 64, 64>}, {pipeline_mode = #tpu.pipeline_mode<synchronous>, transform_indices = @transform_22, window_bounds = array<i64: 1, 64>}, {pipeline_mode = #tpu.pipeline_mode<synchronous>, transform_indices = @transform_23, window_bounds = array<i64: 1, 64>}, {pipeline_mode = #tpu.pipeline_mode<synchronous>, transform_indices = @transform_24, window_bounds = array<i64: 1, 64>}, {pipeline_mode = #tpu.pipeline_mode<synchronous>, transform_indices = @transform_25, window_bounds = array<i64: 64, 4>}, {pipeline_mode = #tpu.pipeline_mode<synchronous>, transform_indices = @transform_26, window_bounds = array<i64: 4, 64>}, {transform_indices = @transform_27, window_bounds = array<i64: 400, 64>}]} {
    %get3A = arith.constant 0 : index
    %get3A_0 = arith.constant 0 : index
    %get3A_1 = vector.load %arg1[%get3A, %get3A_0] : memref<400x64xf32, #tpu.memory_space<vmem>>, vector<400x64xf32>
    %get3A_2 = arith.constant 0 : index
    %get3A_3 = arith.constant 0 : index
    %get3A_4 = vector.load %arg3[%get3A_2, %get3A_3] : memref<400x3xf32, #tpu.memory_space<vmem>>, vector<400x3xf32>
    %get3A_5 = arith.constant 0 : index
    %get3A_6 = arith.constant 0 : index
    %get3A_7 = arith.constant 0 : index
    %get3A_8 = vector.load %arg2[%get3A_5, %get3A_6, %get3A_7] : memref<16x400x40xf32, #tpu.memory_space<vmem>>, vector<16x400x40xf32>
    %reshape3A = vector.shape_cast %get3A_8 : vector<16x400x40xf32> to vector<6400x40xf32>
    %slice3A = vector.extract_strided_slice %reshape3A {offsets = [0, 0], sizes = [6400, 32], strides = [1, 1]} : vector<6400x40xf32> to vector<6400x32xf32>
    %bitcast_convert_type3A = tpu.bitcast %slice3A : vector<6400x32xf32> -> vector<6400x32xi32>
    %and3A = arith.constant 65535 : i32
    %and3A_9 = vector.broadcast %and3A : i32 to vector<6400x32xi32>
    %and3A_10 = arith.andi %bitcast_convert_type3A, %and3A_9 : vector<6400x32xi32>
    %shift_left3A = arith.constant 16 : i32
    %shift_left3A_11 = vector.broadcast %shift_left3A : i32 to vector<6400x32xi32>
    %shift_left3A_12 = arith.shli %and3A_10, %shift_left3A_11 : vector<6400x32xi32>
    %bitcast_convert_type3A_13 = tpu.bitcast %shift_left3A_12 : vector<6400x32xi32> -> vector<6400x32xf32>
    %and3A_14 = arith.constant -65536 : i32
    %and3A_15 = vector.broadcast %and3A_14 : i32 to vector<6400x32xi32>
    %and3A_16 = arith.andi %bitcast_convert_type3A, %and3A_15 : vector<6400x32xi32>
    %bitcast_convert_type3A_17 = tpu.bitcast %and3A_16 : vector<6400x32xi32> -> vector<6400x32xf32>
    %concatenate3A = tpu.concatenate %bitcast_convert_type3A_13, %bitcast_convert_type3A_17 in 1 : vector<6400x32xf32>, vector<6400x32xf32> -> vector<6400x64xf32>
    %slice3A_18 = vector.extract_strided_slice %reshape3A {offsets = [0, 32], sizes = [6400, 3], strides = [1, 1]} : vector<6400x40xf32> to vector<6400x3xf32>
    %slice3A_19 = vector.extract_strided_slice %reshape3A {offsets = [0, 35], sizes = [6400, 1], strides = [1, 1]} : vector<6400x40xf32> to vector<6400x1xf32>
    %concatenate3A_20 = tpu.concatenate %get3A_4, %get3A_4, %get3A_4, %get3A_4, %get3A_4, %get3A_4, %get3A_4, %get3A_4, %get3A_4, %get3A_4, %get3A_4, %get3A_4, %get3A_4, %get3A_4, %get3A_4, %get3A_4 in 0 : vector<400x3xf32>, vector<400x3xf32>, vector<400x3xf32>, vector<400x3xf32>, vector<400x3xf32>, vector<400x3xf32>, vector<400x3xf32>, vector<400x3xf32>, vector<400x3xf32>, vector<400x3xf32>, vector<400x3xf32>, vector<400x3xf32>, vector<400x3xf32>, vector<400x3xf32>, vector<400x3xf32>, vector<400x3xf32> -> vector<6400x3xf32>
    %sub3A = arith.subf %slice3A_18, %concatenate3A_20 : vector<6400x3xf32>
    %get3A_21 = arith.constant 0 : index
    %get3A_22 = arith.constant 0 : index
    %get3A_23 = vector.load %arg10[%get3A_21, %get3A_22] : memref<3x64xf32, #tpu.memory_space<vmem>>, vector<3x64xf32>
    %dot_general3A = arith.constant dense<0.000000e+00> : vector<6400x64xf32>
    %dot_general3A_24 = tpu.matmul %sub3A, %get3A_23, %dot_general3A {dimension_numbers = #tpu.dot_dimension_numbers<[1], [0], [0], [1], [0, 0, 1, 1], [], []>, transpose_lhs_hint = false} : vector<6400x3xf32>, vector<3x64xf32>, vector<6400x64xf32> -> vector<6400x64xf32>
    %get3A_25 = arith.constant 0 : index
    %get3A_26 = arith.constant 0 : index
    %get3A_27 = vector.load %arg11[%get3A_25, %get3A_26] : memref<1x64xf32, #tpu.memory_space<vmem>>, vector<1x64xf32>
    %add3A = vector.broadcast %get3A_27 : vector<1x64xf32> to vector<6400x64xf32>
    %add3A_28 = arith.addf %dot_general3A_24, %add3A : vector<6400x64xf32>
    %max3A = arith.constant 0.000000e+00 : f32
    %max3A_29 = vector.broadcast %max3A : f32 to vector<6400x64xf32>
    %max3A_30 = arith.maximumf %add3A_28, %max3A_29 : vector<6400x64xf32>
    %add3A_31 = arith.addf %concatenate3A, %max3A_30 : vector<6400x64xf32>
    %get3A_32 = arith.constant 0 : index
    %get3A_33 = arith.constant 0 : index
    %get3A_34 = vector.load %arg5[%get3A_32, %get3A_33] : memref<64x64xf32, #tpu.memory_space<vmem>>, vector<64x64xf32>
    %dot_general3A_35 = arith.constant dense<0.000000e+00> : vector<6400x64xf32>
    %dot_general3A_36 = tpu.matmul %add3A_31, %get3A_34, %dot_general3A_35 {dimension_numbers = #tpu.dot_dimension_numbers<[1], [0], [0], [1], [0, 0, 1, 1], [], []>, transpose_lhs_hint = false} : vector<6400x64xf32>, vector<64x64xf32>, vector<6400x64xf32> -> vector<6400x64xf32>
    %get3A_37 = arith.constant 0 : index
    %get3A_38 = arith.constant 0 : index
    %get3A_39 = vector.load %arg8[%get3A_37, %get3A_38] : memref<1x64xf32, #tpu.memory_space<vmem>>, vector<1x64xf32>
    %add3A_40 = vector.broadcast %get3A_39 : vector<1x64xf32> to vector<6400x64xf32>
    %add3A_41 = arith.addf %dot_general3A_36, %add3A_40 : vector<6400x64xf32>
    %get3A_42 = arith.constant 0 : index
    %get3A_43 = arith.constant 0 : index
    %get3A_44 = vector.load %arg6[%get3A_42, %get3A_43] : memref<64x64xf32, #tpu.memory_space<vmem>>, vector<64x64xf32>
    %dot_general3A_45 = arith.constant dense<0.000000e+00> : vector<6400x64xf32>
    %dot_general3A_46 = tpu.matmul %add3A_31, %get3A_44, %dot_general3A_45 {dimension_numbers = #tpu.dot_dimension_numbers<[1], [0], [0], [1], [0, 0, 1, 1], [], []>, transpose_lhs_hint = false} : vector<6400x64xf32>, vector<64x64xf32>, vector<6400x64xf32> -> vector<6400x64xf32>
    %get3A_47 = arith.constant 0 : index
    %get3A_48 = arith.constant 0 : index
    %get3A_49 = vector.load %arg9[%get3A_47, %get3A_48] : memref<1x64xf32, #tpu.memory_space<vmem>>, vector<1x64xf32>
    %add3A_50 = vector.broadcast %get3A_49 : vector<1x64xf32> to vector<6400x64xf32>
    %add3A_51 = arith.addf %dot_general3A_46, %add3A_50 : vector<6400x64xf32>
    %get3A_52 = arith.constant 0 : index
    %get3A_53 = arith.constant 0 : index
    %get3A_54 = vector.load %arg4[%get3A_52, %get3A_53] : memref<64x64xf32, #tpu.memory_space<vmem>>, vector<64x64xf32>
    %dot_general3A_55 = arith.constant dense<0.000000e+00> : vector<400x64xf32>
    %dot_general3A_56 = tpu.matmul %get3A_1, %get3A_54, %dot_general3A_55 {dimension_numbers = #tpu.dot_dimension_numbers<[1], [0], [0], [1], [0, 0, 1, 1], [], []>, transpose_lhs_hint = false} : vector<400x64xf32>, vector<64x64xf32>, vector<400x64xf32> -> vector<400x64xf32>
    %get3A_57 = arith.constant 0 : index
    %get3A_58 = arith.constant 0 : index
    %get3A_59 = vector.load %arg7[%get3A_57, %get3A_58] : memref<1x64xf32, #tpu.memory_space<vmem>>, vector<1x64xf32>
    %add3A_60 = vector.broadcast %get3A_59 : vector<1x64xf32> to vector<400x64xf32>
    %add3A_61 = arith.addf %dot_general3A_56, %add3A_60 : vector<400x64xf32>
    %mul3A = arith.constant 2.500000e-01 : f32
    %mul3A_62 = vector.broadcast %mul3A : f32 to vector<400x64xf32>
    %mul3A_63 = arith.mulf %add3A_61, %mul3A_62 : vector<400x64xf32>
    %concatenate3A_64 = tpu.concatenate %mul3A_63, %mul3A_63, %mul3A_63, %mul3A_63, %mul3A_63, %mul3A_63, %mul3A_63, %mul3A_63, %mul3A_63, %mul3A_63, %mul3A_63, %mul3A_63, %mul3A_63, %mul3A_63, %mul3A_63, %mul3A_63 in 0 : vector<400x64xf32>, vector<400x64xf32>, vector<400x64xf32>, vector<400x64xf32>, vector<400x64xf32>, vector<400x64xf32>, vector<400x64xf32>, vector<400x64xf32>, vector<400x64xf32>, vector<400x64xf32>, vector<400x64xf32>, vector<400x64xf32>, vector<400x64xf32>, vector<400x64xf32>, vector<400x64xf32>, vector<400x64xf32> -> vector<6400x64xf32>
    %mul3A_65 = arith.mulf %concatenate3A_64, %add3A_41 : vector<6400x64xf32>
    %get3A_66 = arith.constant 0 : index
    %get3A_67 = arith.constant 0 : index
    %get3A_68 = vector.load %arg26[%get3A_66, %get3A_67] : memref<64x4xf32, #tpu.memory_space<vmem>>, vector<64x4xf32>
    %dot_general3A_69 = arith.constant dense<0.000000e+00> : vector<6400x4xf32>
    %dot_general3A_70 = tpu.matmul %mul3A_65, %get3A_68, %dot_general3A_69 {dimension_numbers = #tpu.dot_dimension_numbers<[1], [0], [0], [1], [0, 0, 1, 1], [], []>, transpose_lhs_hint = false} : vector<6400x64xf32>, vector<64x4xf32>, vector<6400x4xf32> -> vector<6400x4xf32>
    %gt3A = arith.constant 0.000000e+00 : f32
    %gt3A_71 = vector.broadcast %gt3A : f32 to vector<6400x1xf32>
    %gt3A_72 = arith.cmpf ogt, %slice3A_19, %gt3A_71 : vector<6400x1xf32>
    %jit3A = arith.constant -1.000000e+09 : f32
    %broadcast_in_dim3A = vector.shape_cast %gt3A_72 : vector<6400x1xi1> to vector<6400x1xi1>
    %broadcast_in_dim3A_73 = vector.broadcast %broadcast_in_dim3A : vector<6400x1xi1> to vector<6400x4xi1>
    %broadcast_in_dim3A_74 = vector.broadcast %jit3A : f32 to vector<6400x4xf32>
    %select_n3A = arith.select %broadcast_in_dim3A_73, %broadcast_in_dim3A_74, %dot_general3A_70 : vector<6400x4xi1>, vector<6400x4xf32>
    %slice3A_75 = vector.extract_strided_slice %select_n3A {offsets = [0, 0], sizes = [400, 4], strides = [1, 1]} : vector<6400x4xf32> to vector<400x4xf32>
    %slice3A_76 = vector.extract_strided_slice %select_n3A {offsets = [400, 0], sizes = [400, 4], strides = [1, 1]} : vector<6400x4xf32> to vector<400x4xf32>
    %slice3A_77 = vector.extract_strided_slice %select_n3A {offsets = [800, 0], sizes = [400, 4], strides = [1, 1]} : vector<6400x4xf32> to vector<400x4xf32>
    %slice3A_78 = vector.extract_strided_slice %select_n3A {offsets = [1200, 0], sizes = [400, 4], strides = [1, 1]} : vector<6400x4xf32> to vector<400x4xf32>
    %slice3A_79 = vector.extract_strided_slice %select_n3A {offsets = [1600, 0], sizes = [400, 4], strides = [1, 1]} : vector<6400x4xf32> to vector<400x4xf32>
    %slice3A_80 = vector.extract_strided_slice %select_n3A {offsets = [2000, 0], sizes = [400, 4], strides = [1, 1]} : vector<6400x4xf32> to vector<400x4xf32>
    %slice3A_81 = vector.extract_strided_slice %select_n3A {offsets = [2400, 0], sizes = [400, 4], strides = [1, 1]} : vector<6400x4xf32> to vector<400x4xf32>
    %slice3A_82 = vector.extract_strided_slice %select_n3A {offsets = [2800, 0], sizes = [400, 4], strides = [1, 1]} : vector<6400x4xf32> to vector<400x4xf32>
    %slice3A_83 = vector.extract_strided_slice %select_n3A {offsets = [3200, 0], sizes = [400, 4], strides = [1, 1]} : vector<6400x4xf32> to vector<400x4xf32>
    %slice3A_84 = vector.extract_strided_slice %select_n3A {offsets = [3600, 0], sizes = [400, 4], strides = [1, 1]} : vector<6400x4xf32> to vector<400x4xf32>
    %slice3A_85 = vector.extract_strided_slice %select_n3A {offsets = [4000, 0], sizes = [400, 4], strides = [1, 1]} : vector<6400x4xf32> to vector<400x4xf32>
    %slice3A_86 = vector.extract_strided_slice %select_n3A {offsets = [4400, 0], sizes = [400, 4], strides = [1, 1]} : vector<6400x4xf32> to vector<400x4xf32>
    %slice3A_87 = vector.extract_strided_slice %select_n3A {offsets = [4800, 0], sizes = [400, 4], strides = [1, 1]} : vector<6400x4xf32> to vector<400x4xf32>
    %slice3A_88 = vector.extract_strided_slice %select_n3A {offsets = [5200, 0], sizes = [400, 4], strides = [1, 1]} : vector<6400x4xf32> to vector<400x4xf32>
    %slice3A_89 = vector.extract_strided_slice %select_n3A {offsets = [5600, 0], sizes = [400, 4], strides = [1, 1]} : vector<6400x4xf32> to vector<400x4xf32>
    %slice3A_90 = vector.extract_strided_slice %select_n3A {offsets = [6000, 0], sizes = [400, 4], strides = [1, 1]} : vector<6400x4xf32> to vector<400x4xf32>
    %max3A_91 = arith.maximumf %slice3A_75, %slice3A_76 : vector<400x4xf32>
    %max3A_92 = arith.maximumf %max3A_91, %slice3A_77 : vector<400x4xf32>
    %max3A_93 = arith.maximumf %max3A_92, %slice3A_78 : vector<400x4xf32>
    %max3A_94 = arith.maximumf %max3A_93, %slice3A_79 : vector<400x4xf32>
    %max3A_95 = arith.maximumf %max3A_94, %slice3A_80 : vector<400x4xf32>
    %max3A_96 = arith.maximumf %max3A_95, %slice3A_81 : vector<400x4xf32>
    %max3A_97 = arith.maximumf %max3A_96, %slice3A_82 : vector<400x4xf32>
    %max3A_98 = arith.maximumf %max3A_97, %slice3A_83 : vector<400x4xf32>
    %max3A_99 = arith.maximumf %max3A_98, %slice3A_84 : vector<400x4xf32>
    %max3A_100 = arith.maximumf %max3A_99, %slice3A_85 : vector<400x4xf32>
    %max3A_101 = arith.maximumf %max3A_100, %slice3A_86 : vector<400x4xf32>
    %max3A_102 = arith.maximumf %max3A_101, %slice3A_87 : vector<400x4xf32>
    %max3A_103 = arith.maximumf %max3A_102, %slice3A_88 : vector<400x4xf32>
    %max3A_104 = arith.maximumf %max3A_103, %slice3A_89 : vector<400x4xf32>
    %max3A_105 = arith.maximumf %max3A_104, %slice3A_90 : vector<400x4xf32>
    %sub3A_106 = arith.subf %slice3A_75, %max3A_105 : vector<400x4xf32>
    %exp3A = math.exp %sub3A_106 : vector<400x4xf32>
    %sub3A_107 = arith.subf %slice3A_76, %max3A_105 : vector<400x4xf32>
    %exp3A_108 = math.exp %sub3A_107 : vector<400x4xf32>
    %sub3A_109 = arith.subf %slice3A_77, %max3A_105 : vector<400x4xf32>
    %exp3A_110 = math.exp %sub3A_109 : vector<400x4xf32>
    %sub3A_111 = arith.subf %slice3A_78, %max3A_105 : vector<400x4xf32>
    %exp3A_112 = math.exp %sub3A_111 : vector<400x4xf32>
    %sub3A_113 = arith.subf %slice3A_79, %max3A_105 : vector<400x4xf32>
    %exp3A_114 = math.exp %sub3A_113 : vector<400x4xf32>
    %sub3A_115 = arith.subf %slice3A_80, %max3A_105 : vector<400x4xf32>
    %exp3A_116 = math.exp %sub3A_115 : vector<400x4xf32>
    %sub3A_117 = arith.subf %slice3A_81, %max3A_105 : vector<400x4xf32>
    %exp3A_118 = math.exp %sub3A_117 : vector<400x4xf32>
    %sub3A_119 = arith.subf %slice3A_82, %max3A_105 : vector<400x4xf32>
    %exp3A_120 = math.exp %sub3A_119 : vector<400x4xf32>
    %sub3A_121 = arith.subf %slice3A_83, %max3A_105 : vector<400x4xf32>
    %exp3A_122 = math.exp %sub3A_121 : vector<400x4xf32>
    %sub3A_123 = arith.subf %slice3A_84, %max3A_105 : vector<400x4xf32>
    %exp3A_124 = math.exp %sub3A_123 : vector<400x4xf32>
    %sub3A_125 = arith.subf %slice3A_85, %max3A_105 : vector<400x4xf32>
    %exp3A_126 = math.exp %sub3A_125 : vector<400x4xf32>
    %sub3A_127 = arith.subf %slice3A_86, %max3A_105 : vector<400x4xf32>
    %exp3A_128 = math.exp %sub3A_127 : vector<400x4xf32>
    %sub3A_129 = arith.subf %slice3A_87, %max3A_105 : vector<400x4xf32>
    %exp3A_130 = math.exp %sub3A_129 : vector<400x4xf32>
    %sub3A_131 = arith.subf %slice3A_88, %max3A_105 : vector<400x4xf32>
    %exp3A_132 = math.exp %sub3A_131 : vector<400x4xf32>
    %sub3A_133 = arith.subf %slice3A_89, %max3A_105 : vector<400x4xf32>
    %exp3A_134 = math.exp %sub3A_133 : vector<400x4xf32>
    %sub3A_135 = arith.subf %slice3A_90, %max3A_105 : vector<400x4xf32>
    %exp3A_136 = math.exp %sub3A_135 : vector<400x4xf32>
    %add3A_137 = arith.addf %exp3A, %exp3A_108 : vector<400x4xf32>
    %add3A_138 = arith.addf %add3A_137, %exp3A_110 : vector<400x4xf32>
    %add3A_139 = arith.addf %add3A_138, %exp3A_112 : vector<400x4xf32>
    %add3A_140 = arith.addf %add3A_139, %exp3A_114 : vector<400x4xf32>
    %add3A_141 = arith.addf %add3A_140, %exp3A_116 : vector<400x4xf32>
    %add3A_142 = arith.addf %add3A_141, %exp3A_118 : vector<400x4xf32>
    %add3A_143 = arith.addf %add3A_142, %exp3A_120 : vector<400x4xf32>
    %add3A_144 = arith.addf %add3A_143, %exp3A_122 : vector<400x4xf32>
    %add3A_145 = arith.addf %add3A_144, %exp3A_124 : vector<400x4xf32>
    %add3A_146 = arith.addf %add3A_145, %exp3A_126 : vector<400x4xf32>
    %add3A_147 = arith.addf %add3A_146, %exp3A_128 : vector<400x4xf32>
    %add3A_148 = arith.addf %add3A_147, %exp3A_130 : vector<400x4xf32>
    %add3A_149 = arith.addf %add3A_148, %exp3A_132 : vector<400x4xf32>
    %add3A_150 = arith.addf %add3A_149, %exp3A_134 : vector<400x4xf32>
    %add3A_151 = arith.addf %add3A_150, %exp3A_136 : vector<400x4xf32>
    %div3A = arith.constant 1.000000e+00 : f32
    %div3A_152 = vector.broadcast %div3A : f32 to vector<400x4xf32>
    %div3A_153 = arith.divf %div3A_152, %add3A_151 : vector<400x4xf32>
    %mul3A_154 = arith.mulf %exp3A, %div3A_153 : vector<400x4xf32>
    %mul3A_155 = arith.mulf %exp3A_108, %div3A_153 : vector<400x4xf32>
    %mul3A_156 = arith.mulf %exp3A_110, %div3A_153 : vector<400x4xf32>
    %mul3A_157 = arith.mulf %exp3A_112, %div3A_153 : vector<400x4xf32>
    %mul3A_158 = arith.mulf %exp3A_114, %div3A_153 : vector<400x4xf32>
    %mul3A_159 = arith.mulf %exp3A_116, %div3A_153 : vector<400x4xf32>
    %mul3A_160 = arith.mulf %exp3A_118, %div3A_153 : vector<400x4xf32>
    %mul3A_161 = arith.mulf %exp3A_120, %div3A_153 : vector<400x4xf32>
    %mul3A_162 = arith.mulf %exp3A_122, %div3A_153 : vector<400x4xf32>
    %mul3A_163 = arith.mulf %exp3A_124, %div3A_153 : vector<400x4xf32>
    %mul3A_164 = arith.mulf %exp3A_126, %div3A_153 : vector<400x4xf32>
    %mul3A_165 = arith.mulf %exp3A_128, %div3A_153 : vector<400x4xf32>
    %mul3A_166 = arith.mulf %exp3A_130, %div3A_153 : vector<400x4xf32>
    %mul3A_167 = arith.mulf %exp3A_132, %div3A_153 : vector<400x4xf32>
    %mul3A_168 = arith.mulf %exp3A_134, %div3A_153 : vector<400x4xf32>
    %mul3A_169 = arith.mulf %exp3A_136, %div3A_153 : vector<400x4xf32>
    %concatenate3A_170 = tpu.concatenate %mul3A_154, %mul3A_155, %mul3A_156, %mul3A_157, %mul3A_158, %mul3A_159, %mul3A_160, %mul3A_161, %mul3A_162, %mul3A_163, %mul3A_164, %mul3A_165, %mul3A_166, %mul3A_167, %mul3A_168, %mul3A_169 in 0 : vector<400x4xf32>, vector<400x4xf32>, vector<400x4xf32>, vector<400x4xf32>, vector<400x4xf32>, vector<400x4xf32>, vector<400x4xf32>, vector<400x4xf32>, vector<400x4xf32>, vector<400x4xf32>, vector<400x4xf32>, vector<400x4xf32>, vector<400x4xf32>, vector<400x4xf32>, vector<400x4xf32>, vector<400x4xf32> -> vector<6400x4xf32>
    %get3A_171 = arith.constant 0 : index
    %get3A_172 = arith.constant 0 : index
    %get3A_173 = vector.load %arg27[%get3A_171, %get3A_172] : memref<4x64xf32, #tpu.memory_space<vmem>>, vector<4x64xf32>
    %dot_general3A_174 = arith.constant dense<0.000000e+00> : vector<6400x64xf32>
    %dot_general3A_175 = tpu.matmul %concatenate3A_170, %get3A_173, %dot_general3A_174 {dimension_numbers = #tpu.dot_dimension_numbers<[1], [0], [0], [1], [0, 0, 1, 1], [], []>, transpose_lhs_hint = false} : vector<6400x4xf32>, vector<4x64xf32>, vector<6400x64xf32> -> vector<6400x64xf32>
    %mul3A_176 = arith.mulf %dot_general3A_175, %add3A_51 : vector<6400x64xf32>
    %slice3A_177 = vector.extract_strided_slice %mul3A_176 {offsets = [0, 0], sizes = [400, 64], strides = [1, 1]} : vector<6400x64xf32> to vector<400x64xf32>
    %slice3A_178 = vector.extract_strided_slice %mul3A_176 {offsets = [400, 0], sizes = [400, 64], strides = [1, 1]} : vector<6400x64xf32> to vector<400x64xf32>
    %add3A_179 = arith.addf %slice3A_177, %slice3A_178 : vector<400x64xf32>
    %slice3A_180 = vector.extract_strided_slice %mul3A_176 {offsets = [800, 0], sizes = [400, 64], strides = [1, 1]} : vector<6400x64xf32> to vector<400x64xf32>
    %add3A_181 = arith.addf %add3A_179, %slice3A_180 : vector<400x64xf32>
    %slice3A_182 = vector.extract_strided_slice %mul3A_176 {offsets = [1200, 0], sizes = [400, 64], strides = [1, 1]} : vector<6400x64xf32> to vector<400x64xf32>
    %add3A_183 = arith.addf %add3A_181, %slice3A_182 : vector<400x64xf32>
    %slice3A_184 = vector.extract_strided_slice %mul3A_176 {offsets = [1600, 0], sizes = [400, 64], strides = [1, 1]} : vector<6400x64xf32> to vector<400x64xf32>
    %add3A_185 = arith.addf %add3A_183, %slice3A_184 : vector<400x64xf32>
    %slice3A_186 = vector.extract_strided_slice %mul3A_176 {offsets = [2000, 0], sizes = [400, 64], strides = [1, 1]} : vector<6400x64xf32> to vector<400x64xf32>
    %add3A_187 = arith.addf %add3A_185, %slice3A_186 : vector<400x64xf32>
    %slice3A_188 = vector.extract_strided_slice %mul3A_176 {offsets = [2400, 0], sizes = [400, 64], strides = [1, 1]} : vector<6400x64xf32> to vector<400x64xf32>
    %add3A_189 = arith.addf %add3A_187, %slice3A_188 : vector<400x64xf32>
    %slice3A_190 = vector.extract_strided_slice %mul3A_176 {offsets = [2800, 0], sizes = [400, 64], strides = [1, 1]} : vector<6400x64xf32> to vector<400x64xf32>
    %add3A_191 = arith.addf %add3A_189, %slice3A_190 : vector<400x64xf32>
    %slice3A_192 = vector.extract_strided_slice %mul3A_176 {offsets = [3200, 0], sizes = [400, 64], strides = [1, 1]} : vector<6400x64xf32> to vector<400x64xf32>
    %add3A_193 = arith.addf %add3A_191, %slice3A_192 : vector<400x64xf32>
    %slice3A_194 = vector.extract_strided_slice %mul3A_176 {offsets = [3600, 0], sizes = [400, 64], strides = [1, 1]} : vector<6400x64xf32> to vector<400x64xf32>
    %add3A_195 = arith.addf %add3A_193, %slice3A_194 : vector<400x64xf32>
    %slice3A_196 = vector.extract_strided_slice %mul3A_176 {offsets = [4000, 0], sizes = [400, 64], strides = [1, 1]} : vector<6400x64xf32> to vector<400x64xf32>
    %add3A_197 = arith.addf %add3A_195, %slice3A_196 : vector<400x64xf32>
    %slice3A_198 = vector.extract_strided_slice %mul3A_176 {offsets = [4400, 0], sizes = [400, 64], strides = [1, 1]} : vector<6400x64xf32> to vector<400x64xf32>
    %add3A_199 = arith.addf %add3A_197, %slice3A_198 : vector<400x64xf32>
    %slice3A_200 = vector.extract_strided_slice %mul3A_176 {offsets = [4800, 0], sizes = [400, 64], strides = [1, 1]} : vector<6400x64xf32> to vector<400x64xf32>
    %add3A_201 = arith.addf %add3A_199, %slice3A_200 : vector<400x64xf32>
    %slice3A_202 = vector.extract_strided_slice %mul3A_176 {offsets = [5200, 0], sizes = [400, 64], strides = [1, 1]} : vector<6400x64xf32> to vector<400x64xf32>
    %add3A_203 = arith.addf %add3A_201, %slice3A_202 : vector<400x64xf32>
    %slice3A_204 = vector.extract_strided_slice %mul3A_176 {offsets = [5600, 0], sizes = [400, 64], strides = [1, 1]} : vector<6400x64xf32> to vector<400x64xf32>
    %add3A_205 = arith.addf %add3A_203, %slice3A_204 : vector<400x64xf32>
    %slice3A_206 = vector.extract_strided_slice %mul3A_176 {offsets = [6000, 0], sizes = [400, 64], strides = [1, 1]} : vector<6400x64xf32> to vector<400x64xf32>
    %add3A_207 = arith.addf %add3A_205, %slice3A_206 : vector<400x64xf32>
    %get3A_208 = arith.constant 0 : index
    %get3A_209 = arith.constant 0 : index
    %get3A_210 = vector.load %arg12[%get3A_208, %get3A_209] : memref<64x64xf32, #tpu.memory_space<vmem>>, vector<64x64xf32>
    %dot_general3A_211 = arith.constant dense<0.000000e+00> : vector<400x64xf32>
    %dot_general3A_212 = tpu.matmul %add3A_207, %get3A_210, %dot_general3A_211 {dimension_numbers = #tpu.dot_dimension_numbers<[1], [0], [0], [1], [0, 0, 1, 1], [], []>, transpose_lhs_hint = false} : vector<400x64xf32>, vector<64x64xf32>, vector<400x64xf32> -> vector<400x64xf32>
    %get3A_213 = arith.constant 0 : index
    %get3A_214 = arith.constant 0 : index
    %get3A_215 = vector.load %arg13[%get3A_213, %get3A_214] : memref<1x64xf32, #tpu.memory_space<vmem>>, vector<1x64xf32>
    %add3A_216 = vector.broadcast %get3A_215 : vector<1x64xf32> to vector<400x64xf32>
    %add3A_217 = arith.addf %dot_general3A_212, %add3A_216 : vector<400x64xf32>
    %add3A_218 = arith.addf %get3A_1, %add3A_217 : vector<400x64xf32>
    %get3A_219 = arith.constant 0 : index
    %get3A_220 = arith.constant 0 : index
    %get3A_221 = vector.load %arg14[%get3A_219, %get3A_220] : memref<1x64xf32, #tpu.memory_space<vmem>>, vector<1x64xf32>
    %get3A_222 = arith.constant 0 : index
    %get3A_223 = arith.constant 0 : index
    %get3A_224 = vector.load %arg15[%get3A_222, %get3A_223] : memref<1x64xf32, #tpu.memory_space<vmem>>, vector<1x64xf32>
    %reduce_sum3A = arith.constant dense<0.000000e+00> : vector<400xf32>
    %reduce_sum3A_225 = vector.multi_reduction <add>, %add3A_218, %reduce_sum3A [1] : vector<400x64xf32> to vector<400xf32>
    %broadcast_in_dim3A_226 = vector.shape_cast %reduce_sum3A_225 : vector<400xf32> to vector<400x1xf32>
    %div3A_227 = arith.constant 6.400000e+01 : f32
    %div3A_228 = vector.broadcast %div3A_227 : f32 to vector<400x1xf32>
    %div3A_229 = arith.divf %broadcast_in_dim3A_226, %div3A_228 : vector<400x1xf32>
    %sub3A_230 = vector.broadcast %div3A_229 : vector<400x1xf32> to vector<400x64xf32>
    %sub3A_231 = arith.subf %add3A_218, %sub3A_230 : vector<400x64xf32>
    %mul3A_232 = arith.mulf %sub3A_231, %sub3A_231 : vector<400x64xf32>
    %reduce_sum3A_233 = arith.constant dense<0.000000e+00> : vector<400xf32>
    %reduce_sum3A_234 = vector.multi_reduction <add>, %mul3A_232, %reduce_sum3A_233 [1] : vector<400x64xf32> to vector<400xf32>
    %broadcast_in_dim3A_235 = vector.shape_cast %reduce_sum3A_234 : vector<400xf32> to vector<400x1xf32>
    %div3A_236 = arith.constant 6.400000e+01 : f32
    %div3A_237 = vector.broadcast %div3A_236 : f32 to vector<400x1xf32>
    %div3A_238 = arith.divf %broadcast_in_dim3A_235, %div3A_237 : vector<400x1xf32>
    %add3A_239 = arith.constant 9.99999974E-6 : f32
    %add3A_240 = vector.broadcast %add3A_239 : f32 to vector<400x1xf32>
    %add3A_241 = arith.addf %div3A_238, %add3A_240 : vector<400x1xf32>
    %rsqrt3A = math.rsqrt %add3A_241 : vector<400x1xf32>
    %mul3A_242 = vector.broadcast %rsqrt3A : vector<400x1xf32> to vector<400x64xf32>
    %mul3A_243 = arith.mulf %sub3A_231, %mul3A_242 : vector<400x64xf32>
    %mul3A_244 = vector.broadcast %get3A_221 : vector<1x64xf32> to vector<400x64xf32>
    %mul3A_245 = arith.mulf %mul3A_243, %mul3A_244 : vector<400x64xf32>
    %add3A_246 = vector.broadcast %get3A_224 : vector<1x64xf32> to vector<400x64xf32>
    %add3A_247 = arith.addf %mul3A_245, %add3A_246 : vector<400x64xf32>
    %get3A_248 = arith.constant 0 : index
    %get3A_249 = arith.constant 0 : index
    %get3A_250 = vector.load %arg16[%get3A_248, %get3A_249] : memref<64x128xf32, #tpu.memory_space<vmem>>, vector<64x128xf32>
    %dot_general3A_251 = arith.constant dense<0.000000e+00> : vector<400x128xf32>
    %dot_general3A_252 = tpu.matmul %add3A_247, %get3A_250, %dot_general3A_251 {dimension_numbers = #tpu.dot_dimension_numbers<[1], [0], [0], [1], [0, 0, 1, 1], [], []>, transpose_lhs_hint = false} : vector<400x64xf32>, vector<64x128xf32>, vector<400x128xf32> -> vector<400x128xf32>
    %get3A_253 = arith.constant 0 : index
    %get3A_254 = arith.constant 0 : index
    %get3A_255 = vector.load %arg17[%get3A_253, %get3A_254] : memref<1x128xf32, #tpu.memory_space<vmem>>, vector<1x128xf32>
    %add3A_256 = vector.broadcast %get3A_255 : vector<1x128xf32> to vector<400x128xf32>
    %add3A_257 = arith.addf %dot_general3A_252, %add3A_256 : vector<400x128xf32>
    %max3A_258 = arith.constant 0.000000e+00 : f32
    %max3A_259 = vector.broadcast %max3A_258 : f32 to vector<400x128xf32>
    %max3A_260 = arith.maximumf %add3A_257, %max3A_259 : vector<400x128xf32>
    %get3A_261 = arith.constant 0 : index
    %get3A_262 = arith.constant 0 : index
    %get3A_263 = vector.load %arg18[%get3A_261, %get3A_262] : memref<128x64xf32, #tpu.memory_space<vmem>>, vector<128x64xf32>
    %dot_general3A_264 = arith.constant dense<0.000000e+00> : vector<400x64xf32>
    %dot_general3A_265 = tpu.matmul %max3A_260, %get3A_263, %dot_general3A_264 {dimension_numbers = #tpu.dot_dimension_numbers<[1], [0], [0], [1], [0, 0, 1, 1], [], []>, transpose_lhs_hint = false} : vector<400x128xf32>, vector<128x64xf32>, vector<400x64xf32> -> vector<400x64xf32>
    %get3A_266 = arith.constant 0 : index
    %get3A_267 = arith.constant 0 : index
    %get3A_268 = vector.load %arg19[%get3A_266, %get3A_267] : memref<1x64xf32, #tpu.memory_space<vmem>>, vector<1x64xf32>
    %add3A_269 = vector.broadcast %get3A_268 : vector<1x64xf32> to vector<400x64xf32>
    %add3A_270 = arith.addf %dot_general3A_265, %add3A_269 : vector<400x64xf32>
    %add3A_271 = arith.addf %add3A_247, %add3A_270 : vector<400x64xf32>
    %get3A_272 = arith.constant 0 : index
    %get3A_273 = arith.constant 0 : index
    %get3A_274 = vector.load %arg20[%get3A_272, %get3A_273] : memref<1x64xf32, #tpu.memory_space<vmem>>, vector<1x64xf32>
    %get3A_275 = arith.constant 0 : index
    %get3A_276 = arith.constant 0 : index
    %get3A_277 = vector.load %arg21[%get3A_275, %get3A_276] : memref<1x64xf32, #tpu.memory_space<vmem>>, vector<1x64xf32>
    %reduce_sum3A_278 = arith.constant dense<0.000000e+00> : vector<400xf32>
    %reduce_sum3A_279 = vector.multi_reduction <add>, %add3A_271, %reduce_sum3A_278 [1] : vector<400x64xf32> to vector<400xf32>
    %broadcast_in_dim3A_280 = vector.shape_cast %reduce_sum3A_279 : vector<400xf32> to vector<400x1xf32>
    %div3A_281 = arith.constant 6.400000e+01 : f32
    %div3A_282 = vector.broadcast %div3A_281 : f32 to vector<400x1xf32>
    %div3A_283 = arith.divf %broadcast_in_dim3A_280, %div3A_282 : vector<400x1xf32>
    %sub3A_284 = vector.broadcast %div3A_283 : vector<400x1xf32> to vector<400x64xf32>
    %sub3A_285 = arith.subf %add3A_271, %sub3A_284 : vector<400x64xf32>
    %mul3A_286 = arith.mulf %sub3A_285, %sub3A_285 : vector<400x64xf32>
    %reduce_sum3A_287 = arith.constant dense<0.000000e+00> : vector<400xf32>
    %reduce_sum3A_288 = vector.multi_reduction <add>, %mul3A_286, %reduce_sum3A_287 [1] : vector<400x64xf32> to vector<400xf32>
    %broadcast_in_dim3A_289 = vector.shape_cast %reduce_sum3A_288 : vector<400xf32> to vector<400x1xf32>
    %div3A_290 = arith.constant 6.400000e+01 : f32
    %div3A_291 = vector.broadcast %div3A_290 : f32 to vector<400x1xf32>
    %div3A_292 = arith.divf %broadcast_in_dim3A_289, %div3A_291 : vector<400x1xf32>
    %add3A_293 = arith.constant 9.99999974E-6 : f32
    %add3A_294 = vector.broadcast %add3A_293 : f32 to vector<400x1xf32>
    %add3A_295 = arith.addf %div3A_292, %add3A_294 : vector<400x1xf32>
    %rsqrt3A_296 = math.rsqrt %add3A_295 : vector<400x1xf32>
    %mul3A_297 = vector.broadcast %rsqrt3A_296 : vector<400x1xf32> to vector<400x64xf32>
    %mul3A_298 = arith.mulf %sub3A_285, %mul3A_297 : vector<400x64xf32>
    %mul3A_299 = vector.broadcast %get3A_274 : vector<1x64xf32> to vector<400x64xf32>
    %mul3A_300 = arith.mulf %mul3A_298, %mul3A_299 : vector<400x64xf32>
    %add3A_301 = vector.broadcast %get3A_277 : vector<1x64xf32> to vector<400x64xf32>
    %add3A_302 = arith.addf %mul3A_300, %add3A_301 : vector<400x64xf32>
    %get3A_303 = arith.constant 0 : index
    %get3A_304 = arith.constant 0 : index
    %get3A_305 = vector.load %arg22[%get3A_303, %get3A_304] : memref<64x64xf32, #tpu.memory_space<vmem>>, vector<64x64xf32>
    %dot_general3A_306 = arith.constant dense<0.000000e+00> : vector<400x64xf32>
    %dot_general3A_307 = tpu.matmul %add3A_302, %get3A_305, %dot_general3A_306 {dimension_numbers = #tpu.dot_dimension_numbers<[1], [0], [0], [1], [0, 0, 1, 1], [], []>, transpose_lhs_hint = false} : vector<400x64xf32>, vector<64x64xf32>, vector<400x64xf32> -> vector<400x64xf32>
    %get3A_308 = arith.constant 0 : index
    %get3A_309 = arith.constant 0 : index
    %get3A_310 = vector.load %arg23[%get3A_308, %get3A_309] : memref<1x64xf32, #tpu.memory_space<vmem>>, vector<1x64xf32>
    %add3A_311 = vector.broadcast %get3A_310 : vector<1x64xf32> to vector<400x64xf32>
    %add3A_312 = arith.addf %dot_general3A_307, %add3A_311 : vector<400x64xf32>
    %get3A_313 = arith.constant 0 : index
    %get3A_314 = arith.constant 0 : index
    %get3A_315 = vector.load %arg24[%get3A_313, %get3A_314] : memref<1x64xf32, #tpu.memory_space<vmem>>, vector<1x64xf32>
    %get3A_316 = arith.constant 0 : index
    %get3A_317 = arith.constant 0 : index
    %get3A_318 = vector.load %arg25[%get3A_316, %get3A_317] : memref<1x64xf32, #tpu.memory_space<vmem>>, vector<1x64xf32>
    %reduce_sum3A_319 = arith.constant dense<0.000000e+00> : vector<400xf32>
    %reduce_sum3A_320 = vector.multi_reduction <add>, %add3A_312, %reduce_sum3A_319 [1] : vector<400x64xf32> to vector<400xf32>
    %broadcast_in_dim3A_321 = vector.shape_cast %reduce_sum3A_320 : vector<400xf32> to vector<400x1xf32>
    %div3A_322 = arith.constant 6.400000e+01 : f32
    %div3A_323 = vector.broadcast %div3A_322 : f32 to vector<400x1xf32>
    %div3A_324 = arith.divf %broadcast_in_dim3A_321, %div3A_323 : vector<400x1xf32>
    %sub3A_325 = vector.broadcast %div3A_324 : vector<400x1xf32> to vector<400x64xf32>
    %sub3A_326 = arith.subf %add3A_312, %sub3A_325 : vector<400x64xf32>
    %mul3A_327 = arith.mulf %sub3A_326, %sub3A_326 : vector<400x64xf32>
    %reduce_sum3A_328 = arith.constant dense<0.000000e+00> : vector<400xf32>
    %reduce_sum3A_329 = vector.multi_reduction <add>, %mul3A_327, %reduce_sum3A_328 [1] : vector<400x64xf32> to vector<400xf32>
    %broadcast_in_dim3A_330 = vector.shape_cast %reduce_sum3A_329 : vector<400xf32> to vector<400x1xf32>
    %div3A_331 = arith.constant 6.400000e+01 : f32
    %div3A_332 = vector.broadcast %div3A_331 : f32 to vector<400x1xf32>
    %div3A_333 = arith.divf %broadcast_in_dim3A_330, %div3A_332 : vector<400x1xf32>
    %add3A_334 = arith.constant 9.99999974E-6 : f32
    %add3A_335 = vector.broadcast %add3A_334 : f32 to vector<400x1xf32>
    %add3A_336 = arith.addf %div3A_333, %add3A_335 : vector<400x1xf32>
    %rsqrt3A_337 = math.rsqrt %add3A_336 : vector<400x1xf32>
    %mul3A_338 = vector.broadcast %rsqrt3A_337 : vector<400x1xf32> to vector<400x64xf32>
    %mul3A_339 = arith.mulf %sub3A_326, %mul3A_338 : vector<400x64xf32>
    %mul3A_340 = vector.broadcast %get3A_315 : vector<1x64xf32> to vector<400x64xf32>
    %mul3A_341 = arith.mulf %mul3A_339, %mul3A_340 : vector<400x64xf32>
    %add3A_342 = vector.broadcast %get3A_318 : vector<1x64xf32> to vector<400x64xf32>
    %add3A_343 = arith.addf %mul3A_341, %add3A_342 : vector<400x64xf32>
    %max3A_344 = arith.constant 0.000000e+00 : f32
    %max3A_345 = vector.broadcast %max3A_344 : f32 to vector<400x64xf32>
    %max3A_346 = arith.maximumf %add3A_343, %max3A_345 : vector<400x64xf32>
    %swap3A = arith.constant 0 : index
    %swap3A_347 = arith.constant 0 : index
    %swap3A_348 = vector.load %arg28[%swap3A, %swap3A_347] : memref<400x64xf32, #tpu.memory_space<vmem>>, vector<400x64xf32>
    tpu.vector_store %arg28[%swap3A, %swap3A_347], %max3A_346 {strides = array<i32>} : memref<400x64xf32, #tpu.memory_space<vmem>>, vector<400x64xf32>,
    return
  }
  func.func @transform_0(%arg0: i32) -> (i32, i32) {
    %add3A = arith.constant 0 : i32
    %add3A_0 = arith.addi %arg0, %add3A : i32
    %c0_i32 = arith.constant 0 : i32
    %c0_i32_1 = arith.constant 0 : i32
    return %add3A_0, %c0_i32 : i32, i32
  }
  func.func @transform_1(%arg0: i32) -> (i32, i32, i32) {
    %c0_i32 = arith.constant 0 : i32
    %c0_i32_0 = arith.constant 0 : i32
    %c0_i32_1 = arith.constant 0 : i32
    return %c0_i32, %arg0, %c0_i32_0 : i32, i32, i32
  }
  func.func @transform_2(%arg0: i32) -> (i32, i32) {
    %add3A = arith.constant 0 : i32
    %add3A_0 = arith.addi %arg0, %add3A : i32
    %c0_i32 = arith.constant 0 : i32
    %c0_i32_1 = arith.constant 0 : i32
    return %add3A_0, %c0_i32 : i32, i32
  }
  func.func @transform_3(%arg0: i32) -> (i32, i32) {
    %c0_i32 = arith.constant 0 : i32
    %c0_i32_0 = arith.constant 0 : i32
    %c0_i32_1 = arith.constant 0 : i32
    return %c0_i32, %c0_i32_0 : i32, i32
  }
  func.func @transform_4(%arg0: i32) -> (i32, i32) {
    %c0_i32 = arith.constant 0 : i32
    %c0_i32_0 = arith.constant 0 : i32
    %c0_i32_1 = arith.constant 0 : i32
    return %c0_i32, %c0_i32_0 : i32, i32
  }
  func.func @transform_5(%arg0: i32) -> (i32, i32) {
    %c0_i32 = arith.constant 0 : i32
    %c0_i32_0 = arith.constant 0 : i32
    %c0_i32_1 = arith.constant 0 : i32
    return %c0_i32, %c0_i32_0 : i32, i32
  }
  func.func @transform_6(%arg0: i32) -> (i32, i32) {
    %c0_i32 = arith.constant 0 : i32
    %c0_i32_0 = arith.constant 0 : i32
    %c0_i32_1 = arith.constant 0 : i32
    return %c0_i32, %c0_i32_0 : i32, i32
  }
  func.func @transform_7(%arg0: i32) -> (i32, i32) {
    %c0_i32 = arith.constant 0 : i32
    %c0_i32_0 = arith.constant 0 : i32
    %c0_i32_1 = arith.constant 0 : i32
    return %c0_i32, %c0_i32_0 : i32, i32
  }
  func.func @transform_8(%arg0: i32) -> (i32, i32) {
    %c0_i32 = arith.constant 0 : i32
    %c0_i32_0 = arith.constant 0 : i32
    %c0_i32_1 = arith.constant 0 : i32
    return %c0_i32, %c0_i32_0 : i32, i32
  }
  func.func @transform_9(%arg0: i32) -> (i32, i32) {
    %c0_i32 = arith.constant 0 : i32
    %c0_i32_0 = arith.constant 0 : i32
    %c0_i32_1 = arith.constant 0 : i32
    return %c0_i32, %c0_i32_0 : i32, i32
  }
  func.func @transform_10(%arg0: i32) -> (i32, i32) {
    %c0_i32 = arith.constant 0 : i32
    %c0_i32_0 = arith.constant 0 : i32
    %c0_i32_1 = arith.constant 0 : i32
    return %c0_i32, %c0_i32_0 : i32, i32
  }
  func.func @transform_11(%arg0: i32) -> (i32, i32) {
    %c0_i32 = arith.constant 0 : i32
    %c0_i32_0 = arith.constant 0 : i32
    %c0_i32_1 = arith.constant 0 : i32
    return %c0_i32, %c0_i32_0 : i32, i32
  }
  func.func @transform_12(%arg0: i32) -> (i32, i32) {
    %c0_i32 = arith.constant 0 : i32
    %c0_i32_0 = arith.constant 0 : i32
    %c0_i32_1 = arith.constant 0 : i32
    return %c0_i32, %c0_i32_0 : i32, i32
  }
  func.func @transform_13(%arg0: i32) -> (i32, i32) {
    %c0_i32 = arith.constant 0 : i32
    %c0_i32_0 = arith.constant 0 : i32
    %c0_i32_1 = arith.constant 0 : i32
    return %c0_i32, %c0_i32_0 : i32, i32
  }
  func.func @transform_14(%arg0: i32) -> (i32, i32) {
    %c0_i32 = arith.constant 0 : i32
    %c0_i32_0 = arith.constant 0 : i32
    %c0_i32_1 = arith.constant 0 : i32
    return %c0_i32, %c0_i32_0 : i32, i32
  }
  func.func @transform_15(%arg0: i32) -> (i32, i32) {
    %c0_i32 = arith.constant 0 : i32
    %c0_i32_0 = arith.constant 0 : i32
    %c0_i32_1 = arith.constant 0 : i32
    return %c0_i32, %c0_i32_0 : i32, i32
  }
  func.func @transform_16(%arg0: i32) -> (i32, i32) {
    %c0_i32 = arith.constant 0 : i32
    %c0_i32_0 = arith.constant 0 : i32
    %c0_i32_1 = arith.constant 0 : i32
    return %c0_i32, %c0_i32_0 : i32, i32
  }
  func.func @transform_17(%arg0: i32) -> (i32, i32) {
    %c0_i32 = arith.constant 0 : i32
    %c0_i32_0 = arith.constant 0 : i32
    %c0_i32_1 = arith.constant 0 : i32
    return %c0_i32, %c0_i32_0 : i32, i32
  }
  func.func @transform_18(%arg0: i32) -> (i32, i32) {
    %c0_i32 = arith.constant 0 : i32
    %c0_i32_0 = arith.constant 0 : i32
    %c0_i32_1 = arith.constant 0 : i32
    return %c0_i32, %c0_i32_0 : i32, i32
  }
  func.func @transform_19(%arg0: i32) -> (i32, i32) {
    %c0_i32 = arith.constant 0 : i32
    %c0_i32_0 = arith.constant 0 : i32
    %c0_i32_1 = arith.constant 0 : i32
    return %c0_i32, %c0_i32_0 : i32, i32
  }
  func.func @transform_20(%arg0: i32) -> (i32, i32) {
    %c0_i32 = arith.constant 0 : i32
    %c0_i32_0 = arith.constant 0 : i32
    %c0_i32_1 = arith.constant 0 : i32
    return %c0_i32, %c0_i32_0 : i32, i32
  }
  func.func @transform_21(%arg0: i32) -> (i32, i32) {
    %c0_i32 = arith.constant 0 : i32
    %c0_i32_0 = arith.constant 0 : i32
    %c0_i32_1 = arith.constant 0 : i32
    return %c0_i32, %c0_i32_0 : i32, i32
  }
  func.func @transform_22(%arg0: i32) -> (i32, i32) {
    %c0_i32 = arith.constant 0 : i32
    %c0_i32_0 = arith.constant 0 : i32
    %c0_i32_1 = arith.constant 0 : i32
    return %c0_i32, %c0_i32_0 : i32, i32
  }
  func.func @transform_23(%arg0: i32) -> (i32, i32) {
    %c0_i32 = arith.constant 0 : i32
    %c0_i32_0 = arith.constant 0 : i32
    %c0_i32_1 = arith.constant 0 : i32
    return %c0_i32, %c0_i32_0 : i32, i32
  }
  func.func @transform_24(%arg0: i32) -> (i32, i32) {
    %c0_i32 = arith.constant 0 : i32
    %c0_i32_0 = arith.constant 0 : i32
    %c0_i32_1 = arith.constant 0 : i32
    return %c0_i32, %c0_i32_0 : i32, i32
  }
  func.func @transform_25(%arg0: i32) -> (i32, i32) {
    %c0_i32 = arith.constant 0 : i32
    %c0_i32_0 = arith.constant 0 : i32
    %c0_i32_1 = arith.constant 0 : i32
    return %c0_i32, %c0_i32_0 : i32, i32
  }
  func.func @transform_26(%arg0: i32) -> (i32, i32) {
    %c0_i32 = arith.constant 0 : i32
    %c0_i32_0 = arith.constant 0 : i32
    %c0_i32_1 = arith.constant 0 : i32
    return %c0_i32, %c0_i32_0 : i32, i32
  }
  func.func @transform_27(%arg0: i32) -> (i32, i32) {
    %c0_i32 = arith.constant 0 : i32
    %c0_i32_0 = arith.constant 0 : i32
    return %arg0, %c0_i32 : i32, i32
  }
}

</mosaic_0001>

<sc_bundles>
// kernel: kernel.10.cloned.1.call-start
scs
__scs_entry_jumppad:
0x0: {  	(pc) =	sbr.rel $0x88, $3  }
0x1: {  	(tag) =	ssettag $0x0;
	lr =	simm.s32 $0x1  }
0x2: {  	[smem:$0x3F8C] =	sst lr;
	_ =	strace $0xD0000000  }
0x3: {  	_ = 	snop  }
0x4: {  	_ = 	snop  }
0x5: {  	_ = 	snop  }
0x6: {  	_ = 	snop  }
0x7: {  	_ = 	snop  }
__scs_overlays_trampoline_lowered:
0x8: {  	[smem:$0x3F9B] =	sst s0  }
0x9: {  	[smem:$0x3F9C] =	sst s1  }
0xa: {  	[smem:$0x3F9D] =	sst s2  }
0xb: {  	[smem:$0x3F9E] =	sst s3  }
0xc: {  	[smem:$0x3F9F] =	sst s4  }
0xd: {  	[smem:$0x3FA0] =	sst s5  }
0xe: {  	[smem:$0x3FA1] =	sst s6  }
0xf: {  	[smem:$0x3FA2] =	sst s7  }
0x10: {  	[smem:$0x3FA3] =	sst s8  }
0x11: {  	[smem:$0x3FA4] =	sst s9;
	s0 =	simm.s32 @!p0 $0x0  }
0x12: {  	s1 =	sld [smem:$0x3F8A];
	s0 =	simm.s32 @p0 $0x1  }
0x13: {  	[smem:$0x3FA5] =	sst s0;
	s0 =	simm.s32 @!p1 $0x0  }
0x14: {  	s2 =	sld [smem:$0x3F89];
	s0 =	simm.s32 @p1 $0x1  }
0x15: {  	[smem:$0x3FA6] =	sst s0;
	s0 =	simm.s32 @!p2 $0x0  }
0x16: {  	s3 =	sld [smem:$0x3FDB];
	s0 =	simm.s32 @p2 $0x1  }
0x17: {  	s4 =	simm.s32 $0x1BF5;
	[smem:$0x3FA8] =	sst s0  }
0x18: {  	s0 =	sld [smem:$0x3F8B];
	_ =	swait.ge [sflag:s4], $0x0  }
0x19: {  	s7 =	sld [smem:$0x3F8C]  }
0x1a: {  	s8 =	sadd.s32 $0xFFFFE003, lr  }
0x1b: {  	s9 =	sadd.s32 $0xFFFFFEF7, lr;
	s5 =	simm.s32 $0xFFFFFFFF;
	p2 =	slt.u32 s8, $0xFFFFF086  }
0x1c: {  	p1 =	slt.u32 s9, $0xF7A;
	s5 =	simm.s32 @!p2 $0x0  }
0x1d: {  	s5 =	simm.s32 @p1 $0x1;
	p0 =	seq.s32 s7, s2  }
0x1e: {  	s7 =	smul.u32 @!p0 $0xF7A, s2;
	p2 =	seq.s32 @!p0 s5, $0x0  }
0x1f: {  	s9 =	smul.u32 $0xF7A, s1;
	s8 =	simm.s32 @!p0 $0x1BF5;
	p2 =	por !p2, p0  }
0x20: {  	[sflag:s8] =	ssyncset.s32 @!p0 $0xFFFFF086;
	s6 =	sadd.s32 @!p0 s3, s7;
	s7 =	simm.s32 @!p0 $0x108  }
0x21: {  	s3 =	sadd.s32 s3, s9;
	s6 =	sadd.s32 @!p0 $0x88, s6;
	s7 =	simm.s32 @p2 $0x1082  }
0x22: {  	[simem:s7], [sflag:s8] =	dma.local @!p0 [hbm:s6], $0xF7A  }
0x23: {  	s9 =	sor.u32 $0xD0000000, s2;
	s6 =	simm.s32 $0x108;
	_ =	swait.ge @!p0 [sflag:s8], $0x0  }
0x24: {  	s3 =	sadd.s32 $0x88, s3;
	s6 =	simm.s32 @!p1 $0x1082;
	[sflag:s4] =	ssyncset.s32 $0xFFFFF086  }
0x25: {  	[simem:s6], [sflag:s4] =	dma.local [hbm:s3], $0xF7A  }
0x26: {  	[smem:$0x3F8C] =	sst s1;
	(tag) =	ssettag s2;
	_ =	strace s9  }
0x27: {  	s1 =	sld [smem:$0x3F9C]  }
0x28: {  	s2 =	sld [smem:$0x3F9D]  }
0x29: {  	s4 =	sld [smem:$0x3F9F]  }
0x2a: {  	p0 =	seq.s32 s5, $0x0;
	s5 =	sld [smem:$0x3FA0]  }
0x2b: {  	s6 =	sld [smem:$0x3FA1]  }
0x2c: {  	s7 =	sld [smem:$0x3FA2]  }
0x2d: {  	s3 =	simm.s32 $0x108;
	s8 =	sld [smem:$0x3FA3]  }
0x2e: {  	s3 =	simm.s32 @!p0 $0x1082;
	s9 =	sld [smem:$0x3FA4]  }
0x2f: {  	lr =	sadd.s32 s0, s3;
	s0 =	sld [smem:$0x3F9B]  }
0x30: {  	s3 =	sld [smem:$0x3F9E]  }
0x31: {  	[smem:$0x3FA7] =	sst s10  }
0x32: {  	s10 =	sld [smem:$0x3FA5];
	_ =	sdelay $0x3  }
0x33: {  	p0 =	seq.s32 s10, $0x1;
	s10 =	sld [smem:$0x3FA7];
	_ =	sdelay $0x3  }
0x34: {  	[smem:$0x3FA7] =	sst s10  }
0x35: {  	s10 =	sld [smem:$0x3FA6];
	_ =	sdelay $0x3  }
0x36: {  	p1 =	seq.s32 s10, $0x1;
	s10 =	sld [smem:$0x3FA7];
	_ =	sdelay $0x3  }
0x37: {  	[smem:$0x3FA7] =	sst s10  }
0x38: {  	s10 =	sld [smem:$0x3FA8]  }
0x39: {  	_ = 	snop;
	(pc) =	sbr.ind lr, $3  }
0x3a: {  	_ = 	snop  }
0x3b: {  	_ = 	snop  }
0x3c: {  	p2 =	seq.s32 s10, $0x1;
	s10 =	sld [smem:$0x3FA7]  }
0x3d: {  	_ =	shalt  }
0x3e: {  	_ =	shalt  }
0x3f: {  	_ =	shalt  }
0x40: {  	_ =	shalt  }
0x41: {  	_ =	shalt  }
0x42: {  	_ =	shalt  }
0x43: {  	_ =	shalt  }
0x44: {  	_ =	shalt  }
0x45: {  	_ =	shalt  }
0x46: {  	_ =	shalt  }
0x47: {  	_ =	shalt  }
0x48: {  	_ =	shalt  }
0x49: {  	_ =	shalt  }
0x4a: {  	_ =	shalt  }
0x4b: {  	_ =	shalt  }
0x4c: {  	_ =	shalt  }
0x4d: {  	_ =	shalt  }
0x4e: {  	_ =	shalt  }
0x4f: {  	_ =	shalt  }
0x50: {  	_ =	shalt  }
0x51: {  	_ =	shalt  }
0x52: {  	_ =	shalt  }
0x53: {  	_ =	shalt  }
0x54: {  	_ =	shalt  }
0x55: {  	_ =	shalt  }
0x56: {  	_ =	shalt  }
0x57: {  	_ =	shalt  }
0x58: {  	_ =	shalt  }
0x59: {  	_ =	shalt  }
0x5a: {  	_ =	shalt  }
0x5b: {  	_ =	shalt  }
0x5c: {  	_ =	shalt  }
0x5d: {  	_ =	shalt  }
0x5e: {  	_ =	shalt  }
0x5f: {  	_ =	shalt  }
0x60: {  	_ =	shalt  }
0x61: {  	_ =	shalt  }
0x62: {  	_ =	shalt  }
0x63: {  	_ =	shalt  }
0x64: {  	_ =	shalt  }
0x65: {  	_ =	shalt  }
0x66: {  	_ =	shalt  }
0x67: {  	_ =	shalt  }
0x68: {  	_ =	shalt  }
0x69: {  	_ =	shalt  }
0x6a: {  	_ =	shalt  }
0x6b: {  	_ =	shalt  }
0x6c: {  	_ =	shalt  }
0x6d: {  	_ =	shalt  }
0x6e: {  	_ =	shalt  }
0x6f: {  	_ =	shalt  }
0x70: {  	_ =	shalt  }
0x71: {  	_ =	shalt  }
0x72: {  	_ =	shalt  }
0x73: {  	_ =	shalt  }
0x74: {  	_ =	shalt  }
0x75: {  	_ =	shalt  }
0x76: {  	_ =	shalt  }
0x77: {  	_ =	shalt  }
0x78: {  	_ =	shalt  }
0x79: {  	_ =	shalt  }
0x7a: {  	_ =	shalt  }
0x7b: {  	_ =	shalt  }
0x7c: {  	_ =	shalt  }
0x7d: {  	_ =	shalt  }
0x7e: {  	_ =	shalt  }
0x7f: {  	_ =	shalt  }
0x80: {  	_ =	shalt  }
0x81: {  	_ =	shalt  }
0x82: {  	_ =	shalt  }
0x83: {  	_ =	shalt  }
0x84: {  	_ =	shalt  }
0x85: {  	_ =	shalt  }
0x86: {  	_ =	shalt  }
0x87: {  	_ =	shalt  }
.Lfunc_end0:
.L_simem_size_0:
called_computation_lowered:
.L_overlay_start_0:
0x88: {  	s2 =	sld [smem:$0x3FD9]  }
0x89: {  	s3 =	sld [smem:$0x3FFE];
	_ =	sdelay $0x1  }
0x8a: {  	s1 =	srdreg.scid  }
0x8b: {  	s0 =	sand.u32 $0x1, s1  }
0x8c: {  	s17 =	sshll.u32 s0, $0xA;
	s2 =	sadd.s32 s3, s2  }
0x8d: {  	s2 =	sadd.s32 s2, s17  }
0x8e: {  	[smem:$0x3FB3] =	sst s2  }
0x8f: {  	_ = 	snop  }
0x90: {  	s18 =	sld [smem:$0x3FD0];
	(tm) =	ssettm $0x1  }
0x91: {  	s19 =	sld [smem:$0x3FFB];
	_ =	sdelay $0x3  }
0x92: {  	_ =	strace s19  }
0x93: {  	s2 =	sld [smem:$0x3FFC];
	_ =	sdelay $0x3  }
0x94: {  	_ =	strace s2  }
0x95: {  	s2 =	sld [smem:$0x3FFD];
	_ =	sdelay $0x3  }
0x96: {  	_ =	strace s2  }
0x97: {  	_ =	strace $0x8FFFFFFF  }
0x98: {  	s20 =	sld [smem:$0x3FDB];
	_ =	sdelay $0x1  }
0x99: {  	s4 =	simm.s32 $_scs_section_size  }
0x9a: {  	s5 =	simm.s32 $_size__tile_overlayer_lowered;
	s6 =	simm.s32 $_tile_overlayer_lowered  }
0x9b: {  	s7 =	simm.s32 $0x1BFF;
	s21 =	sshll.u32 s6, $0x1;
	s4 =	sadd.s32 s4, s20  }
0x9c: {  	s22 =	simm.s32 $0x0;
	s5 =	sshll.u32 s5, $0x1;
	s6 =	sadd.s32 s21, s4  }
0x9d: {  	[timem:s22], [sflag:s7] =	dma.local [hbm:s6], s5  }
0x9e: {  	_ =	swait.ge [sflag:s7], s5  }
0x9f: {  	s5 =	ssub.s32 $0x0, s5;
	[sflag:s7] =	ssyncset.done $0x0  }
0xa0: {  	[sflag:s7] =	ssyncadd.s32 s5;
	_ =	sdelay $0x1  }
0xa1: {  	s23 =	simm.s32 $0x1B8B  }
0xa2: {  	_ =	swait.ge [sflag:s23], $0x1  }
0xa3: {  	[sflag:s23] =	ssyncset.done $0x0  }
0xa4: {  	[sflag:s23] =	ssyncadd.s32 $0xFFFFFFFF  }
0xa5: {  	s5 =	sld [smem:$0x0]  }
0xa6: {  	s6 =	sand.u32 $0xFFFFFFFE, s1  }
0xa7: {  	p0 =	sne.s32 s1, s6  }
0xa8: {  	s6 =	sshll.u32 @p0 s6, $0xE  }
0xa9: {  	s6 =	sadd.s32 @p0 $0x11B8D, s6;
	s7 =	sshll.u32 @p0 s5, $0x11  }
0xaa: {  	s6 =	sor.u32 @p0 s7, s6  }
0xab: {  	[sflag:s6] =	ssyncadd.remote.s32 @p0 $0x1;
	_ =	sdelay $0x1  }
0xac: {  	s6 =	simm.s32 @p0 $0x1B8D  }
0xad: {  	_ =	swait.eq @p0 [sflag:s6], $0x1  }
0xae: {  	[sflag:s6] =	ssyncadd.s32 @p0 $0xFFFFFFFF  }
0xaf: {  	s7 =	sshll.u32 @!p0 s1, $0xE  }
0xb0: {  	s7 =	sor.u32 @!p0 $0x4000, s7;
	s6 =	simm.s32 @!p0 $0x1B8D  }
0xb1: {  	s5 =	sshll.u32 @!p0 s5, $0x11;
	s7 =	sadd.s32 @!p0 $0x11B8D, s7;
	_ =	swait.eq @!p0 [sflag:s6], $0x1  }
0xb2: {  	s5 =	sor.u32 @!p0 s5, s7;
	[sflag:s6] =	ssyncadd.s32 @!p0 $0xFFFFFFFF  }
0xb3: {  	s25 =	simm.s32 $0x1B8E;
	s24 =	sld [smem:$0x3FFE];
	[sflag:s5] =	ssyncadd.remote.s32 @!p0 $0x1  }
0xb4: {  	s26 =	simm.s32 $execute0_lowered;
	[smem:$0x3FD2] =	sst s25  }
0xb5: {  	s6 =	sshll.u32 s26, $0x1;
	_ =	strace $0x8000004F;
	[dreg:$0x1] =	wrdreg $0xFFFFFFFF  }
0xb6: {  	s28 =	simm.s32 $_size_execute0_lowered;
	s4 =	sadd.s32 s4, s6;
	[dreg:$0x0] =	wrdreg $0x0  }
0xb7: {  	s6 =	sshll.u32 s28, $0x1;
	[dreg:$0x2] =	wrdreg s4  }
0xb8: {  	[dreg:$0x3] =	wrdreg s6  }
0xb9: {  	[dreg:$0x4] =	wrdreg $0xC0  }
0xba: {  	_ =	task [dreg:s22], $0x5FFFF  }
0xbb: {  	[dreg:$0x1] =	wrdreg $0xFFFFFFFF  }
0xbc: {  	[dreg:$0x0] =	wrdreg $0x60  }
0xbd: {  	[dreg:$0x2] =	wrdreg s18  }
0xbe: {  	[dreg:$0x3] =	wrdreg s24  }
0xbf: {  	[dreg:$0x4] =	wrdreg $0x9  }
0xc0: {  	_ =	task.clear_ibuf [dreg:s22], $0x5FFFF;
	_ =	strace $0x9000004F  }
0xc1: {  	s29 =	simm.s32 $0x9;
	_ =	strace $0x80000051  }
0xc2: {  	_ =	swait.ge [sflag:s29], $0x1  }
0xc3: {  	[sflag:s29] =	ssyncadd.s32 $0xFFFFFFFF  }
0xc4: {  	_ =	strace $0x90000051  }
0xc5: {  	_ =	sfence  }
0xc6: {  	s30 =	sld [smem:$0x0];
	_ =	sdelay $0x2  }
0xc7: {  	s31 =	sshll.u32 s1, $0xD;
	s1 =	sshrl.u32 s1, $0x2  }
0xc8: {  	s4 =	sand.u32 $0x4000, s31;
	s1 =	sadd.s32 s1, s30  }
0xc9: {  	s0 =	sor.u32 s4, s0;
	s1 =	sshll.u32 s1, $0x11  }
0xca: {  	s0 =	sor.u32 s1, s0  }
0xcb: {  	s0 =	sadd.s32 $0x8F2B, s0  }
0xcc: {  	[sflag:s0] =	ssyncadd.remote.s32 $0x1  }
0xcd: {  	_ =	sfence.sel $0xFFFF  }
0xce: {  	[dreg:$0x0] =	wrdreg $0xFFFFFFFF;
	(pc) =	sbr.abs _section_cstart, $3  }
0xcf: {  	[dreg:$0x1] =	wrdreg $0xFFFFFFFF  }
0xd0: {  	_ =	task.clear_ibuf [dreg:s22], $0x2FFFF;
	_ =	strace $0x9FFFFFFF  }
0xd1: {  	(tm) =	ssettm $0x7FFFFFFF  }
tec
execute0_lowered:
.L_overlay_start_1:
0x0: {  	(tag) =	ssettag $0x1  }
0x1: {  	s0 =	srdreg.scid;
	s2 =	rddreg [dreg:$0x0]  }
0x2: {  	s7 =	stileid.u32;
	s4 =	rddreg [dreg:$0x1];
	s3 =	simm.s32 $0x0  }
0x3: {  	s10 =	simm.s32 $0x80;
	s11 =	simm.s32 $0x1900;
	s12 =	simm.s32 $0x2D00  }
0x4: {  	s14 =	simm.s32 $0x4100;
	s16 =	simm.s32 $0x5500;
	s18 =	simm.s32 $0x6900  }
0x5: {  	s19 =	simm.s32 $0x1;
	s21 =	simm.s32 $0x7D00;
	s23 =	simm.s32 $0x9100  }
0x6: {  	s25 =	simm.s32 $0xA500;
	s28 =	simm.s32 $0xB900;
	s30 =	simm.s32 $0xCD00  }
0x7: {  	s31 =	simm.s32 $0x2;
	s15 =	simm.s32 $0x600;
	s17 =	simm.s32 $0x680  }
0x8: {  	s20 =	simm.s32 $0x700;
	s22 =	simm.s32 $0x4;
	s24 =	simm.s32 $0x0  }
0x9: {  	s0 =	sand.u32 $0x1, s0;
	s1 =	sshll.u32 s7, $0x1;
	s7 =	smul.u32 $0xFA00, s7  }
0xa: {  	s1 =	sor.u32 s0, s1;
	s6 =	ssub.s32 $0x2, s0;
	s0 =	smul.u32 $0x7D00, s0  }
0xb: {  	[smem:$0x7FF] =	sst s3;
	s8 =	sadd.s32 $0x495600, s4;
	s5 =	smul.u32 $0x320, s1  }
.Ltmp0:
0xc: {  	_ =	strace $0x80000050;
	s9 =	sshrl.u32 s6, $0x1;
	(pc) =	sbr.rel .LBB2_1-.Ltmp0, $4  }
0xd: {  	s1 =	smul.u32 $0x7D00, s1;
	s7 =	sadd.s32 s7, s8;
	s6 =	ssub.s32 s6, s9  }
0xe: {  	s0 =	sadd.s32 s0, s7;
	s9 =	simm.s32 $0x5;
	s4 =	sadd.s32 s5, s4  }
0xf: {  	s5 =	sadd.s32 s8, s1;
	s6 =	smax.u32 s6, $0x1;
	s26 =	sadd.s32 $0x1900, s0  }
0x10: {  	s1 =	simm.s32 $0x3;
	s4 =	sadd.s32 $0x48F200, s4;
	s7 =	sadd.s32 $0xC80, s5  }
.LBB2_4:
0x11: {  	s24 =	sadd.s32 $0x1, s24  }
0x12: {  	p0 =	sne.s32 s24, s6  }
.Ltmp1:
0x13: {  	_ = 	snop;
	(pc) =	sbr.rel @!p0 .LBB2_5-.Ltmp1, $4  }
0x14: {  	_ = 	snop  }
0x15: {  	_ =	swait.ge [sflag:s22], $0x6400  }
0x16: {  	[sflag:s22] =	ssyncset.done $0x0  }
0x17: {  	[sflag:s22] =	ssyncadd.s32 $0xFFFF9C00  }
.LBB2_1:
0x18: {  	[tilespmem:s3], [sflag:$0x5] =	stream.linear.gather [hbm4b:s4+s3], $0x1900, $0x38;
	[tilespmem:$0xE100] =	vst v63  }
0x19: {  	_ =	swait.ge [sflag:s9], $0x1900  }
0x1a: {  	[sflag:s9] =	ssyncset.done $0x0  }
0x1b: {  	[sflag:s9] =	ssyncadd.s32 $0xFFFFE700  }
0x1c: {  	[tilespmem:s11], [sflag:$0x1] =	stream.indirect.gather [hbm4b:s2+s10], $0x28, s3, s10, $0xb8;
	[tilespmem:$0xE100] =	vst v63  }
0x1d: {  	_ = 	snop  }
0x1e: {  	[tilespmem:s12], [sflag:$0x1] =	stream.indirect.gather [hbm4b:s2+s10], $0x28, s10, s10, $0xb8;
	[tilespmem:$0xE100] =	vst v63  }
0x1f: {  	s0 =	simm.s32 $0x100  }
0x20: {  	[tilespmem:s14], [sflag:$0x1] =	stream.indirect.gather [hbm4b:s2+s10], $0x28, s0, s10, $0xb8;
	[tilespmem:$0xE100] =	vst v63  }
0x21: {  	s13 =	simm.s32 $0x180  }
0x22: {  	[tilespmem:s16], [sflag:$0x1] =	stream.indirect.gather [hbm4b:s2+s10], $0x28, s13, s10, $0xb8;
	[tilespmem:$0xE100] =	vst v63  }
0x23: {  	s8 =	simm.s32 $0x200  }
0x24: {  	[tilespmem:s18], [sflag:$0x1] =	stream.indirect.gather [hbm4b:s2+s10], $0x28, s8, s10, $0xb8;
	[tilespmem:$0xE100] =	vst v63  }
0x25: {  	_ =	swait.ge [sflag:s19], $0x1400  }
0x26: {  	[sflag:s19] =	ssyncset.done $0x0  }
0x27: {  	[sflag:s19] =	ssyncadd.s32 $0xFFFFEC00  }
0x28: {  	_ =	swait.ge [sflag:s19], $0x1400  }
0x29: {  	[sflag:s19] =	ssyncset.done $0x0  }
0x2a: {  	[sflag:s19] =	ssyncadd.s32 $0xFFFFEC00  }
0x2b: {  	_ =	swait.ge [sflag:s19], $0x1400  }
0x2c: {  	[sflag:s19] =	ssyncset.done $0x0  }
0x2d: {  	[sflag:s19] =	ssyncadd.s32 $0xFFFFEC00  }
0x2e: {  	_ =	swait.ge [sflag:s19], $0x1400  }
0x2f: {  	[sflag:s19] =	ssyncset.done $0x0  }
0x30: {  	[sflag:s19] =	ssyncadd.s32 $0xFFFFEC00  }
0x31: {  	_ =	swait.ge [sflag:s19], $0x1400  }
0x32: {  	[sflag:s19] =	ssyncset.done $0x0  }
0x33: {  	[sflag:s19] =	ssyncadd.s32 $0xFFFFEC00  }
0x34: {  	[hbm4b:s5+s3] =	stream.linear.scatter [tilespmem:s11], [sflag:$0x3], $0x6400, $0x38;
	[tilespmem:$0xE100] =	vst v63  }
0x35: {  	s13 =	simm.s32 $0x280  }
0x36: {  	[tilespmem:s21], [sflag:$0x2] =	stream.indirect.gather [hbm4b:s2+s10], $0x28, s13, s10, $0xb8;
	[tilespmem:$0xE100] =	vst v63  }
0x37: {  	s8 =	simm.s32 $0x300  }
0x38: {  	[tilespmem:s23], [sflag:$0x2] =	stream.indirect.gather [hbm4b:s2+s10], $0x28, s8, s10, $0xb8;
	[tilespmem:$0xE100] =	vst v63  }
0x39: {  	s13 =	simm.s32 $0x380  }
0x3a: {  	[tilespmem:s25], [sflag:$0x2] =	stream.indirect.gather [hbm4b:s2+s10], $0x28, s13, s10, $0xb8;
	[tilespmem:$0xE100] =	vst v63  }
0x3b: {  	s8 =	simm.s32 $0x400  }
0x3c: {  	[tilespmem:s28], [sflag:$0x2] =	stream.indirect.gather [hbm4b:s2+s10], $0x28, s8, s10, $0xb8;
	[tilespmem:$0xE100] =	vst v63  }
0x3d: {  	s13 =	simm.s32 $0x480  }
0x3e: {  	[tilespmem:s30], [sflag:$0x2] =	stream.indirect.gather [hbm4b:s2+s10], $0x28, s13, s10, $0xb8;
	[tilespmem:$0xE100] =	vst v63  }
0x3f: {  	_ =	swait.ge [sflag:s31], $0x1400  }
0x40: {  	[sflag:s31] =	ssyncset.done $0x0  }
0x41: {  	[sflag:s31] =	ssyncadd.s32 $0xFFFFEC00  }
0x42: {  	_ =	swait.ge [sflag:s31], $0x1400  }
0x43: {  	[sflag:s31] =	ssyncset.done $0x0  }
0x44: {  	[sflag:s31] =	ssyncadd.s32 $0xFFFFEC00  }
0x45: {  	_ =	swait.ge [sflag:s31], $0x1400  }
0x46: {  	[sflag:s31] =	ssyncset.done $0x0  }
0x47: {  	[sflag:s31] =	ssyncadd.s32 $0xFFFFEC00  }
0x48: {  	_ =	swait.ge [sflag:s31], $0x1400  }
0x49: {  	[sflag:s31] =	ssyncset.done $0x0  }
0x4a: {  	[sflag:s31] =	ssyncadd.s32 $0xFFFFEC00  }
0x4b: {  	_ =	swait.ge [sflag:s31], $0x1400  }
0x4c: {  	[sflag:s31] =	ssyncset.done $0x0  }
0x4d: {  	[sflag:s31] =	ssyncadd.s32 $0xFFFFEC00  }
0x4e: {  	[hbm4b:s7+s3] =	stream.linear.scatter [tilespmem:s21], [sflag:$0x4], $0x6400, $0x38;
	[tilespmem:$0xE100] =	vst v63  }
0x4f: {  	_ =	swait.ge [sflag:s1], $0x6400  }
0x50: {  	[sflag:s1] =	ssyncset.done $0x0  }
0x51: {  	s8 =	simm.s32 $0x500;
	[sflag:s1] =	ssyncadd.s32 $0xFFFF9C00  }
0x52: {  	[tilespmem:s11], [sflag:$0x1] =	stream.indirect.gather [hbm4b:s2+s10], $0x28, s8, s10, $0xb8;
	[tilespmem:$0xE100] =	vst v63  }
0x53: {  	s13 =	simm.s32 $0x580  }
0x54: {  	[tilespmem:s12], [sflag:$0x1] =	stream.indirect.gather [hbm4b:s2+s10], $0x28, s13, s10, $0xb8;
	[tilespmem:$0xE100] =	vst v63  }
0x55: {  	_ = 	snop  }
0x56: {  	[tilespmem:s14], [sflag:$0x1] =	stream.indirect.gather [hbm4b:s2+s10], $0x28, s15, s10, $0xb8;
	[tilespmem:$0xE100] =	vst v63  }
0x57: {  	_ = 	snop  }
0x58: {  	[tilespmem:s16], [sflag:$0x1] =	stream.indirect.gather [hbm4b:s2+s10], $0x28, s17, s10, $0xb8;
	[tilespmem:$0xE100] =	vst v63  }
0x59: {  	s29 =	simm.s32 $0x0;
	s8 =	smov.u32 s26  }
0x5a: {  	[tilespmem:s18], [sflag:$0x1] =	stream.indirect.gather [hbm4b:s2+s10], $0x28, s20, s10, $0xb8;
	[tilespmem:$0xE100] =	vst v63  }
.LBB2_2:
0x5b: {  	_ =	swait.ge [sflag:s19], $0x1400  }
0x5c: {  	[sflag:s19] =	ssyncset.done $0x0  }
0x5d: {  	[sflag:s19] =	ssyncadd.s32 $0xFFFFEC00  }
0x5e: {  	_ =	swait.ge [sflag:s19], $0x1400  }
0x5f: {  	[sflag:s19] =	ssyncset.done $0x0  }
0x60: {  	[sflag:s19] =	ssyncadd.s32 $0xFFFFEC00  }
0x61: {  	_ =	swait.ge [sflag:s19], $0x1400  }
0x62: {  	[sflag:s19] =	ssyncset.done $0x0  }
0x63: {  	[sflag:s19] =	ssyncadd.s32 $0xFFFFEC00  }
0x64: {  	_ =	swait.ge [sflag:s19], $0x1400  }
0x65: {  	[sflag:s19] =	ssyncset.done $0x0  }
0x66: {  	[sflag:s19] =	ssyncadd.s32 $0xFFFFEC00  }
0x67: {  	_ =	swait.ge [sflag:s19], $0x1400  }
0x68: {  	[sflag:s19] =	ssyncset.done $0x0  }
0x69: {  	[sflag:s19] =	ssyncadd.s32 $0xFFFFEC00  }
0x6a: {  	[hbm4b:s8+s3] =	stream.linear.scatter [tilespmem:s11], [sflag:$0x3], $0x6400, $0x38;
	[tilespmem:$0xE100] =	vst v63  }
0x6b: {  	_ =	swait.ge [sflag:s22], $0x6400  }
0x6c: {  	s0 =	sshra.s32 s29, $0x2;
	[sflag:s22] =	ssyncset.done $0x0  }
0x6d: {  	s13 =	sadd.s32 $0x780, s0;
	[sflag:s22] =	ssyncadd.s32 $0xFFFF9C00  }
0x6e: {  	[tilespmem:s21], [sflag:$0x2] =	stream.indirect.gather [hbm4b:s2+s10], $0x28, s13, s10, $0xb8;
	[tilespmem:$0xE100] =	vst v63  }
0x6f: {  	s13 =	sadd.s32 $0x800, s0  }
0x70: {  	[tilespmem:s23], [sflag:$0x2] =	stream.indirect.gather [hbm4b:s2+s10], $0x28, s13, s10, $0xb8;
	[tilespmem:$0xE100] =	vst v63  }
0x71: {  	s13 =	sadd.s32 $0x880, s0  }
0x72: {  	[tilespmem:s25], [sflag:$0x2] =	stream.indirect.gather [hbm4b:s2+s10], $0x28, s13, s10, $0xb8;
	[tilespmem:$0xE100] =	vst v63  }
0x73: {  	s13 =	sadd.s32 $0x900, s0  }
0x74: {  	[tilespmem:s28], [sflag:$0x2] =	stream.indirect.gather [hbm4b:s2+s10], $0x28, s13, s10, $0xb8;
	[tilespmem:$0xE100] =	vst v63  }
0x75: {  	s13 =	sadd.s32 $0x980, s0  }
0x76: {  	[tilespmem:s30], [sflag:$0x2] =	stream.indirect.gather [hbm4b:s2+s10], $0x28, s13, s10, $0xb8;
	[tilespmem:$0xE100] =	vst v63  }
0x77: {  	_ =	swait.ge [sflag:s31], $0x1400  }
0x78: {  	[sflag:s31] =	ssyncset.done $0x0  }
0x79: {  	[sflag:s31] =	ssyncadd.s32 $0xFFFFEC00  }
0x7a: {  	_ =	swait.ge [sflag:s31], $0x1400  }
0x7b: {  	[sflag:s31] =	ssyncset.done $0x0  }
0x7c: {  	[sflag:s31] =	ssyncadd.s32 $0xFFFFEC00  }
0x7d: {  	_ =	swait.ge [sflag:s31], $0x1400  }
0x7e: {  	[sflag:s31] =	ssyncset.done $0x0  }
0x7f: {  	[sflag:s31] =	ssyncadd.s32 $0xFFFFEC00  }
0x80: {  	_ =	swait.ge [sflag:s31], $0x1400  }
0x81: {  	[sflag:s31] =	ssyncset.done $0x0  }
0x82: {  	[sflag:s31] =	ssyncadd.s32 $0xFFFFEC00  }
0x83: {  	_ =	swait.ge [sflag:s31], $0x1400  }
0x84: {  	p0 =	seq.s32 s29, $0x3C00;
	[sflag:s31] =	ssyncset.done $0x0  }
.Ltmp2:
0x85: {  	s13 =	sadd.s32 $0xC80, s8;
	[sflag:s31] =	ssyncadd.s32 $0xFFFFEC00;
	(pc) =	sbr.rel @p0 .LBB2_4-.Ltmp2, $4  }
0x86: {  	[hbm4b:s13+s3] =	stream.linear.scatter [tilespmem:s21], [sflag:$0x4], $0x6400, $0x38;
	[tilespmem:$0xE100] =	vst v63  }
0x87: {  	_ =	swait.ge [sflag:s1], $0x6400  }
0x88: {  	[sflag:s1] =	ssyncset.done $0x0  }
0x89: {  	[sflag:s1] =	ssyncadd.s32 $0xFFFF9C00  }
0x8a: {  	s13 =	sadd.s32 $0xA00, s0  }
0x8b: {  	[tilespmem:s11], [sflag:$0x1] =	stream.indirect.gather [hbm4b:s2+s10], $0x28, s13, s10, $0xb8;
	[tilespmem:$0xE100] =	vst v63  }
0x8c: {  	s13 =	sadd.s32 $0xA80, s0  }
0x8d: {  	[tilespmem:s12], [sflag:$0x1] =	stream.indirect.gather [hbm4b:s2+s10], $0x28, s13, s10, $0xb8;
	[tilespmem:$0xE100] =	vst v63  }
0x8e: {  	s13 =	sadd.s32 $0xB00, s0  }
0x8f: {  	[tilespmem:s14], [sflag:$0x1] =	stream.indirect.gather [hbm4b:s2+s10], $0x28, s13, s10, $0xb8;
	[tilespmem:$0xE100] =	vst v63  }
.Ltmp3:
0x90: {  	_ = 	snop;
	(pc) =	sbr.rel .LBB2_2-.Ltmp3, $4  }
0x91: {  	s13 =	sadd.s32 $0xB80, s0  }
0x92: {  	[tilespmem:s16], [sflag:$0x1] =	stream.indirect.gather [hbm4b:s2+s10], $0x28, s13, s10, $0xb8;
	[tilespmem:$0xE100] =	vst v63  }
0x93: {  	s29 =	sadd.s32 $0x1400, s29;
	s8 =	sadd.s32 $0x1900, s8;
	s13 =	sadd.s32 $0xC00, s0  }
0x94: {  	[tilespmem:s18], [sflag:$0x1] =	stream.indirect.gather [hbm4b:s2+s10], $0x28, s13, s10, $0xb8;
	[tilespmem:$0xE100] =	vst v63  }
.LBB2_5:
0x95: {  	_ =	sfence.sel $0x180000  }
0x96: {  	[bflag:$0x0] =	sbarrier.arrive $0xFFFF  }
0x97: {  	_ =	strace $0x90000050  }
0x98: {  	s0 =	stileid.u32;
	[bflag:$0x2] =	sbarrier.arrive $0xFFFF  }
0x99: {  	p0 =	sne.s32 s0, $0x0;
	s0 =	rddreg [dreg:$0x2]  }
0x9a: {  	s0 =	sadd.s32 @!p0 $0x100000, s0  }
0x9b: {  	[sflag:s0] =	ssyncadd.tile.s32 @!p0 $0x1;
	_ =	shalt  }
.Lfunc_end2:
_tile_overlayer_lowered:
.L_overlay_start_2:
0x9c: {  	(tag) =	ssettag $0x2  }
0x9d: {  	s0 =	rddreg [dreg:$0x0];
	s2 =	stileid.u32  }
0x9e: {  	s1 =	rddreg [dreg:$0x1];
	p0 =	sne.s32 s2, $0x0  }
0x9f: {  	s3 =	rddreg [dreg:$0x2];
	[bflag:$0x3] =	sbarrier.arrive $0xFFFF;
	s2 =	simm.s32 @!p0 $0x1C05  }
0xa0: {  	[timem:s3], [sflag:s2] =	dma.local @!p0 [hbm:s0], s1  }
0xa1: {  	s0 =	simm.s32 @!p0 $0x5  }
0xa2: {  	_ =	swait.ge @!p0 [sflag:s0], s1  }
0xa3: {  	s1 =	ssub.s32 @!p0 $0x0, s1;
	[sflag:s0] =	ssyncset.done @!p0 $0x0  }
0xa4: {  	[sflag:s0] =	ssyncadd.s32 @!p0 s1  }
0xa5: {  	[bflag:$0x3] =	sbarrier.arrive $0xFFFF  }
0xa6: {  	_ =	shalt  }

// kernel: kernel.13.cloned.1.call-start
scs
__scs_entry_jumppad:
0x0: {  	(pc) =	sbr.rel $0x88, $3  }
0x1: {  	(tag) =	ssettag $0x0;
	lr =	simm.s32 $0x1  }
0x2: {  	[smem:$0x3F8C] =	sst lr;
	_ =	strace $0xD0000000  }
0x3: {  	_ = 	snop  }
0x4: {  	_ = 	snop  }
0x5: {  	_ = 	snop  }
0x6: {  	_ = 	snop  }
0x7: {  	_ = 	snop  }
__scs_overlays_trampoline_lowered:
0x8: {  	[smem:$0x3F9B] =	sst s0  }
0x9: {  	[smem:$0x3F9C] =	sst s1  }
0xa: {  	[smem:$0x3F9D] =	sst s2  }
0xb: {  	[smem:$0x3F9E] =	sst s3  }
0xc: {  	[smem:$0x3F9F] =	sst s4  }
0xd: {  	[smem:$0x3FA0] =	sst s5  }
0xe: {  	[smem:$0x3FA1] =	sst s6  }
0xf: {  	[smem:$0x3FA2] =	sst s7  }
0x10: {  	[smem:$0x3FA3] =	sst s8  }
0x11: {  	[smem:$0x3FA4] =	sst s9;
	s0 =	simm.s32 @!p0 $0x0  }
0x12: {  	s1 =	sld [smem:$0x3F8A];
	s0 =	simm.s32 @p0 $0x1  }
0x13: {  	[smem:$0x3FA5] =	sst s0;
	s0 =	simm.s32 @!p1 $0x0  }
0x14: {  	s2 =	sld [smem:$0x3F89];
	s0 =	simm.s32 @p1 $0x1  }
0x15: {  	[smem:$0x3FA6] =	sst s0;
	s0 =	simm.s32 @!p2 $0x0  }
0x16: {  	s3 =	sld [smem:$0x3FDB];
	s0 =	simm.s32 @p2 $0x1  }
0x17: {  	s4 =	simm.s32 $0x1BF5;
	[smem:$0x3FA8] =	sst s0  }
0x18: {  	s0 =	sld [smem:$0x3F8B];
	_ =	swait.ge [sflag:s4], $0x0  }
0x19: {  	s7 =	sld [smem:$0x3F8C]  }
0x1a: {  	s8 =	sadd.s32 $0xFFFFE003, lr  }
0x1b: {  	s9 =	sadd.s32 $0xFFFFFEF7, lr;
	s5 =	simm.s32 $0xFFFFFFFF;
	p2 =	slt.u32 s8, $0xFFFFF086  }
0x1c: {  	p1 =	slt.u32 s9, $0xF7A;
	s5 =	simm.s32 @!p2 $0x0  }
0x1d: {  	s5 =	simm.s32 @p1 $0x1;
	p0 =	seq.s32 s7, s2  }
0x1e: {  	s7 =	smul.u32 @!p0 $0xF7A, s2;
	p2 =	seq.s32 @!p0 s5, $0x0  }
0x1f: {  	s9 =	smul.u32 $0xF7A, s1;
	s8 =	simm.s32 @!p0 $0x1BF5;
	p2 =	por !p2, p0  }
0x20: {  	[sflag:s8] =	ssyncset.s32 @!p0 $0xFFFFF086;
	s6 =	sadd.s32 @!p0 s3, s7;
	s7 =	simm.s32 @!p0 $0x108  }
0x21: {  	s3 =	sadd.s32 s3, s9;
	s6 =	sadd.s32 @!p0 $0x88, s6;
	s7 =	simm.s32 @p2 $0x1082  }
0x22: {  	[simem:s7], [sflag:s8] =	dma.local @!p0 [hbm:s6], $0xF7A  }
0x23: {  	s9 =	sor.u32 $0xD0000000, s2;
	s6 =	simm.s32 $0x108;
	_ =	swait.ge @!p0 [sflag:s8], $0x0  }
0x24: {  	s3 =	sadd.s32 $0x88, s3;
	s6 =	simm.s32 @!p1 $0x1082;
	[sflag:s4] =	ssyncset.s32 $0xFFFFF086  }
0x25: {  	[simem:s6], [sflag:s4] =	dma.local [hbm:s3], $0xF7A  }
0x26: {  	[smem:$0x3F8C] =	sst s1;
	(tag) =	ssettag s2;
	_ =	strace s9  }
0x27: {  	s1 =	sld [smem:$0x3F9C]  }
0x28: {  	s2 =	sld [smem:$0x3F9D]  }
0x29: {  	s4 =	sld [smem:$0x3F9F]  }
0x2a: {  	p0 =	seq.s32 s5, $0x0;
	s5 =	sld [smem:$0x3FA0]  }
0x2b: {  	s6 =	sld [smem:$0x3FA1]  }
0x2c: {  	s7 =	sld [smem:$0x3FA2]  }
0x2d: {  	s3 =	simm.s32 $0x108;
	s8 =	sld [smem:$0x3FA3]  }
0x2e: {  	s3 =	simm.s32 @!p0 $0x1082;
	s9 =	sld [smem:$0x3FA4]  }
0x2f: {  	lr =	sadd.s32 s0, s3;
	s0 =	sld [smem:$0x3F9B]  }
0x30: {  	s3 =	sld [smem:$0x3F9E]  }
0x31: {  	[smem:$0x3FA7] =	sst s10  }
0x32: {  	s10 =	sld [smem:$0x3FA5];
	_ =	sdelay $0x3  }
0x33: {  	p0 =	seq.s32 s10, $0x1;
	s10 =	sld [smem:$0x3FA7];
	_ =	sdelay $0x3  }
0x34: {  	[smem:$0x3FA7] =	sst s10  }
0x35: {  	s10 =	sld [smem:$0x3FA6];
	_ =	sdelay $0x3  }
0x36: {  	p1 =	seq.s32 s10, $0x1;
	s10 =	sld [smem:$0x3FA7];
	_ =	sdelay $0x3  }
0x37: {  	[smem:$0x3FA7] =	sst s10  }
0x38: {  	s10 =	sld [smem:$0x3FA8]  }
0x39: {  	_ = 	snop;
	(pc) =	sbr.ind lr, $3  }
0x3a: {  	_ = 	snop  }
0x3b: {  	_ = 	snop  }
0x3c: {  	p2 =	seq.s32 s10, $0x1;
	s10 =	sld [smem:$0x3FA7]  }
0x3d: {  	_ =	shalt  }
0x3e: {  	_ =	shalt  }
0x3f: {  	_ =	shalt  }
0x40: {  	_ =	shalt  }
0x41: {  	_ =	shalt  }
0x42: {  	_ =	shalt  }
0x43: {  	_ =	shalt  }
0x44: {  	_ =	shalt  }
0x45: {  	_ =	shalt  }
0x46: {  	_ =	shalt  }
0x47: {  	_ =	shalt  }
0x48: {  	_ =	shalt  }
0x49: {  	_ =	shalt  }
0x4a: {  	_ =	shalt  }
0x4b: {  	_ =	shalt  }
0x4c: {  	_ =	shalt  }
0x4d: {  	_ =	shalt  }
0x4e: {  	_ =	shalt  }
0x4f: {  	_ =	shalt  }
0x50: {  	_ =	shalt  }
0x51: {  	_ =	shalt  }
0x52: {  	_ =	shalt  }
0x53: {  	_ =	shalt  }
0x54: {  	_ =	shalt  }
0x55: {  	_ =	shalt  }
0x56: {  	_ =	shalt  }
0x57: {  	_ =	shalt  }
0x58: {  	_ =	shalt  }
0x59: {  	_ =	shalt  }
0x5a: {  	_ =	shalt  }
0x5b: {  	_ =	shalt  }
0x5c: {  	_ =	shalt  }
0x5d: {  	_ =	shalt  }
0x5e: {  	_ =	shalt  }
0x5f: {  	_ =	shalt  }
0x60: {  	_ =	shalt  }
0x61: {  	_ =	shalt  }
0x62: {  	_ =	shalt  }
0x63: {  	_ =	shalt  }
0x64: {  	_ =	shalt  }
0x65: {  	_ =	shalt  }
0x66: {  	_ =	shalt  }
0x67: {  	_ =	shalt  }
0x68: {  	_ =	shalt  }
0x69: {  	_ =	shalt  }
0x6a: {  	_ =	shalt  }
0x6b: {  	_ =	shalt  }
0x6c: {  	_ =	shalt  }
0x6d: {  	_ =	shalt  }
0x6e: {  	_ =	shalt  }
0x6f: {  	_ =	shalt  }
0x70: {  	_ =	shalt  }
0x71: {  	_ =	shalt  }
0x72: {  	_ =	shalt  }
0x73: {  	_ =	shalt  }
0x74: {  	_ =	shalt  }
0x75: {  	_ =	shalt  }
0x76: {  	_ =	shalt  }
0x77: {  	_ =	shalt  }
0x78: {  	_ =	shalt  }
0x79: {  	_ =	shalt  }
0x7a: {  	_ =	shalt  }
0x7b: {  	_ =	shalt  }
0x7c: {  	_ =	shalt  }
0x7d: {  	_ =	shalt  }
0x7e: {  	_ =	shalt  }
0x7f: {  	_ =	shalt  }
0x80: {  	_ =	shalt  }
0x81: {  	_ =	shalt  }
0x82: {  	_ =	shalt  }
0x83: {  	_ =	shalt  }
0x84: {  	_ =	shalt  }
0x85: {  	_ =	shalt  }
0x86: {  	_ =	shalt  }
0x87: {  	_ =	shalt  }
.Lfunc_end0:
.L_simem_size_0:
called_computation.1_lowered:
.L_overlay_start_0:
0x88: {  	s2 =	sld [smem:$0x3FD9]  }
0x89: {  	s3 =	sld [smem:$0x3FFE];
	_ =	sdelay $0x1  }
0x8a: {  	s1 =	srdreg.scid  }
0x8b: {  	s0 =	sand.u32 $0x1, s1  }
0x8c: {  	s17 =	sshll.u32 s0, $0xA;
	s2 =	sadd.s32 s3, s2  }
0x8d: {  	s2 =	sadd.s32 s2, s17  }
0x8e: {  	[smem:$0x3FB3] =	sst s2  }
0x8f: {  	_ = 	snop  }
0x90: {  	s18 =	sld [smem:$0x3FD0];
	(tm) =	ssettm $0x1  }
0x91: {  	s19 =	sld [smem:$0x3FFB];
	_ =	sdelay $0x3  }
0x92: {  	_ =	strace s19  }
0x93: {  	s2 =	sld [smem:$0x3FFC];
	_ =	sdelay $0x3  }
0x94: {  	_ =	strace s2  }
0x95: {  	s2 =	sld [smem:$0x3FFD];
	_ =	sdelay $0x3  }
0x96: {  	_ =	strace s2  }
0x97: {  	_ =	strace $0x8FFFFFFF  }
0x98: {  	s20 =	sld [smem:$0x3FDB];
	_ =	sdelay $0x1  }
0x99: {  	s4 =	simm.s32 $_scs_section_size  }
0x9a: {  	s5 =	simm.s32 $_size__tile_overlayer_lowered;
	s6 =	simm.s32 $_tile_overlayer_lowered  }
0x9b: {  	s7 =	simm.s32 $0x1BFF;
	s21 =	sshll.u32 s6, $0x1;
	s4 =	sadd.s32 s4, s20  }
0x9c: {  	s22 =	simm.s32 $0x0;
	s5 =	sshll.u32 s5, $0x1;
	s6 =	sadd.s32 s21, s4  }
0x9d: {  	[timem:s22], [sflag:s7] =	dma.local [hbm:s6], s5  }
0x9e: {  	_ =	swait.ge [sflag:s7], s5  }
0x9f: {  	s5 =	ssub.s32 $0x0, s5;
	[sflag:s7] =	ssyncset.done $0x0  }
0xa0: {  	[sflag:s7] =	ssyncadd.s32 s5;
	_ =	sdelay $0x1  }
0xa1: {  	s23 =	simm.s32 $0x1B8B  }
0xa2: {  	_ =	swait.ge [sflag:s23], $0x1  }
0xa3: {  	[sflag:s23] =	ssyncset.done $0x0  }
0xa4: {  	[sflag:s23] =	ssyncadd.s32 $0xFFFFFFFF  }
0xa5: {  	s5 =	sld [smem:$0x0]  }
0xa6: {  	s6 =	sand.u32 $0xFFFFFFFE, s1  }
0xa7: {  	p0 =	sne.s32 s1, s6  }
0xa8: {  	s6 =	sshll.u32 @p0 s6, $0xE  }
0xa9: {  	s6 =	sadd.s32 @p0 $0x11B8D, s6;
	s7 =	sshll.u32 @p0 s5, $0x11  }
0xaa: {  	s6 =	sor.u32 @p0 s7, s6  }
0xab: {  	[sflag:s6] =	ssyncadd.remote.s32 @p0 $0x1;
	_ =	sdelay $0x1  }
0xac: {  	s6 =	simm.s32 @p0 $0x1B8D  }
0xad: {  	_ =	swait.eq @p0 [sflag:s6], $0x1  }
0xae: {  	[sflag:s6] =	ssyncadd.s32 @p0 $0xFFFFFFFF  }
0xaf: {  	s7 =	sshll.u32 @!p0 s1, $0xE  }
0xb0: {  	s7 =	sor.u32 @!p0 $0x4000, s7;
	s6 =	simm.s32 @!p0 $0x1B8D  }
0xb1: {  	s5 =	sshll.u32 @!p0 s5, $0x11;
	s7 =	sadd.s32 @!p0 $0x11B8D, s7;
	_ =	swait.eq @!p0 [sflag:s6], $0x1  }
0xb2: {  	s5 =	sor.u32 @!p0 s5, s7;
	[sflag:s6] =	ssyncadd.s32 @!p0 $0xFFFFFFFF  }
0xb3: {  	s25 =	simm.s32 $0x1B8E;
	s24 =	sld [smem:$0x3FFE];
	[sflag:s5] =	ssyncadd.remote.s32 @!p0 $0x1  }
0xb4: {  	s26 =	simm.s32 $execute0_lowered;
	[smem:$0x3FD2] =	sst s25  }
0xb5: {  	s6 =	sshll.u32 s26, $0x1;
	_ =	strace $0x8000004C;
	[dreg:$0x1] =	wrdreg $0xFFFFFFFF  }
0xb6: {  	s28 =	simm.s32 $_size_execute0_lowered;
	s4 =	sadd.s32 s4, s6;
	[dreg:$0x0] =	wrdreg $0x0  }
0xb7: {  	s6 =	sshll.u32 s28, $0x1;
	[dreg:$0x2] =	wrdreg s4  }
0xb8: {  	[dreg:$0x3] =	wrdreg s6  }
0xb9: {  	[dreg:$0x4] =	wrdreg $0xC0  }
0xba: {  	_ =	task [dreg:s22], $0x5FFFF  }
0xbb: {  	[dreg:$0x1] =	wrdreg $0xFFFFFFFF  }
0xbc: {  	[dreg:$0x0] =	wrdreg $0x60  }
0xbd: {  	[dreg:$0x2] =	wrdreg s18  }
0xbe: {  	[dreg:$0x3] =	wrdreg s24  }
0xbf: {  	[dreg:$0x4] =	wrdreg $0xA  }
0xc0: {  	_ =	task.clear_ibuf [dreg:s22], $0x5FFFF;
	_ =	strace $0x9000004C  }
0xc1: {  	s29 =	simm.s32 $0xA;
	_ =	strace $0x8000004E  }
0xc2: {  	_ =	swait.ge [sflag:s29], $0x1  }
0xc3: {  	[sflag:s29] =	ssyncadd.s32 $0xFFFFFFFF  }
0xc4: {  	_ =	strace $0x9000004E  }
0xc5: {  	_ =	sfence  }
0xc6: {  	s30 =	sld [smem:$0x0];
	_ =	sdelay $0x2  }
0xc7: {  	s31 =	sshll.u32 s1, $0xD;
	s1 =	sshrl.u32 s1, $0x2  }
0xc8: {  	s4 =	sand.u32 $0x4000, s31;
	s1 =	sadd.s32 s1, s30  }
0xc9: {  	s0 =	sor.u32 s4, s0;
	s1 =	sshll.u32 s1, $0x11  }
0xca: {  	s0 =	sor.u32 s1, s0  }
0xcb: {  	s0 =	sadd.s32 $0x8F2B, s0  }
0xcc: {  	[sflag:s0] =	ssyncadd.remote.s32 $0x1  }
0xcd: {  	_ =	sfence.sel $0xFFFF  }
0xce: {  	[dreg:$0x0] =	wrdreg $0xFFFFFFFF;
	(pc) =	sbr.abs _section_cstart, $3  }
0xcf: {  	[dreg:$0x1] =	wrdreg $0xFFFFFFFF  }
0xd0: {  	_ =	task.clear_ibuf [dreg:s22], $0x2FFFF;
	_ =	strace $0x9FFFFFFF  }
0xd1: {  	(tm) =	ssettm $0x7FFFFFFF  }
tec
execute0_lowered:
.L_overlay_start_1:
0x0: {  	(tag) =	ssettag $0x1  }
0x1: {  	s0 =	srdreg.scid;
	s2 =	rddreg [dreg:$0x0]  }
0x2: {  	s7 =	stileid.u32;
	s4 =	rddreg [dreg:$0x1];
	s3 =	simm.s32 $0x0  }
0x3: {  	s10 =	simm.s32 $0x80;
	s11 =	simm.s32 $0x1900;
	s12 =	simm.s32 $0x2D00  }
0x4: {  	s14 =	simm.s32 $0x4100;
	s16 =	simm.s32 $0x5500;
	s18 =	simm.s32 $0x6900  }
0x5: {  	s19 =	simm.s32 $0x1;
	s21 =	simm.s32 $0x7D00;
	s23 =	simm.s32 $0x9100  }
0x6: {  	s25 =	simm.s32 $0xA500;
	s28 =	simm.s32 $0xB900;
	s30 =	simm.s32 $0xCD00  }
0x7: {  	s31 =	simm.s32 $0x2;
	s15 =	simm.s32 $0x600;
	s17 =	simm.s32 $0x680  }
0x8: {  	s20 =	simm.s32 $0x700;
	s22 =	simm.s32 $0x4;
	s24 =	simm.s32 $0x0  }
0x9: {  	s0 =	sand.u32 $0x1, s0;
	s1 =	sshll.u32 s7, $0x1;
	s7 =	smul.u32 $0xFA00, s7  }
0xa: {  	s1 =	sor.u32 s0, s1;
	s6 =	ssub.s32 $0x2, s0;
	s0 =	smul.u32 $0x7D00, s0  }
0xb: {  	[smem:$0x7FF] =	sst s3;
	s8 =	sadd.s32 $0x395200, s4;
	s5 =	smul.u32 $0x320, s1  }
.Ltmp0:
0xc: {  	_ =	strace $0x8000004D;
	s9 =	sshrl.u32 s6, $0x1;
	(pc) =	sbr.rel .LBB2_1-.Ltmp0, $4  }
0xd: {  	s1 =	smul.u32 $0x7D00, s1;
	s7 =	sadd.s32 s7, s8;
	s6 =	ssub.s32 s6, s9  }
0xe: {  	s0 =	sadd.s32 s0, s7;
	s9 =	simm.s32 $0x5;
	s4 =	sadd.s32 s5, s4  }
0xf: {  	s5 =	sadd.s32 s8, s1;
	s6 =	smax.u32 s6, $0x1;
	s26 =	sadd.s32 $0x1900, s0  }
0x10: {  	s1 =	simm.s32 $0x3;
	s4 =	sadd.s32 $0x38EE00, s4;
	s7 =	sadd.s32 $0xC80, s5  }
.LBB2_4:
0x11: {  	s24 =	sadd.s32 $0x1, s24  }
0x12: {  	p0 =	sne.s32 s24, s6  }
.Ltmp1:
0x13: {  	_ = 	snop;
	(pc) =	sbr.rel @!p0 .LBB2_5-.Ltmp1, $4  }
0x14: {  	_ = 	snop  }
0x15: {  	_ =	swait.ge [sflag:s22], $0x6400  }
0x16: {  	[sflag:s22] =	ssyncset.done $0x0  }
0x17: {  	[sflag:s22] =	ssyncadd.s32 $0xFFFF9C00  }
.LBB2_1:
0x18: {  	[tilespmem:s3], [sflag:$0x5] =	stream.linear.gather [hbm4b:s4+s3], $0x1900, $0x38;
	[tilespmem:$0xE100] =	vst v63  }
0x19: {  	_ =	swait.ge [sflag:s9], $0x1900  }
0x1a: {  	[sflag:s9] =	ssyncset.done $0x0  }
0x1b: {  	[sflag:s9] =	ssyncadd.s32 $0xFFFFE700  }
0x1c: {  	[tilespmem:s11], [sflag:$0x1] =	stream.indirect.gather [hbm4b:s2+s10], $0x28, s3, s10, $0xb8;
	[tilespmem:$0xE100] =	vst v63  }
0x1d: {  	_ = 	snop  }
0x1e: {  	[tilespmem:s12], [sflag:$0x1] =	stream.indirect.gather [hbm4b:s2+s10], $0x28, s10, s10, $0xb8;
	[tilespmem:$0xE100] =	vst v63  }
0x1f: {  	s0 =	simm.s32 $0x100  }
0x20: {  	[tilespmem:s14], [sflag:$0x1] =	stream.indirect.gather [hbm4b:s2+s10], $0x28, s0, s10, $0xb8;
	[tilespmem:$0xE100] =	vst v63  }
0x21: {  	s13 =	simm.s32 $0x180  }
0x22: {  	[tilespmem:s16], [sflag:$0x1] =	stream.indirect.gather [hbm4b:s2+s10], $0x28, s13, s10, $0xb8;
	[tilespmem:$0xE100] =	vst v63  }
0x23: {  	s8 =	simm.s32 $0x200  }
0x24: {  	[tilespmem:s18], [sflag:$0x1] =	stream.indirect.gather [hbm4b:s2+s10], $0x28, s8, s10, $0xb8;
	[tilespmem:$0xE100] =	vst v63  }
0x25: {  	_ =	swait.ge [sflag:s19], $0x1400  }
0x26: {  	[sflag:s19] =	ssyncset.done $0x0  }
0x27: {  	[sflag:s19] =	ssyncadd.s32 $0xFFFFEC00  }
0x28: {  	_ =	swait.ge [sflag:s19], $0x1400  }
0x29: {  	[sflag:s19] =	ssyncset.done $0x0  }
0x2a: {  	[sflag:s19] =	ssyncadd.s32 $0xFFFFEC00  }
0x2b: {  	_ =	swait.ge [sflag:s19], $0x1400  }
0x2c: {  	[sflag:s19] =	ssyncset.done $0x0  }
0x2d: {  	[sflag:s19] =	ssyncadd.s32 $0xFFFFEC00  }
0x2e: {  	_ =	swait.ge [sflag:s19], $0x1400  }
0x2f: {  	[sflag:s19] =	ssyncset.done $0x0  }
0x30: {  	[sflag:s19] =	ssyncadd.s32 $0xFFFFEC00  }
0x31: {  	_ =	swait.ge [sflag:s19], $0x1400  }
0x32: {  	[sflag:s19] =	ssyncset.done $0x0  }
0x33: {  	[sflag:s19] =	ssyncadd.s32 $0xFFFFEC00  }
0x34: {  	[hbm4b:s5+s3] =	stream.linear.scatter [tilespmem:s11], [sflag:$0x3], $0x6400, $0x38;
	[tilespmem:$0xE100] =	vst v63  }
0x35: {  	s13 =	simm.s32 $0x280  }
0x36: {  	[tilespmem:s21], [sflag:$0x2] =	stream.indirect.gather [hbm4b:s2+s10], $0x28, s13, s10, $0xb8;
	[tilespmem:$0xE100] =	vst v63  }
0x37: {  	s8 =	simm.s32 $0x300  }
0x38: {  	[tilespmem:s23], [sflag:$0x2] =	stream.indirect.gather [hbm4b:s2+s10], $0x28, s8, s10, $0xb8;
	[tilespmem:$0xE100] =	vst v63  }
0x39: {  	s13 =	simm.s32 $0x380  }
0x3a: {  	[tilespmem:s25], [sflag:$0x2] =	stream.indirect.gather [hbm4b:s2+s10], $0x28, s13, s10, $0xb8;
	[tilespmem:$0xE100] =	vst v63  }
0x3b: {  	s8 =	simm.s32 $0x400  }
0x3c: {  	[tilespmem:s28], [sflag:$0x2] =	stream.indirect.gather [hbm4b:s2+s10], $0x28, s8, s10, $0xb8;
	[tilespmem:$0xE100] =	vst v63  }
0x3d: {  	s13 =	simm.s32 $0x480  }
0x3e: {  	[tilespmem:s30], [sflag:$0x2] =	stream.indirect.gather [hbm4b:s2+s10], $0x28, s13, s10, $0xb8;
	[tilespmem:$0xE100] =	vst v63  }
0x3f: {  	_ =	swait.ge [sflag:s31], $0x1400  }
0x40: {  	[sflag:s31] =	ssyncset.done $0x0  }
0x41: {  	[sflag:s31] =	ssyncadd.s32 $0xFFFFEC00  }
0x42: {  	_ =	swait.ge [sflag:s31], $0x1400  }
0x43: {  	[sflag:s31] =	ssyncset.done $0x0  }
0x44: {  	[sflag:s31] =	ssyncadd.s32 $0xFFFFEC00  }
0x45: {  	_ =	swait.ge [sflag:s31], $0x1400  }
0x46: {  	[sflag:s31] =	ssyncset.done $0x0  }
0x47: {  	[sflag:s31] =	ssyncadd.s32 $0xFFFFEC00  }
0x48: {  	_ =	swait.ge [sflag:s31], $0x1400  }
0x49: {  	[sflag:s31] =	ssyncset.done $0x0  }
0x4a: {  	[sflag:s31] =	ssyncadd.s32 $0xFFFFEC00  }
0x4b: {  	_ =	swait.ge [sflag:s31], $0x1400  }
0x4c: {  	[sflag:s31] =	ssyncset.done $0x0  }
0x4d: {  	[sflag:s31] =	ssyncadd.s32 $0xFFFFEC00  }
0x4e: {  	[hbm4b:s7+s3] =	stream.linear.scatter [tilespmem:s21], [sflag:$0x4], $0x6400, $0x38;
	[tilespmem:$0xE100] =	vst v63  }
0x4f: {  	_ =	swait.ge [sflag:s1], $0x6400  }
0x50: {  	[sflag:s1] =	ssyncset.done $0x0  }
0x51: {  	s8 =	simm.s32 $0x500;
	[sflag:s1] =	ssyncadd.s32 $0xFFFF9C00  }
0x52: {  	[tilespmem:s11], [sflag:$0x1] =	stream.indirect.gather [hbm4b:s2+s10], $0x28, s8, s10, $0xb8;
	[tilespmem:$0xE100] =	vst v63  }
0x53: {  	s13 =	simm.s32 $0x580  }
0x54: {  	[tilespmem:s12], [sflag:$0x1] =	stream.indirect.gather [hbm4b:s2+s10], $0x28, s13, s10, $0xb8;
	[tilespmem:$0xE100] =	vst v63  }
0x55: {  	_ = 	snop  }
0x56: {  	[tilespmem:s14], [sflag:$0x1] =	stream.indirect.gather [hbm4b:s2+s10], $0x28, s15, s10, $0xb8;
	[tilespmem:$0xE100] =	vst v63  }
0x57: {  	_ = 	snop  }
0x58: {  	[tilespmem:s16], [sflag:$0x1] =	stream.indirect.gather [hbm4b:s2+s10], $0x28, s17, s10, $0xb8;
	[tilespmem:$0xE100] =	vst v63  }
0x59: {  	s29 =	simm.s32 $0x0;
	s8 =	smov.u32 s26  }
0x5a: {  	[tilespmem:s18], [sflag:$0x1] =	stream.indirect.gather [hbm4b:s2+s10], $0x28, s20, s10, $0xb8;
	[tilespmem:$0xE100] =	vst v63  }
.LBB2_2:
0x5b: {  	_ =	swait.ge [sflag:s19], $0x1400  }
0x5c: {  	[sflag:s19] =	ssyncset.done $0x0  }
0x5d: {  	[sflag:s19] =	ssyncadd.s32 $0xFFFFEC00  }
0x5e: {  	_ =	swait.ge [sflag:s19], $0x1400  }
0x5f: {  	[sflag:s19] =	ssyncset.done $0x0  }
0x60: {  	[sflag:s19] =	ssyncadd.s32 $0xFFFFEC00  }
0x61: {  	_ =	swait.ge [sflag:s19], $0x1400  }
0x62: {  	[sflag:s19] =	ssyncset.done $0x0  }
0x63: {  	[sflag:s19] =	ssyncadd.s32 $0xFFFFEC00  }
0x64: {  	_ =	swait.ge [sflag:s19], $0x1400  }
0x65: {  	[sflag:s19] =	ssyncset.done $0x0  }
0x66: {  	[sflag:s19] =	ssyncadd.s32 $0xFFFFEC00  }
0x67: {  	_ =	swait.ge [sflag:s19], $0x1400  }
0x68: {  	[sflag:s19] =	ssyncset.done $0x0  }
0x69: {  	[sflag:s19] =	ssyncadd.s32 $0xFFFFEC00  }
0x6a: {  	[hbm4b:s8+s3] =	stream.linear.scatter [tilespmem:s11], [sflag:$0x3], $0x6400, $0x38;
	[tilespmem:$0xE100] =	vst v63  }
0x6b: {  	_ =	swait.ge [sflag:s22], $0x6400  }
0x6c: {  	s0 =	sshra.s32 s29, $0x2;
	[sflag:s22] =	ssyncset.done $0x0  }
0x6d: {  	s13 =	sadd.s32 $0x780, s0;
	[sflag:s22] =	ssyncadd.s32 $0xFFFF9C00  }
0x6e: {  	[tilespmem:s21], [sflag:$0x2] =	stream.indirect.gather [hbm4b:s2+s10], $0x28, s13, s10, $0xb8;
	[tilespmem:$0xE100] =	vst v63  }
0x6f: {  	s13 =	sadd.s32 $0x800, s0  }
0x70: {  	[tilespmem:s23], [sflag:$0x2] =	stream.indirect.gather [hbm4b:s2+s10], $0x28, s13, s10, $0xb8;
	[tilespmem:$0xE100] =	vst v63  }
0x71: {  	s13 =	sadd.s32 $0x880, s0  }
0x72: {  	[tilespmem:s25], [sflag:$0x2] =	stream.indirect.gather [hbm4b:s2+s10], $0x28, s13, s10, $0xb8;
	[tilespmem:$0xE100] =	vst v63  }
0x73: {  	s13 =	sadd.s32 $0x900, s0  }
0x74: {  	[tilespmem:s28], [sflag:$0x2] =	stream.indirect.gather [hbm4b:s2+s10], $0x28, s13, s10, $0xb8;
	[tilespmem:$0xE100] =	vst v63  }
0x75: {  	s13 =	sadd.s32 $0x980, s0  }
0x76: {  	[tilespmem:s30], [sflag:$0x2] =	stream.indirect.gather [hbm4b:s2+s10], $0x28, s13, s10, $0xb8;
	[tilespmem:$0xE100] =	vst v63  }
0x77: {  	_ =	swait.ge [sflag:s31], $0x1400  }
0x78: {  	[sflag:s31] =	ssyncset.done $0x0  }
0x79: {  	[sflag:s31] =	ssyncadd.s32 $0xFFFFEC00  }
0x7a: {  	_ =	swait.ge [sflag:s31], $0x1400  }
0x7b: {  	[sflag:s31] =	ssyncset.done $0x0  }
0x7c: {  	[sflag:s31] =	ssyncadd.s32 $0xFFFFEC00  }
0x7d: {  	_ =	swait.ge [sflag:s31], $0x1400  }
0x7e: {  	[sflag:s31] =	ssyncset.done $0x0  }
0x7f: {  	[sflag:s31] =	ssyncadd.s32 $0xFFFFEC00  }
0x80: {  	_ =	swait.ge [sflag:s31], $0x1400  }
0x81: {  	[sflag:s31] =	ssyncset.done $0x0  }
0x82: {  	[sflag:s31] =	ssyncadd.s32 $0xFFFFEC00  }
0x83: {  	_ =	swait.ge [sflag:s31], $0x1400  }
0x84: {  	p0 =	seq.s32 s29, $0x3C00;
	[sflag:s31] =	ssyncset.done $0x0  }
.Ltmp2:
0x85: {  	s13 =	sadd.s32 $0xC80, s8;
	[sflag:s31] =	ssyncadd.s32 $0xFFFFEC00;
	(pc) =	sbr.rel @p0 .LBB2_4-.Ltmp2, $4  }
0x86: {  	[hbm4b:s13+s3] =	stream.linear.scatter [tilespmem:s21], [sflag:$0x4], $0x6400, $0x38;
	[tilespmem:$0xE100] =	vst v63  }
0x87: {  	_ =	swait.ge [sflag:s1], $0x6400  }
0x88: {  	[sflag:s1] =	ssyncset.done $0x0  }
0x89: {  	[sflag:s1] =	ssyncadd.s32 $0xFFFF9C00  }
0x8a: {  	s13 =	sadd.s32 $0xA00, s0  }
0x8b: {  	[tilespmem:s11], [sflag:$0x1] =	stream.indirect.gather [hbm4b:s2+s10], $0x28, s13, s10, $0xb8;
	[tilespmem:$0xE100] =	vst v63  }
0x8c: {  	s13 =	sadd.s32 $0xA80, s0  }
0x8d: {  	[tilespmem:s12], [sflag:$0x1] =	stream.indirect.gather [hbm4b:s2+s10], $0x28, s13, s10, $0xb8;
	[tilespmem:$0xE100] =	vst v63  }
0x8e: {  	s13 =	sadd.s32 $0xB00, s0  }
0x8f: {  	[tilespmem:s14], [sflag:$0x1] =	stream.indirect.gather [hbm4b:s2+s10], $0x28, s13, s10, $0xb8;
	[tilespmem:$0xE100] =	vst v63  }
.Ltmp3:
0x90: {  	_ = 	snop;
	(pc) =	sbr.rel .LBB2_2-.Ltmp3, $4  }
0x91: {  	s13 =	sadd.s32 $0xB80, s0  }
0x92: {  	[tilespmem:s16], [sflag:$0x1] =	stream.indirect.gather [hbm4b:s2+s10], $0x28, s13, s10, $0xb8;
	[tilespmem:$0xE100] =	vst v63  }
0x93: {  	s29 =	sadd.s32 $0x1400, s29;
	s8 =	sadd.s32 $0x1900, s8;
	s13 =	sadd.s32 $0xC00, s0  }
0x94: {  	[tilespmem:s18], [sflag:$0x1] =	stream.indirect.gather [hbm4b:s2+s10], $0x28, s13, s10, $0xb8;
	[tilespmem:$0xE100] =	vst v63  }
.LBB2_5:
0x95: {  	_ =	sfence.sel $0x180000  }
0x96: {  	[bflag:$0x0] =	sbarrier.arrive $0xFFFF  }
0x97: {  	_ =	strace $0x9000004D  }
0x98: {  	s0 =	stileid.u32;
	[bflag:$0x2] =	sbarrier.arrive $0xFFFF  }
0x99: {  	p0 =	sne.s32 s0, $0x0;
	s0 =	rddreg [dreg:$0x2]  }
0x9a: {  	s0 =	sadd.s32 @!p0 $0x100000, s0  }
0x9b: {  	[sflag:s0] =	ssyncadd.tile.s32 @!p0 $0x1;
	_ =	shalt  }
.Lfunc_end2:
_tile_overlayer_lowered:
.L_overlay_start_2:
0x9c: {  	(tag) =	ssettag $0x2  }
0x9d: {  	s0 =	rddreg [dreg:$0x0];
	s2 =	stileid.u32  }
0x9e: {  	s1 =	rddreg [dreg:$0x1];
	p0 =	sne.s32 s2, $0x0  }
0x9f: {  	s3 =	rddreg [dreg:$0x2];
	[bflag:$0x3] =	sbarrier.arrive $0xFFFF;
	s2 =	simm.s32 @!p0 $0x1C05  }
0xa0: {  	[timem:s3], [sflag:s2] =	dma.local @!p0 [hbm:s0], s1  }
0xa1: {  	s0 =	simm.s32 @!p0 $0x5  }
0xa2: {  	_ =	swait.ge @!p0 [sflag:s0], s1  }
0xa3: {  	s1 =	ssub.s32 @!p0 $0x0, s1;
	[sflag:s0] =	ssyncset.done @!p0 $0x0  }
0xa4: {  	[sflag:s0] =	ssyncadd.s32 @!p0 s1  }
0xa5: {  	[bflag:$0x3] =	sbarrier.arrive $0xFFFF  }
0xa6: {  	_ =	shalt  }

// kernel: kernel.16.cloned.1.call-start
scs
__scs_entry_jumppad:
0x0: {  	(pc) =	sbr.rel $0x88, $3  }
0x1: {  	(tag) =	ssettag $0x0;
	lr =	simm.s32 $0x1  }
0x2: {  	[smem:$0x3F8C] =	sst lr;
	_ =	strace $0xD0000000  }
0x3: {  	_ = 	snop  }
0x4: {  	_ = 	snop  }
0x5: {  	_ = 	snop  }
0x6: {  	_ = 	snop  }
0x7: {  	_ = 	snop  }
__scs_overlays_trampoline_lowered:
0x8: {  	[smem:$0x3F9B] =	sst s0  }
0x9: {  	[smem:$0x3F9C] =	sst s1  }
0xa: {  	[smem:$0x3F9D] =	sst s2  }
0xb: {  	[smem:$0x3F9E] =	sst s3  }
0xc: {  	[smem:$0x3F9F] =	sst s4  }
0xd: {  	[smem:$0x3FA0] =	sst s5  }
0xe: {  	[smem:$0x3FA1] =	sst s6  }
0xf: {  	[smem:$0x3FA2] =	sst s7  }
0x10: {  	[smem:$0x3FA3] =	sst s8  }
0x11: {  	[smem:$0x3FA4] =	sst s9;
	s0 =	simm.s32 @!p0 $0x0  }
0x12: {  	s1 =	sld [smem:$0x3F8A];
	s0 =	simm.s32 @p0 $0x1  }
0x13: {  	[smem:$0x3FA5] =	sst s0;
	s0 =	simm.s32 @!p1 $0x0  }
0x14: {  	s2 =	sld [smem:$0x3F89];
	s0 =	simm.s32 @p1 $0x1  }
0x15: {  	[smem:$0x3FA6] =	sst s0;
	s0 =	simm.s32 @!p2 $0x0  }
0x16: {  	s3 =	sld [smem:$0x3FDB];
	s0 =	simm.s32 @p2 $0x1  }
0x17: {  	s4 =	simm.s32 $0x1BF5;
	[smem:$0x3FA8] =	sst s0  }
0x18: {  	s0 =	sld [smem:$0x3F8B];
	_ =	swait.ge [sflag:s4], $0x0  }
0x19: {  	s7 =	sld [smem:$0x3F8C]  }
0x1a: {  	s8 =	sadd.s32 $0xFFFFE003, lr  }
0x1b: {  	s9 =	sadd.s32 $0xFFFFFEF7, lr;
	s5 =	simm.s32 $0xFFFFFFFF;
	p2 =	slt.u32 s8, $0xFFFFF086  }
0x1c: {  	p1 =	slt.u32 s9, $0xF7A;
	s5 =	simm.s32 @!p2 $0x0  }
0x1d: {  	s5 =	simm.s32 @p1 $0x1;
	p0 =	seq.s32 s7, s2  }
0x1e: {  	s7 =	smul.u32 @!p0 $0xF7A, s2;
	p2 =	seq.s32 @!p0 s5, $0x0  }
0x1f: {  	s9 =	smul.u32 $0xF7A, s1;
	s8 =	simm.s32 @!p0 $0x1BF5;
	p2 =	por !p2, p0  }
0x20: {  	[sflag:s8] =	ssyncset.s32 @!p0 $0xFFFFF086;
	s6 =	sadd.s32 @!p0 s3, s7;
	s7 =	simm.s32 @!p0 $0x108  }
0x21: {  	s3 =	sadd.s32 s3, s9;
	s6 =	sadd.s32 @!p0 $0x88, s6;
	s7 =	simm.s32 @p2 $0x1082  }
0x22: {  	[simem:s7], [sflag:s8] =	dma.local @!p0 [hbm:s6], $0xF7A  }
0x23: {  	s9 =	sor.u32 $0xD0000000, s2;
	s6 =	simm.s32 $0x108;
	_ =	swait.ge @!p0 [sflag:s8], $0x0  }
0x24: {  	s3 =	sadd.s32 $0x88, s3;
	s6 =	simm.s32 @!p1 $0x1082;
	[sflag:s4] =	ssyncset.s32 $0xFFFFF086  }
0x25: {  	[simem:s6], [sflag:s4] =	dma.local [hbm:s3], $0xF7A  }
0x26: {  	[smem:$0x3F8C] =	sst s1;
	(tag) =	ssettag s2;
	_ =	strace s9  }
0x27: {  	s1 =	sld [smem:$0x3F9C]  }
0x28: {  	s2 =	sld [smem:$0x3F9D]  }
0x29: {  	s4 =	sld [smem:$0x3F9F]  }
0x2a: {  	p0 =	seq.s32 s5, $0x0;
	s5 =	sld [smem:$0x3FA0]  }
0x2b: {  	s6 =	sld [smem:$0x3FA1]  }
0x2c: {  	s7 =	sld [smem:$0x3FA2]  }
0x2d: {  	s3 =	simm.s32 $0x108;
	s8 =	sld [smem:$0x3FA3]  }
0x2e: {  	s3 =	simm.s32 @!p0 $0x1082;
	s9 =	sld [smem:$0x3FA4]  }
0x2f: {  	lr =	sadd.s32 s0, s3;
	s0 =	sld [smem:$0x3F9B]  }
0x30: {  	s3 =	sld [smem:$0x3F9E]  }
0x31: {  	[smem:$0x3FA7] =	sst s10  }
0x32: {  	s10 =	sld [smem:$0x3FA5];
	_ =	sdelay $0x3  }
0x33: {  	p0 =	seq.s32 s10, $0x1;
	s10 =	sld [smem:$0x3FA7];
	_ =	sdelay $0x3  }
0x34: {  	[smem:$0x3FA7] =	sst s10  }
0x35: {  	s10 =	sld [smem:$0x3FA6];
	_ =	sdelay $0x3  }
0x36: {  	p1 =	seq.s32 s10, $0x1;
	s10 =	sld [smem:$0x3FA7];
	_ =	sdelay $0x3  }
0x37: {  	[smem:$0x3FA7] =	sst s10  }
0x38: {  	s10 =	sld [smem:$0x3FA8]  }
0x39: {  	_ = 	snop;
	(pc) =	sbr.ind lr, $3  }
0x3a: {  	_ = 	snop  }
0x3b: {  	_ = 	snop  }
0x3c: {  	p2 =	seq.s32 s10, $0x1;
	s10 =	sld [smem:$0x3FA7]  }
0x3d: {  	_ =	shalt  }
0x3e: {  	_ =	shalt  }
0x3f: {  	_ =	shalt  }
0x40: {  	_ =	shalt  }
0x41: {  	_ =	shalt  }
0x42: {  	_ =	shalt  }
0x43: {  	_ =	shalt  }
0x44: {  	_ =	shalt  }
0x45: {  	_ =	shalt  }
0x46: {  	_ =	shalt  }
0x47: {  	_ =	shalt  }
0x48: {  	_ =	shalt  }
0x49: {  	_ =	shalt  }
0x4a: {  	_ =	shalt  }
0x4b: {  	_ =	shalt  }
0x4c: {  	_ =	shalt  }
0x4d: {  	_ =	shalt  }
0x4e: {  	_ =	shalt  }
0x4f: {  	_ =	shalt  }
0x50: {  	_ =	shalt  }
0x51: {  	_ =	shalt  }
0x52: {  	_ =	shalt  }
0x53: {  	_ =	shalt  }
0x54: {  	_ =	shalt  }
0x55: {  	_ =	shalt  }
0x56: {  	_ =	shalt  }
0x57: {  	_ =	shalt  }
0x58: {  	_ =	shalt  }
0x59: {  	_ =	shalt  }
0x5a: {  	_ =	shalt  }
0x5b: {  	_ =	shalt  }
0x5c: {  	_ =	shalt  }
0x5d: {  	_ =	shalt  }
0x5e: {  	_ =	shalt  }
0x5f: {  	_ =	shalt  }
0x60: {  	_ =	shalt  }
0x61: {  	_ =	shalt  }
0x62: {  	_ =	shalt  }
0x63: {  	_ =	shalt  }
0x64: {  	_ =	shalt  }
0x65: {  	_ =	shalt  }
0x66: {  	_ =	shalt  }
0x67: {  	_ =	shalt  }
0x68: {  	_ =	shalt  }
0x69: {  	_ =	shalt  }
0x6a: {  	_ =	shalt  }
0x6b: {  	_ =	shalt  }
0x6c: {  	_ =	shalt  }
0x6d: {  	_ =	shalt  }
0x6e: {  	_ =	shalt  }
0x6f: {  	_ =	shalt  }
0x70: {  	_ =	shalt  }
0x71: {  	_ =	shalt  }
0x72: {  	_ =	shalt  }
0x73: {  	_ =	shalt  }
0x74: {  	_ =	shalt  }
0x75: {  	_ =	shalt  }
0x76: {  	_ =	shalt  }
0x77: {  	_ =	shalt  }
0x78: {  	_ =	shalt  }
0x79: {  	_ =	shalt  }
0x7a: {  	_ =	shalt  }
0x7b: {  	_ =	shalt  }
0x7c: {  	_ =	shalt  }
0x7d: {  	_ =	shalt  }
0x7e: {  	_ =	shalt  }
0x7f: {  	_ =	shalt  }
0x80: {  	_ =	shalt  }
0x81: {  	_ =	shalt  }
0x82: {  	_ =	shalt  }
0x83: {  	_ =	shalt  }
0x84: {  	_ =	shalt  }
0x85: {  	_ =	shalt  }
0x86: {  	_ =	shalt  }
0x87: {  	_ =	shalt  }
.Lfunc_end0:
.L_simem_size_0:
called_computation.2_lowered:
.L_overlay_start_0:
0x88: {  	s2 =	sld [smem:$0x3FD9]  }
0x89: {  	s3 =	sld [smem:$0x3FFE];
	_ =	sdelay $0x1  }
0x8a: {  	s1 =	srdreg.scid  }
0x8b: {  	s0 =	sand.u32 $0x1, s1  }
0x8c: {  	s17 =	sshll.u32 s0, $0xA;
	s2 =	sadd.s32 s3, s2  }
0x8d: {  	s2 =	sadd.s32 s2, s17  }
0x8e: {  	[smem:$0x3FB3] =	sst s2  }
0x8f: {  	_ = 	snop  }
0x90: {  	s18 =	sld [smem:$0x3FD0];
	(tm) =	ssettm $0x1  }
0x91: {  	s19 =	sld [smem:$0x3FFB];
	_ =	sdelay $0x3  }
0x92: {  	_ =	strace s19  }
0x93: {  	s2 =	sld [smem:$0x3FFC];
	_ =	sdelay $0x3  }
0x94: {  	_ =	strace s2  }
0x95: {  	s2 =	sld [smem:$0x3FFD];
	_ =	sdelay $0x3  }
0x96: {  	_ =	strace s2  }
0x97: {  	_ =	strace $0x8FFFFFFF  }
0x98: {  	s20 =	sld [smem:$0x3FDB];
	_ =	sdelay $0x1  }
0x99: {  	s4 =	simm.s32 $_scs_section_size  }
0x9a: {  	s5 =	simm.s32 $_size__tile_overlayer_lowered;
	s6 =	simm.s32 $_tile_overlayer_lowered  }
0x9b: {  	s7 =	simm.s32 $0x1BFF;
	s21 =	sshll.u32 s6, $0x1;
	s4 =	sadd.s32 s4, s20  }
0x9c: {  	s22 =	simm.s32 $0x0;
	s5 =	sshll.u32 s5, $0x1;
	s6 =	sadd.s32 s21, s4  }
0x9d: {  	[timem:s22], [sflag:s7] =	dma.local [hbm:s6], s5  }
0x9e: {  	_ =	swait.ge [sflag:s7], s5  }
0x9f: {  	s5 =	ssub.s32 $0x0, s5;
	[sflag:s7] =	ssyncset.done $0x0  }
0xa0: {  	[sflag:s7] =	ssyncadd.s32 s5;
	_ =	sdelay $0x1  }
0xa1: {  	s23 =	simm.s32 $0x1B8B  }
0xa2: {  	_ =	swait.ge [sflag:s23], $0x1  }
0xa3: {  	[sflag:s23] =	ssyncset.done $0x0  }
0xa4: {  	[sflag:s23] =	ssyncadd.s32 $0xFFFFFFFF  }
0xa5: {  	s5 =	sld [smem:$0x0]  }
0xa6: {  	s6 =	sand.u32 $0xFFFFFFFE, s1  }
0xa7: {  	p0 =	sne.s32 s1, s6  }
0xa8: {  	s6 =	sshll.u32 @p0 s6, $0xE  }
0xa9: {  	s6 =	sadd.s32 @p0 $0x11B8D, s6;
	s7 =	sshll.u32 @p0 s5, $0x11  }
0xaa: {  	s6 =	sor.u32 @p0 s7, s6  }
0xab: {  	[sflag:s6] =	ssyncadd.remote.s32 @p0 $0x1;
	_ =	sdelay $0x1  }
0xac: {  	s6 =	simm.s32 @p0 $0x1B8D  }
0xad: {  	_ =	swait.eq @p0 [sflag:s6], $0x1  }
0xae: {  	[sflag:s6] =	ssyncadd.s32 @p0 $0xFFFFFFFF  }
0xaf: {  	s7 =	sshll.u32 @!p0 s1, $0xE  }
0xb0: {  	s7 =	sor.u32 @!p0 $0x4000, s7;
	s6 =	simm.s32 @!p0 $0x1B8D  }
0xb1: {  	s5 =	sshll.u32 @!p0 s5, $0x11;
	s7 =	sadd.s32 @!p0 $0x11B8D, s7;
	_ =	swait.eq @!p0 [sflag:s6], $0x1  }
0xb2: {  	s5 =	sor.u32 @!p0 s5, s7;
	[sflag:s6] =	ssyncadd.s32 @!p0 $0xFFFFFFFF  }
0xb3: {  	s25 =	simm.s32 $0x1B8E;
	s24 =	sld [smem:$0x3FFE];
	[sflag:s5] =	ssyncadd.remote.s32 @!p0 $0x1  }
0xb4: {  	s26 =	simm.s32 $execute0_lowered;
	[smem:$0x3FD2] =	sst s25  }
0xb5: {  	s6 =	sshll.u32 s26, $0x1;
	_ =	strace $0x80000049;
	[dreg:$0x1] =	wrdreg $0xFFFFFFFF  }
0xb6: {  	s28 =	simm.s32 $_size_execute0_lowered;
	s4 =	sadd.s32 s4, s6;
	[dreg:$0x0] =	wrdreg $0x0  }
0xb7: {  	s6 =	sshll.u32 s28, $0x1;
	[dreg:$0x2] =	wrdreg s4  }
0xb8: {  	[dreg:$0x3] =	wrdreg s6  }
0xb9: {  	[dreg:$0x4] =	wrdreg $0xC0  }
0xba: {  	_ =	task [dreg:s22], $0x5FFFF  }
0xbb: {  	[dreg:$0x1] =	wrdreg $0xFFFFFFFF  }
0xbc: {  	[dreg:$0x0] =	wrdreg $0x60  }
0xbd: {  	[dreg:$0x2] =	wrdreg s18  }
0xbe: {  	[dreg:$0x3] =	wrdreg s24  }
0xbf: {  	[dreg:$0x4] =	wrdreg $0xB  }
0xc0: {  	_ =	task.clear_ibuf [dreg:s22], $0x5FFFF;
	_ =	strace $0x90000049  }
0xc1: {  	s29 =	simm.s32 $0xB;
	_ =	strace $0x8000004B  }
0xc2: {  	_ =	swait.ge [sflag:s29], $0x1  }
0xc3: {  	[sflag:s29] =	ssyncadd.s32 $0xFFFFFFFF  }
0xc4: {  	_ =	strace $0x9000004B  }
0xc5: {  	_ =	sfence  }
0xc6: {  	s30 =	sld [smem:$0x0];
	_ =	sdelay $0x2  }
0xc7: {  	s31 =	sshll.u32 s1, $0xD;
	s1 =	sshrl.u32 s1, $0x2  }
0xc8: {  	s4 =	sand.u32 $0x4000, s31;
	s1 =	sadd.s32 s1, s30  }
0xc9: {  	s0 =	sor.u32 s4, s0;
	s1 =	sshll.u32 s1, $0x11  }
0xca: {  	s0 =	sor.u32 s1, s0  }
0xcb: {  	s0 =	sadd.s32 $0x8F2B, s0  }
0xcc: {  	[sflag:s0] =	ssyncadd.remote.s32 $0x1  }
0xcd: {  	_ =	sfence.sel $0xFFFF  }
0xce: {  	[dreg:$0x0] =	wrdreg $0xFFFFFFFF;
	(pc) =	sbr.abs _section_cstart, $3  }
0xcf: {  	[dreg:$0x1] =	wrdreg $0xFFFFFFFF  }
0xd0: {  	_ =	task.clear_ibuf [dreg:s22], $0x2FFFF;
	_ =	strace $0x9FFFFFFF  }
0xd1: {  	(tm) =	ssettm $0x7FFFFFFF  }
tec
execute0_lowered:
.L_overlay_start_1:
0x0: {  	(tag) =	ssettag $0x1  }
0x1: {  	s0 =	srdreg.scid;
	s2 =	rddreg [dreg:$0x0]  }
0x2: {  	s7 =	stileid.u32;
	s4 =	rddreg [dreg:$0x1];
	s3 =	simm.s32 $0x0  }
0x3: {  	s10 =	simm.s32 $0x80;
	s11 =	simm.s32 $0x1900;
	s12 =	simm.s32 $0x2D00  }
0x4: {  	s14 =	simm.s32 $0x4100;
	s16 =	simm.s32 $0x5500;
	s18 =	simm.s32 $0x6900  }
0x5: {  	s19 =	simm.s32 $0x1;
	s21 =	simm.s32 $0x7D00;
	s23 =	simm.s32 $0x9100  }
0x6: {  	s25 =	simm.s32 $0xA500;
	s28 =	simm.s32 $0xB900;
	s30 =	simm.s32 $0xCD00  }
0x7: {  	s31 =	simm.s32 $0x2;
	s15 =	simm.s32 $0x600;
	s17 =	simm.s32 $0x680  }
0x8: {  	s20 =	simm.s32 $0x700;
	s22 =	simm.s32 $0x4;
	s24 =	simm.s32 $0x0  }
0x9: {  	s0 =	sand.u32 $0x1, s0;
	s1 =	sshll.u32 s7, $0x1;
	s7 =	smul.u32 $0xFA00, s7  }
0xa: {  	s1 =	sor.u32 s0, s1;
	s6 =	ssub.s32 $0x2, s0;
	s0 =	smul.u32 $0x7D00, s0  }
0xb: {  	[smem:$0x7FF] =	sst s3;
	s8 =	sadd.s32 $0x294E00, s4;
	s5 =	smul.u32 $0x320, s1  }
.Ltmp0:
0xc: {  	_ =	strace $0x8000004A;
	s9 =	sshrl.u32 s6, $0x1;
	(pc) =	sbr.rel .LBB2_1-.Ltmp0, $4  }
0xd: {  	s1 =	smul.u32 $0x7D00, s1;
	s7 =	sadd.s32 s7, s8;
	s6 =	ssub.s32 s6, s9  }
0xe: {  	s0 =	sadd.s32 s0, s7;
	s9 =	simm.s32 $0x5;
	s4 =	sadd.s32 s5, s4  }
0xf: {  	s5 =	sadd.s32 s8, s1;
	s6 =	smax.u32 s6, $0x1;
	s26 =	sadd.s32 $0x1900, s0  }
0x10: {  	s1 =	simm.s32 $0x3;
	s4 =	sadd.s32 $0x28EA00, s4;
	s7 =	sadd.s32 $0xC80, s5  }
.LBB2_4:
0x11: {  	s24 =	sadd.s32 $0x1, s24  }
0x12: {  	p0 =	sne.s32 s24, s6  }
.Ltmp1:
0x13: {  	_ = 	snop;
	(pc) =	sbr.rel @!p0 .LBB2_5-.Ltmp1, $4  }
0x14: {  	_ = 	snop  }
0x15: {  	_ =	swait.ge [sflag:s22], $0x6400  }
0x16: {  	[sflag:s22] =	ssyncset.done $0x0  }
0x17: {  	[sflag:s22] =	ssyncadd.s32 $0xFFFF9C00  }
.LBB2_1:
0x18: {  	[tilespmem:s3], [sflag:$0x5] =	stream.linear.gather [hbm4b:s4+s3], $0x1900, $0x38;
	[tilespmem:$0xE100] =	vst v63  }
0x19: {  	_ =	swait.ge [sflag:s9], $0x1900  }
0x1a: {  	[sflag:s9] =	ssyncset.done $0x0  }
0x1b: {  	[sflag:s9] =	ssyncadd.s32 $0xFFFFE700  }
0x1c: {  	[tilespmem:s11], [sflag:$0x1] =	stream.indirect.gather [hbm4b:s2+s10], $0x28, s3, s10, $0xb8;
	[tilespmem:$0xE100] =	vst v63  }
0x1d: {  	_ = 	snop  }
0x1e: {  	[tilespmem:s12], [sflag:$0x1] =	stream.indirect.gather [hbm4b:s2+s10], $0x28, s10, s10, $0xb8;
	[tilespmem:$0xE100] =	vst v63  }
0x1f: {  	s0 =	simm.s32 $0x100  }
0x20: {  	[tilespmem:s14], [sflag:$0x1] =	stream.indirect.gather [hbm4b:s2+s10], $0x28, s0, s10, $0xb8;
	[tilespmem:$0xE100] =	vst v63  }
0x21: {  	s13 =	simm.s32 $0x180  }
0x22: {  	[tilespmem:s16], [sflag:$0x1] =	stream.indirect.gather [hbm4b:s2+s10], $0x28, s13, s10, $0xb8;
	[tilespmem:$0xE100] =	vst v63  }
0x23: {  	s8 =	simm.s32 $0x200  }
0x24: {  	[tilespmem:s18], [sflag:$0x1] =	stream.indirect.gather [hbm4b:s2+s10], $0x28, s8, s10, $0xb8;
	[tilespmem:$0xE100] =	vst v63  }
0x25: {  	_ =	swait.ge [sflag:s19], $0x1400  }
0x26: {  	[sflag:s19] =	ssyncset.done $0x0  }
0x27: {  	[sflag:s19] =	ssyncadd.s32 $0xFFFFEC00  }
0x28: {  	_ =	swait.ge [sflag:s19], $0x1400  }
0x29: {  	[sflag:s19] =	ssyncset.done $0x0  }
0x2a: {  	[sflag:s19] =	ssyncadd.s32 $0xFFFFEC00  }
0x2b: {  	_ =	swait.ge [sflag:s19], $0x1400  }
0x2c: {  	[sflag:s19] =	ssyncset.done $0x0  }
0x2d: {  	[sflag:s19] =	ssyncadd.s32 $0xFFFFEC00  }
0x2e: {  	_ =	swait.ge [sflag:s19], $0x1400  }
0x2f: {  	[sflag:s19] =	ssyncset.done $0x0  }
0x30: {  	[sflag:s19] =	ssyncadd.s32 $0xFFFFEC00  }
0x31: {  	_ =	swait.ge [sflag:s19], $0x1400  }
0x32: {  	[sflag:s19] =	ssyncset.done $0x0  }
0x33: {  	[sflag:s19] =	ssyncadd.s32 $0xFFFFEC00  }
0x34: {  	[hbm4b:s5+s3] =	stream.linear.scatter [tilespmem:s11], [sflag:$0x3], $0x6400, $0x38;
	[tilespmem:$0xE100] =	vst v63  }
0x35: {  	s13 =	simm.s32 $0x280  }
0x36: {  	[tilespmem:s21], [sflag:$0x2] =	stream.indirect.gather [hbm4b:s2+s10], $0x28, s13, s10, $0xb8;
	[tilespmem:$0xE100] =	vst v63  }
0x37: {  	s8 =	simm.s32 $0x300  }
0x38: {  	[tilespmem:s23], [sflag:$0x2] =	stream.indirect.gather [hbm4b:s2+s10], $0x28, s8, s10, $0xb8;
	[tilespmem:$0xE100] =	vst v63  }
0x39: {  	s13 =	simm.s32 $0x380  }
0x3a: {  	[tilespmem:s25], [sflag:$0x2] =	stream.indirect.gather [hbm4b:s2+s10], $0x28, s13, s10, $0xb8;
	[tilespmem:$0xE100] =	vst v63  }
0x3b: {  	s8 =	simm.s32 $0x400  }
0x3c: {  	[tilespmem:s28], [sflag:$0x2] =	stream.indirect.gather [hbm4b:s2+s10], $0x28, s8, s10, $0xb8;
	[tilespmem:$0xE100] =	vst v63  }
0x3d: {  	s13 =	simm.s32 $0x480  }
0x3e: {  	[tilespmem:s30], [sflag:$0x2] =	stream.indirect.gather [hbm4b:s2+s10], $0x28, s13, s10, $0xb8;
	[tilespmem:$0xE100] =	vst v63  }
0x3f: {  	_ =	swait.ge [sflag:s31], $0x1400  }
0x40: {  	[sflag:s31] =	ssyncset.done $0x0  }
0x41: {  	[sflag:s31] =	ssyncadd.s32 $0xFFFFEC00  }
0x42: {  	_ =	swait.ge [sflag:s31], $0x1400  }
0x43: {  	[sflag:s31] =	ssyncset.done $0x0  }
0x44: {  	[sflag:s31] =	ssyncadd.s32 $0xFFFFEC00  }
0x45: {  	_ =	swait.ge [sflag:s31], $0x1400  }
0x46: {  	[sflag:s31] =	ssyncset.done $0x0  }
0x47: {  	[sflag:s31] =	ssyncadd.s32 $0xFFFFEC00  }
0x48: {  	_ =	swait.ge [sflag:s31], $0x1400  }
0x49: {  	[sflag:s31] =	ssyncset.done $0x0  }
0x4a: {  	[sflag:s31] =	ssyncadd.s32 $0xFFFFEC00  }
0x4b: {  	_ =	swait.ge [sflag:s31], $0x1400  }
0x4c: {  	[sflag:s31] =	ssyncset.done $0x0  }
0x4d: {  	[sflag:s31] =	ssyncadd.s32 $0xFFFFEC00  }
0x4e: {  	[hbm4b:s7+s3] =	stream.linear.scatter [tilespmem:s21], [sflag:$0x4], $0x6400, $0x38;
	[tilespmem:$0xE100] =	vst v63  }
0x4f: {  	_ =	swait.ge [sflag:s1], $0x6400  }
0x50: {  	[sflag:s1] =	ssyncset.done $0x0  }
0x51: {  	s8 =	simm.s32 $0x500;
	[sflag:s1] =	ssyncadd.s32 $0xFFFF9C00  }
0x52: {  	[tilespmem:s11], [sflag:$0x1] =	stream.indirect.gather [hbm4b:s2+s10], $0x28, s8, s10, $0xb8;
	[tilespmem:$0xE100] =	vst v63  }
0x53: {  	s13 =	simm.s32 $0x580  }
0x54: {  	[tilespmem:s12], [sflag:$0x1] =	stream.indirect.gather [hbm4b:s2+s10], $0x28, s13, s10, $0xb8;
	[tilespmem:$0xE100] =	vst v63  }
0x55: {  	_ = 	snop  }
0x56: {  	[tilespmem:s14], [sflag:$0x1] =	stream.indirect.gather [hbm4b:s2+s10], $0x28, s15, s10, $0xb8;
	[tilespmem:$0xE100] =	vst v63  }
0x57: {  	_ = 	snop  }
0x58: {  	[tilespmem:s16], [sflag:$0x1] =	stream.indirect.gather [hbm4b:s2+s10], $0x28, s17, s10, $0xb8;
	[tilespmem:$0xE100] =	vst v63  }
0x59: {  	s29 =	simm.s32 $0x0;
	s8 =	smov.u32 s26  }
0x5a: {  	[tilespmem:s18], [sflag:$0x1] =	stream.indirect.gather [hbm4b:s2+s10], $0x28, s20, s10, $0xb8;
	[tilespmem:$0xE100] =	vst v63  }
.LBB2_2:
0x5b: {  	_ =	swait.ge [sflag:s19], $0x1400  }
0x5c: {  	[sflag:s19] =	ssyncset.done $0x0  }
0x5d: {  	[sflag:s19] =	ssyncadd.s32 $0xFFFFEC00  }
0x5e: {  	_ =	swait.ge [sflag:s19], $0x1400  }
0x5f: {  	[sflag:s19] =	ssyncset.done $0x0  }
0x60: {  	[sflag:s19] =	ssyncadd.s32 $0xFFFFEC00  }
0x61: {  	_ =	swait.ge [sflag:s19], $0x1400  }
0x62: {  	[sflag:s19] =	ssyncset.done $0x0  }
0x63: {  	[sflag:s19] =	ssyncadd.s32 $0xFFFFEC00  }
0x64: {  	_ =	swait.ge [sflag:s19], $0x1400  }
0x65: {  	[sflag:s19] =	ssyncset.done $0x0  }
0x66: {  	[sflag:s19] =	ssyncadd.s32 $0xFFFFEC00  }
0x67: {  	_ =	swait.ge [sflag:s19], $0x1400  }
0x68: {  	[sflag:s19] =	ssyncset.done $0x0  }
0x69: {  	[sflag:s19] =	ssyncadd.s32 $0xFFFFEC00  }
0x6a: {  	[hbm4b:s8+s3] =	stream.linear.scatter [tilespmem:s11], [sflag:$0x3], $0x6400, $0x38;
	[tilespmem:$0xE100] =	vst v63  }
0x6b: {  	_ =	swait.ge [sflag:s22], $0x6400  }
0x6c: {  	s0 =	sshra.s32 s29, $0x2;
	[sflag:s22] =	ssyncset.done $0x0  }
0x6d: {  	s13 =	sadd.s32 $0x780, s0;
	[sflag:s22] =	ssyncadd.s32 $0xFFFF9C00  }
0x6e: {  	[tilespmem:s21], [sflag:$0x2] =	stream.indirect.gather [hbm4b:s2+s10], $0x28, s13, s10, $0xb8;
	[tilespmem:$0xE100] =	vst v63  }
0x6f: {  	s13 =	sadd.s32 $0x800, s0  }
0x70: {  	[tilespmem:s23], [sflag:$0x2] =	stream.indirect.gather [hbm4b:s2+s10], $0x28, s13, s10, $0xb8;
	[tilespmem:$0xE100] =	vst v63  }
0x71: {  	s13 =	sadd.s32 $0x880, s0  }
0x72: {  	[tilespmem:s25], [sflag:$0x2] =	stream.indirect.gather [hbm4b:s2+s10], $0x28, s13, s10, $0xb8;
	[tilespmem:$0xE100] =	vst v63  }
0x73: {  	s13 =	sadd.s32 $0x900, s0  }
0x74: {  	[tilespmem:s28], [sflag:$0x2] =	stream.indirect.gather [hbm4b:s2+s10], $0x28, s13, s10, $0xb8;
	[tilespmem:$0xE100] =	vst v63  }
0x75: {  	s13 =	sadd.s32 $0x980, s0  }
0x76: {  	[tilespmem:s30], [sflag:$0x2] =	stream.indirect.gather [hbm4b:s2+s10], $0x28, s13, s10, $0xb8;
	[tilespmem:$0xE100] =	vst v63  }
0x77: {  	_ =	swait.ge [sflag:s31], $0x1400  }
0x78: {  	[sflag:s31] =	ssyncset.done $0x0  }
0x79: {  	[sflag:s31] =	ssyncadd.s32 $0xFFFFEC00  }
0x7a: {  	_ =	swait.ge [sflag:s31], $0x1400  }
0x7b: {  	[sflag:s31] =	ssyncset.done $0x0  }
0x7c: {  	[sflag:s31] =	ssyncadd.s32 $0xFFFFEC00  }
0x7d: {  	_ =	swait.ge [sflag:s31], $0x1400  }
0x7e: {  	[sflag:s31] =	ssyncset.done $0x0  }
0x7f: {  	[sflag:s31] =	ssyncadd.s32 $0xFFFFEC00  }
0x80: {  	_ =	swait.ge [sflag:s31], $0x1400  }
0x81: {  	[sflag:s31] =	ssyncset.done $0x0  }
0x82: {  	[sflag:s31] =	ssyncadd.s32 $0xFFFFEC00  }
0x83: {  	_ =	swait.ge [sflag:s31], $0x1400  }
0x84: {  	p0 =	seq.s32 s29, $0x3C00;
	[sflag:s31] =	ssyncset.done $0x0  }
.Ltmp2:
0x85: {  	s13 =	sadd.s32 $0xC80, s8;
	[sflag:s31] =	ssyncadd.s32 $0xFFFFEC00;
	(pc) =	sbr.rel @p0 .LBB2_4-.Ltmp2, $4  }
0x86: {  	[hbm4b:s13+s3] =	stream.linear.scatter [tilespmem:s21], [sflag:$0x4], $0x6400, $0x38;
	[tilespmem:$0xE100] =	vst v63  }
0x87: {  	_ =	swait.ge [sflag:s1], $0x6400  }
0x88: {  	[sflag:s1] =	ssyncset.done $0x0  }
0x89: {  	[sflag:s1] =	ssyncadd.s32 $0xFFFF9C00  }
0x8a: {  	s13 =	sadd.s32 $0xA00, s0  }
0x8b: {  	[tilespmem:s11], [sflag:$0x1] =	stream.indirect.gather [hbm4b:s2+s10], $0x28, s13, s10, $0xb8;
	[tilespmem:$0xE100] =	vst v63  }
0x8c: {  	s13 =	sadd.s32 $0xA80, s0  }
0x8d: {  	[tilespmem:s12], [sflag:$0x1] =	stream.indirect.gather [hbm4b:s2+s10], $0x28, s13, s10, $0xb8;
	[tilespmem:$0xE100] =	vst v63  }
0x8e: {  	s13 =	sadd.s32 $0xB00, s0  }
0x8f: {  	[tilespmem:s14], [sflag:$0x1] =	stream.indirect.gather [hbm4b:s2+s10], $0x28, s13, s10, $0xb8;
	[tilespmem:$0xE100] =	vst v63  }
.Ltmp3:
0x90: {  	_ = 	snop;
	(pc) =	sbr.rel .LBB2_2-.Ltmp3, $4  }
0x91: {  	s13 =	sadd.s32 $0xB80, s0  }
0x92: {  	[tilespmem:s16], [sflag:$0x1] =	stream.indirect.gather [hbm4b:s2+s10], $0x28, s13, s10, $0xb8;
	[tilespmem:$0xE100] =	vst v63  }
0x93: {  	s29 =	sadd.s32 $0x1400, s29;
	s8 =	sadd.s32 $0x1900, s8;
	s13 =	sadd.s32 $0xC00, s0  }
0x94: {  	[tilespmem:s18], [sflag:$0x1] =	stream.indirect.gather [hbm4b:s2+s10], $0x28, s13, s10, $0xb8;
	[tilespmem:$0xE100] =	vst v63  }
.LBB2_5:
0x95: {  	_ =	sfence.sel $0x180000  }
0x96: {  	[bflag:$0x0] =	sbarrier.arrive $0xFFFF  }
0x97: {  	_ =	strace $0x9000004A  }
0x98: {  	s0 =	stileid.u32;
	[bflag:$0x2] =	sbarrier.arrive $0xFFFF  }
0x99: {  	p0 =	sne.s32 s0, $0x0;
	s0 =	rddreg [dreg:$0x2]  }
0x9a: {  	s0 =	sadd.s32 @!p0 $0x100000, s0  }
0x9b: {  	[sflag:s0] =	ssyncadd.tile.s32 @!p0 $0x1;
	_ =	shalt  }
.Lfunc_end2:
_tile_overlayer_lowered:
.L_overlay_start_2:
0x9c: {  	(tag) =	ssettag $0x2  }
0x9d: {  	s0 =	rddreg [dreg:$0x0];
	s2 =	stileid.u32  }
0x9e: {  	s1 =	rddreg [dreg:$0x1];
	p0 =	sne.s32 s2, $0x0  }
0x9f: {  	s3 =	rddreg [dreg:$0x2];
	[bflag:$0x3] =	sbarrier.arrive $0xFFFF;
	s2 =	simm.s32 @!p0 $0x1C05  }
0xa0: {  	[timem:s3], [sflag:s2] =	dma.local @!p0 [hbm:s0], s1  }
0xa1: {  	s0 =	simm.s32 @!p0 $0x5  }
0xa2: {  	_ =	swait.ge @!p0 [sflag:s0], s1  }
0xa3: {  	s1 =	ssub.s32 @!p0 $0x0, s1;
	[sflag:s0] =	ssyncset.done @!p0 $0x0  }
0xa4: {  	[sflag:s0] =	ssyncadd.s32 @!p0 s1  }
0xa5: {  	[bflag:$0x3] =	sbarrier.arrive $0xFFFF  }
0xa6: {  	_ =	shalt  }

// kernel: kernel.19.cloned.1.call-start
scs
__scs_entry_jumppad:
0x0: {  	(pc) =	sbr.rel $0x88, $3  }
0x1: {  	(tag) =	ssettag $0x0;
	lr =	simm.s32 $0x1  }
0x2: {  	[smem:$0x3F8C] =	sst lr;
	_ =	strace $0xD0000000  }
0x3: {  	_ = 	snop  }
0x4: {  	_ = 	snop  }
0x5: {  	_ = 	snop  }
0x6: {  	_ = 	snop  }
0x7: {  	_ = 	snop  }
__scs_overlays_trampoline_lowered:
0x8: {  	[smem:$0x3F9B] =	sst s0  }
0x9: {  	[smem:$0x3F9C] =	sst s1  }
0xa: {  	[smem:$0x3F9D] =	sst s2  }
0xb: {  	[smem:$0x3F9E] =	sst s3  }
0xc: {  	[smem:$0x3F9F] =	sst s4  }
0xd: {  	[smem:$0x3FA0] =	sst s5  }
0xe: {  	[smem:$0x3FA1] =	sst s6  }
0xf: {  	[smem:$0x3FA2] =	sst s7  }
0x10: {  	[smem:$0x3FA3] =	sst s8  }
0x11: {  	[smem:$0x3FA4] =	sst s9;
	s0 =	simm.s32 @!p0 $0x0  }
0x12: {  	s1 =	sld [smem:$0x3F8A];
	s0 =	simm.s32 @p0 $0x1  }
0x13: {  	[smem:$0x3FA5] =	sst s0;
	s0 =	simm.s32 @!p1 $0x0  }
0x14: {  	s2 =	sld [smem:$0x3F89];
	s0 =	simm.s32 @p1 $0x1  }
0x15: {  	[smem:$0x3FA6] =	sst s0;
	s0 =	simm.s32 @!p2 $0x0  }
0x16: {  	s3 =	sld [smem:$0x3FDB];
	s0 =	simm.s32 @p2 $0x1  }
0x17: {  	s4 =	simm.s32 $0x1BF5;
	[smem:$0x3FA8] =	sst s0  }
0x18: {  	s0 =	sld [smem:$0x3F8B];
	_ =	swait.ge [sflag:s4], $0x0  }
0x19: {  	s7 =	sld [smem:$0x3F8C]  }
0x1a: {  	s8 =	sadd.s32 $0xFFFFE003, lr  }
0x1b: {  	s9 =	sadd.s32 $0xFFFFFEF7, lr;
	s5 =	simm.s32 $0xFFFFFFFF;
	p2 =	slt.u32 s8, $0xFFFFF086  }
0x1c: {  	p1 =	slt.u32 s9, $0xF7A;
	s5 =	simm.s32 @!p2 $0x0  }
0x1d: {  	s5 =	simm.s32 @p1 $0x1;
	p0 =	seq.s32 s7, s2  }
0x1e: {  	s7 =	smul.u32 @!p0 $0xF7A, s2;
	p2 =	seq.s32 @!p0 s5, $0x0  }
0x1f: {  	s9 =	smul.u32 $0xF7A, s1;
	s8 =	simm.s32 @!p0 $0x1BF5;
	p2 =	por !p2, p0  }
0x20: {  	[sflag:s8] =	ssyncset.s32 @!p0 $0xFFFFF086;
	s6 =	sadd.s32 @!p0 s3, s7;
	s7 =	simm.s32 @!p0 $0x108  }
0x21: {  	s3 =	sadd.s32 s3, s9;
	s6 =	sadd.s32 @!p0 $0x88, s6;
	s7 =	simm.s32 @p2 $0x1082  }
0x22: {  	[simem:s7], [sflag:s8] =	dma.local @!p0 [hbm:s6], $0xF7A  }
0x23: {  	s9 =	sor.u32 $0xD0000000, s2;
	s6 =	simm.s32 $0x108;
	_ =	swait.ge @!p0 [sflag:s8], $0x0  }
0x24: {  	s3 =	sadd.s32 $0x88, s3;
	s6 =	simm.s32 @!p1 $0x1082;
	[sflag:s4] =	ssyncset.s32 $0xFFFFF086  }
0x25: {  	[simem:s6], [sflag:s4] =	dma.local [hbm:s3], $0xF7A  }
0x26: {  	[smem:$0x3F8C] =	sst s1;
	(tag) =	ssettag s2;
	_ =	strace s9  }
0x27: {  	s1 =	sld [smem:$0x3F9C]  }
0x28: {  	s2 =	sld [smem:$0x3F9D]  }
0x29: {  	s4 =	sld [smem:$0x3F9F]  }
0x2a: {  	p0 =	seq.s32 s5, $0x0;
	s5 =	sld [smem:$0x3FA0]  }
0x2b: {  	s6 =	sld [smem:$0x3FA1]  }
0x2c: {  	s7 =	sld [smem:$0x3FA2]  }
0x2d: {  	s3 =	simm.s32 $0x108;
	s8 =	sld [smem:$0x3FA3]  }
0x2e: {  	s3 =	simm.s32 @!p0 $0x1082;
	s9 =	sld [smem:$0x3FA4]  }
0x2f: {  	lr =	sadd.s32 s0, s3;
	s0 =	sld [smem:$0x3F9B]  }
0x30: {  	s3 =	sld [smem:$0x3F9E]  }
0x31: {  	[smem:$0x3FA7] =	sst s10  }
0x32: {  	s10 =	sld [smem:$0x3FA5];
	_ =	sdelay $0x3  }
0x33: {  	p0 =	seq.s32 s10, $0x1;
	s10 =	sld [smem:$0x3FA7];
	_ =	sdelay $0x3  }
0x34: {  	[smem:$0x3FA7] =	sst s10  }
0x35: {  	s10 =	sld [smem:$0x3FA6];
	_ =	sdelay $0x3  }
0x36: {  	p1 =	seq.s32 s10, $0x1;
	s10 =	sld [smem:$0x3FA7];
	_ =	sdelay $0x3  }
0x37: {  	[smem:$0x3FA7] =	sst s10  }
0x38: {  	s10 =	sld [smem:$0x3FA8]  }
0x39: {  	_ = 	snop;
	(pc) =	sbr.ind lr, $3  }
0x3a: {  	_ = 	snop  }
0x3b: {  	_ = 	snop  }
0x3c: {  	p2 =	seq.s32 s10, $0x1;
	s10 =	sld [smem:$0x3FA7]  }
0x3d: {  	_ =	shalt  }
0x3e: {  	_ =	shalt  }
0x3f: {  	_ =	shalt  }
0x40: {  	_ =	shalt  }
0x41: {  	_ =	shalt  }
0x42: {  	_ =	shalt  }
0x43: {  	_ =	shalt  }
0x44: {  	_ =	shalt  }
0x45: {  	_ =	shalt  }
0x46: {  	_ =	shalt  }
0x47: {  	_ =	shalt  }
0x48: {  	_ =	shalt  }
0x49: {  	_ =	shalt  }
0x4a: {  	_ =	shalt  }
0x4b: {  	_ =	shalt  }
0x4c: {  	_ =	shalt  }
0x4d: {  	_ =	shalt  }
0x4e: {  	_ =	shalt  }
0x4f: {  	_ =	shalt  }
0x50: {  	_ =	shalt  }
0x51: {  	_ =	shalt  }
0x52: {  	_ =	shalt  }
0x53: {  	_ =	shalt  }
0x54: {  	_ =	shalt  }
0x55: {  	_ =	shalt  }
0x56: {  	_ =	shalt  }
0x57: {  	_ =	shalt  }
0x58: {  	_ =	shalt  }
0x59: {  	_ =	shalt  }
0x5a: {  	_ =	shalt  }
0x5b: {  	_ =	shalt  }
0x5c: {  	_ =	shalt  }
0x5d: {  	_ =	shalt  }
0x5e: {  	_ =	shalt  }
0x5f: {  	_ =	shalt  }
0x60: {  	_ =	shalt  }
0x61: {  	_ =	shalt  }
0x62: {  	_ =	shalt  }
0x63: {  	_ =	shalt  }
0x64: {  	_ =	shalt  }
0x65: {  	_ =	shalt  }
0x66: {  	_ =	shalt  }
0x67: {  	_ =	shalt  }
0x68: {  	_ =	shalt  }
0x69: {  	_ =	shalt  }
0x6a: {  	_ =	shalt  }
0x6b: {  	_ =	shalt  }
0x6c: {  	_ =	shalt  }
0x6d: {  	_ =	shalt  }
0x6e: {  	_ =	shalt  }
0x6f: {  	_ =	shalt  }
0x70: {  	_ =	shalt  }
0x71: {  	_ =	shalt  }
0x72: {  	_ =	shalt  }
0x73: {  	_ =	shalt  }
0x74: {  	_ =	shalt  }
0x75: {  	_ =	shalt  }
0x76: {  	_ =	shalt  }
0x77: {  	_ =	shalt  }
0x78: {  	_ =	shalt  }
0x79: {  	_ =	shalt  }
0x7a: {  	_ =	shalt  }
0x7b: {  	_ =	shalt  }
0x7c: {  	_ =	shalt  }
0x7d: {  	_ =	shalt  }
0x7e: {  	_ =	shalt  }
0x7f: {  	_ =	shalt  }
0x80: {  	_ =	shalt  }
0x81: {  	_ =	shalt  }
0x82: {  	_ =	shalt  }
0x83: {  	_ =	shalt  }
0x84: {  	_ =	shalt  }
0x85: {  	_ =	shalt  }
0x86: {  	_ =	shalt  }
0x87: {  	_ =	shalt  }
.Lfunc_end0:
.L_simem_size_0:
called_computation.3_lowered:
.L_overlay_start_0:
0x88: {  	s2 =	sld [smem:$0x3FD9]  }
0x89: {  	s3 =	sld [smem:$0x3FFE];
	_ =	sdelay $0x1  }
0x8a: {  	s1 =	srdreg.scid  }
0x8b: {  	s0 =	sand.u32 $0x1, s1  }
0x8c: {  	s17 =	sshll.u32 s0, $0xA;
	s2 =	sadd.s32 s3, s2  }
0x8d: {  	s2 =	sadd.s32 s2, s17  }
0x8e: {  	[smem:$0x3FB3] =	sst s2  }
0x8f: {  	_ = 	snop  }
0x90: {  	s2 =	sld [smem:$0x3FD0];
	(tm) =	ssettm $0x1  }
0x91: {  	s18 =	sld [smem:$0x3FFB];
	_ =	sdelay $0x3  }
0x92: {  	_ =	strace s18  }
0x93: {  	s3 =	sld [smem:$0x3FFC];
	_ =	sdelay $0x3  }
0x94: {  	_ =	strace s3  }
0x95: {  	s3 =	sld [smem:$0x3FFD];
	_ =	sdelay $0x3  }
0x96: {  	_ =	strace s3  }
0x97: {  	_ =	strace $0x8FFFFFFF  }
0x98: {  	s19 =	sld [smem:$0x3FDB];
	_ =	sdelay $0x1  }
0x99: {  	s4 =	simm.s32 $_scs_section_size  }
0x9a: {  	s5 =	simm.s32 $_size__tile_overlayer_lowered;
	s6 =	simm.s32 $_tile_overlayer_lowered  }
0x9b: {  	s22 =	simm.s32 $0x1BFF;
	s21 =	sshll.u32 s6, $0x1;
	s3 =	sadd.s32 s4, s19  }
0x9c: {  	s7 =	simm.s32 $0x0;
	s20 =	sshll.u32 s5, $0x1;
	s5 =	sadd.s32 s21, s3  }
0x9d: {  	[timem:s7], [sflag:s22] =	dma.local [hbm:s5], s20  }
0x9e: {  	_ =	swait.ge [sflag:s22], s20  }
0x9f: {  	s4 =	ssub.s32 $0x0, s20;
	[sflag:s22] =	ssyncset.done $0x0  }
0xa0: {  	[sflag:s22] =	ssyncadd.s32 s4;
	_ =	sdelay $0x1  }
0xa1: {  	s23 =	simm.s32 $0x1B8B  }
0xa2: {  	_ =	swait.ge [sflag:s23], $0x1  }
0xa3: {  	[sflag:s23] =	ssyncset.done $0x0  }
0xa4: {  	s25 =	simm.s32 $0x1B8E;
	s24 =	sld [smem:$0x3FFE];
	[sflag:s23] =	ssyncadd.s32 $0xFFFFFFFF  }
0xa5: {  	s26 =	simm.s32 $execute0_lowered;
	[smem:$0x3FD2] =	sst s25  }
0xa6: {  	s5 =	sshll.u32 s26, $0x1;
	_ =	strace $0x80000046;
	[dreg:$0x1] =	wrdreg $0xFFFFFFFF  }
0xa7: {  	s28 =	simm.s32 $_size_execute0_lowered;
	s3 =	sadd.s32 s3, s5;
	[dreg:$0x0] =	wrdreg $0x0  }
0xa8: {  	s5 =	sshll.u32 s28, $0x1;
	[dreg:$0x2] =	wrdreg s3  }
0xa9: {  	[dreg:$0x3] =	wrdreg s5  }
0xaa: {  	[dreg:$0x4] =	wrdreg $0xC0  }
0xab: {  	_ =	task [dreg:s7], $0x5FFFF  }
0xac: {  	[dreg:$0x1] =	wrdreg $0xFFFFFFFF  }
0xad: {  	[dreg:$0x0] =	wrdreg $0x60  }
0xae: {  	[dreg:$0x2] =	wrdreg s2  }
0xaf: {  	[dreg:$0x3] =	wrdreg s24  }
0xb0: {  	[dreg:$0x4] =	wrdreg $0xC  }
0xb1: {  	_ =	task.clear_ibuf [dreg:s7], $0x5FFFF;
	_ =	strace $0x90000046  }
0xb2: {  	s29 =	simm.s32 $0xC;
	_ =	strace $0x80000048  }
0xb3: {  	_ =	swait.ge [sflag:s29], $0x1  }
0xb4: {  	[sflag:s29] =	ssyncadd.s32 $0xFFFFFFFF  }
0xb5: {  	_ =	strace $0x90000048  }
0xb6: {  	_ =	sfence  }
0xb7: {  	s30 =	sld [smem:$0x0];
	_ =	sdelay $0x2  }
0xb8: {  	s31 =	sshll.u32 s1, $0xD;
	s1 =	sshrl.u32 s1, $0x2  }
0xb9: {  	s3 =	sand.u32 $0x4000, s31;
	s1 =	sadd.s32 s1, s30  }
0xba: {  	s0 =	sor.u32 s3, s0;
	s1 =	sshll.u32 s1, $0x11  }
0xbb: {  	s0 =	sor.u32 s1, s0  }
0xbc: {  	s0 =	sadd.s32 $0x8F2B, s0  }
0xbd: {  	[sflag:s0] =	ssyncadd.remote.s32 $0x1  }
0xbe: {  	_ =	sfence.sel $0xFFFF  }
0xbf: {  	[dreg:$0x0] =	wrdreg $0xFFFFFFFF;
	(pc) =	sbr.abs _section_cstart, $3  }
0xc0: {  	[dreg:$0x1] =	wrdreg $0xFFFFFFFF  }
0xc1: {  	_ =	task.clear_ibuf [dreg:s7], $0x2FFFF;
	_ =	strace $0x9FFFFFFF  }
0xc2: {  	(tm) =	ssettm $0x7FFFFFFF  }
0xc3: {  	_ =	shalt  }
tec
execute0_lowered:
.L_overlay_start_1:
0x0: {  	(tag) =	ssettag $0x1  }
0x1: {  	s0 =	srdreg.scid;
	s2 =	rddreg [dreg:$0x0]  }
0x2: {  	s7 =	stileid.u32;
	s4 =	rddreg [dreg:$0x1];
	s3 =	simm.s32 $0x0  }
0x3: {  	s10 =	simm.s32 $0x80;
	s11 =	simm.s32 $0x1900;
	s12 =	simm.s32 $0x2D00  }
0x4: {  	s14 =	simm.s32 $0x4100;
	s16 =	simm.s32 $0x5500;
	s18 =	simm.s32 $0x6900  }
0x5: {  	s19 =	simm.s32 $0x1;
	s21 =	simm.s32 $0x7D00;
	s23 =	simm.s32 $0x9100  }
0x6: {  	s25 =	simm.s32 $0xA500;
	s28 =	simm.s32 $0xB900;
	s30 =	simm.s32 $0xCD00  }
0x7: {  	s31 =	simm.s32 $0x2;
	s15 =	simm.s32 $0x600;
	s17 =	simm.s32 $0x680  }
0x8: {  	s20 =	simm.s32 $0x700;
	s22 =	simm.s32 $0x4;
	s24 =	simm.s32 $0x0  }
0x9: {  	s0 =	sand.u32 $0x1, s0;
	s1 =	sshll.u32 s7, $0x1;
	s7 =	smul.u32 $0xFA00, s7  }
0xa: {  	s1 =	sor.u32 s0, s1;
	s6 =	ssub.s32 $0x2, s0;
	s0 =	smul.u32 $0x7D00, s0  }
0xb: {  	[smem:$0x7FF] =	sst s3;
	s8 =	sadd.s32 $0x194A00, s4;
	s5 =	smul.u32 $0x320, s1  }
.Ltmp0:
0xc: {  	_ =	strace $0x80000047;
	s9 =	sshrl.u32 s6, $0x1;
	(pc) =	sbr.rel .LBB2_1-.Ltmp0, $4  }
0xd: {  	s1 =	smul.u32 $0x7D00, s1;
	s7 =	sadd.s32 s7, s8;
	s6 =	ssub.s32 s6, s9  }
0xe: {  	s0 =	sadd.s32 s0, s7;
	s9 =	simm.s32 $0x5;
	s4 =	sadd.s32 s5, s4  }
0xf: {  	s5 =	sadd.s32 s8, s1;
	s6 =	smax.u32 s6, $0x1;
	s26 =	sadd.s32 $0x1900, s0  }
0x10: {  	s1 =	simm.s32 $0x3;
	s4 =	sadd.s32 $0x18E600, s4;
	s7 =	sadd.s32 $0xC80, s5  }
.LBB2_4:
0x11: {  	s24 =	sadd.s32 $0x1, s24  }
0x12: {  	p0 =	sne.s32 s24, s6  }
.Ltmp1:
0x13: {  	_ = 	snop;
	(pc) =	sbr.rel @!p0 .LBB2_5-.Ltmp1, $4  }
0x14: {  	_ = 	snop  }
0x15: {  	_ =	swait.ge [sflag:s22], $0x6400  }
0x16: {  	[sflag:s22] =	ssyncset.done $0x0  }
0x17: {  	[sflag:s22] =	ssyncadd.s32 $0xFFFF9C00  }
.LBB2_1:
0x18: {  	[tilespmem:s3], [sflag:$0x5] =	stream.linear.gather [hbm4b:s4+s3], $0x1900, $0x38;
	[tilespmem:$0xE100] =	vst v63  }
0x19: {  	_ =	swait.ge [sflag:s9], $0x1900  }
0x1a: {  	[sflag:s9] =	ssyncset.done $0x0  }
0x1b: {  	[sflag:s9] =	ssyncadd.s32 $0xFFFFE700  }
0x1c: {  	[tilespmem:s11], [sflag:$0x1] =	stream.indirect.gather [hbm4b:s2+s10], $0x28, s3, s10, $0xb8;
	[tilespmem:$0xE100] =	vst v63  }
0x1d: {  	_ = 	snop  }
0x1e: {  	[tilespmem:s12], [sflag:$0x1] =	stream.indirect.gather [hbm4b:s2+s10], $0x28, s10, s10, $0xb8;
	[tilespmem:$0xE100] =	vst v63  }
0x1f: {  	s0 =	simm.s32 $0x100  }
0x20: {  	[tilespmem:s14], [sflag:$0x1] =	stream.indirect.gather [hbm4b:s2+s10], $0x28, s0, s10, $0xb8;
	[tilespmem:$0xE100] =	vst v63  }
0x21: {  	s13 =	simm.s32 $0x180  }
0x22: {  	[tilespmem:s16], [sflag:$0x1] =	stream.indirect.gather [hbm4b:s2+s10], $0x28, s13, s10, $0xb8;
	[tilespmem:$0xE100] =	vst v63  }
0x23: {  	s8 =	simm.s32 $0x200  }
0x24: {  	[tilespmem:s18], [sflag:$0x1] =	stream.indirect.gather [hbm4b:s2+s10], $0x28, s8, s10, $0xb8;
	[tilespmem:$0xE100] =	vst v63  }
0x25: {  	_ =	swait.ge [sflag:s19], $0x1400  }
0x26: {  	[sflag:s19] =	ssyncset.done $0x0  }
0x27: {  	[sflag:s19] =	ssyncadd.s32 $0xFFFFEC00  }
0x28: {  	_ =	swait.ge [sflag:s19], $0x1400  }
0x29: {  	[sflag:s19] =	ssyncset.done $0x0  }
0x2a: {  	[sflag:s19] =	ssyncadd.s32 $0xFFFFEC00  }
0x2b: {  	_ =	swait.ge [sflag:s19], $0x1400  }
0x2c: {  	[sflag:s19] =	ssyncset.done $0x0  }
0x2d: {  	[sflag:s19] =	ssyncadd.s32 $0xFFFFEC00  }
0x2e: {  	_ =	swait.ge [sflag:s19], $0x1400  }
0x2f: {  	[sflag:s19] =	ssyncset.done $0x0  }
0x30: {  	[sflag:s19] =	ssyncadd.s32 $0xFFFFEC00  }
0x31: {  	_ =	swait.ge [sflag:s19], $0x1400  }
0x32: {  	[sflag:s19] =	ssyncset.done $0x0  }
0x33: {  	[sflag:s19] =	ssyncadd.s32 $0xFFFFEC00  }
0x34: {  	[hbm4b:s5+s3] =	stream.linear.scatter [tilespmem:s11], [sflag:$0x3], $0x6400, $0x38;
	[tilespmem:$0xE100] =	vst v63  }
0x35: {  	s13 =	simm.s32 $0x280  }
0x36: {  	[tilespmem:s21], [sflag:$0x2] =	stream.indirect.gather [hbm4b:s2+s10], $0x28, s13, s10, $0xb8;
	[tilespmem:$0xE100] =	vst v63  }
0x37: {  	s8 =	simm.s32 $0x300  }
0x38: {  	[tilespmem:s23], [sflag:$0x2] =	stream.indirect.gather [hbm4b:s2+s10], $0x28, s8, s10, $0xb8;
	[tilespmem:$0xE100] =	vst v63  }
0x39: {  	s13 =	simm.s32 $0x380  }
0x3a: {  	[tilespmem:s25], [sflag:$0x2] =	stream.indirect.gather [hbm4b:s2+s10], $0x28, s13, s10, $0xb8;
	[tilespmem:$0xE100] =	vst v63  }
0x3b: {  	s8 =	simm.s32 $0x400  }
0x3c: {  	[tilespmem:s28], [sflag:$0x2] =	stream.indirect.gather [hbm4b:s2+s10], $0x28, s8, s10, $0xb8;
	[tilespmem:$0xE100] =	vst v63  }
0x3d: {  	s13 =	simm.s32 $0x480  }
0x3e: {  	[tilespmem:s30], [sflag:$0x2] =	stream.indirect.gather [hbm4b:s2+s10], $0x28, s13, s10, $0xb8;
	[tilespmem:$0xE100] =	vst v63  }
0x3f: {  	_ =	swait.ge [sflag:s31], $0x1400  }
0x40: {  	[sflag:s31] =	ssyncset.done $0x0  }
0x41: {  	[sflag:s31] =	ssyncadd.s32 $0xFFFFEC00  }
0x42: {  	_ =	swait.ge [sflag:s31], $0x1400  }
0x43: {  	[sflag:s31] =	ssyncset.done $0x0  }
0x44: {  	[sflag:s31] =	ssyncadd.s32 $0xFFFFEC00  }
0x45: {  	_ =	swait.ge [sflag:s31], $0x1400  }
0x46: {  	[sflag:s31] =	ssyncset.done $0x0  }
0x47: {  	[sflag:s31] =	ssyncadd.s32 $0xFFFFEC00  }
0x48: {  	_ =	swait.ge [sflag:s31], $0x1400  }
0x49: {  	[sflag:s31] =	ssyncset.done $0x0  }
0x4a: {  	[sflag:s31] =	ssyncadd.s32 $0xFFFFEC00  }
0x4b: {  	_ =	swait.ge [sflag:s31], $0x1400  }
0x4c: {  	[sflag:s31] =	ssyncset.done $0x0  }
0x4d: {  	[sflag:s31] =	ssyncadd.s32 $0xFFFFEC00  }
0x4e: {  	[hbm4b:s7+s3] =	stream.linear.scatter [tilespmem:s21], [sflag:$0x4], $0x6400, $0x38;
	[tilespmem:$0xE100] =	vst v63  }
0x4f: {  	_ =	swait.ge [sflag:s1], $0x6400  }
0x50: {  	[sflag:s1] =	ssyncset.done $0x0  }
0x51: {  	s8 =	simm.s32 $0x500;
	[sflag:s1] =	ssyncadd.s32 $0xFFFF9C00  }
0x52: {  	[tilespmem:s11], [sflag:$0x1] =	stream.indirect.gather [hbm4b:s2+s10], $0x28, s8, s10, $0xb8;
	[tilespmem:$0xE100] =	vst v63  }
0x53: {  	s13 =	simm.s32 $0x580  }
0x54: {  	[tilespmem:s12], [sflag:$0x1] =	stream.indirect.gather [hbm4b:s2+s10], $0x28, s13, s10, $0xb8;
	[tilespmem:$0xE100] =	vst v63  }
0x55: {  	_ = 	snop  }
0x56: {  	[tilespmem:s14], [sflag:$0x1] =	stream.indirect.gather [hbm4b:s2+s10], $0x28, s15, s10, $0xb8;
	[tilespmem:$0xE100] =	vst v63  }
0x57: {  	_ = 	snop  }
0x58: {  	[tilespmem:s16], [sflag:$0x1] =	stream.indirect.gather [hbm4b:s2+s10], $0x28, s17, s10, $0xb8;
	[tilespmem:$0xE100] =	vst v63  }
0x59: {  	s29 =	simm.s32 $0x0;
	s8 =	smov.u32 s26  }
0x5a: {  	[tilespmem:s18], [sflag:$0x1] =	stream.indirect.gather [hbm4b:s2+s10], $0x28, s20, s10, $0xb8;
	[tilespmem:$0xE100] =	vst v63  }
.LBB2_2:
0x5b: {  	_ =	swait.ge [sflag:s19], $0x1400  }
0x5c: {  	[sflag:s19] =	ssyncset.done $0x0  }
0x5d: {  	[sflag:s19] =	ssyncadd.s32 $0xFFFFEC00  }
0x5e: {  	_ =	swait.ge [sflag:s19], $0x1400  }
0x5f: {  	[sflag:s19] =	ssyncset.done $0x0  }
0x60: {  	[sflag:s19] =	ssyncadd.s32 $0xFFFFEC00  }
0x61: {  	_ =	swait.ge [sflag:s19], $0x1400  }
0x62: {  	[sflag:s19] =	ssyncset.done $0x0  }
0x63: {  	[sflag:s19] =	ssyncadd.s32 $0xFFFFEC00  }
0x64: {  	_ =	swait.ge [sflag:s19], $0x1400  }
0x65: {  	[sflag:s19] =	ssyncset.done $0x0  }
0x66: {  	[sflag:s19] =	ssyncadd.s32 $0xFFFFEC00  }
0x67: {  	_ =	swait.ge [sflag:s19], $0x1400  }
0x68: {  	[sflag:s19] =	ssyncset.done $0x0  }
0x69: {  	[sflag:s19] =	ssyncadd.s32 $0xFFFFEC00  }
0x6a: {  	[hbm4b:s8+s3] =	stream.linear.scatter [tilespmem:s11], [sflag:$0x3], $0x6400, $0x38;
	[tilespmem:$0xE100] =	vst v63  }
0x6b: {  	_ =	swait.ge [sflag:s22], $0x6400  }
0x6c: {  	s0 =	sshra.s32 s29, $0x2;
	[sflag:s22] =	ssyncset.done $0x0  }
0x6d: {  	s13 =	sadd.s32 $0x780, s0;
	[sflag:s22] =	ssyncadd.s32 $0xFFFF9C00  }
0x6e: {  	[tilespmem:s21], [sflag:$0x2] =	stream.indirect.gather [hbm4b:s2+s10], $0x28, s13, s10, $0xb8;
	[tilespmem:$0xE100] =	vst v63  }
0x6f: {  	s13 =	sadd.s32 $0x800, s0  }
0x70: {  	[tilespmem:s23], [sflag:$0x2] =	stream.indirect.gather [hbm4b:s2+s10], $0x28, s13, s10, $0xb8;
	[tilespmem:$0xE100] =	vst v63  }
0x71: {  	s13 =	sadd.s32 $0x880, s0  }
0x72: {  	[tilespmem:s25], [sflag:$0x2] =	stream.indirect.gather [hbm4b:s2+s10], $0x28, s13, s10, $0xb8;
	[tilespmem:$0xE100] =	vst v63  }
0x73: {  	s13 =	sadd.s32 $0x900, s0  }
0x74: {  	[tilespmem:s28], [sflag:$0x2] =	stream.indirect.gather [hbm4b:s2+s10], $0x28, s13, s10, $0xb8;
	[tilespmem:$0xE100] =	vst v63  }
0x75: {  	s13 =	sadd.s32 $0x980, s0  }
0x76: {  	[tilespmem:s30], [sflag:$0x2] =	stream.indirect.gather [hbm4b:s2+s10], $0x28, s13, s10, $0xb8;
	[tilespmem:$0xE100] =	vst v63  }
0x77: {  	_ =	swait.ge [sflag:s31], $0x1400  }
0x78: {  	[sflag:s31] =	ssyncset.done $0x0  }
0x79: {  	[sflag:s31] =	ssyncadd.s32 $0xFFFFEC00  }
0x7a: {  	_ =	swait.ge [sflag:s31], $0x1400  }
0x7b: {  	[sflag:s31] =	ssyncset.done $0x0  }
0x7c: {  	[sflag:s31] =	ssyncadd.s32 $0xFFFFEC00  }
0x7d: {  	_ =	swait.ge [sflag:s31], $0x1400  }
0x7e: {  	[sflag:s31] =	ssyncset.done $0x0  }
0x7f: {  	[sflag:s31] =	ssyncadd.s32 $0xFFFFEC00  }
0x80: {  	_ =	swait.ge [sflag:s31], $0x1400  }
0x81: {  	[sflag:s31] =	ssyncset.done $0x0  }
0x82: {  	[sflag:s31] =	ssyncadd.s32 $0xFFFFEC00  }
0x83: {  	_ =	swait.ge [sflag:s31], $0x1400  }
0x84: {  	p0 =	seq.s32 s29, $0x3C00;
	[sflag:s31] =	ssyncset.done $0x0  }
.Ltmp2:
0x85: {  	s13 =	sadd.s32 $0xC80, s8;
	[sflag:s31] =	ssyncadd.s32 $0xFFFFEC00;
	(pc) =	sbr.rel @p0 .LBB2_4-.Ltmp2, $4  }
0x86: {  	[hbm4b:s13+s3] =	stream.linear.scatter [tilespmem:s21], [sflag:$0x4], $0x6400, $0x38;
	[tilespmem:$0xE100] =	vst v63  }
0x87: {  	_ =	swait.ge [sflag:s1], $0x6400  }
0x88: {  	[sflag:s1] =	ssyncset.done $0x0  }
0x89: {  	[sflag:s1] =	ssyncadd.s32 $0xFFFF9C00  }
0x8a: {  	s13 =	sadd.s32 $0xA00, s0  }
0x8b: {  	[tilespmem:s11], [sflag:$0x1] =	stream.indirect.gather [hbm4b:s2+s10], $0x28, s13, s10, $0xb8;
	[tilespmem:$0xE100] =	vst v63  }
0x8c: {  	s13 =	sadd.s32 $0xA80, s0  }
0x8d: {  	[tilespmem:s12], [sflag:$0x1] =	stream.indirect.gather [hbm4b:s2+s10], $0x28, s13, s10, $0xb8;
	[tilespmem:$0xE100] =	vst v63  }
0x8e: {  	s13 =	sadd.s32 $0xB00, s0  }
0x8f: {  	[tilespmem:s14], [sflag:$0x1] =	stream.indirect.gather [hbm4b:s2+s10], $0x28, s13, s10, $0xb8;
	[tilespmem:$0xE100] =	vst v63  }
.Ltmp3:
0x90: {  	_ = 	snop;
	(pc) =	sbr.rel .LBB2_2-.Ltmp3, $4  }
0x91: {  	s13 =	sadd.s32 $0xB80, s0  }
0x92: {  	[tilespmem:s16], [sflag:$0x1] =	stream.indirect.gather [hbm4b:s2+s10], $0x28, s13, s10, $0xb8;
	[tilespmem:$0xE100] =	vst v63  }
0x93: {  	s29 =	sadd.s32 $0x1400, s29;
	s8 =	sadd.s32 $0x1900, s8;
	s13 =	sadd.s32 $0xC00, s0  }
0x94: {  	[tilespmem:s18], [sflag:$0x1] =	stream.indirect.gather [hbm4b:s2+s10], $0x28, s13, s10, $0xb8;
	[tilespmem:$0xE100] =	vst v63  }
.LBB2_5:
0x95: {  	_ =	sfence.sel $0x180000  }
0x96: {  	[bflag:$0x0] =	sbarrier.arrive $0xFFFF  }
0x97: {  	_ =	strace $0x90000047  }
0x98: {  	s0 =	stileid.u32;
	[bflag:$0x2] =	sbarrier.arrive $0xFFFF  }
0x99: {  	p0 =	sne.s32 s0, $0x0;
	s0 =	rddreg [dreg:$0x2]  }
0x9a: {  	s0 =	sadd.s32 @!p0 $0x100000, s0  }
0x9b: {  	[sflag:s0] =	ssyncadd.tile.s32 @!p0 $0x1;
	_ =	shalt  }
.Lfunc_end2:
_tile_overlayer_lowered:
.L_overlay_start_2:
0x9c: {  	(tag) =	ssettag $0x2  }
0x9d: {  	s0 =	rddreg [dreg:$0x0];
	s2 =	stileid.u32  }
0x9e: {  	s1 =	rddreg [dreg:$0x1];
	p0 =	sne.s32 s2, $0x0  }
0x9f: {  	s3 =	rddreg [dreg:$0x2];
	[bflag:$0x3] =	sbarrier.arrive $0xFFFF;
	s2 =	simm.s32 @!p0 $0x1C05  }
0xa0: {  	[timem:s3], [sflag:s2] =	dma.local @!p0 [hbm:s0], s1  }
0xa1: {  	s0 =	simm.s32 @!p0 $0x5  }
0xa2: {  	_ =	swait.ge @!p0 [sflag:s0], s1  }
0xa3: {  	s1 =	ssub.s32 @!p0 $0x0, s1;
	[sflag:s0] =	ssyncset.done @!p0 $0x0  }
0xa4: {  	[sflag:s0] =	ssyncadd.s32 @!p0 s1  }
0xa5: {  	[bflag:$0x3] =	sbarrier.arrive $0xFFFF  }
0xa6: {  	_ =	shalt  }

</sc_bundles>
